<compile_context>
chip_gen: v7x
topology: tpu7x:2x2x1
jax: 0.10.2.dev20260603
libtpu: 0.0.44.dev20260713+nightly
codegen_flags: <defaults>
</compile_context>

<pallas_src>
import jax
import jax.numpy as jnp
from jax import lax
from jax.experimental import pallas as pl
from jax.experimental.pallas import tpu as pltpu
from jax.experimental.pallas import tpu_sc as plsc

N = 10000
E = 320000
D_IN = 128
W = 16
NPAD = 10240
NCORES = 2
NTILES = 16
EPC = E // (NCORES * NTILES)
ECHUNK = 2000
RPT = NPAD // NTILES

_MESH = plsc.VectorSubcoreMesh(
    core_axis_name="c", subcore_axis_name="s", num_cores=NCORES)
_SC_PARAMS = pltpu.CompilerParams(use_tc_tiling_on_sc=False)

_IOTA = lambda: lax.iota(jnp.int32, 16)


def _rsqrt16(x):
    i = lax.bitcast_convert_type(x, jnp.int32)
    i = jnp.int32(0x5F3759DF) - lax.shift_right_logical(i, 1)
    y = lax.bitcast_convert_type(i, jnp.float32)
    for _ in range(3):
        y = y * (jnp.float32(1.5) - jnp.float32(0.5) * x * y * y)
    return jnp.where(x > jnp.float32(0.5), y, jnp.float32(0.0))


def _row_scale(rbuf, scal, n16):
    @pl.loop(0, n16)
    def _(i):
        v16 = scal[pl.ds(i * 16, 16)]
        for j in range(16):
            b = v16[jnp.full((16,), j, jnp.int32)]
            rbuf[i * 16 + j, :] = rbuf[i * 16 + j, :] * b


def _tc_body(x_ref, w1_ref, w2p_ref, b1_ref, brow_ref, y_ref, c_ref):
    hi = lax.Precision.HIGHEST
    w12 = jnp.dot(w1_ref[...], w2p_ref[...], precision=hi,
                  preferred_element_type=jnp.float32)
    y_ref[...] = jnp.dot(x_ref[...], w12,
                         preferred_element_type=jnp.float32) + brow_ref[...]
    c_ref[...] = jnp.dot(b1_ref[...], w2p_ref[...], precision=hi,
                         preferred_element_type=jnp.float32)


_tc_call = pl.pallas_call(
    _tc_body,
    out_shape=[
        jax.ShapeDtypeStruct((NPAD, W), jnp.float32),
        jax.ShapeDtypeStruct((1, W), jnp.float32),
    ],
)


def _deg_body(ei_hbm, degp_hbm, dego, degi, ids, idc, ones_v, zb, gsem, ssem):
    cid = lax.axis_index("c")
    wid = lax.axis_index("s")
    r0 = wid * RPT
    rsl = pl.ds(r0, RPT)
    e0 = (cid * NTILES + wid) * EPC

    zero16 = jnp.zeros((16,), jnp.float32)
    one16 = jnp.full((16,), 1.0, jnp.float32)

    @pl.loop(0, RPT // 16)
    def _(i):
        zb[pl.ds(i * 16, 16)] = zero16

    @pl.loop(0, EPC // 16)
    def _(i):
        ones_v[pl.ds(i * 16, 16)] = one16

    pltpu.sync_copy(zb, dego.at[rsl])
    pltpu.sync_copy(zb, degi.at[rsl])
    plsc.subcore_barrier()

    e0a = pl.multiple_of(e0, 8)
    pltpu.sync_copy(ei_hbm.at[0, pl.ds(e0a, EPC)], ids)
    pltpu.sync_copy(ei_hbm.at[1, pl.ds(e0a, EPC)], idc)
    d1 = pltpu.async_copy(ones_v, dego.at[ids], gsem, add=True)
    d2 = pltpu.async_copy(ones_v, degi.at[idc], ssem, add=True)
    d1.wait()
    d2.wait()
    plsc.subcore_barrier()

    pltpu.sync_copy(dego.at[rsl], zb)
    pltpu.sync_copy(zb, degp_hbm.at[pl.ds((cid * 2 + 0) * NPAD + r0, RPT)])
    pltpu.sync_copy(degi.at[rsl], zb)
    pltpu.sync_copy(zb, degp_hbm.at[pl.ds((cid * 2 + 1) * NPAD + r0, RPT)])


_deg_call = pl.kernel(
    _deg_body,
    out_type=jax.ShapeDtypeStruct((4 * NPAD,), jnp.float32),
    mesh=_MESH,
    compiler_params=_SC_PARAMS,
    scratch_types=[
        pltpu.VMEM_SHARED((NPAD,), jnp.float32),
        pltpu.VMEM_SHARED((NPAD,), jnp.float32),
        pltpu.VMEM((EPC,), jnp.int32),
        pltpu.VMEM((EPC,), jnp.int32),
        pltpu.VMEM((EPC,), jnp.float32),
        pltpu.VMEM((RPT,), jnp.float32),
        pltpu.SemaphoreType.DMA,
        pltpu.SemaphoreType.DMA,
    ],
)


def _edge_pass(ei_hbm, gt, at, ids, idc, mrow, gsem, ssem, e0):
    nch = EPC // ECHUNK
    sdesc = [None] * nch
    for k in range(nch):
        b = k & 1
        if k >= 2:
            sdesc[k - 2].wait()
        base = pl.multiple_of(e0 + k * ECHUNK, 8)
        i0 = pltpu.async_copy(ei_hbm.at[0, pl.ds(base, ECHUNK)], ids[b], gsem)
        i1 = pltpu.async_copy(
            ei_hbm.at[1, pl.ds(base, ECHUNK)], idc[b], ssem[b])
        i0.wait()
        i1.wait()
        pltpu.async_copy(gt.at[ids[b]], mrow[b], gsem).wait()
        sdesc[k] = pltpu.async_copy(mrow[b], at.at[idc[b]], ssem[b], add=True)
    for k in range(max(nch - 2, 0), nch):
        sdesc[k].wait()


def _merged_deg(degp_hbm, which, r0, wa, wb, nrows=RPT):
    pltpu.sync_copy(degp_hbm.at[pl.ds(which * NPAD + r0, nrows)], wa)
    pltpu.sync_copy(degp_hbm.at[pl.ds((2 + which) * NPAD + r0, nrows)], wb)

    @pl.loop(0, nrows // 16)
    def _(i):
        sl = pl.ds(i * 16, 16)
        wa[sl] = wa[sl] + wb[sl]


def _p1_body(ei_hbm, y_hbm, degp_hbm, pa0_hbm, pa1_hbm,
             gt, at, ids0, ids1, idc0, idc1, mrow0, mrow1, rbuf, nsb, wb,
             gsem, ssem0, ssem1):
    ids = (ids0, ids1)
    idc = (idc0, idc1)
    mrow = (mrow0, mrow1)
    ssem = (ssem0, ssem1)
    cid = lax.axis_index("c")
    wid = lax.axis_index("s")
    r0 = wid * RPT
    rsl = pl.ds(r0, RPT)
    e0 = (cid * NTILES + wid) * EPC

    _merged_deg(degp_hbm, 0, r0, nsb, wb)

    @pl.loop(0, RPT // 16)
    def _(i):
        sl = pl.ds(i * 16, 16)
        nsb[sl] = _rsqrt16(nsb[sl])

    pltpu.sync_copy(y_hbm.at[rsl], rbuf)
    _row_scale(rbuf, nsb, RPT // 16)
    pltpu.sync_copy(rbuf, gt.at[rsl])
    zero16 = jnp.zeros((16,), jnp.float32)

    @pl.loop(0, RPT // 16)
    def _(i):
        for j in range(16):
            rbuf[i * 16 + j, :] = zero16

    pltpu.sync_copy(rbuf, at.at[rsl])
    plsc.subcore_barrier()

    _edge_pass(ei_hbm, gt, at, ids, idc, mrow, gsem, ssem, e0)
    plsc.subcore_barrier()

    pltpu.sync_copy(at.at[rsl], rbuf)

    @pl.when(cid == 0)
    def _():
        pltpu.sync_copy(rbuf, pa0_hbm.at[rsl])

    @pl.when(cid == 1)
    def _():
        pltpu.sync_copy(rbuf, pa1_hbm.at[rsl])


def _p2_body(ei_hbm, pa0_hbm, pa1_hbm, degp_hbm, sa0_hbm, sa1_hbm, pr_hbm,
             gt, at, ids0, ids1, idc0, idc1, mrow0, mrow1, rbuf, rbuf2,
             nsb, ndb, wb, gsem, ssem0, ssem1):
    ids = (ids0, ids1)
    idc = (idc0, idc1)
    mrow = (mrow0, mrow1)
    ssem = (ssem0, ssem1)
    cid = lax.axis_index("c")
    wid = lax.axis_index("s")
    r0 = wid * RPT
    rsl = pl.ds(r0, RPT)
    e0 = (cid * NTILES + wid) * EPC

    _merged_deg(degp_hbm, 0, r0, nsb, wb)
    _merged_deg(degp_hbm, 1, r0, ndb, wb)

    @pl.loop(0, RPT // 16)
    def _(i):
        sl = pl.ds(i * 16, 16)
        nsb[sl] = _rsqrt16(nsb[sl])
        ndb[sl] = _rsqrt16(ndb[sl])
        nsb[sl] = nsb[sl] * ndb[sl]

    pltpu.sync_copy(pa0_hbm.at[rsl], rbuf)
    pltpu.sync_copy(pa1_hbm.at[rsl], rbuf2)

    @pl.loop(0, RPT // 16)
    def _(i):
        vnd = ndb[pl.ds(i * 16, 16)]
        vnsnd = nsb[pl.ds(i * 16, 16)]
        for j in range(16):
            r = i * 16 + j
            s1 = rbuf[r, :] + rbuf2[r, :]
            jj = jnp.full((16,), j, jnp.int32)
            rbuf2[r, :] = s1 * vnd[jj]
            rbuf[r, :] = s1 * vnsnd[jj]

    @pl.when(cid == 0)
    def _():
        pltpu.sync_copy(rbuf2, pr_hbm.at[rsl])

    pltpu.sync_copy(rbuf, gt.at[rsl])
    zero16 = jnp.zeros((16,), jnp.float32)

    @pl.loop(0, RPT // 16)
    def _(i):
        for j in range(16):
            rbuf[i * 16 + j, :] = zero16

    pltpu.sync_copy(rbuf, at.at[rsl])
    plsc.subcore_barrier()

    _edge_pass(ei_hbm, gt, at, ids, idc, mrow, gsem, ssem, e0)
    plsc.subcore_barrier()

    pltpu.sync_copy(at.at[rsl], rbuf)

    @pl.when(cid == 0)
    def _():
        pltpu.sync_copy(rbuf, sa0_hbm.at[rsl])

    @pl.when(cid == 1)
    def _():
        pltpu.sync_copy(rbuf, sa1_hbm.at[rsl])


def _epi_body(sa0_hbm, sa1_hbm, pr_hbm, degp_hbm, cv_hbm, o_hbm,
              rbuf, rbuf2, prb, ndb, wb, cb, ob):
    cid = lax.axis_index("c")
    wid = lax.axis_index("s")
    half = RPT // 2
    r0 = (cid * NTILES + wid) * half
    rsl = pl.ds(r0, half)

    _merged_deg(degp_hbm, 1, r0, ndb, wb, nrows=half)

    @pl.loop(0, half // 16)
    def _(i):
        sl = pl.ds(i * 16, 16)
        ndb[sl] = _rsqrt16(ndb[sl])

    pltpu.sync_copy(sa0_hbm.at[rsl], rbuf)
    pltpu.sync_copy(sa1_hbm.at[rsl], rbuf2)
    pltpu.sync_copy(pr_hbm.at[rsl], prb)
    pltpu.sync_copy(cv_hbm, cb)
    it = _IOTA()
    cvv = cb[pl.ds(0, 16)]
    cv01 = jnp.where(it < 2, cvv, jnp.float32(0.0))
    b2v = cvv[(it + 2) & 15]
    b2v01 = jnp.where(it < 2, b2v, jnp.float32(0.0))
    two = jnp.full((16,), 2, jnp.int32)
    lsel = it & 1
    hi2 = lax.shift_right_logical(it, 1)

    @pl.loop(0, half // 16)
    def _(i):
        vnd = ndb[pl.ds(i * 16, 16)]
        for j in range(16):
            r = i * 16 + j
            s2 = rbuf[r, :] + rbuf2[r, :]
            p = prb[r, :][two]
            rbuf[r, :] = (s2 * vnd[jnp.full((16,), j, jnp.int32)]
                          + p * cv01 + b2v01)

    @pl.loop(0, half // 8)
    def _(i):
        acc = jnp.zeros((16,), jnp.float32)
        for k in range(8):
            row = rbuf[i * 8 + k, :]
            acc = jnp.where(hi2 == k, row[lsel], acc)
        ob[pl.ds(i * 16, 16)] = acc

    pltpu.sync_copy(ob, o_hbm.at[pl.ds(r0 * 2, half * 2)])


def _mk(body, n_out, w_out, scratch):
    outs = [jax.ShapeDtypeStruct((NPAD, w), jnp.float32) for w in w_out]
    return pl.kernel(
        body,
        out_type=outs if n_out > 1 else outs[0],
        mesh=_MESH,
        compiler_params=_SC_PARAMS,
        scratch_types=scratch,
    )


_EDGE_SCRATCH = [
    pltpu.VMEM((ECHUNK,), jnp.int32),
    pltpu.VMEM((ECHUNK,), jnp.int32),
    pltpu.VMEM((ECHUNK,), jnp.int32),
    pltpu.VMEM((ECHUNK,), jnp.int32),
    pltpu.VMEM((ECHUNK, W), jnp.float32),
    pltpu.VMEM((ECHUNK, W), jnp.float32),
]
_SEMS = [pltpu.SemaphoreType.DMA] * 3

_p1_call = _mk(_p1_body, 2, [W, W], [
    pltpu.VMEM_SHARED((NPAD, W), jnp.float32),
    pltpu.VMEM_SHARED((NPAD, W), jnp.float32),
] + _EDGE_SCRATCH + [
    pltpu.VMEM((RPT, W), jnp.float32),
    pltpu.VMEM((RPT,), jnp.float32),
    pltpu.VMEM((RPT,), jnp.float32),
] + _SEMS)

_p2_call = _mk(_p2_body, 3, [W, W, W], [
    pltpu.VMEM_SHARED((NPAD, W), jnp.float32),
    pltpu.VMEM_SHARED((NPAD, W), jnp.float32),
] + _EDGE_SCRATCH + [
    pltpu.VMEM((RPT, W), jnp.float32),
    pltpu.VMEM((RPT, W), jnp.float32),
    pltpu.VMEM((RPT,), jnp.float32),
    pltpu.VMEM((RPT,), jnp.float32),
    pltpu.VMEM((RPT,), jnp.float32),
] + _SEMS)

_epi_call = pl.kernel(
    _epi_body,
    out_type=jax.ShapeDtypeStruct((2 * NPAD,), jnp.float32),
    mesh=_MESH,
    compiler_params=_SC_PARAMS,
    scratch_types=[
        pltpu.VMEM((RPT // 2, W), jnp.float32),
        pltpu.VMEM((RPT // 2, W), jnp.float32),
        pltpu.VMEM((RPT // 2, W), jnp.float32),
        pltpu.VMEM((RPT // 2,), jnp.float32),
        pltpu.VMEM((RPT // 2,), jnp.float32),
        pltpu.VMEM((16,), jnp.float32),
        pltpu.VMEM((RPT,), jnp.float32),
    ],
)


def kernel(feats, edge_index, W1, b1, W2, b2):
    xp = jnp.zeros((NPAD, D_IN), jnp.float32).at[:N].set(feats)
    w2p = jnp.zeros((D_IN, W), jnp.float32).at[:, :2].set(W2)
    brow = jnp.zeros((1, W), jnp.float32).at[0, 2].set(1.0)

    y16, crow = _tc_call(xp, W1, w2p, b1.reshape(1, D_IN), brow)
    cvec = jnp.concatenate(
        [crow[0, :2], b2.astype(jnp.float32), jnp.zeros((12,), jnp.float32)])

    degp = _deg_call(edge_index)
    pa0, pa1 = _p1_call(edge_index, y16, degp)
    sa0, sa1, pr = _p2_call(edge_index, pa0, pa1, degp)
    of = _epi_call(sa0, sa1, pr, degp, cvec)
    return of[:2 * N].reshape(N, 2)

# --- scband reference (transcript-rebuilt; emitter-appended) ---
"""Pipeline reference for scband-gcnmnn-76364518523062 (READ-ONLY COPY).

The authoritative reference and input builder live on the scoring server;
editing this copy changes nothing except your own understanding.
"""

import jax, jax.numpy as jnp
import numpy as np

N = 10000
E = 320000
D_IN = 128
D_H = 128
N_CLASSES = 2


def setup_inputs(seed: int = 0) -> dict:
    key = jax.random.key(seed)
    k1, k2, k3, k4, k5, k6 = jax.random.split(key, 6)
    feats = jax.random.normal(k1, (N, D_IN), dtype=jnp.float32)
    edge_index = jax.random.randint(k2, (2, E), 0, N, dtype=jnp.int32)
    W1 = jax.random.normal(k3, (D_IN, D_H), dtype=jnp.float32) * (1.0 / np.sqrt(D_IN))
    b1 = jnp.zeros((D_H,), dtype=jnp.float32)
    W2 = jax.random.normal(k4, (D_H, N_CLASSES), dtype=jnp.float32) * (1.0 / np.sqrt(D_H))
    b2 = jnp.zeros((N_CLASSES,), dtype=jnp.float32)
    return {"feats": feats, "edge_index": edge_index, "W1": W1, "b1": b1, "W2": W2, "b2": b2}


def _graph_conv(x, src, dst, norm_src, norm_dst, W, b):
    # DGL GraphConv with norm='both': D^{-1/2} A D^{-1/2} X W + b
    x = x * norm_src[:, None]
    msgs = x[src]  # gather along edges
    agg = jnp.zeros((N, x.shape[1]), dtype=x.dtype).at[dst].add(msgs)  # scatter-add
    agg = agg * norm_dst[:, None]
    return agg @ W + b


def reference(feats, edge_index, W1, b1, W2, b2):
    src = edge_index[0]
    dst = edge_index[1]
    ones = jnp.ones((E,), dtype=jnp.float32)
    deg_out = jnp.zeros((N,), dtype=jnp.float32).at[src].add(ones)
    deg_in = jnp.zeros((N,), dtype=jnp.float32).at[dst].add(ones)
    norm_src = jnp.where(deg_out > 0, deg_out ** -0.5, 0.0)
    norm_dst = jnp.where(deg_in > 0, deg_in ** -0.5, 0.0)
    # dropout layers are identity at inference; GCNMNN applies no nonlinearity between convs
    h = _graph_conv(feats, src, dst, norm_src, norm_dst, W1, b1)
    o = _graph_conv(h, src, dst, norm_src, norm_dst, W2, b2)
    return o

if __name__ == "__main__":
    import jax
    _d = setup_inputs()
    print(jax.jit(kernel)(*tuple(_d.values())))

</pallas_src>

<mosaic_0001>
#map = affine_map<(d0, d1) -> (0, 0)>
#map1 = affine_map<(d0, d1) -> (0)>
module attributes {stable_mosaic.version = 14 : i64} {
  func.func @_epi_body(%arg0: i32, %arg1: i32, %arg2: memref<10240x16xf32, #tpu.memory_space<hbm>>, %arg3: memref<10240x16xf32, #tpu.memory_space<hbm>>, %arg4: memref<10240x16xf32, #tpu.memory_space<hbm>>, %arg5: memref<40960xf32, #tpu.memory_space<hbm>>, %arg6: memref<16xf32, #tpu.memory_space<hbm>>, %arg7: memref<20480xf32, #tpu.memory_space<hbm>>, %arg8: memref<320x16xf32, #tpu.memory_space<vmem>>, %arg9: memref<320x16xf32, #tpu.memory_space<vmem>>, %arg10: memref<320x16xf32, #tpu.memory_space<vmem>>, %arg11: memref<320xf32, #tpu.memory_space<vmem>>, %arg12: memref<320xf32, #tpu.memory_space<vmem>>, %arg13: memref<16xf32, #tpu.memory_space<vmem>>, %arg14: memref<640xf32, #tpu.memory_space<vmem>>) attributes {dimension_semantics = [#tpu.dimension_semantics<core_parallel>, #tpu.dimension_semantics<subcore_parallel>], iteration_bounds = array<i64: 2, 16>, scalar_prefetch = 0 : i64, scratch_operands = 7 : i64, tpu.core_type = #tpu.core_type<sc_vector_subcore>, window_params = [{transform_indices = #map}, {transform_indices = #map}, {transform_indices = #map}, {transform_indices = #map1}, {transform_indices = #map1}, {transform_indices = #map1}]} {
    %mul3A = arith.constant 16 : i32
    %mul3A_0 = arith.muli %arg0, %mul3A : i32
    %add3A = arith.addi %mul3A_0, %arg1 : i32
    %mul3A_1 = arith.constant 320 : i32
    %mul3A_2 = arith.muli %add3A, %mul3A_1 : i32
    %add3A_3 = arith.constant 10240 : i32
    %add3A_4 = arith.addi %add3A_3, %mul3A_2 : i32
    "tpu.region"() ({
      %run_scoped3A = tpu.sem_alloc : memref<!tpu.dma_semaphore, #tpu.memory_space<semaphore_mem>>
      %dma_start3A = tpu.memref_slice %arg5[%add3A_4] : memref<40960xf32, #tpu.memory_space<hbm>> -> memref<320xf32, #tpu.memory_space<hbm>>
      %dma_start3A_59 = tpu.memref_slice %arg5[%add3A_4] : memref<40960xf32, #tpu.memory_space<hbm>> -> memref<320xf32, #tpu.memory_space<hbm>>
      tpu.enqueue_dma source(%dma_start3A_59 : memref<320xf32, #tpu.memory_space<hbm>>) target(%arg11 : memref<320xf32, #tpu.memory_space<vmem>>) target_semaphore(%run_scoped3A : memref<!tpu.dma_semaphore, #tpu.memory_space<semaphore_mem>>)
      %dma_wait3A = tpu.memref_slice %arg5[%add3A_4] : memref<40960xf32, #tpu.memory_space<hbm>> -> memref<320xf32, #tpu.memory_space<hbm>>
      %dma_wait3A_60 = tpu.memref_slice %arg5[%add3A_4] : memref<40960xf32, #tpu.memory_space<hbm>> -> memref<320xf32, #tpu.memory_space<hbm>>
      tpu.wait_dma2 semaphore(%run_scoped3A : memref<!tpu.dma_semaphore, #tpu.memory_space<semaphore_mem>>) src(%dma_wait3A_60 : memref<320xf32, #tpu.memory_space<hbm>>) dst(%arg11 : memref<320xf32, #tpu.memory_space<vmem>>)
      tpu.yield
    }) : () -> ()
    %add3A_5 = arith.constant 30720 : i32
    %add3A_6 = arith.addi %add3A_5, %mul3A_2 : i32
    "tpu.region"() ({
      %run_scoped3A = tpu.sem_alloc : memref<!tpu.dma_semaphore, #tpu.memory_space<semaphore_mem>>
      %dma_start3A = tpu.memref_slice %arg5[%add3A_6] : memref<40960xf32, #tpu.memory_space<hbm>> -> memref<320xf32, #tpu.memory_space<hbm>>
      %dma_start3A_59 = tpu.memref_slice %arg5[%add3A_6] : memref<40960xf32, #tpu.memory_space<hbm>> -> memref<320xf32, #tpu.memory_space<hbm>>
      tpu.enqueue_dma source(%dma_start3A_59 : memref<320xf32, #tpu.memory_space<hbm>>) target(%arg12 : memref<320xf32, #tpu.memory_space<vmem>>) target_semaphore(%run_scoped3A : memref<!tpu.dma_semaphore, #tpu.memory_space<semaphore_mem>>)
      %dma_wait3A = tpu.memref_slice %arg5[%add3A_6] : memref<40960xf32, #tpu.memory_space<hbm>> -> memref<320xf32, #tpu.memory_space<hbm>>
      %dma_wait3A_60 = tpu.memref_slice %arg5[%add3A_6] : memref<40960xf32, #tpu.memory_space<hbm>> -> memref<320xf32, #tpu.memory_space<hbm>>
      tpu.wait_dma2 semaphore(%run_scoped3A : memref<!tpu.dma_semaphore, #tpu.memory_space<semaphore_mem>>) src(%dma_wait3A_60 : memref<320xf32, #tpu.memory_space<hbm>>) dst(%arg12 : memref<320xf32, #tpu.memory_space<vmem>>)
      tpu.yield
    }) : () -> ()
    %scan3A = arith.constant 0 : i32
    %scan3A_7 = arith.constant 20 : i32
    %scan3A_8 = arith.addi %scan3A, %scan3A_7 : i32
    %scan3A_9 = arith.constant 1 : i32
    scf.for %scan3A_59 = %scan3A to %scan3A_8 step %scan3A_9  : i32 {
      %mul3A_60 = arith.constant 1 : i32
      %mul3A_61 = arith.muli %scan3A_59, %mul3A_60 : i32
      %add3A_62 = arith.constant 0 : i32
      %add3A_63 = arith.addi %add3A_62, %mul3A_61 : i32
      %mul3A_64 = arith.constant 16 : i32
      %mul3A_65 = arith.muli %add3A_63, %mul3A_64 : i32
      %get3A_66 = arith.index_cast %mul3A_65 : i32 to index
      %get3A_67 = tpu.vector_load %arg11[%get3A_66] {strides = array<i32>} : memref<320xf32, #tpu.memory_space<vmem>>, vector<16xf32>,
      %get3A_68 = vector.shape_cast %get3A_67 : vector<16xf32> to vector<16xf32>
      %get3A_69 = arith.index_cast %mul3A_65 : i32 to index
      %get3A_70 = tpu.vector_load %arg12[%get3A_69] {strides = array<i32>} : memref<320xf32, #tpu.memory_space<vmem>>, vector<16xf32>,
      %get3A_71 = vector.shape_cast %get3A_70 : vector<16xf32> to vector<16xf32>
      %add3A_72 = arith.addf %get3A_68, %get3A_71 : vector<16xf32>
      %swap3A = arith.index_cast %mul3A_65 : i32 to index
      %swap3A_73 = tpu.vector_load %arg11[%swap3A] {strides = array<i32>} : memref<320xf32, #tpu.memory_space<vmem>>, vector<16xf32>,
      %swap3A_74 = vector.shape_cast %swap3A_73 : vector<16xf32> to vector<16xf32>
      %swap3A_75 = vector.shape_cast %add3A_72 : vector<16xf32> to vector<16xf32>
      tpu.vector_store %arg11[%swap3A], %swap3A_75 {strides = array<i32>} : memref<320xf32, #tpu.memory_space<vmem>>, vector<16xf32>,
    }
    %scan3A_10 = arith.constant 20 : i32
    %scan3A_11 = arith.constant 0 : i32
    %scan3A_12 = arith.constant 20 : i32
    %scan3A_13 = arith.addi %scan3A_11, %scan3A_12 : i32
    %scan3A_14 = arith.constant 1 : i32
    scf.for %scan3A_59 = %scan3A_11 to %scan3A_13 step %scan3A_14  : i32 {
      %mul3A_60 = arith.constant 1 : i32
      %mul3A_61 = arith.muli %scan3A_59, %mul3A_60 : i32
      %add3A_62 = arith.constant 0 : i32
      %add3A_63 = arith.addi %add3A_62, %mul3A_61 : i32
      %mul3A_64 = arith.constant 16 : i32
      %mul3A_65 = arith.muli %add3A_63, %mul3A_64 : i32
      %get3A_66 = arith.index_cast %mul3A_65 : i32 to index
      %get3A_67 = tpu.vector_load %arg11[%get3A_66] {strides = array<i32>} : memref<320xf32, #tpu.memory_space<vmem>>, vector<16xf32>,
      %get3A_68 = vector.shape_cast %get3A_67 : vector<16xf32> to vector<16xf32>
      %bitcast_convert_type3A = tpu.bitcast %get3A_68 : vector<16xf32> -> vector<16xi32>
      %shift_right_logical3A_69 = arith.constant 1 : i32
      %shift_right_logical3A_70 = vector.broadcast %shift_right_logical3A_69 : i32 to vector<16xi32>
      %shift_right_logical3A_71 = arith.shrui %bitcast_convert_type3A, %shift_right_logical3A_70 : vector<16xi32>
      %sub3A = arith.constant 1597463007 : i32
      %sub3A_72 = vector.broadcast %sub3A : i32 to vector<16xi32>
      %sub3A_73 = arith.subi %sub3A_72, %shift_right_logical3A_71 : vector<16xi32>
      %bitcast_convert_type3A_74 = tpu.bitcast %sub3A_73 : vector<16xi32> -> vector<16xf32>
      %mul3A_75 = arith.constant 5.000000e-01 : f32
      %mul3A_76 = vector.broadcast %mul3A_75 : f32 to vector<16xf32>
      %mul3A_77 = arith.mulf %mul3A_76, %get3A_68 : vector<16xf32>
      %mul3A_78 = arith.mulf %mul3A_77, %bitcast_convert_type3A_74 : vector<16xf32>
      %mul3A_79 = arith.mulf %mul3A_78, %bitcast_convert_type3A_74 : vector<16xf32>
      %sub3A_80 = arith.constant 1.500000e+00 : f32
      %sub3A_81 = vector.broadcast %sub3A_80 : f32 to vector<16xf32>
      %sub3A_82 = arith.subf %sub3A_81, %mul3A_79 : vector<16xf32>
      %mul3A_83 = arith.mulf %bitcast_convert_type3A_74, %sub3A_82 : vector<16xf32>
      %mul3A_84 = arith.constant 5.000000e-01 : f32
      %mul3A_85 = vector.broadcast %mul3A_84 : f32 to vector<16xf32>
      %mul3A_86 = arith.mulf %mul3A_85, %get3A_68 : vector<16xf32>
      %mul3A_87 = arith.mulf %mul3A_86, %mul3A_83 : vector<16xf32>
      %mul3A_88 = arith.mulf %mul3A_87, %mul3A_83 : vector<16xf32>
      %sub3A_89 = arith.constant 1.500000e+00 : f32
      %sub3A_90 = vector.broadcast %sub3A_89 : f32 to vector<16xf32>
      %sub3A_91 = arith.subf %sub3A_90, %mul3A_88 : vector<16xf32>
      %mul3A_92 = arith.mulf %mul3A_83, %sub3A_91 : vector<16xf32>
      %mul3A_93 = arith.constant 5.000000e-01 : f32
      %mul3A_94 = vector.broadcast %mul3A_93 : f32 to vector<16xf32>
      %mul3A_95 = arith.mulf %mul3A_94, %get3A_68 : vector<16xf32>
      %mul3A_96 = arith.mulf %mul3A_95, %mul3A_92 : vector<16xf32>
      %mul3A_97 = arith.mulf %mul3A_96, %mul3A_92 : vector<16xf32>
      %sub3A_98 = arith.constant 1.500000e+00 : f32
      %sub3A_99 = vector.broadcast %sub3A_98 : f32 to vector<16xf32>
      %sub3A_100 = arith.subf %sub3A_99, %mul3A_97 : vector<16xf32>
      %mul3A_101 = arith.mulf %mul3A_92, %sub3A_100 : vector<16xf32>
      %gt3A = arith.constant 5.000000e-01 : f32
      %gt3A_102 = vector.broadcast %gt3A : f32 to vector<16xf32>
      %gt3A_103 = arith.cmpf ogt, %get3A_68, %gt3A_102 : vector<16xf32>
      %jit3A_104 = arith.constant 0.000000e+00 : f32
      %broadcast_in_dim3A_105 = vector.broadcast %jit3A_104 : f32 to vector<16xf32>
      %select_n3A_106 = arith.select %gt3A_103, %mul3A_101, %broadcast_in_dim3A_105 : vector<16xi1>, vector<16xf32>
      %swap3A = arith.index_cast %mul3A_65 : i32 to index
      %swap3A_107 = tpu.vector_load %arg11[%swap3A] {strides = array<i32>} : memref<320xf32, #tpu.memory_space<vmem>>, vector<16xf32>,
      %swap3A_108 = vector.shape_cast %swap3A_107 : vector<16xf32> to vector<16xf32>
      %swap3A_109 = vector.shape_cast %select_n3A_106 : vector<16xf32> to vector<16xf32>
      tpu.vector_store %arg11[%swap3A], %swap3A_109 {strides = array<i32>} : memref<320xf32, #tpu.memory_space<vmem>>, vector<16xf32>,
    }
    %scan3A_15 = arith.constant 20 : i32
    "tpu.region"() ({
      %run_scoped3A = tpu.sem_alloc : memref<!tpu.dma_semaphore, #tpu.memory_space<semaphore_mem>>
      %dma_start3A = arith.constant 0 : i32
      %dma_start3A_59 = tpu.memref_slice %arg2[%mul3A_2, %dma_start3A] : memref<10240x16xf32, #tpu.memory_space<hbm>> -> memref<320x16xf32, #tpu.memory_space<hbm>>
      %dma_start3A_60 = arith.constant 0 : i32
      %dma_start3A_61 = tpu.memref_slice %arg2[%mul3A_2, %dma_start3A_60] : memref<10240x16xf32, #tpu.memory_space<hbm>> -> memref<320x16xf32, #tpu.memory_space<hbm>>
      tpu.enqueue_dma source(%dma_start3A_61 : memref<320x16xf32, #tpu.memory_space<hbm>>) target(%arg8 : memref<320x16xf32, #tpu.memory_space<vmem>>) target_semaphore(%run_scoped3A : memref<!tpu.dma_semaphore, #tpu.memory_space<semaphore_mem>>)
      %dma_wait3A = arith.constant 0 : i32
      %dma_wait3A_62 = tpu.memref_slice %arg2[%mul3A_2, %dma_wait3A] : memref<10240x16xf32, #tpu.memory_space<hbm>> -> memref<320x16xf32, #tpu.memory_space<hbm>>
      %dma_wait3A_63 = arith.constant 0 : i32
      %dma_wait3A_64 = tpu.memref_slice %arg2[%mul3A_2, %dma_wait3A_63] : memref<10240x16xf32, #tpu.memory_space<hbm>> -> memref<320x16xf32, #tpu.memory_space<hbm>>
      tpu.wait_dma2 semaphore(%run_scoped3A : memref<!tpu.dma_semaphore, #tpu.memory_space<semaphore_mem>>) src(%dma_wait3A_64 : memref<320x16xf32, #tpu.memory_space<hbm>>) dst(%arg8 : memref<320x16xf32, #tpu.memory_space<vmem>>)
      tpu.yield
    }) : () -> ()
    "tpu.region"() ({
      %run_scoped3A = tpu.sem_alloc : memref<!tpu.dma_semaphore, #tpu.memory_space<semaphore_mem>>
      %dma_start3A = arith.constant 0 : i32
      %dma_start3A_59 = tpu.memref_slice %arg3[%mul3A_2, %dma_start3A] : memref<10240x16xf32, #tpu.memory_space<hbm>> -> memref<320x16xf32, #tpu.memory_space<hbm>>
      %dma_start3A_60 = arith.constant 0 : i32
      %dma_start3A_61 = tpu.memref_slice %arg3[%mul3A_2, %dma_start3A_60] : memref<10240x16xf32, #tpu.memory_space<hbm>> -> memref<320x16xf32, #tpu.memory_space<hbm>>
      tpu.enqueue_dma source(%dma_start3A_61 : memref<320x16xf32, #tpu.memory_space<hbm>>) target(%arg9 : memref<320x16xf32, #tpu.memory_space<vmem>>) target_semaphore(%run_scoped3A : memref<!tpu.dma_semaphore, #tpu.memory_space<semaphore_mem>>)
      %dma_wait3A = arith.constant 0 : i32
      %dma_wait3A_62 = tpu.memref_slice %arg3[%mul3A_2, %dma_wait3A] : memref<10240x16xf32, #tpu.memory_space<hbm>> -> memref<320x16xf32, #tpu.memory_space<hbm>>
      %dma_wait3A_63 = arith.constant 0 : i32
      %dma_wait3A_64 = tpu.memref_slice %arg3[%mul3A_2, %dma_wait3A_63] : memref<10240x16xf32, #tpu.memory_space<hbm>> -> memref<320x16xf32, #tpu.memory_space<hbm>>
      tpu.wait_dma2 semaphore(%run_scoped3A : memref<!tpu.dma_semaphore, #tpu.memory_space<semaphore_mem>>) src(%dma_wait3A_64 : memref<320x16xf32, #tpu.memory_space<hbm>>) dst(%arg9 : memref<320x16xf32, #tpu.memory_space<vmem>>)
      tpu.yield
    }) : () -> ()
    "tpu.region"() ({
      %run_scoped3A = tpu.sem_alloc : memref<!tpu.dma_semaphore, #tpu.memory_space<semaphore_mem>>
      %dma_start3A = arith.constant 0 : i32
      %dma_start3A_59 = tpu.memref_slice %arg4[%mul3A_2, %dma_start3A] : memref<10240x16xf32, #tpu.memory_space<hbm>> -> memref<320x16xf32, #tpu.memory_space<hbm>>
      %dma_start3A_60 = arith.constant 0 : i32
      %dma_start3A_61 = tpu.memref_slice %arg4[%mul3A_2, %dma_start3A_60] : memref<10240x16xf32, #tpu.memory_space<hbm>> -> memref<320x16xf32, #tpu.memory_space<hbm>>
      tpu.enqueue_dma source(%dma_start3A_61 : memref<320x16xf32, #tpu.memory_space<hbm>>) target(%arg10 : memref<320x16xf32, #tpu.memory_space<vmem>>) target_semaphore(%run_scoped3A : memref<!tpu.dma_semaphore, #tpu.memory_space<semaphore_mem>>)
      %dma_wait3A = arith.constant 0 : i32
      %dma_wait3A_62 = tpu.memref_slice %arg4[%mul3A_2, %dma_wait3A] : memref<10240x16xf32, #tpu.memory_space<hbm>> -> memref<320x16xf32, #tpu.memory_space<hbm>>
      %dma_wait3A_63 = arith.constant 0 : i32
      %dma_wait3A_64 = tpu.memref_slice %arg4[%mul3A_2, %dma_wait3A_63] : memref<10240x16xf32, #tpu.memory_space<hbm>> -> memref<320x16xf32, #tpu.memory_space<hbm>>
      tpu.wait_dma2 semaphore(%run_scoped3A : memref<!tpu.dma_semaphore, #tpu.memory_space<semaphore_mem>>) src(%dma_wait3A_64 : memref<320x16xf32, #tpu.memory_space<hbm>>) dst(%arg10 : memref<320x16xf32, #tpu.memory_space<vmem>>)
      tpu.yield
    }) : () -> ()
    "tpu.region"() ({
      %run_scoped3A = tpu.sem_alloc : memref<!tpu.dma_semaphore, #tpu.memory_space<semaphore_mem>>
      tpu.enqueue_dma source(%arg6 : memref<16xf32, #tpu.memory_space<hbm>>) target(%arg13 : memref<16xf32, #tpu.memory_space<vmem>>) target_semaphore(%run_scoped3A : memref<!tpu.dma_semaphore, #tpu.memory_space<semaphore_mem>>)
      tpu.wait_dma2 semaphore(%run_scoped3A : memref<!tpu.dma_semaphore, #tpu.memory_space<semaphore_mem>>) src(%arg6 : memref<16xf32, #tpu.memory_space<hbm>>) dst(%arg13 : memref<16xf32, #tpu.memory_space<vmem>>)
      tpu.yield
    }) : () -> ()
    %iota3A = tpu.iota {dimensions = array<i32: 0>} : vector<16xi32>
    %get3A = arith.constant 0 : index
    %get3A_16 = tpu.vector_load %arg13[%get3A] {strides = array<i32>} : memref<16xf32, #tpu.memory_space<vmem>>, vector<16xf32>,
    %get3A_17 = vector.shape_cast %get3A_16 : vector<16xf32> to vector<16xf32>
    %lt3A = arith.constant 2 : i32
    %lt3A_18 = vector.broadcast %lt3A : i32 to vector<16xi32>
    %lt3A_19 = arith.cmpi slt, %iota3A, %lt3A_18 : vector<16xi32>
    %jit3A = arith.constant 0.000000e+00 : f32
    %broadcast_in_dim3A = vector.broadcast %jit3A : f32 to vector<16xf32>
    %select_n3A = arith.select %lt3A_19, %get3A_17, %broadcast_in_dim3A : vector<16xi1>, vector<16xf32>
    %add3A_20 = arith.constant 2 : i32
    %add3A_21 = vector.broadcast %add3A_20 : i32 to vector<16xi32>
    %add3A_22 = arith.addi %iota3A, %add3A_21 : vector<16xi32>
    %and3A = arith.constant 15 : i32
    %and3A_23 = vector.broadcast %and3A : i32 to vector<16xi32>
    %and3A_24 = arith.andi %add3A_22, %and3A_23 : vector<16xi32>
    %lt3A_25 = arith.constant 0 : i32
    %lt3A_26 = vector.broadcast %lt3A_25 : i32 to vector<16xi32>
    %lt3A_27 = arith.cmpi slt, %and3A_24, %lt3A_26 : vector<16xi32>
    %add3A_28 = arith.constant 16 : i32
    %add3A_29 = vector.broadcast %add3A_28 : i32 to vector<16xi32>
    %add3A_30 = arith.addi %and3A_24, %add3A_29 : vector<16xi32>
    %select_n3A_31 = arith.select %lt3A_27, %add3A_30, %and3A_24 : vector<16xi1>, vector<16xi32>
    %broadcast_in_dim3A_32 = vector.shape_cast %select_n3A_31 : vector<16xi32> to vector<16x1xi32>
    %gather3A = vector.shape_cast %broadcast_in_dim3A_32 : vector<16x1xi32> to vector<16xi32>
    %gather3A_33 = tpu.dynamic_gather %get3A_17[%gather3A] in [0] : vector<16xf32>, vector<16xi32> -> vector<16xf32>
    %lt3A_34 = arith.constant 2 : i32
    %lt3A_35 = vector.broadcast %lt3A_34 : i32 to vector<16xi32>
    %lt3A_36 = arith.cmpi slt, %iota3A, %lt3A_35 : vector<16xi32>
    %jit3A_37 = arith.constant 0.000000e+00 : f32
    %broadcast_in_dim3A_38 = vector.broadcast %jit3A_37 : f32 to vector<16xf32>
    %select_n3A_39 = arith.select %lt3A_36, %gather3A_33, %broadcast_in_dim3A_38 : vector<16xi1>, vector<16xf32>
    %broadcast_in_dim3A_40 = arith.constant 2 : i32
    %broadcast_in_dim3A_41 = vector.broadcast %broadcast_in_dim3A_40 : i32 to vector<16xi32>
    %and3A_42 = arith.constant 1 : i32
    %and3A_43 = vector.broadcast %and3A_42 : i32 to vector<16xi32>
    %and3A_44 = arith.andi %iota3A, %and3A_43 : vector<16xi32>
    %shift_right_logical3A = arith.constant 1 : i32
    %shift_right_logical3A_45 = vector.broadcast %shift_right_logical3A : i32 to vector<16xi32>
    %shift_right_logical3A_46 = arith.shrui %iota3A, %shift_right_logical3A_45 : vector<16xi32>
    %scan3A_47 = arith.constant 0 : i32
    %scan3A_48 = arith.constant 20 : i32
    %scan3A_49 = arith.addi %scan3A_47, %scan3A_48 : i32
    %scan3A_50 = arith.constant 1 : i32
    scf.for %scan3A_59 = %scan3A_47 to %scan3A_49 step %scan3A_50  : i32 {
      %mul3A_60 = arith.constant 1 : i32
      %mul3A_61 = arith.muli %scan3A_59, %mul3A_60 : i32
      %add3A_62 = arith.constant 0 : i32
      %add3A_63 = arith.addi %add3A_62, %mul3A_61 : i32
      %mul3A_64 = arith.constant 16 : i32
      %mul3A_65 = arith.muli %add3A_63, %mul3A_64 : i32
      %get3A_66 = arith.index_cast %mul3A_65 : i32 to index
      %get3A_67 = tpu.vector_load %arg11[%get3A_66] {strides = array<i32>} : memref<320xf32, #tpu.memory_space<vmem>>, vector<16xf32>,
      %get3A_68 = vector.shape_cast %get3A_67 : vector<16xf32> to vector<16xf32>
      %mul3A_69 = arith.constant 16 : i32
      %mul3A_70 = arith.muli %add3A_63, %mul3A_69 : i32
      %add3A_71 = arith.constant 0 : i32
      %add3A_72 = arith.addi %mul3A_70, %add3A_71 : i32
      %get3A_73 = arith.index_cast %add3A_72 : i32 to index
      %get3A_74 = arith.constant 0 : index
      %get3A_75 = tpu.vector_load %arg8[%get3A_73, %get3A_74] {strides = array<i32>} : memref<320x16xf32, #tpu.memory_space<vmem>>, vector<1x16xf32>,
      %get3A_76 = vector.shape_cast %get3A_75 : vector<1x16xf32> to vector<16xf32>
      %get3A_77 = arith.index_cast %add3A_72 : i32 to index
      %get3A_78 = arith.constant 0 : index
      %get3A_79 = tpu.vector_load %arg9[%get3A_77, %get3A_78] {strides = array<i32>} : memref<320x16xf32, #tpu.memory_space<vmem>>, vector<1x16xf32>,
      %get3A_80 = vector.shape_cast %get3A_79 : vector<1x16xf32> to vector<16xf32>
      %add3A_81 = arith.addf %get3A_76, %get3A_80 : vector<16xf32>
      %get3A_82 = arith.index_cast %add3A_72 : i32 to index
      %get3A_83 = arith.constant 0 : index
      %get3A_84 = tpu.vector_load %arg10[%get3A_82, %get3A_83] {strides = array<i32>} : memref<320x16xf32, #tpu.memory_space<vmem>>, vector<1x16xf32>,
      %get3A_85 = vector.shape_cast %get3A_84 : vector<1x16xf32> to vector<16xf32>
      %lt3A_86 = arith.constant 0 : i32
      %lt3A_87 = vector.broadcast %lt3A_86 : i32 to vector<16xi32>
      %lt3A_88 = arith.cmpi slt, %broadcast_in_dim3A_41, %lt3A_87 : vector<16xi32>
      %add3A_89 = arith.constant 16 : i32
      %add3A_90 = vector.broadcast %add3A_89 : i32 to vector<16xi32>
      %add3A_91 = arith.addi %broadcast_in_dim3A_41, %add3A_90 : vector<16xi32>
      %select_n3A_92 = arith.select %lt3A_88, %add3A_91, %broadcast_in_dim3A_41 : vector<16xi1>, vector<16xi32>
      %broadcast_in_dim3A_93 = vector.shape_cast %select_n3A_92 : vector<16xi32> to vector<16x1xi32>
      %gather3A_94 = vector.shape_cast %broadcast_in_dim3A_93 : vector<16x1xi32> to vector<16xi32>
      %gather3A_95 = tpu.dynamic_gather %get3A_85[%gather3A_94] in [0] : vector<16xf32>, vector<16xi32> -> vector<16xf32>
      %broadcast_in_dim3A_96 = arith.constant 0 : i32
      %broadcast_in_dim3A_97 = vector.broadcast %broadcast_in_dim3A_96 : i32 to vector<16xi32>
      %lt3A_98 = arith.constant 0 : i32
      %lt3A_99 = vector.broadcast %lt3A_98 : i32 to vector<16xi32>
      %lt3A_100 = arith.cmpi slt, %broadcast_in_dim3A_97, %lt3A_99 : vector<16xi32>
      %add3A_101 = arith.constant 16 : i32
      %add3A_102 = vector.broadcast %add3A_101 : i32 to vector<16xi32>
      %add3A_103 = arith.addi %broadcast_in_dim3A_97, %add3A_102 : vector<16xi32>
      %select_n3A_104 = arith.select %lt3A_100, %add3A_103, %broadcast_in_dim3A_97 : vector<16xi1>, vector<16xi32>
      %broadcast_in_dim3A_105 = vector.shape_cast %select_n3A_104 : vector<16xi32> to vector<16x1xi32>
      %gather3A_106 = vector.shape_cast %broadcast_in_dim3A_105 : vector<16x1xi32> to vector<16xi32>
      %gather3A_107 = tpu.dynamic_gather %get3A_68[%gather3A_106] in [0] : vector<16xf32>, vector<16xi32> -> vector<16xf32>
      %mul3A_108 = arith.mulf %add3A_81, %gather3A_107 : vector<16xf32>
      %mul3A_109 = arith.mulf %gather3A_95, %select_n3A : vector<16xf32>
      %add3A_110 = arith.addf %mul3A_108, %mul3A_109 : vector<16xf32>
      %add3A_111 = arith.addf %add3A_110, %select_n3A_39 : vector<16xf32>
      %swap3A = arith.index_cast %add3A_72 : i32 to index
      %swap3A_112 = arith.constant 0 : index
      %swap3A_113 = tpu.vector_load %arg8[%swap3A, %swap3A_112] {strides = array<i32>} : memref<320x16xf32, #tpu.memory_space<vmem>>, vector<1x16xf32>,
      %swap3A_114 = vector.shape_cast %swap3A_113 : vector<1x16xf32> to vector<16xf32>
      %swap3A_115 = vector.shape_cast %add3A_111 : vector<16xf32> to vector<1x16xf32>
      tpu.vector_store %arg8[%swap3A, %swap3A_112], %swap3A_115 {strides = array<i32>} : memref<320x16xf32, #tpu.memory_space<vmem>>, vector<1x16xf32>,
      %mul3A_116 = arith.constant 16 : i32
      %mul3A_117 = arith.muli %add3A_63, %mul3A_116 : i32
      %add3A_118 = arith.constant 1 : i32
      %add3A_119 = arith.addi %mul3A_117, %add3A_118 : i32
      %get3A_120 = arith.index_cast %add3A_119 : i32 to index
      %get3A_121 = arith.constant 0 : index
      %get3A_122 = tpu.vector_load %arg8[%get3A_120, %get3A_121] {strides = array<i32>} : memref<320x16xf32, #tpu.memory_space<vmem>>, vector<1x16xf32>,
      %get3A_123 = vector.shape_cast %get3A_122 : vector<1x16xf32> to vector<16xf32>
      %get3A_124 = arith.index_cast %add3A_119 : i32 to index
      %get3A_125 = arith.constant 0 : index
      %get3A_126 = tpu.vector_load %arg9[%get3A_124, %get3A_125] {strides = array<i32>} : memref<320x16xf32, #tpu.memory_space<vmem>>, vector<1x16xf32>,
      %get3A_127 = vector.shape_cast %get3A_126 : vector<1x16xf32> to vector<16xf32>
      %add3A_128 = arith.addf %get3A_123, %get3A_127 : vector<16xf32>
      %get3A_129 = arith.index_cast %add3A_119 : i32 to index
      %get3A_130 = arith.constant 0 : index
      %get3A_131 = tpu.vector_load %arg10[%get3A_129, %get3A_130] {strides = array<i32>} : memref<320x16xf32, #tpu.memory_space<vmem>>, vector<1x16xf32>,
      %get3A_132 = vector.shape_cast %get3A_131 : vector<1x16xf32> to vector<16xf32>
      %lt3A_133 = arith.constant 0 : i32
      %lt3A_134 = vector.broadcast %lt3A_133 : i32 to vector<16xi32>
      %lt3A_135 = arith.cmpi slt, %broadcast_in_dim3A_41, %lt3A_134 : vector<16xi32>
      %add3A_136 = arith.constant 16 : i32
      %add3A_137 = vector.broadcast %add3A_136 : i32 to vector<16xi32>
      %add3A_138 = arith.addi %broadcast_in_dim3A_41, %add3A_137 : vector<16xi32>
      %select_n3A_139 = arith.select %lt3A_135, %add3A_138, %broadcast_in_dim3A_41 : vector<16xi1>, vector<16xi32>
      %broadcast_in_dim3A_140 = vector.shape_cast %select_n3A_139 : vector<16xi32> to vector<16x1xi32>
      %gather3A_141 = vector.shape_cast %broadcast_in_dim3A_140 : vector<16x1xi32> to vector<16xi32>
      %gather3A_142 = tpu.dynamic_gather %get3A_132[%gather3A_141] in [0] : vector<16xf32>, vector<16xi32> -> vector<16xf32>
      %broadcast_in_dim3A_143 = arith.constant 1 : i32
      %broadcast_in_dim3A_144 = vector.broadcast %broadcast_in_dim3A_143 : i32 to vector<16xi32>
      %lt3A_145 = arith.constant 0 : i32
      %lt3A_146 = vector.broadcast %lt3A_145 : i32 to vector<16xi32>
      %lt3A_147 = arith.cmpi slt, %broadcast_in_dim3A_144, %lt3A_146 : vector<16xi32>
      %add3A_148 = arith.constant 16 : i32
      %add3A_149 = vector.broadcast %add3A_148 : i32 to vector<16xi32>
      %add3A_150 = arith.addi %broadcast_in_dim3A_144, %add3A_149 : vector<16xi32>
      %select_n3A_151 = arith.select %lt3A_147, %add3A_150, %broadcast_in_dim3A_144 : vector<16xi1>, vector<16xi32>
      %broadcast_in_dim3A_152 = vector.shape_cast %select_n3A_151 : vector<16xi32> to vector<16x1xi32>
      %gather3A_153 = vector.shape_cast %broadcast_in_dim3A_152 : vector<16x1xi32> to vector<16xi32>
      %gather3A_154 = tpu.dynamic_gather %get3A_68[%gather3A_153] in [0] : vector<16xf32>, vector<16xi32> -> vector<16xf32>
      %mul3A_155 = arith.mulf %add3A_128, %gather3A_154 : vector<16xf32>
      %mul3A_156 = arith.mulf %gather3A_142, %select_n3A : vector<16xf32>
      %add3A_157 = arith.addf %mul3A_155, %mul3A_156 : vector<16xf32>
      %add3A_158 = arith.addf %add3A_157, %select_n3A_39 : vector<16xf32>
      %swap3A_159 = arith.index_cast %add3A_119 : i32 to index
      %swap3A_160 = arith.constant 0 : index
      %swap3A_161 = tpu.vector_load %arg8[%swap3A_159, %swap3A_160] {strides = array<i32>} : memref<320x16xf32, #tpu.memory_space<vmem>>, vector<1x16xf32>,
      %swap3A_162 = vector.shape_cast %swap3A_161 : vector<1x16xf32> to vector<16xf32>
      %swap3A_163 = vector.shape_cast %add3A_158 : vector<16xf32> to vector<1x16xf32>
      tpu.vector_store %arg8[%swap3A_159, %swap3A_160], %swap3A_163 {strides = array<i32>} : memref<320x16xf32, #tpu.memory_space<vmem>>, vector<1x16xf32>,
      %mul3A_164 = arith.constant 16 : i32
      %mul3A_165 = arith.muli %add3A_63, %mul3A_164 : i32
      %add3A_166 = arith.constant 2 : i32
      %add3A_167 = arith.addi %mul3A_165, %add3A_166 : i32
      %get3A_168 = arith.index_cast %add3A_167 : i32 to index
      %get3A_169 = arith.constant 0 : index
      %get3A_170 = tpu.vector_load %arg8[%get3A_168, %get3A_169] {strides = array<i32>} : memref<320x16xf32, #tpu.memory_space<vmem>>, vector<1x16xf32>,
      %get3A_171 = vector.shape_cast %get3A_170 : vector<1x16xf32> to vector<16xf32>
      %get3A_172 = arith.index_cast %add3A_167 : i32 to index
      %get3A_173 = arith.constant 0 : index
      %get3A_174 = tpu.vector_load %arg9[%get3A_172, %get3A_173] {strides = array<i32>} : memref<320x16xf32, #tpu.memory_space<vmem>>, vector<1x16xf32>,
      %get3A_175 = vector.shape_cast %get3A_174 : vector<1x16xf32> to vector<16xf32>
      %add3A_176 = arith.addf %get3A_171, %get3A_175 : vector<16xf32>
      %get3A_177 = arith.index_cast %add3A_167 : i32 to index
      %get3A_178 = arith.constant 0 : index
      %get3A_179 = tpu.vector_load %arg10[%get3A_177, %get3A_178] {strides = array<i32>} : memref<320x16xf32, #tpu.memory_space<vmem>>, vector<1x16xf32>,
      %get3A_180 = vector.shape_cast %get3A_179 : vector<1x16xf32> to vector<16xf32>
      %lt3A_181 = arith.constant 0 : i32
      %lt3A_182 = vector.broadcast %lt3A_181 : i32 to vector<16xi32>
      %lt3A_183 = arith.cmpi slt, %broadcast_in_dim3A_41, %lt3A_182 : vector<16xi32>
      %add3A_184 = arith.constant 16 : i32
      %add3A_185 = vector.broadcast %add3A_184 : i32 to vector<16xi32>
      %add3A_186 = arith.addi %broadcast_in_dim3A_41, %add3A_185 : vector<16xi32>
      %select_n3A_187 = arith.select %lt3A_183, %add3A_186, %broadcast_in_dim3A_41 : vector<16xi1>, vector<16xi32>
      %broadcast_in_dim3A_188 = vector.shape_cast %select_n3A_187 : vector<16xi32> to vector<16x1xi32>
      %gather3A_189 = vector.shape_cast %broadcast_in_dim3A_188 : vector<16x1xi32> to vector<16xi32>
      %gather3A_190 = tpu.dynamic_gather %get3A_180[%gather3A_189] in [0] : vector<16xf32>, vector<16xi32> -> vector<16xf32>
      %broadcast_in_dim3A_191 = arith.constant 2 : i32
      %broadcast_in_dim3A_192 = vector.broadcast %broadcast_in_dim3A_191 : i32 to vector<16xi32>
      %lt3A_193 = arith.constant 0 : i32
      %lt3A_194 = vector.broadcast %lt3A_193 : i32 to vector<16xi32>
      %lt3A_195 = arith.cmpi slt, %broadcast_in_dim3A_192, %lt3A_194 : vector<16xi32>
      %add3A_196 = arith.constant 16 : i32
      %add3A_197 = vector.broadcast %add3A_196 : i32 to vector<16xi32>
      %add3A_198 = arith.addi %broadcast_in_dim3A_192, %add3A_197 : vector<16xi32>
      %select_n3A_199 = arith.select %lt3A_195, %add3A_198, %broadcast_in_dim3A_192 : vector<16xi1>, vector<16xi32>
      %broadcast_in_dim3A_200 = vector.shape_cast %select_n3A_199 : vector<16xi32> to vector<16x1xi32>
      %gather3A_201 = vector.shape_cast %broadcast_in_dim3A_200 : vector<16x1xi32> to vector<16xi32>
      %gather3A_202 = tpu.dynamic_gather %get3A_68[%gather3A_201] in [0] : vector<16xf32>, vector<16xi32> -> vector<16xf32>
      %mul3A_203 = arith.mulf %add3A_176, %gather3A_202 : vector<16xf32>
      %mul3A_204 = arith.mulf %gather3A_190, %select_n3A : vector<16xf32>
      %add3A_205 = arith.addf %mul3A_203, %mul3A_204 : vector<16xf32>
      %add3A_206 = arith.addf %add3A_205, %select_n3A_39 : vector<16xf32>
      %swap3A_207 = arith.index_cast %add3A_167 : i32 to index
      %swap3A_208 = arith.constant 0 : index
      %swap3A_209 = tpu.vector_load %arg8[%swap3A_207, %swap3A_208] {strides = array<i32>} : memref<320x16xf32, #tpu.memory_space<vmem>>, vector<1x16xf32>,
      %swap3A_210 = vector.shape_cast %swap3A_209 : vector<1x16xf32> to vector<16xf32>
      %swap3A_211 = vector.shape_cast %add3A_206 : vector<16xf32> to vector<1x16xf32>
      tpu.vector_store %arg8[%swap3A_207, %swap3A_208], %swap3A_211 {strides = array<i32>} : memref<320x16xf32, #tpu.memory_space<vmem>>, vector<1x16xf32>,
      %mul3A_212 = arith.constant 16 : i32
      %mul3A_213 = arith.muli %add3A_63, %mul3A_212 : i32
      %add3A_214 = arith.constant 3 : i32
      %add3A_215 = arith.addi %mul3A_213, %add3A_214 : i32
      %get3A_216 = arith.index_cast %add3A_215 : i32 to index
      %get3A_217 = arith.constant 0 : index
      %get3A_218 = tpu.vector_load %arg8[%get3A_216, %get3A_217] {strides = array<i32>} : memref<320x16xf32, #tpu.memory_space<vmem>>, vector<1x16xf32>,
      %get3A_219 = vector.shape_cast %get3A_218 : vector<1x16xf32> to vector<16xf32>
      %get3A_220 = arith.index_cast %add3A_215 : i32 to index
      %get3A_221 = arith.constant 0 : index
      %get3A_222 = tpu.vector_load %arg9[%get3A_220, %get3A_221] {strides = array<i32>} : memref<320x16xf32, #tpu.memory_space<vmem>>, vector<1x16xf32>,
      %get3A_223 = vector.shape_cast %get3A_222 : vector<1x16xf32> to vector<16xf32>
      %add3A_224 = arith.addf %get3A_219, %get3A_223 : vector<16xf32>
      %get3A_225 = arith.index_cast %add3A_215 : i32 to index
      %get3A_226 = arith.constant 0 : index
      %get3A_227 = tpu.vector_load %arg10[%get3A_225, %get3A_226] {strides = array<i32>} : memref<320x16xf32, #tpu.memory_space<vmem>>, vector<1x16xf32>,
      %get3A_228 = vector.shape_cast %get3A_227 : vector<1x16xf32> to vector<16xf32>
      %lt3A_229 = arith.constant 0 : i32
      %lt3A_230 = vector.broadcast %lt3A_229 : i32 to vector<16xi32>
      %lt3A_231 = arith.cmpi slt, %broadcast_in_dim3A_41, %lt3A_230 : vector<16xi32>
      %add3A_232 = arith.constant 16 : i32
      %add3A_233 = vector.broadcast %add3A_232 : i32 to vector<16xi32>
      %add3A_234 = arith.addi %broadcast_in_dim3A_41, %add3A_233 : vector<16xi32>
      %select_n3A_235 = arith.select %lt3A_231, %add3A_234, %broadcast_in_dim3A_41 : vector<16xi1>, vector<16xi32>
      %broadcast_in_dim3A_236 = vector.shape_cast %select_n3A_235 : vector<16xi32> to vector<16x1xi32>
      %gather3A_237 = vector.shape_cast %broadcast_in_dim3A_236 : vector<16x1xi32> to vector<16xi32>
      %gather3A_238 = tpu.dynamic_gather %get3A_228[%gather3A_237] in [0] : vector<16xf32>, vector<16xi32> -> vector<16xf32>
      %broadcast_in_dim3A_239 = arith.constant 3 : i32
      %broadcast_in_dim3A_240 = vector.broadcast %broadcast_in_dim3A_239 : i32 to vector<16xi32>
      %lt3A_241 = arith.constant 0 : i32
      %lt3A_242 = vector.broadcast %lt3A_241 : i32 to vector<16xi32>
      %lt3A_243 = arith.cmpi slt, %broadcast_in_dim3A_240, %lt3A_242 : vector<16xi32>
      %add3A_244 = arith.constant 16 : i32
      %add3A_245 = vector.broadcast %add3A_244 : i32 to vector<16xi32>
      %add3A_246 = arith.addi %broadcast_in_dim3A_240, %add3A_245 : vector<16xi32>
      %select_n3A_247 = arith.select %lt3A_243, %add3A_246, %broadcast_in_dim3A_240 : vector<16xi1>, vector<16xi32>
      %broadcast_in_dim3A_248 = vector.shape_cast %select_n3A_247 : vector<16xi32> to vector<16x1xi32>
      %gather3A_249 = vector.shape_cast %broadcast_in_dim3A_248 : vector<16x1xi32> to vector<16xi32>
      %gather3A_250 = tpu.dynamic_gather %get3A_68[%gather3A_249] in [0] : vector<16xf32>, vector<16xi32> -> vector<16xf32>
      %mul3A_251 = arith.mulf %add3A_224, %gather3A_250 : vector<16xf32>
      %mul3A_252 = arith.mulf %gather3A_238, %select_n3A : vector<16xf32>
      %add3A_253 = arith.addf %mul3A_251, %mul3A_252 : vector<16xf32>
      %add3A_254 = arith.addf %add3A_253, %select_n3A_39 : vector<16xf32>
      %swap3A_255 = arith.index_cast %add3A_215 : i32 to index
      %swap3A_256 = arith.constant 0 : index
      %swap3A_257 = tpu.vector_load %arg8[%swap3A_255, %swap3A_256] {strides = array<i32>} : memref<320x16xf32, #tpu.memory_space<vmem>>, vector<1x16xf32>,
      %swap3A_258 = vector.shape_cast %swap3A_257 : vector<1x16xf32> to vector<16xf32>
      %swap3A_259 = vector.shape_cast %add3A_254 : vector<16xf32> to vector<1x16xf32>
      tpu.vector_store %arg8[%swap3A_255, %swap3A_256], %swap3A_259 {strides = array<i32>} : memref<320x16xf32, #tpu.memory_space<vmem>>, vector<1x16xf32>,
      %mul3A_260 = arith.constant 16 : i32
      %mul3A_261 = arith.muli %add3A_63, %mul3A_260 : i32
      %add3A_262 = arith.constant 4 : i32
      %add3A_263 = arith.addi %mul3A_261, %add3A_262 : i32
      %get3A_264 = arith.index_cast %add3A_263 : i32 to index
      %get3A_265 = arith.constant 0 : index
      %get3A_266 = tpu.vector_load %arg8[%get3A_264, %get3A_265] {strides = array<i32>} : memref<320x16xf32, #tpu.memory_space<vmem>>, vector<1x16xf32>,
      %get3A_267 = vector.shape_cast %get3A_266 : vector<1x16xf32> to vector<16xf32>
      %get3A_268 = arith.index_cast %add3A_263 : i32 to index
      %get3A_269 = arith.constant 0 : index
      %get3A_270 = tpu.vector_load %arg9[%get3A_268, %get3A_269] {strides = array<i32>} : memref<320x16xf32, #tpu.memory_space<vmem>>, vector<1x16xf32>,
      %get3A_271 = vector.shape_cast %get3A_270 : vector<1x16xf32> to vector<16xf32>
      %add3A_272 = arith.addf %get3A_267, %get3A_271 : vector<16xf32>
      %get3A_273 = arith.index_cast %add3A_263 : i32 to index
      %get3A_274 = arith.constant 0 : index
      %get3A_275 = tpu.vector_load %arg10[%get3A_273, %get3A_274] {strides = array<i32>} : memref<320x16xf32, #tpu.memory_space<vmem>>, vector<1x16xf32>,
      %get3A_276 = vector.shape_cast %get3A_275 : vector<1x16xf32> to vector<16xf32>
      %lt3A_277 = arith.constant 0 : i32
      %lt3A_278 = vector.broadcast %lt3A_277 : i32 to vector<16xi32>
      %lt3A_279 = arith.cmpi slt, %broadcast_in_dim3A_41, %lt3A_278 : vector<16xi32>
      %add3A_280 = arith.constant 16 : i32
      %add3A_281 = vector.broadcast %add3A_280 : i32 to vector<16xi32>
      %add3A_282 = arith.addi %broadcast_in_dim3A_41, %add3A_281 : vector<16xi32>
      %select_n3A_283 = arith.select %lt3A_279, %add3A_282, %broadcast_in_dim3A_41 : vector<16xi1>, vector<16xi32>
      %broadcast_in_dim3A_284 = vector.shape_cast %select_n3A_283 : vector<16xi32> to vector<16x1xi32>
      %gather3A_285 = vector.shape_cast %broadcast_in_dim3A_284 : vector<16x1xi32> to vector<16xi32>
      %gather3A_286 = tpu.dynamic_gather %get3A_276[%gather3A_285] in [0] : vector<16xf32>, vector<16xi32> -> vector<16xf32>
      %broadcast_in_dim3A_287 = arith.constant 4 : i32
      %broadcast_in_dim3A_288 = vector.broadcast %broadcast_in_dim3A_287 : i32 to vector<16xi32>
      %lt3A_289 = arith.constant 0 : i32
      %lt3A_290 = vector.broadcast %lt3A_289 : i32 to vector<16xi32>
      %lt3A_291 = arith.cmpi slt, %broadcast_in_dim3A_288, %lt3A_290 : vector<16xi32>
      %add3A_292 = arith.constant 16 : i32
      %add3A_293 = vector.broadcast %add3A_292 : i32 to vector<16xi32>
      %add3A_294 = arith.addi %broadcast_in_dim3A_288, %add3A_293 : vector<16xi32>
      %select_n3A_295 = arith.select %lt3A_291, %add3A_294, %broadcast_in_dim3A_288 : vector<16xi1>, vector<16xi32>
      %broadcast_in_dim3A_296 = vector.shape_cast %select_n3A_295 : vector<16xi32> to vector<16x1xi32>
      %gather3A_297 = vector.shape_cast %broadcast_in_dim3A_296 : vector<16x1xi32> to vector<16xi32>
      %gather3A_298 = tpu.dynamic_gather %get3A_68[%gather3A_297] in [0] : vector<16xf32>, vector<16xi32> -> vector<16xf32>
      %mul3A_299 = arith.mulf %add3A_272, %gather3A_298 : vector<16xf32>
      %mul3A_300 = arith.mulf %gather3A_286, %select_n3A : vector<16xf32>
      %add3A_301 = arith.addf %mul3A_299, %mul3A_300 : vector<16xf32>
      %add3A_302 = arith.addf %add3A_301, %select_n3A_39 : vector<16xf32>
      %swap3A_303 = arith.index_cast %add3A_263 : i32 to index
      %swap3A_304 = arith.constant 0 : index
      %swap3A_305 = tpu.vector_load %arg8[%swap3A_303, %swap3A_304] {strides = array<i32>} : memref<320x16xf32, #tpu.memory_space<vmem>>, vector<1x16xf32>,
      %swap3A_306 = vector.shape_cast %swap3A_305 : vector<1x16xf32> to vector<16xf32>
      %swap3A_307 = vector.shape_cast %add3A_302 : vector<16xf32> to vector<1x16xf32>
      tpu.vector_store %arg8[%swap3A_303, %swap3A_304], %swap3A_307 {strides = array<i32>} : memref<320x16xf32, #tpu.memory_space<vmem>>, vector<1x16xf32>,
      %mul3A_308 = arith.constant 16 : i32
      %mul3A_309 = arith.muli %add3A_63, %mul3A_308 : i32
      %add3A_310 = arith.constant 5 : i32
      %add3A_311 = arith.addi %mul3A_309, %add3A_310 : i32
      %get3A_312 = arith.index_cast %add3A_311 : i32 to index
      %get3A_313 = arith.constant 0 : index
      %get3A_314 = tpu.vector_load %arg8[%get3A_312, %get3A_313] {strides = array<i32>} : memref<320x16xf32, #tpu.memory_space<vmem>>, vector<1x16xf32>,
      %get3A_315 = vector.shape_cast %get3A_314 : vector<1x16xf32> to vector<16xf32>
      %get3A_316 = arith.index_cast %add3A_311 : i32 to index
      %get3A_317 = arith.constant 0 : index
      %get3A_318 = tpu.vector_load %arg9[%get3A_316, %get3A_317] {strides = array<i32>} : memref<320x16xf32, #tpu.memory_space<vmem>>, vector<1x16xf32>,
      %get3A_319 = vector.shape_cast %get3A_318 : vector<1x16xf32> to vector<16xf32>
      %add3A_320 = arith.addf %get3A_315, %get3A_319 : vector<16xf32>
      %get3A_321 = arith.index_cast %add3A_311 : i32 to index
      %get3A_322 = arith.constant 0 : index
      %get3A_323 = tpu.vector_load %arg10[%get3A_321, %get3A_322] {strides = array<i32>} : memref<320x16xf32, #tpu.memory_space<vmem>>, vector<1x16xf32>,
      %get3A_324 = vector.shape_cast %get3A_323 : vector<1x16xf32> to vector<16xf32>
      %lt3A_325 = arith.constant 0 : i32
      %lt3A_326 = vector.broadcast %lt3A_325 : i32 to vector<16xi32>
      %lt3A_327 = arith.cmpi slt, %broadcast_in_dim3A_41, %lt3A_326 : vector<16xi32>
      %add3A_328 = arith.constant 16 : i32
      %add3A_329 = vector.broadcast %add3A_328 : i32 to vector<16xi32>
      %add3A_330 = arith.addi %broadcast_in_dim3A_41, %add3A_329 : vector<16xi32>
      %select_n3A_331 = arith.select %lt3A_327, %add3A_330, %broadcast_in_dim3A_41 : vector<16xi1>, vector<16xi32>
      %broadcast_in_dim3A_332 = vector.shape_cast %select_n3A_331 : vector<16xi32> to vector<16x1xi32>
      %gather3A_333 = vector.shape_cast %broadcast_in_dim3A_332 : vector<16x1xi32> to vector<16xi32>
      %gather3A_334 = tpu.dynamic_gather %get3A_324[%gather3A_333] in [0] : vector<16xf32>, vector<16xi32> -> vector<16xf32>
      %broadcast_in_dim3A_335 = arith.constant 5 : i32
      %broadcast_in_dim3A_336 = vector.broadcast %broadcast_in_dim3A_335 : i32 to vector<16xi32>
      %lt3A_337 = arith.constant 0 : i32
      %lt3A_338 = vector.broadcast %lt3A_337 : i32 to vector<16xi32>
      %lt3A_339 = arith.cmpi slt, %broadcast_in_dim3A_336, %lt3A_338 : vector<16xi32>
      %add3A_340 = arith.constant 16 : i32
      %add3A_341 = vector.broadcast %add3A_340 : i32 to vector<16xi32>
      %add3A_342 = arith.addi %broadcast_in_dim3A_336, %add3A_341 : vector<16xi32>
      %select_n3A_343 = arith.select %lt3A_339, %add3A_342, %broadcast_in_dim3A_336 : vector<16xi1>, vector<16xi32>
      %broadcast_in_dim3A_344 = vector.shape_cast %select_n3A_343 : vector<16xi32> to vector<16x1xi32>
      %gather3A_345 = vector.shape_cast %broadcast_in_dim3A_344 : vector<16x1xi32> to vector<16xi32>
      %gather3A_346 = tpu.dynamic_gather %get3A_68[%gather3A_345] in [0] : vector<16xf32>, vector<16xi32> -> vector<16xf32>
      %mul3A_347 = arith.mulf %add3A_320, %gather3A_346 : vector<16xf32>
      %mul3A_348 = arith.mulf %gather3A_334, %select_n3A : vector<16xf32>
      %add3A_349 = arith.addf %mul3A_347, %mul3A_348 : vector<16xf32>
      %add3A_350 = arith.addf %add3A_349, %select_n3A_39 : vector<16xf32>
      %swap3A_351 = arith.index_cast %add3A_311 : i32 to index
      %swap3A_352 = arith.constant 0 : index
      %swap3A_353 = tpu.vector_load %arg8[%swap3A_351, %swap3A_352] {strides = array<i32>} : memref<320x16xf32, #tpu.memory_space<vmem>>, vector<1x16xf32>,
      %swap3A_354 = vector.shape_cast %swap3A_353 : vector<1x16xf32> to vector<16xf32>
      %swap3A_355 = vector.shape_cast %add3A_350 : vector<16xf32> to vector<1x16xf32>
      tpu.vector_store %arg8[%swap3A_351, %swap3A_352], %swap3A_355 {strides = array<i32>} : memref<320x16xf32, #tpu.memory_space<vmem>>, vector<1x16xf32>,
      %mul3A_356 = arith.constant 16 : i32
      %mul3A_357 = arith.muli %add3A_63, %mul3A_356 : i32
      %add3A_358 = arith.constant 6 : i32
      %add3A_359 = arith.addi %mul3A_357, %add3A_358 : i32
      %get3A_360 = arith.index_cast %add3A_359 : i32 to index
      %get3A_361 = arith.constant 0 : index
      %get3A_362 = tpu.vector_load %arg8[%get3A_360, %get3A_361] {strides = array<i32>} : memref<320x16xf32, #tpu.memory_space<vmem>>, vector<1x16xf32>,
      %get3A_363 = vector.shape_cast %get3A_362 : vector<1x16xf32> to vector<16xf32>
      %get3A_364 = arith.index_cast %add3A_359 : i32 to index
      %get3A_365 = arith.constant 0 : index
      %get3A_366 = tpu.vector_load %arg9[%get3A_364, %get3A_365] {strides = array<i32>} : memref<320x16xf32, #tpu.memory_space<vmem>>, vector<1x16xf32>,
      %get3A_367 = vector.shape_cast %get3A_366 : vector<1x16xf32> to vector<16xf32>
      %add3A_368 = arith.addf %get3A_363, %get3A_367 : vector<16xf32>
      %get3A_369 = arith.index_cast %add3A_359 : i32 to index
      %get3A_370 = arith.constant 0 : index
      %get3A_371 = tpu.vector_load %arg10[%get3A_369, %get3A_370] {strides = array<i32>} : memref<320x16xf32, #tpu.memory_space<vmem>>, vector<1x16xf32>,
      %get3A_372 = vector.shape_cast %get3A_371 : vector<1x16xf32> to vector<16xf32>
      %lt3A_373 = arith.constant 0 : i32
      %lt3A_374 = vector.broadcast %lt3A_373 : i32 to vector<16xi32>
      %lt3A_375 = arith.cmpi slt, %broadcast_in_dim3A_41, %lt3A_374 : vector<16xi32>
      %add3A_376 = arith.constant 16 : i32
      %add3A_377 = vector.broadcast %add3A_376 : i32 to vector<16xi32>
      %add3A_378 = arith.addi %broadcast_in_dim3A_41, %add3A_377 : vector<16xi32>
      %select_n3A_379 = arith.select %lt3A_375, %add3A_378, %broadcast_in_dim3A_41 : vector<16xi1>, vector<16xi32>
      %broadcast_in_dim3A_380 = vector.shape_cast %select_n3A_379 : vector<16xi32> to vector<16x1xi32>
      %gather3A_381 = vector.shape_cast %broadcast_in_dim3A_380 : vector<16x1xi32> to vector<16xi32>
      %gather3A_382 = tpu.dynamic_gather %get3A_372[%gather3A_381] in [0] : vector<16xf32>, vector<16xi32> -> vector<16xf32>
      %broadcast_in_dim3A_383 = arith.constant 6 : i32
      %broadcast_in_dim3A_384 = vector.broadcast %broadcast_in_dim3A_383 : i32 to vector<16xi32>
      %lt3A_385 = arith.constant 0 : i32
      %lt3A_386 = vector.broadcast %lt3A_385 : i32 to vector<16xi32>
      %lt3A_387 = arith.cmpi slt, %broadcast_in_dim3A_384, %lt3A_386 : vector<16xi32>
      %add3A_388 = arith.constant 16 : i32
      %add3A_389 = vector.broadcast %add3A_388 : i32 to vector<16xi32>
      %add3A_390 = arith.addi %broadcast_in_dim3A_384, %add3A_389 : vector<16xi32>
      %select_n3A_391 = arith.select %lt3A_387, %add3A_390, %broadcast_in_dim3A_384 : vector<16xi1>, vector<16xi32>
      %broadcast_in_dim3A_392 = vector.shape_cast %select_n3A_391 : vector<16xi32> to vector<16x1xi32>
      %gather3A_393 = vector.shape_cast %broadcast_in_dim3A_392 : vector<16x1xi32> to vector<16xi32>
      %gather3A_394 = tpu.dynamic_gather %get3A_68[%gather3A_393] in [0] : vector<16xf32>, vector<16xi32> -> vector<16xf32>
      %mul3A_395 = arith.mulf %add3A_368, %gather3A_394 : vector<16xf32>
      %mul3A_396 = arith.mulf %gather3A_382, %select_n3A : vector<16xf32>
      %add3A_397 = arith.addf %mul3A_395, %mul3A_396 : vector<16xf32>
      %add3A_398 = arith.addf %add3A_397, %select_n3A_39 : vector<16xf32>
      %swap3A_399 = arith.index_cast %add3A_359 : i32 to index
      %swap3A_400 = arith.constant 0 : index
      %swap3A_401 = tpu.vector_load %arg8[%swap3A_399, %swap3A_400] {strides = array<i32>} : memref<320x16xf32, #tpu.memory_space<vmem>>, vector<1x16xf32>,
      %swap3A_402 = vector.shape_cast %swap3A_401 : vector<1x16xf32> to vector<16xf32>
      %swap3A_403 = vector.shape_cast %add3A_398 : vector<16xf32> to vector<1x16xf32>
      tpu.vector_store %arg8[%swap3A_399, %swap3A_400], %swap3A_403 {strides = array<i32>} : memref<320x16xf32, #tpu.memory_space<vmem>>, vector<1x16xf32>,
      %mul3A_404 = arith.constant 16 : i32
      %mul3A_405 = arith.muli %add3A_63, %mul3A_404 : i32
      %add3A_406 = arith.constant 7 : i32
      %add3A_407 = arith.addi %mul3A_405, %add3A_406 : i32
      %get3A_408 = arith.index_cast %add3A_407 : i32 to index
      %get3A_409 = arith.constant 0 : index
      %get3A_410 = tpu.vector_load %arg8[%get3A_408, %get3A_409] {strides = array<i32>} : memref<320x16xf32, #tpu.memory_space<vmem>>, vector<1x16xf32>,
      %get3A_411 = vector.shape_cast %get3A_410 : vector<1x16xf32> to vector<16xf32>
      %get3A_412 = arith.index_cast %add3A_407 : i32 to index
      %get3A_413 = arith.constant 0 : index
      %get3A_414 = tpu.vector_load %arg9[%get3A_412, %get3A_413] {strides = array<i32>} : memref<320x16xf32, #tpu.memory_space<vmem>>, vector<1x16xf32>,
      %get3A_415 = vector.shape_cast %get3A_414 : vector<1x16xf32> to vector<16xf32>
      %add3A_416 = arith.addf %get3A_411, %get3A_415 : vector<16xf32>
      %get3A_417 = arith.index_cast %add3A_407 : i32 to index
      %get3A_418 = arith.constant 0 : index
      %get3A_419 = tpu.vector_load %arg10[%get3A_417, %get3A_418] {strides = array<i32>} : memref<320x16xf32, #tpu.memory_space<vmem>>, vector<1x16xf32>,
      %get3A_420 = vector.shape_cast %get3A_419 : vector<1x16xf32> to vector<16xf32>
      %lt3A_421 = arith.constant 0 : i32
      %lt3A_422 = vector.broadcast %lt3A_421 : i32 to vector<16xi32>
      %lt3A_423 = arith.cmpi slt, %broadcast_in_dim3A_41, %lt3A_422 : vector<16xi32>
      %add3A_424 = arith.constant 16 : i32
      %add3A_425 = vector.broadcast %add3A_424 : i32 to vector<16xi32>
      %add3A_426 = arith.addi %broadcast_in_dim3A_41, %add3A_425 : vector<16xi32>
      %select_n3A_427 = arith.select %lt3A_423, %add3A_426, %broadcast_in_dim3A_41 : vector<16xi1>, vector<16xi32>
      %broadcast_in_dim3A_428 = vector.shape_cast %select_n3A_427 : vector<16xi32> to vector<16x1xi32>
      %gather3A_429 = vector.shape_cast %broadcast_in_dim3A_428 : vector<16x1xi32> to vector<16xi32>
      %gather3A_430 = tpu.dynamic_gather %get3A_420[%gather3A_429] in [0] : vector<16xf32>, vector<16xi32> -> vector<16xf32>
      %broadcast_in_dim3A_431 = arith.constant 7 : i32
      %broadcast_in_dim3A_432 = vector.broadcast %broadcast_in_dim3A_431 : i32 to vector<16xi32>
      %lt3A_433 = arith.constant 0 : i32
      %lt3A_434 = vector.broadcast %lt3A_433 : i32 to vector<16xi32>
      %lt3A_435 = arith.cmpi slt, %broadcast_in_dim3A_432, %lt3A_434 : vector<16xi32>
      %add3A_436 = arith.constant 16 : i32
      %add3A_437 = vector.broadcast %add3A_436 : i32 to vector<16xi32>
      %add3A_438 = arith.addi %broadcast_in_dim3A_432, %add3A_437 : vector<16xi32>
      %select_n3A_439 = arith.select %lt3A_435, %add3A_438, %broadcast_in_dim3A_432 : vector<16xi1>, vector<16xi32>
      %broadcast_in_dim3A_440 = vector.shape_cast %select_n3A_439 : vector<16xi32> to vector<16x1xi32>
      %gather3A_441 = vector.shape_cast %broadcast_in_dim3A_440 : vector<16x1xi32> to vector<16xi32>
      %gather3A_442 = tpu.dynamic_gather %get3A_68[%gather3A_441] in [0] : vector<16xf32>, vector<16xi32> -> vector<16xf32>
      %mul3A_443 = arith.mulf %add3A_416, %gather3A_442 : vector<16xf32>
      %mul3A_444 = arith.mulf %gather3A_430, %select_n3A : vector<16xf32>
      %add3A_445 = arith.addf %mul3A_443, %mul3A_444 : vector<16xf32>
      %add3A_446 = arith.addf %add3A_445, %select_n3A_39 : vector<16xf32>
      %swap3A_447 = arith.index_cast %add3A_407 : i32 to index
      %swap3A_448 = arith.constant 0 : index
      %swap3A_449 = tpu.vector_load %arg8[%swap3A_447, %swap3A_448] {strides = array<i32>} : memref<320x16xf32, #tpu.memory_space<vmem>>, vector<1x16xf32>,
      %swap3A_450 = vector.shape_cast %swap3A_449 : vector<1x16xf32> to vector<16xf32>
      %swap3A_451 = vector.shape_cast %add3A_446 : vector<16xf32> to vector<1x16xf32>
      tpu.vector_store %arg8[%swap3A_447, %swap3A_448], %swap3A_451 {strides = array<i32>} : memref<320x16xf32, #tpu.memory_space<vmem>>, vector<1x16xf32>,
      %mul3A_452 = arith.constant 16 : i32
      %mul3A_453 = arith.muli %add3A_63, %mul3A_452 : i32
      %add3A_454 = arith.constant 8 : i32
      %add3A_455 = arith.addi %mul3A_453, %add3A_454 : i32
      %get3A_456 = arith.index_cast %add3A_455 : i32 to index
      %get3A_457 = arith.constant 0 : index
      %get3A_458 = tpu.vector_load %arg8[%get3A_456, %get3A_457] {strides = array<i32>} : memref<320x16xf32, #tpu.memory_space<vmem>>, vector<1x16xf32>,
      %get3A_459 = vector.shape_cast %get3A_458 : vector<1x16xf32> to vector<16xf32>
      %get3A_460 = arith.index_cast %add3A_455 : i32 to index
      %get3A_461 = arith.constant 0 : index
      %get3A_462 = tpu.vector_load %arg9[%get3A_460, %get3A_461] {strides = array<i32>} : memref<320x16xf32, #tpu.memory_space<vmem>>, vector<1x16xf32>,
      %get3A_463 = vector.shape_cast %get3A_462 : vector<1x16xf32> to vector<16xf32>
      %add3A_464 = arith.addf %get3A_459, %get3A_463 : vector<16xf32>
      %get3A_465 = arith.index_cast %add3A_455 : i32 to index
      %get3A_466 = arith.constant 0 : index
      %get3A_467 = tpu.vector_load %arg10[%get3A_465, %get3A_466] {strides = array<i32>} : memref<320x16xf32, #tpu.memory_space<vmem>>, vector<1x16xf32>,
      %get3A_468 = vector.shape_cast %get3A_467 : vector<1x16xf32> to vector<16xf32>
      %lt3A_469 = arith.constant 0 : i32
      %lt3A_470 = vector.broadcast %lt3A_469 : i32 to vector<16xi32>
      %lt3A_471 = arith.cmpi slt, %broadcast_in_dim3A_41, %lt3A_470 : vector<16xi32>
      %add3A_472 = arith.constant 16 : i32
      %add3A_473 = vector.broadcast %add3A_472 : i32 to vector<16xi32>
      %add3A_474 = arith.addi %broadcast_in_dim3A_41, %add3A_473 : vector<16xi32>
      %select_n3A_475 = arith.select %lt3A_471, %add3A_474, %broadcast_in_dim3A_41 : vector<16xi1>, vector<16xi32>
      %broadcast_in_dim3A_476 = vector.shape_cast %select_n3A_475 : vector<16xi32> to vector<16x1xi32>
      %gather3A_477 = vector.shape_cast %broadcast_in_dim3A_476 : vector<16x1xi32> to vector<16xi32>
      %gather3A_478 = tpu.dynamic_gather %get3A_468[%gather3A_477] in [0] : vector<16xf32>, vector<16xi32> -> vector<16xf32>
      %broadcast_in_dim3A_479 = arith.constant 8 : i32
      %broadcast_in_dim3A_480 = vector.broadcast %broadcast_in_dim3A_479 : i32 to vector<16xi32>
      %lt3A_481 = arith.constant 0 : i32
      %lt3A_482 = vector.broadcast %lt3A_481 : i32 to vector<16xi32>
      %lt3A_483 = arith.cmpi slt, %broadcast_in_dim3A_480, %lt3A_482 : vector<16xi32>
      %add3A_484 = arith.constant 16 : i32
      %add3A_485 = vector.broadcast %add3A_484 : i32 to vector<16xi32>
      %add3A_486 = arith.addi %broadcast_in_dim3A_480, %add3A_485 : vector<16xi32>
      %select_n3A_487 = arith.select %lt3A_483, %add3A_486, %broadcast_in_dim3A_480 : vector<16xi1>, vector<16xi32>
      %broadcast_in_dim3A_488 = vector.shape_cast %select_n3A_487 : vector<16xi32> to vector<16x1xi32>
      %gather3A_489 = vector.shape_cast %broadcast_in_dim3A_488 : vector<16x1xi32> to vector<16xi32>
      %gather3A_490 = tpu.dynamic_gather %get3A_68[%gather3A_489] in [0] : vector<16xf32>, vector<16xi32> -> vector<16xf32>
      %mul3A_491 = arith.mulf %add3A_464, %gather3A_490 : vector<16xf32>
      %mul3A_492 = arith.mulf %gather3A_478, %select_n3A : vector<16xf32>
      %add3A_493 = arith.addf %mul3A_491, %mul3A_492 : vector<16xf32>
      %add3A_494 = arith.addf %add3A_493, %select_n3A_39 : vector<16xf32>
      %swap3A_495 = arith.index_cast %add3A_455 : i32 to index
      %swap3A_496 = arith.constant 0 : index
      %swap3A_497 = tpu.vector_load %arg8[%swap3A_495, %swap3A_496] {strides = array<i32>} : memref<320x16xf32, #tpu.memory_space<vmem>>, vector<1x16xf32>,
      %swap3A_498 = vector.shape_cast %swap3A_497 : vector<1x16xf32> to vector<16xf32>
      %swap3A_499 = vector.shape_cast %add3A_494 : vector<16xf32> to vector<1x16xf32>
      tpu.vector_store %arg8[%swap3A_495, %swap3A_496], %swap3A_499 {strides = array<i32>} : memref<320x16xf32, #tpu.memory_space<vmem>>, vector<1x16xf32>,
      %mul3A_500 = arith.constant 16 : i32
      %mul3A_501 = arith.muli %add3A_63, %mul3A_500 : i32
      %add3A_502 = arith.constant 9 : i32
      %add3A_503 = arith.addi %mul3A_501, %add3A_502 : i32
      %get3A_504 = arith.index_cast %add3A_503 : i32 to index
      %get3A_505 = arith.constant 0 : index
      %get3A_506 = tpu.vector_load %arg8[%get3A_504, %get3A_505] {strides = array<i32>} : memref<320x16xf32, #tpu.memory_space<vmem>>, vector<1x16xf32>,
      %get3A_507 = vector.shape_cast %get3A_506 : vector<1x16xf32> to vector<16xf32>
      %get3A_508 = arith.index_cast %add3A_503 : i32 to index
      %get3A_509 = arith.constant 0 : index
      %get3A_510 = tpu.vector_load %arg9[%get3A_508, %get3A_509] {strides = array<i32>} : memref<320x16xf32, #tpu.memory_space<vmem>>, vector<1x16xf32>,
      %get3A_511 = vector.shape_cast %get3A_510 : vector<1x16xf32> to vector<16xf32>
      %add3A_512 = arith.addf %get3A_507, %get3A_511 : vector<16xf32>
      %get3A_513 = arith.index_cast %add3A_503 : i32 to index
      %get3A_514 = arith.constant 0 : index
      %get3A_515 = tpu.vector_load %arg10[%get3A_513, %get3A_514] {strides = array<i32>} : memref<320x16xf32, #tpu.memory_space<vmem>>, vector<1x16xf32>,
      %get3A_516 = vector.shape_cast %get3A_515 : vector<1x16xf32> to vector<16xf32>
      %lt3A_517 = arith.constant 0 : i32
      %lt3A_518 = vector.broadcast %lt3A_517 : i32 to vector<16xi32>
      %lt3A_519 = arith.cmpi slt, %broadcast_in_dim3A_41, %lt3A_518 : vector<16xi32>
      %add3A_520 = arith.constant 16 : i32
      %add3A_521 = vector.broadcast %add3A_520 : i32 to vector<16xi32>
      %add3A_522 = arith.addi %broadcast_in_dim3A_41, %add3A_521 : vector<16xi32>
      %select_n3A_523 = arith.select %lt3A_519, %add3A_522, %broadcast_in_dim3A_41 : vector<16xi1>, vector<16xi32>
      %broadcast_in_dim3A_524 = vector.shape_cast %select_n3A_523 : vector<16xi32> to vector<16x1xi32>
      %gather3A_525 = vector.shape_cast %broadcast_in_dim3A_524 : vector<16x1xi32> to vector<16xi32>
      %gather3A_526 = tpu.dynamic_gather %get3A_516[%gather3A_525] in [0] : vector<16xf32>, vector<16xi32> -> vector<16xf32>
      %broadcast_in_dim3A_527 = arith.constant 9 : i32
      %broadcast_in_dim3A_528 = vector.broadcast %broadcast_in_dim3A_527 : i32 to vector<16xi32>
      %lt3A_529 = arith.constant 0 : i32
      %lt3A_530 = vector.broadcast %lt3A_529 : i32 to vector<16xi32>
      %lt3A_531 = arith.cmpi slt, %broadcast_in_dim3A_528, %lt3A_530 : vector<16xi32>
      %add3A_532 = arith.constant 16 : i32
      %add3A_533 = vector.broadcast %add3A_532 : i32 to vector<16xi32>
      %add3A_534 = arith.addi %broadcast_in_dim3A_528, %add3A_533 : vector<16xi32>
      %select_n3A_535 = arith.select %lt3A_531, %add3A_534, %broadcast_in_dim3A_528 : vector<16xi1>, vector<16xi32>
      %broadcast_in_dim3A_536 = vector.shape_cast %select_n3A_535 : vector<16xi32> to vector<16x1xi32>
      %gather3A_537 = vector.shape_cast %broadcast_in_dim3A_536 : vector<16x1xi32> to vector<16xi32>
      %gather3A_538 = tpu.dynamic_gather %get3A_68[%gather3A_537] in [0] : vector<16xf32>, vector<16xi32> -> vector<16xf32>
      %mul3A_539 = arith.mulf %add3A_512, %gather3A_538 : vector<16xf32>
      %mul3A_540 = arith.mulf %gather3A_526, %select_n3A : vector<16xf32>
      %add3A_541 = arith.addf %mul3A_539, %mul3A_540 : vector<16xf32>
      %add3A_542 = arith.addf %add3A_541, %select_n3A_39 : vector<16xf32>
      %swap3A_543 = arith.index_cast %add3A_503 : i32 to index
      %swap3A_544 = arith.constant 0 : index
      %swap3A_545 = tpu.vector_load %arg8[%swap3A_543, %swap3A_544] {strides = array<i32>} : memref<320x16xf32, #tpu.memory_space<vmem>>, vector<1x16xf32>,
      %swap3A_546 = vector.shape_cast %swap3A_545 : vector<1x16xf32> to vector<16xf32>
      %swap3A_547 = vector.shape_cast %add3A_542 : vector<16xf32> to vector<1x16xf32>
      tpu.vector_store %arg8[%swap3A_543, %swap3A_544], %swap3A_547 {strides = array<i32>} : memref<320x16xf32, #tpu.memory_space<vmem>>, vector<1x16xf32>,
      %mul3A_548 = arith.constant 16 : i32
      %mul3A_549 = arith.muli %add3A_63, %mul3A_548 : i32
      %add3A_550 = arith.constant 10 : i32
      %add3A_551 = arith.addi %mul3A_549, %add3A_550 : i32
      %get3A_552 = arith.index_cast %add3A_551 : i32 to index
      %get3A_553 = arith.constant 0 : index
      %get3A_554 = tpu.vector_load %arg8[%get3A_552, %get3A_553] {strides = array<i32>} : memref<320x16xf32, #tpu.memory_space<vmem>>, vector<1x16xf32>,
      %get3A_555 = vector.shape_cast %get3A_554 : vector<1x16xf32> to vector<16xf32>
      %get3A_556 = arith.index_cast %add3A_551 : i32 to index
      %get3A_557 = arith.constant 0 : index
      %get3A_558 = tpu.vector_load %arg9[%get3A_556, %get3A_557] {strides = array<i32>} : memref<320x16xf32, #tpu.memory_space<vmem>>, vector<1x16xf32>,
      %get3A_559 = vector.shape_cast %get3A_558 : vector<1x16xf32> to vector<16xf32>
      %add3A_560 = arith.addf %get3A_555, %get3A_559 : vector<16xf32>
      %get3A_561 = arith.index_cast %add3A_551 : i32 to index
      %get3A_562 = arith.constant 0 : index
      %get3A_563 = tpu.vector_load %arg10[%get3A_561, %get3A_562] {strides = array<i32>} : memref<320x16xf32, #tpu.memory_space<vmem>>, vector<1x16xf32>,
      %get3A_564 = vector.shape_cast %get3A_563 : vector<1x16xf32> to vector<16xf32>
      %lt3A_565 = arith.constant 0 : i32
      %lt3A_566 = vector.broadcast %lt3A_565 : i32 to vector<16xi32>
      %lt3A_567 = arith.cmpi slt, %broadcast_in_dim3A_41, %lt3A_566 : vector<16xi32>
      %add3A_568 = arith.constant 16 : i32
      %add3A_569 = vector.broadcast %add3A_568 : i32 to vector<16xi32>
      %add3A_570 = arith.addi %broadcast_in_dim3A_41, %add3A_569 : vector<16xi32>
      %select_n3A_571 = arith.select %lt3A_567, %add3A_570, %broadcast_in_dim3A_41 : vector<16xi1>, vector<16xi32>
      %broadcast_in_dim3A_572 = vector.shape_cast %select_n3A_571 : vector<16xi32> to vector<16x1xi32>
      %gather3A_573 = vector.shape_cast %broadcast_in_dim3A_572 : vector<16x1xi32> to vector<16xi32>
      %gather3A_574 = tpu.dynamic_gather %get3A_564[%gather3A_573] in [0] : vector<16xf32>, vector<16xi32> -> vector<16xf32>
      %broadcast_in_dim3A_575 = arith.constant 10 : i32
      %broadcast_in_dim3A_576 = vector.broadcast %broadcast_in_dim3A_575 : i32 to vector<16xi32>
      %lt3A_577 = arith.constant 0 : i32
      %lt3A_578 = vector.broadcast %lt3A_577 : i32 to vector<16xi32>
      %lt3A_579 = arith.cmpi slt, %broadcast_in_dim3A_576, %lt3A_578 : vector<16xi32>
      %add3A_580 = arith.constant 16 : i32
      %add3A_581 = vector.broadcast %add3A_580 : i32 to vector<16xi32>
      %add3A_582 = arith.addi %broadcast_in_dim3A_576, %add3A_581 : vector<16xi32>
      %select_n3A_583 = arith.select %lt3A_579, %add3A_582, %broadcast_in_dim3A_576 : vector<16xi1>, vector<16xi32>
      %broadcast_in_dim3A_584 = vector.shape_cast %select_n3A_583 : vector<16xi32> to vector<16x1xi32>
      %gather3A_585 = vector.shape_cast %broadcast_in_dim3A_584 : vector<16x1xi32> to vector<16xi32>
      %gather3A_586 = tpu.dynamic_gather %get3A_68[%gather3A_585] in [0] : vector<16xf32>, vector<16xi32> -> vector<16xf32>
      %mul3A_587 = arith.mulf %add3A_560, %gather3A_586 : vector<16xf32>
      %mul3A_588 = arith.mulf %gather3A_574, %select_n3A : vector<16xf32>
      %add3A_589 = arith.addf %mul3A_587, %mul3A_588 : vector<16xf32>
      %add3A_590 = arith.addf %add3A_589, %select_n3A_39 : vector<16xf32>
      %swap3A_591 = arith.index_cast %add3A_551 : i32 to index
      %swap3A_592 = arith.constant 0 : index
      %swap3A_593 = tpu.vector_load %arg8[%swap3A_591, %swap3A_592] {strides = array<i32>} : memref<320x16xf32, #tpu.memory_space<vmem>>, vector<1x16xf32>,
      %swap3A_594 = vector.shape_cast %swap3A_593 : vector<1x16xf32> to vector<16xf32>
      %swap3A_595 = vector.shape_cast %add3A_590 : vector<16xf32> to vector<1x16xf32>
      tpu.vector_store %arg8[%swap3A_591, %swap3A_592], %swap3A_595 {strides = array<i32>} : memref<320x16xf32, #tpu.memory_space<vmem>>, vector<1x16xf32>,
      %mul3A_596 = arith.constant 16 : i32
      %mul3A_597 = arith.muli %add3A_63, %mul3A_596 : i32
      %add3A_598 = arith.constant 11 : i32
      %add3A_599 = arith.addi %mul3A_597, %add3A_598 : i32
      %get3A_600 = arith.index_cast %add3A_599 : i32 to index
      %get3A_601 = arith.constant 0 : index
      %get3A_602 = tpu.vector_load %arg8[%get3A_600, %get3A_601] {strides = array<i32>} : memref<320x16xf32, #tpu.memory_space<vmem>>, vector<1x16xf32>,
      %get3A_603 = vector.shape_cast %get3A_602 : vector<1x16xf32> to vector<16xf32>
      %get3A_604 = arith.index_cast %add3A_599 : i32 to index
      %get3A_605 = arith.constant 0 : index
      %get3A_606 = tpu.vector_load %arg9[%get3A_604, %get3A_605] {strides = array<i32>} : memref<320x16xf32, #tpu.memory_space<vmem>>, vector<1x16xf32>,
      %get3A_607 = vector.shape_cast %get3A_606 : vector<1x16xf32> to vector<16xf32>
      %add3A_608 = arith.addf %get3A_603, %get3A_607 : vector<16xf32>
      %get3A_609 = arith.index_cast %add3A_599 : i32 to index
      %get3A_610 = arith.constant 0 : index
      %get3A_611 = tpu.vector_load %arg10[%get3A_609, %get3A_610] {strides = array<i32>} : memref<320x16xf32, #tpu.memory_space<vmem>>, vector<1x16xf32>,
      %get3A_612 = vector.shape_cast %get3A_611 : vector<1x16xf32> to vector<16xf32>
      %lt3A_613 = arith.constant 0 : i32
      %lt3A_614 = vector.broadcast %lt3A_613 : i32 to vector<16xi32>
      %lt3A_615 = arith.cmpi slt, %broadcast_in_dim3A_41, %lt3A_614 : vector<16xi32>
      %add3A_616 = arith.constant 16 : i32
      %add3A_617 = vector.broadcast %add3A_616 : i32 to vector<16xi32>
      %add3A_618 = arith.addi %broadcast_in_dim3A_41, %add3A_617 : vector<16xi32>
      %select_n3A_619 = arith.select %lt3A_615, %add3A_618, %broadcast_in_dim3A_41 : vector<16xi1>, vector<16xi32>
      %broadcast_in_dim3A_620 = vector.shape_cast %select_n3A_619 : vector<16xi32> to vector<16x1xi32>
      %gather3A_621 = vector.shape_cast %broadcast_in_dim3A_620 : vector<16x1xi32> to vector<16xi32>
      %gather3A_622 = tpu.dynamic_gather %get3A_612[%gather3A_621] in [0] : vector<16xf32>, vector<16xi32> -> vector<16xf32>
      %broadcast_in_dim3A_623 = arith.constant 11 : i32
      %broadcast_in_dim3A_624 = vector.broadcast %broadcast_in_dim3A_623 : i32 to vector<16xi32>
      %lt3A_625 = arith.constant 0 : i32
      %lt3A_626 = vector.broadcast %lt3A_625 : i32 to vector<16xi32>
      %lt3A_627 = arith.cmpi slt, %broadcast_in_dim3A_624, %lt3A_626 : vector<16xi32>
      %add3A_628 = arith.constant 16 : i32
      %add3A_629 = vector.broadcast %add3A_628 : i32 to vector<16xi32>
      %add3A_630 = arith.addi %broadcast_in_dim3A_624, %add3A_629 : vector<16xi32>
      %select_n3A_631 = arith.select %lt3A_627, %add3A_630, %broadcast_in_dim3A_624 : vector<16xi1>, vector<16xi32>
      %broadcast_in_dim3A_632 = vector.shape_cast %select_n3A_631 : vector<16xi32> to vector<16x1xi32>
      %gather3A_633 = vector.shape_cast %broadcast_in_dim3A_632 : vector<16x1xi32> to vector<16xi32>
      %gather3A_634 = tpu.dynamic_gather %get3A_68[%gather3A_633] in [0] : vector<16xf32>, vector<16xi32> -> vector<16xf32>
      %mul3A_635 = arith.mulf %add3A_608, %gather3A_634 : vector<16xf32>
      %mul3A_636 = arith.mulf %gather3A_622, %select_n3A : vector<16xf32>
      %add3A_637 = arith.addf %mul3A_635, %mul3A_636 : vector<16xf32>
      %add3A_638 = arith.addf %add3A_637, %select_n3A_39 : vector<16xf32>
      %swap3A_639 = arith.index_cast %add3A_599 : i32 to index
      %swap3A_640 = arith.constant 0 : index
      %swap3A_641 = tpu.vector_load %arg8[%swap3A_639, %swap3A_640] {strides = array<i32>} : memref<320x16xf32, #tpu.memory_space<vmem>>, vector<1x16xf32>,
      %swap3A_642 = vector.shape_cast %swap3A_641 : vector<1x16xf32> to vector<16xf32>
      %swap3A_643 = vector.shape_cast %add3A_638 : vector<16xf32> to vector<1x16xf32>
      tpu.vector_store %arg8[%swap3A_639, %swap3A_640], %swap3A_643 {strides = array<i32>} : memref<320x16xf32, #tpu.memory_space<vmem>>, vector<1x16xf32>,
      %mul3A_644 = arith.constant 16 : i32
      %mul3A_645 = arith.muli %add3A_63, %mul3A_644 : i32
      %add3A_646 = arith.constant 12 : i32
      %add3A_647 = arith.addi %mul3A_645, %add3A_646 : i32
      %get3A_648 = arith.index_cast %add3A_647 : i32 to index
      %get3A_649 = arith.constant 0 : index
      %get3A_650 = tpu.vector_load %arg8[%get3A_648, %get3A_649] {strides = array<i32>} : memref<320x16xf32, #tpu.memory_space<vmem>>, vector<1x16xf32>,
      %get3A_651 = vector.shape_cast %get3A_650 : vector<1x16xf32> to vector<16xf32>
      %get3A_652 = arith.index_cast %add3A_647 : i32 to index
      %get3A_653 = arith.constant 0 : index
      %get3A_654 = tpu.vector_load %arg9[%get3A_652, %get3A_653] {strides = array<i32>} : memref<320x16xf32, #tpu.memory_space<vmem>>, vector<1x16xf32>,
      %get3A_655 = vector.shape_cast %get3A_654 : vector<1x16xf32> to vector<16xf32>
      %add3A_656 = arith.addf %get3A_651, %get3A_655 : vector<16xf32>
      %get3A_657 = arith.index_cast %add3A_647 : i32 to index
      %get3A_658 = arith.constant 0 : index
      %get3A_659 = tpu.vector_load %arg10[%get3A_657, %get3A_658] {strides = array<i32>} : memref<320x16xf32, #tpu.memory_space<vmem>>, vector<1x16xf32>,
      %get3A_660 = vector.shape_cast %get3A_659 : vector<1x16xf32> to vector<16xf32>
      %lt3A_661 = arith.constant 0 : i32
      %lt3A_662 = vector.broadcast %lt3A_661 : i32 to vector<16xi32>
      %lt3A_663 = arith.cmpi slt, %broadcast_in_dim3A_41, %lt3A_662 : vector<16xi32>
      %add3A_664 = arith.constant 16 : i32
      %add3A_665 = vector.broadcast %add3A_664 : i32 to vector<16xi32>
      %add3A_666 = arith.addi %broadcast_in_dim3A_41, %add3A_665 : vector<16xi32>
      %select_n3A_667 = arith.select %lt3A_663, %add3A_666, %broadcast_in_dim3A_41 : vector<16xi1>, vector<16xi32>
      %broadcast_in_dim3A_668 = vector.shape_cast %select_n3A_667 : vector<16xi32> to vector<16x1xi32>
      %gather3A_669 = vector.shape_cast %broadcast_in_dim3A_668 : vector<16x1xi32> to vector<16xi32>
      %gather3A_670 = tpu.dynamic_gather %get3A_660[%gather3A_669] in [0] : vector<16xf32>, vector<16xi32> -> vector<16xf32>
      %broadcast_in_dim3A_671 = arith.constant 12 : i32
      %broadcast_in_dim3A_672 = vector.broadcast %broadcast_in_dim3A_671 : i32 to vector<16xi32>
      %lt3A_673 = arith.constant 0 : i32
      %lt3A_674 = vector.broadcast %lt3A_673 : i32 to vector<16xi32>
      %lt3A_675 = arith.cmpi slt, %broadcast_in_dim3A_672, %lt3A_674 : vector<16xi32>
      %add3A_676 = arith.constant 16 : i32
      %add3A_677 = vector.broadcast %add3A_676 : i32 to vector<16xi32>
      %add3A_678 = arith.addi %broadcast_in_dim3A_672, %add3A_677 : vector<16xi32>
      %select_n3A_679 = arith.select %lt3A_675, %add3A_678, %broadcast_in_dim3A_672 : vector<16xi1>, vector<16xi32>
      %broadcast_in_dim3A_680 = vector.shape_cast %select_n3A_679 : vector<16xi32> to vector<16x1xi32>
      %gather3A_681 = vector.shape_cast %broadcast_in_dim3A_680 : vector<16x1xi32> to vector<16xi32>
      %gather3A_682 = tpu.dynamic_gather %get3A_68[%gather3A_681] in [0] : vector<16xf32>, vector<16xi32> -> vector<16xf32>
      %mul3A_683 = arith.mulf %add3A_656, %gather3A_682 : vector<16xf32>
      %mul3A_684 = arith.mulf %gather3A_670, %select_n3A : vector<16xf32>
      %add3A_685 = arith.addf %mul3A_683, %mul3A_684 : vector<16xf32>
      %add3A_686 = arith.addf %add3A_685, %select_n3A_39 : vector<16xf32>
      %swap3A_687 = arith.index_cast %add3A_647 : i32 to index
      %swap3A_688 = arith.constant 0 : index
      %swap3A_689 = tpu.vector_load %arg8[%swap3A_687, %swap3A_688] {strides = array<i32>} : memref<320x16xf32, #tpu.memory_space<vmem>>, vector<1x16xf32>,
      %swap3A_690 = vector.shape_cast %swap3A_689 : vector<1x16xf32> to vector<16xf32>
      %swap3A_691 = vector.shape_cast %add3A_686 : vector<16xf32> to vector<1x16xf32>
      tpu.vector_store %arg8[%swap3A_687, %swap3A_688], %swap3A_691 {strides = array<i32>} : memref<320x16xf32, #tpu.memory_space<vmem>>, vector<1x16xf32>,
      %mul3A_692 = arith.constant 16 : i32
      %mul3A_693 = arith.muli %add3A_63, %mul3A_692 : i32
      %add3A_694 = arith.constant 13 : i32
      %add3A_695 = arith.addi %mul3A_693, %add3A_694 : i32
      %get3A_696 = arith.index_cast %add3A_695 : i32 to index
      %get3A_697 = arith.constant 0 : index
      %get3A_698 = tpu.vector_load %arg8[%get3A_696, %get3A_697] {strides = array<i32>} : memref<320x16xf32, #tpu.memory_space<vmem>>, vector<1x16xf32>,
      %get3A_699 = vector.shape_cast %get3A_698 : vector<1x16xf32> to vector<16xf32>
      %get3A_700 = arith.index_cast %add3A_695 : i32 to index
      %get3A_701 = arith.constant 0 : index
      %get3A_702 = tpu.vector_load %arg9[%get3A_700, %get3A_701] {strides = array<i32>} : memref<320x16xf32, #tpu.memory_space<vmem>>, vector<1x16xf32>,
      %get3A_703 = vector.shape_cast %get3A_702 : vector<1x16xf32> to vector<16xf32>
      %add3A_704 = arith.addf %get3A_699, %get3A_703 : vector<16xf32>
      %get3A_705 = arith.index_cast %add3A_695 : i32 to index
      %get3A_706 = arith.constant 0 : index
      %get3A_707 = tpu.vector_load %arg10[%get3A_705, %get3A_706] {strides = array<i32>} : memref<320x16xf32, #tpu.memory_space<vmem>>, vector<1x16xf32>,
      %get3A_708 = vector.shape_cast %get3A_707 : vector<1x16xf32> to vector<16xf32>
      %lt3A_709 = arith.constant 0 : i32
      %lt3A_710 = vector.broadcast %lt3A_709 : i32 to vector<16xi32>
      %lt3A_711 = arith.cmpi slt, %broadcast_in_dim3A_41, %lt3A_710 : vector<16xi32>
      %add3A_712 = arith.constant 16 : i32
      %add3A_713 = vector.broadcast %add3A_712 : i32 to vector<16xi32>
      %add3A_714 = arith.addi %broadcast_in_dim3A_41, %add3A_713 : vector<16xi32>
      %select_n3A_715 = arith.select %lt3A_711, %add3A_714, %broadcast_in_dim3A_41 : vector<16xi1>, vector<16xi32>
      %broadcast_in_dim3A_716 = vector.shape_cast %select_n3A_715 : vector<16xi32> to vector<16x1xi32>
      %gather3A_717 = vector.shape_cast %broadcast_in_dim3A_716 : vector<16x1xi32> to vector<16xi32>
      %gather3A_718 = tpu.dynamic_gather %get3A_708[%gather3A_717] in [0] : vector<16xf32>, vector<16xi32> -> vector<16xf32>
      %broadcast_in_dim3A_719 = arith.constant 13 : i32
      %broadcast_in_dim3A_720 = vector.broadcast %broadcast_in_dim3A_719 : i32 to vector<16xi32>
      %lt3A_721 = arith.constant 0 : i32
      %lt3A_722 = vector.broadcast %lt3A_721 : i32 to vector<16xi32>
      %lt3A_723 = arith.cmpi slt, %broadcast_in_dim3A_720, %lt3A_722 : vector<16xi32>
      %add3A_724 = arith.constant 16 : i32
      %add3A_725 = vector.broadcast %add3A_724 : i32 to vector<16xi32>
      %add3A_726 = arith.addi %broadcast_in_dim3A_720, %add3A_725 : vector<16xi32>
      %select_n3A_727 = arith.select %lt3A_723, %add3A_726, %broadcast_in_dim3A_720 : vector<16xi1>, vector<16xi32>
      %broadcast_in_dim3A_728 = vector.shape_cast %select_n3A_727 : vector<16xi32> to vector<16x1xi32>
      %gather3A_729 = vector.shape_cast %broadcast_in_dim3A_728 : vector<16x1xi32> to vector<16xi32>
      %gather3A_730 = tpu.dynamic_gather %get3A_68[%gather3A_729] in [0] : vector<16xf32>, vector<16xi32> -> vector<16xf32>
      %mul3A_731 = arith.mulf %add3A_704, %gather3A_730 : vector<16xf32>
      %mul3A_732 = arith.mulf %gather3A_718, %select_n3A : vector<16xf32>
      %add3A_733 = arith.addf %mul3A_731, %mul3A_732 : vector<16xf32>
      %add3A_734 = arith.addf %add3A_733, %select_n3A_39 : vector<16xf32>
      %swap3A_735 = arith.index_cast %add3A_695 : i32 to index
      %swap3A_736 = arith.constant 0 : index
      %swap3A_737 = tpu.vector_load %arg8[%swap3A_735, %swap3A_736] {strides = array<i32>} : memref<320x16xf32, #tpu.memory_space<vmem>>, vector<1x16xf32>,
      %swap3A_738 = vector.shape_cast %swap3A_737 : vector<1x16xf32> to vector<16xf32>
      %swap3A_739 = vector.shape_cast %add3A_734 : vector<16xf32> to vector<1x16xf32>
      tpu.vector_store %arg8[%swap3A_735, %swap3A_736], %swap3A_739 {strides = array<i32>} : memref<320x16xf32, #tpu.memory_space<vmem>>, vector<1x16xf32>,
      %mul3A_740 = arith.constant 16 : i32
      %mul3A_741 = arith.muli %add3A_63, %mul3A_740 : i32
      %add3A_742 = arith.constant 14 : i32
      %add3A_743 = arith.addi %mul3A_741, %add3A_742 : i32
      %get3A_744 = arith.index_cast %add3A_743 : i32 to index
      %get3A_745 = arith.constant 0 : index
      %get3A_746 = tpu.vector_load %arg8[%get3A_744, %get3A_745] {strides = array<i32>} : memref<320x16xf32, #tpu.memory_space<vmem>>, vector<1x16xf32>,
      %get3A_747 = vector.shape_cast %get3A_746 : vector<1x16xf32> to vector<16xf32>
      %get3A_748 = arith.index_cast %add3A_743 : i32 to index
      %get3A_749 = arith.constant 0 : index
      %get3A_750 = tpu.vector_load %arg9[%get3A_748, %get3A_749] {strides = array<i32>} : memref<320x16xf32, #tpu.memory_space<vmem>>, vector<1x16xf32>,
      %get3A_751 = vector.shape_cast %get3A_750 : vector<1x16xf32> to vector<16xf32>
      %add3A_752 = arith.addf %get3A_747, %get3A_751 : vector<16xf32>
      %get3A_753 = arith.index_cast %add3A_743 : i32 to index
      %get3A_754 = arith.constant 0 : index
      %get3A_755 = tpu.vector_load %arg10[%get3A_753, %get3A_754] {strides = array<i32>} : memref<320x16xf32, #tpu.memory_space<vmem>>, vector<1x16xf32>,
      %get3A_756 = vector.shape_cast %get3A_755 : vector<1x16xf32> to vector<16xf32>
      %lt3A_757 = arith.constant 0 : i32
      %lt3A_758 = vector.broadcast %lt3A_757 : i32 to vector<16xi32>
      %lt3A_759 = arith.cmpi slt, %broadcast_in_dim3A_41, %lt3A_758 : vector<16xi32>
      %add3A_760 = arith.constant 16 : i32
      %add3A_761 = vector.broadcast %add3A_760 : i32 to vector<16xi32>
      %add3A_762 = arith.addi %broadcast_in_dim3A_41, %add3A_761 : vector<16xi32>
      %select_n3A_763 = arith.select %lt3A_759, %add3A_762, %broadcast_in_dim3A_41 : vector<16xi1>, vector<16xi32>
      %broadcast_in_dim3A_764 = vector.shape_cast %select_n3A_763 : vector<16xi32> to vector<16x1xi32>
      %gather3A_765 = vector.shape_cast %broadcast_in_dim3A_764 : vector<16x1xi32> to vector<16xi32>
      %gather3A_766 = tpu.dynamic_gather %get3A_756[%gather3A_765] in [0] : vector<16xf32>, vector<16xi32> -> vector<16xf32>
      %broadcast_in_dim3A_767 = arith.constant 14 : i32
      %broadcast_in_dim3A_768 = vector.broadcast %broadcast_in_dim3A_767 : i32 to vector<16xi32>
      %lt3A_769 = arith.constant 0 : i32
      %lt3A_770 = vector.broadcast %lt3A_769 : i32 to vector<16xi32>
      %lt3A_771 = arith.cmpi slt, %broadcast_in_dim3A_768, %lt3A_770 : vector<16xi32>
      %add3A_772 = arith.constant 16 : i32
      %add3A_773 = vector.broadcast %add3A_772 : i32 to vector<16xi32>
      %add3A_774 = arith.addi %broadcast_in_dim3A_768, %add3A_773 : vector<16xi32>
      %select_n3A_775 = arith.select %lt3A_771, %add3A_774, %broadcast_in_dim3A_768 : vector<16xi1>, vector<16xi32>
      %broadcast_in_dim3A_776 = vector.shape_cast %select_n3A_775 : vector<16xi32> to vector<16x1xi32>
      %gather3A_777 = vector.shape_cast %broadcast_in_dim3A_776 : vector<16x1xi32> to vector<16xi32>
      %gather3A_778 = tpu.dynamic_gather %get3A_68[%gather3A_777] in [0] : vector<16xf32>, vector<16xi32> -> vector<16xf32>
      %mul3A_779 = arith.mulf %add3A_752, %gather3A_778 : vector<16xf32>
      %mul3A_780 = arith.mulf %gather3A_766, %select_n3A : vector<16xf32>
      %add3A_781 = arith.addf %mul3A_779, %mul3A_780 : vector<16xf32>
      %add3A_782 = arith.addf %add3A_781, %select_n3A_39 : vector<16xf32>
      %swap3A_783 = arith.index_cast %add3A_743 : i32 to index
      %swap3A_784 = arith.constant 0 : index
      %swap3A_785 = tpu.vector_load %arg8[%swap3A_783, %swap3A_784] {strides = array<i32>} : memref<320x16xf32, #tpu.memory_space<vmem>>, vector<1x16xf32>,
      %swap3A_786 = vector.shape_cast %swap3A_785 : vector<1x16xf32> to vector<16xf32>
      %swap3A_787 = vector.shape_cast %add3A_782 : vector<16xf32> to vector<1x16xf32>
      tpu.vector_store %arg8[%swap3A_783, %swap3A_784], %swap3A_787 {strides = array<i32>} : memref<320x16xf32, #tpu.memory_space<vmem>>, vector<1x16xf32>,
      %mul3A_788 = arith.constant 16 : i32
      %mul3A_789 = arith.muli %add3A_63, %mul3A_788 : i32
      %add3A_790 = arith.constant 15 : i32
      %add3A_791 = arith.addi %mul3A_789, %add3A_790 : i32
      %get3A_792 = arith.index_cast %add3A_791 : i32 to index
      %get3A_793 = arith.constant 0 : index
      %get3A_794 = tpu.vector_load %arg8[%get3A_792, %get3A_793] {strides = array<i32>} : memref<320x16xf32, #tpu.memory_space<vmem>>, vector<1x16xf32>,
      %get3A_795 = vector.shape_cast %get3A_794 : vector<1x16xf32> to vector<16xf32>
      %get3A_796 = arith.index_cast %add3A_791 : i32 to index
      %get3A_797 = arith.constant 0 : index
      %get3A_798 = tpu.vector_load %arg9[%get3A_796, %get3A_797] {strides = array<i32>} : memref<320x16xf32, #tpu.memory_space<vmem>>, vector<1x16xf32>,
      %get3A_799 = vector.shape_cast %get3A_798 : vector<1x16xf32> to vector<16xf32>
      %add3A_800 = arith.addf %get3A_795, %get3A_799 : vector<16xf32>
      %get3A_801 = arith.index_cast %add3A_791 : i32 to index
      %get3A_802 = arith.constant 0 : index
      %get3A_803 = tpu.vector_load %arg10[%get3A_801, %get3A_802] {strides = array<i32>} : memref<320x16xf32, #tpu.memory_space<vmem>>, vector<1x16xf32>,
      %get3A_804 = vector.shape_cast %get3A_803 : vector<1x16xf32> to vector<16xf32>
      %lt3A_805 = arith.constant 0 : i32
      %lt3A_806 = vector.broadcast %lt3A_805 : i32 to vector<16xi32>
      %lt3A_807 = arith.cmpi slt, %broadcast_in_dim3A_41, %lt3A_806 : vector<16xi32>
      %add3A_808 = arith.constant 16 : i32
      %add3A_809 = vector.broadcast %add3A_808 : i32 to vector<16xi32>
      %add3A_810 = arith.addi %broadcast_in_dim3A_41, %add3A_809 : vector<16xi32>
      %select_n3A_811 = arith.select %lt3A_807, %add3A_810, %broadcast_in_dim3A_41 : vector<16xi1>, vector<16xi32>
      %broadcast_in_dim3A_812 = vector.shape_cast %select_n3A_811 : vector<16xi32> to vector<16x1xi32>
      %gather3A_813 = vector.shape_cast %broadcast_in_dim3A_812 : vector<16x1xi32> to vector<16xi32>
      %gather3A_814 = tpu.dynamic_gather %get3A_804[%gather3A_813] in [0] : vector<16xf32>, vector<16xi32> -> vector<16xf32>
      %broadcast_in_dim3A_815 = arith.constant 15 : i32
      %broadcast_in_dim3A_816 = vector.broadcast %broadcast_in_dim3A_815 : i32 to vector<16xi32>
      %lt3A_817 = arith.constant 0 : i32
      %lt3A_818 = vector.broadcast %lt3A_817 : i32 to vector<16xi32>
      %lt3A_819 = arith.cmpi slt, %broadcast_in_dim3A_816, %lt3A_818 : vector<16xi32>
      %add3A_820 = arith.constant 16 : i32
      %add3A_821 = vector.broadcast %add3A_820 : i32 to vector<16xi32>
      %add3A_822 = arith.addi %broadcast_in_dim3A_816, %add3A_821 : vector<16xi32>
      %select_n3A_823 = arith.select %lt3A_819, %add3A_822, %broadcast_in_dim3A_816 : vector<16xi1>, vector<16xi32>
      %broadcast_in_dim3A_824 = vector.shape_cast %select_n3A_823 : vector<16xi32> to vector<16x1xi32>
      %gather3A_825 = vector.shape_cast %broadcast_in_dim3A_824 : vector<16x1xi32> to vector<16xi32>
      %gather3A_826 = tpu.dynamic_gather %get3A_68[%gather3A_825] in [0] : vector<16xf32>, vector<16xi32> -> vector<16xf32>
      %mul3A_827 = arith.mulf %add3A_800, %gather3A_826 : vector<16xf32>
      %mul3A_828 = arith.mulf %gather3A_814, %select_n3A : vector<16xf32>
      %add3A_829 = arith.addf %mul3A_827, %mul3A_828 : vector<16xf32>
      %add3A_830 = arith.addf %add3A_829, %select_n3A_39 : vector<16xf32>
      %swap3A_831 = arith.index_cast %add3A_791 : i32 to index
      %swap3A_832 = arith.constant 0 : index
      %swap3A_833 = tpu.vector_load %arg8[%swap3A_831, %swap3A_832] {strides = array<i32>} : memref<320x16xf32, #tpu.memory_space<vmem>>, vector<1x16xf32>,
      %swap3A_834 = vector.shape_cast %swap3A_833 : vector<1x16xf32> to vector<16xf32>
      %swap3A_835 = vector.shape_cast %add3A_830 : vector<16xf32> to vector<1x16xf32>
      tpu.vector_store %arg8[%swap3A_831, %swap3A_832], %swap3A_835 {strides = array<i32>} : memref<320x16xf32, #tpu.memory_space<vmem>>, vector<1x16xf32>,
    }
    %scan3A_51 = arith.constant 20 : i32
    %scan3A_52 = arith.constant 0 : i32
    %scan3A_53 = arith.constant 40 : i32
    %scan3A_54 = arith.addi %scan3A_52, %scan3A_53 : i32
    %scan3A_55 = arith.constant 1 : i32
    scf.for %scan3A_59 = %scan3A_52 to %scan3A_54 step %scan3A_55  : i32 {
      %mul3A_60 = arith.constant 1 : i32
      %mul3A_61 = arith.muli %scan3A_59, %mul3A_60 : i32
      %add3A_62 = arith.constant 0 : i32
      %add3A_63 = arith.addi %add3A_62, %mul3A_61 : i32
      %broadcast_in_dim3A_64 = arith.constant 0.000000e+00 : f32
      %broadcast_in_dim3A_65 = vector.broadcast %broadcast_in_dim3A_64 : f32 to vector<16xf32>
      %mul3A_66 = arith.constant 8 : i32
      %mul3A_67 = arith.muli %add3A_63, %mul3A_66 : i32
      %add3A_68 = arith.constant 0 : i32
      %add3A_69 = arith.addi %mul3A_67, %add3A_68 : i32
      %get3A_70 = arith.index_cast %add3A_69 : i32 to index
      %get3A_71 = arith.constant 0 : index
      %get3A_72 = tpu.vector_load %arg8[%get3A_70, %get3A_71] {strides = array<i32>} : memref<320x16xf32, #tpu.memory_space<vmem>>, vector<1x16xf32>,
      %get3A_73 = vector.shape_cast %get3A_72 : vector<1x16xf32> to vector<16xf32>
      %eq3A = arith.constant 0 : i32
      %eq3A_74 = vector.broadcast %eq3A : i32 to vector<16xi32>
      %eq3A_75 = arith.cmpi eq, %shift_right_logical3A_46, %eq3A_74 : vector<16xi32>
      %lt3A_76 = arith.constant 0 : i32
      %lt3A_77 = vector.broadcast %lt3A_76 : i32 to vector<16xi32>
      %lt3A_78 = arith.cmpi slt, %and3A_44, %lt3A_77 : vector<16xi32>
      %add3A_79 = arith.constant 16 : i32
      %add3A_80 = vector.broadcast %add3A_79 : i32 to vector<16xi32>
      %add3A_81 = arith.addi %and3A_44, %add3A_80 : vector<16xi32>
      %select_n3A_82 = arith.select %lt3A_78, %add3A_81, %and3A_44 : vector<16xi1>, vector<16xi32>
      %broadcast_in_dim3A_83 = vector.shape_cast %select_n3A_82 : vector<16xi32> to vector<16x1xi32>
      %gather3A_84 = vector.shape_cast %broadcast_in_dim3A_83 : vector<16x1xi32> to vector<16xi32>
      %gather3A_85 = tpu.dynamic_gather %get3A_73[%gather3A_84] in [0] : vector<16xf32>, vector<16xi32> -> vector<16xf32>
      %select_n3A_86 = arith.select %eq3A_75, %gather3A_85, %broadcast_in_dim3A_65 : vector<16xi1>, vector<16xf32>
      %mul3A_87 = arith.constant 8 : i32
      %mul3A_88 = arith.muli %add3A_63, %mul3A_87 : i32
      %add3A_89 = arith.constant 1 : i32
      %add3A_90 = arith.addi %mul3A_88, %add3A_89 : i32
      %get3A_91 = arith.index_cast %add3A_90 : i32 to index
      %get3A_92 = arith.constant 0 : index
      %get3A_93 = tpu.vector_load %arg8[%get3A_91, %get3A_92] {strides = array<i32>} : memref<320x16xf32, #tpu.memory_space<vmem>>, vector<1x16xf32>,
      %get3A_94 = vector.shape_cast %get3A_93 : vector<1x16xf32> to vector<16xf32>
      %eq3A_95 = arith.constant 1 : i32
      %eq3A_96 = vector.broadcast %eq3A_95 : i32 to vector<16xi32>
      %eq3A_97 = arith.cmpi eq, %shift_right_logical3A_46, %eq3A_96 : vector<16xi32>
      %lt3A_98 = arith.constant 0 : i32
      %lt3A_99 = vector.broadcast %lt3A_98 : i32 to vector<16xi32>
      %lt3A_100 = arith.cmpi slt, %and3A_44, %lt3A_99 : vector<16xi32>
      %add3A_101 = arith.constant 16 : i32
      %add3A_102 = vector.broadcast %add3A_101 : i32 to vector<16xi32>
      %add3A_103 = arith.addi %and3A_44, %add3A_102 : vector<16xi32>
      %select_n3A_104 = arith.select %lt3A_100, %add3A_103, %and3A_44 : vector<16xi1>, vector<16xi32>
      %broadcast_in_dim3A_105 = vector.shape_cast %select_n3A_104 : vector<16xi32> to vector<16x1xi32>
      %gather3A_106 = vector.shape_cast %broadcast_in_dim3A_105 : vector<16x1xi32> to vector<16xi32>
      %gather3A_107 = tpu.dynamic_gather %get3A_94[%gather3A_106] in [0] : vector<16xf32>, vector<16xi32> -> vector<16xf32>
      %select_n3A_108 = arith.select %eq3A_97, %gather3A_107, %select_n3A_86 : vector<16xi1>, vector<16xf32>
      %mul3A_109 = arith.constant 8 : i32
      %mul3A_110 = arith.muli %add3A_63, %mul3A_109 : i32
      %add3A_111 = arith.constant 2 : i32
      %add3A_112 = arith.addi %mul3A_110, %add3A_111 : i32
      %get3A_113 = arith.index_cast %add3A_112 : i32 to index
      %get3A_114 = arith.constant 0 : index
      %get3A_115 = tpu.vector_load %arg8[%get3A_113, %get3A_114] {strides = array<i32>} : memref<320x16xf32, #tpu.memory_space<vmem>>, vector<1x16xf32>,
      %get3A_116 = vector.shape_cast %get3A_115 : vector<1x16xf32> to vector<16xf32>
      %eq3A_117 = arith.constant 2 : i32
      %eq3A_118 = vector.broadcast %eq3A_117 : i32 to vector<16xi32>
      %eq3A_119 = arith.cmpi eq, %shift_right_logical3A_46, %eq3A_118 : vector<16xi32>
      %lt3A_120 = arith.constant 0 : i32
      %lt3A_121 = vector.broadcast %lt3A_120 : i32 to vector<16xi32>
      %lt3A_122 = arith.cmpi slt, %and3A_44, %lt3A_121 : vector<16xi32>
      %add3A_123 = arith.constant 16 : i32
      %add3A_124 = vector.broadcast %add3A_123 : i32 to vector<16xi32>
      %add3A_125 = arith.addi %and3A_44, %add3A_124 : vector<16xi32>
      %select_n3A_126 = arith.select %lt3A_122, %add3A_125, %and3A_44 : vector<16xi1>, vector<16xi32>
      %broadcast_in_dim3A_127 = vector.shape_cast %select_n3A_126 : vector<16xi32> to vector<16x1xi32>
      %gather3A_128 = vector.shape_cast %broadcast_in_dim3A_127 : vector<16x1xi32> to vector<16xi32>
      %gather3A_129 = tpu.dynamic_gather %get3A_116[%gather3A_128] in [0] : vector<16xf32>, vector<16xi32> -> vector<16xf32>
      %select_n3A_130 = arith.select %eq3A_119, %gather3A_129, %select_n3A_108 : vector<16xi1>, vector<16xf32>
      %mul3A_131 = arith.constant 8 : i32
      %mul3A_132 = arith.muli %add3A_63, %mul3A_131 : i32
      %add3A_133 = arith.constant 3 : i32
      %add3A_134 = arith.addi %mul3A_132, %add3A_133 : i32
      %get3A_135 = arith.index_cast %add3A_134 : i32 to index
      %get3A_136 = arith.constant 0 : index
      %get3A_137 = tpu.vector_load %arg8[%get3A_135, %get3A_136] {strides = array<i32>} : memref<320x16xf32, #tpu.memory_space<vmem>>, vector<1x16xf32>,
      %get3A_138 = vector.shape_cast %get3A_137 : vector<1x16xf32> to vector<16xf32>
      %eq3A_139 = arith.constant 3 : i32
      %eq3A_140 = vector.broadcast %eq3A_139 : i32 to vector<16xi32>
      %eq3A_141 = arith.cmpi eq, %shift_right_logical3A_46, %eq3A_140 : vector<16xi32>
      %lt3A_142 = arith.constant 0 : i32
      %lt3A_143 = vector.broadcast %lt3A_142 : i32 to vector<16xi32>
      %lt3A_144 = arith.cmpi slt, %and3A_44, %lt3A_143 : vector<16xi32>
      %add3A_145 = arith.constant 16 : i32
      %add3A_146 = vector.broadcast %add3A_145 : i32 to vector<16xi32>
      %add3A_147 = arith.addi %and3A_44, %add3A_146 : vector<16xi32>
      %select_n3A_148 = arith.select %lt3A_144, %add3A_147, %and3A_44 : vector<16xi1>, vector<16xi32>
      %broadcast_in_dim3A_149 = vector.shape_cast %select_n3A_148 : vector<16xi32> to vector<16x1xi32>
      %gather3A_150 = vector.shape_cast %broadcast_in_dim3A_149 : vector<16x1xi32> to vector<16xi32>
      %gather3A_151 = tpu.dynamic_gather %get3A_138[%gather3A_150] in [0] : vector<16xf32>, vector<16xi32> -> vector<16xf32>
      %select_n3A_152 = arith.select %eq3A_141, %gather3A_151, %select_n3A_130 : vector<16xi1>, vector<16xf32>
      %mul3A_153 = arith.constant 8 : i32
      %mul3A_154 = arith.muli %add3A_63, %mul3A_153 : i32
      %add3A_155 = arith.constant 4 : i32
      %add3A_156 = arith.addi %mul3A_154, %add3A_155 : i32
      %get3A_157 = arith.index_cast %add3A_156 : i32 to index
      %get3A_158 = arith.constant 0 : index
      %get3A_159 = tpu.vector_load %arg8[%get3A_157, %get3A_158] {strides = array<i32>} : memref<320x16xf32, #tpu.memory_space<vmem>>, vector<1x16xf32>,
      %get3A_160 = vector.shape_cast %get3A_159 : vector<1x16xf32> to vector<16xf32>
      %eq3A_161 = arith.constant 4 : i32
      %eq3A_162 = vector.broadcast %eq3A_161 : i32 to vector<16xi32>
      %eq3A_163 = arith.cmpi eq, %shift_right_logical3A_46, %eq3A_162 : vector<16xi32>
      %lt3A_164 = arith.constant 0 : i32
      %lt3A_165 = vector.broadcast %lt3A_164 : i32 to vector<16xi32>
      %lt3A_166 = arith.cmpi slt, %and3A_44, %lt3A_165 : vector<16xi32>
      %add3A_167 = arith.constant 16 : i32
      %add3A_168 = vector.broadcast %add3A_167 : i32 to vector<16xi32>
      %add3A_169 = arith.addi %and3A_44, %add3A_168 : vector<16xi32>
      %select_n3A_170 = arith.select %lt3A_166, %add3A_169, %and3A_44 : vector<16xi1>, vector<16xi32>
      %broadcast_in_dim3A_171 = vector.shape_cast %select_n3A_170 : vector<16xi32> to vector<16x1xi32>
      %gather3A_172 = vector.shape_cast %broadcast_in_dim3A_171 : vector<16x1xi32> to vector<16xi32>
      %gather3A_173 = tpu.dynamic_gather %get3A_160[%gather3A_172] in [0] : vector<16xf32>, vector<16xi32> -> vector<16xf32>
      %select_n3A_174 = arith.select %eq3A_163, %gather3A_173, %select_n3A_152 : vector<16xi1>, vector<16xf32>
      %mul3A_175 = arith.constant 8 : i32
      %mul3A_176 = arith.muli %add3A_63, %mul3A_175 : i32
      %add3A_177 = arith.constant 5 : i32
      %add3A_178 = arith.addi %mul3A_176, %add3A_177 : i32
      %get3A_179 = arith.index_cast %add3A_178 : i32 to index
      %get3A_180 = arith.constant 0 : index
      %get3A_181 = tpu.vector_load %arg8[%get3A_179, %get3A_180] {strides = array<i32>} : memref<320x16xf32, #tpu.memory_space<vmem>>, vector<1x16xf32>,
      %get3A_182 = vector.shape_cast %get3A_181 : vector<1x16xf32> to vector<16xf32>
      %eq3A_183 = arith.constant 5 : i32
      %eq3A_184 = vector.broadcast %eq3A_183 : i32 to vector<16xi32>
      %eq3A_185 = arith.cmpi eq, %shift_right_logical3A_46, %eq3A_184 : vector<16xi32>
      %lt3A_186 = arith.constant 0 : i32
      %lt3A_187 = vector.broadcast %lt3A_186 : i32 to vector<16xi32>
      %lt3A_188 = arith.cmpi slt, %and3A_44, %lt3A_187 : vector<16xi32>
      %add3A_189 = arith.constant 16 : i32
      %add3A_190 = vector.broadcast %add3A_189 : i32 to vector<16xi32>
      %add3A_191 = arith.addi %and3A_44, %add3A_190 : vector<16xi32>
      %select_n3A_192 = arith.select %lt3A_188, %add3A_191, %and3A_44 : vector<16xi1>, vector<16xi32>
      %broadcast_in_dim3A_193 = vector.shape_cast %select_n3A_192 : vector<16xi32> to vector<16x1xi32>
      %gather3A_194 = vector.shape_cast %broadcast_in_dim3A_193 : vector<16x1xi32> to vector<16xi32>
      %gather3A_195 = tpu.dynamic_gather %get3A_182[%gather3A_194] in [0] : vector<16xf32>, vector<16xi32> -> vector<16xf32>
      %select_n3A_196 = arith.select %eq3A_185, %gather3A_195, %select_n3A_174 : vector<16xi1>, vector<16xf32>
      %mul3A_197 = arith.constant 8 : i32
      %mul3A_198 = arith.muli %add3A_63, %mul3A_197 : i32
      %add3A_199 = arith.constant 6 : i32
      %add3A_200 = arith.addi %mul3A_198, %add3A_199 : i32
      %get3A_201 = arith.index_cast %add3A_200 : i32 to index
      %get3A_202 = arith.constant 0 : index
      %get3A_203 = tpu.vector_load %arg8[%get3A_201, %get3A_202] {strides = array<i32>} : memref<320x16xf32, #tpu.memory_space<vmem>>, vector<1x16xf32>,
      %get3A_204 = vector.shape_cast %get3A_203 : vector<1x16xf32> to vector<16xf32>
      %eq3A_205 = arith.constant 6 : i32
      %eq3A_206 = vector.broadcast %eq3A_205 : i32 to vector<16xi32>
      %eq3A_207 = arith.cmpi eq, %shift_right_logical3A_46, %eq3A_206 : vector<16xi32>
      %lt3A_208 = arith.constant 0 : i32
      %lt3A_209 = vector.broadcast %lt3A_208 : i32 to vector<16xi32>
      %lt3A_210 = arith.cmpi slt, %and3A_44, %lt3A_209 : vector<16xi32>
      %add3A_211 = arith.constant 16 : i32
      %add3A_212 = vector.broadcast %add3A_211 : i32 to vector<16xi32>
      %add3A_213 = arith.addi %and3A_44, %add3A_212 : vector<16xi32>
      %select_n3A_214 = arith.select %lt3A_210, %add3A_213, %and3A_44 : vector<16xi1>, vector<16xi32>
      %broadcast_in_dim3A_215 = vector.shape_cast %select_n3A_214 : vector<16xi32> to vector<16x1xi32>
      %gather3A_216 = vector.shape_cast %broadcast_in_dim3A_215 : vector<16x1xi32> to vector<16xi32>
      %gather3A_217 = tpu.dynamic_gather %get3A_204[%gather3A_216] in [0] : vector<16xf32>, vector<16xi32> -> vector<16xf32>
      %select_n3A_218 = arith.select %eq3A_207, %gather3A_217, %select_n3A_196 : vector<16xi1>, vector<16xf32>
      %mul3A_219 = arith.constant 8 : i32
      %mul3A_220 = arith.muli %add3A_63, %mul3A_219 : i32
      %add3A_221 = arith.constant 7 : i32
      %add3A_222 = arith.addi %mul3A_220, %add3A_221 : i32
      %get3A_223 = arith.index_cast %add3A_222 : i32 to index
      %get3A_224 = arith.constant 0 : index
      %get3A_225 = tpu.vector_load %arg8[%get3A_223, %get3A_224] {strides = array<i32>} : memref<320x16xf32, #tpu.memory_space<vmem>>, vector<1x16xf32>,
      %get3A_226 = vector.shape_cast %get3A_225 : vector<1x16xf32> to vector<16xf32>
      %eq3A_227 = arith.constant 7 : i32
      %eq3A_228 = vector.broadcast %eq3A_227 : i32 to vector<16xi32>
      %eq3A_229 = arith.cmpi eq, %shift_right_logical3A_46, %eq3A_228 : vector<16xi32>
      %lt3A_230 = arith.constant 0 : i32
      %lt3A_231 = vector.broadcast %lt3A_230 : i32 to vector<16xi32>
      %lt3A_232 = arith.cmpi slt, %and3A_44, %lt3A_231 : vector<16xi32>
      %add3A_233 = arith.constant 16 : i32
      %add3A_234 = vector.broadcast %add3A_233 : i32 to vector<16xi32>
      %add3A_235 = arith.addi %and3A_44, %add3A_234 : vector<16xi32>
      %select_n3A_236 = arith.select %lt3A_232, %add3A_235, %and3A_44 : vector<16xi1>, vector<16xi32>
      %broadcast_in_dim3A_237 = vector.shape_cast %select_n3A_236 : vector<16xi32> to vector<16x1xi32>
      %gather3A_238 = vector.shape_cast %broadcast_in_dim3A_237 : vector<16x1xi32> to vector<16xi32>
      %gather3A_239 = tpu.dynamic_gather %get3A_226[%gather3A_238] in [0] : vector<16xf32>, vector<16xi32> -> vector<16xf32>
      %select_n3A_240 = arith.select %eq3A_229, %gather3A_239, %select_n3A_218 : vector<16xi1>, vector<16xf32>
      %mul3A_241 = arith.constant 16 : i32
      %mul3A_242 = arith.muli %add3A_63, %mul3A_241 : i32
      %swap3A = arith.index_cast %mul3A_242 : i32 to index
      %swap3A_243 = tpu.vector_load %arg14[%swap3A] {strides = array<i32>} : memref<640xf32, #tpu.memory_space<vmem>>, vector<16xf32>,
      %swap3A_244 = vector.shape_cast %swap3A_243 : vector<16xf32> to vector<16xf32>
      %swap3A_245 = vector.shape_cast %select_n3A_240 : vector<16xf32> to vector<16xf32>
      tpu.vector_store %arg14[%swap3A], %swap3A_245 {strides = array<i32>} : memref<640xf32, #tpu.memory_space<vmem>>, vector<16xf32>,
    }
    %scan3A_56 = arith.constant 40 : i32
    %mul3A_57 = arith.constant 2 : i32
    %mul3A_58 = arith.muli %mul3A_2, %mul3A_57 : i32
    "tpu.region"() ({
      %run_scoped3A = tpu.sem_alloc : memref<!tpu.dma_semaphore, #tpu.memory_space<semaphore_mem>>
      %dma_start3A = tpu.memref_slice %arg7[%mul3A_58] : memref<20480xf32, #tpu.memory_space<hbm>> -> memref<640xf32, #tpu.memory_space<hbm>>
      %dma_start3A_59 = tpu.memref_slice %arg7[%mul3A_58] : memref<20480xf32, #tpu.memory_space<hbm>> -> memref<640xf32, #tpu.memory_space<hbm>>
      tpu.enqueue_dma source(%arg14 : memref<640xf32, #tpu.memory_space<vmem>>) target(%dma_start3A_59 : memref<640xf32, #tpu.memory_space<hbm>>) target_semaphore(%run_scoped3A : memref<!tpu.dma_semaphore, #tpu.memory_space<semaphore_mem>>)
      %dma_wait3A = tpu.memref_slice %arg7[%mul3A_58] : memref<20480xf32, #tpu.memory_space<hbm>> -> memref<640xf32, #tpu.memory_space<hbm>>
      %dma_wait3A_60 = tpu.memref_slice %arg7[%mul3A_58] : memref<20480xf32, #tpu.memory_space<hbm>> -> memref<640xf32, #tpu.memory_space<hbm>>
      tpu.wait_dma2 semaphore(%run_scoped3A : memref<!tpu.dma_semaphore, #tpu.memory_space<semaphore_mem>>) src(%arg14 : memref<640xf32, #tpu.memory_space<vmem>>) dst(%dma_wait3A_60 : memref<640xf32, #tpu.memory_space<hbm>>)
      tpu.yield
    }) : () -> ()
    return
  }
}

#map = affine_map<(d0, d1) -> (0, 0)>
#map1 = affine_map<(d0, d1) -> (0)>
module attributes {stable_mosaic.version = 14 : i64} {
  func.func @_deg_body(%arg0: i32, %arg1: i32, %arg2: memref<2x320000xi32, #tpu.memory_space<hbm>>, %arg3: memref<40960xf32, #tpu.memory_space<hbm>>, %arg4: memref<10240xf32, #tpu.memory_space<vmem_shared>>, %arg5: memref<10240xf32, #tpu.memory_space<vmem_shared>>, %arg6: memref<10000xi32, #tpu.memory_space<vmem>>, %arg7: memref<10000xi32, #tpu.memory_space<vmem>>, %arg8: memref<10000xf32, #tpu.memory_space<vmem>>, %arg9: memref<640xf32, #tpu.memory_space<vmem>>, %arg10: memref<!tpu.dma_semaphore, #tpu.memory_space<semaphore_mem>>, %arg11: memref<!tpu.dma_semaphore, #tpu.memory_space<semaphore_mem>>) attributes {dimension_semantics = [#tpu.dimension_semantics<core_parallel>, #tpu.dimension_semantics<subcore_parallel>], iteration_bounds = array<i64: 2, 16>, scalar_prefetch = 0 : i64, scratch_operands = 8 : i64, tpu.core_type = #tpu.core_type<sc_vector_subcore>, window_params = [{transform_indices = #map}, {transform_indices = #map1}]} {
    %mul3A = arith.constant 640 : i32
    %mul3A_0 = arith.muli %arg1, %mul3A : i32
    %mul3A_1 = arith.constant 16 : i32
    %mul3A_2 = arith.muli %arg0, %mul3A_1 : i32
    %add3A = arith.addi %mul3A_2, %arg1 : i32
    %mul3A_3 = arith.constant 10000 : i32
    %mul3A_4 = arith.muli %add3A, %mul3A_3 : i32
    %broadcast_in_dim3A = arith.constant 0.000000e+00 : f32
    %broadcast_in_dim3A_5 = vector.broadcast %broadcast_in_dim3A : f32 to vector<16xf32>
    %broadcast_in_dim3A_6 = arith.constant 1.000000e+00 : f32
    %broadcast_in_dim3A_7 = vector.broadcast %broadcast_in_dim3A_6 : f32 to vector<16xf32>
    %scan3A = arith.constant 0 : i32
    %scan3A_8 = arith.constant 40 : i32
    %scan3A_9 = arith.addi %scan3A, %scan3A_8 : i32
    %scan3A_10 = arith.constant 1 : i32
    scf.for %scan3A_39 = %scan3A to %scan3A_9 step %scan3A_10  : i32 {
      %mul3A_40 = arith.constant 1 : i32
      %mul3A_41 = arith.muli %scan3A_39, %mul3A_40 : i32
      %add3A_42 = arith.constant 0 : i32
      %add3A_43 = arith.addi %add3A_42, %mul3A_41 : i32
      %mul3A_44 = arith.constant 16 : i32
      %mul3A_45 = arith.muli %add3A_43, %mul3A_44 : i32
      %swap3A = arith.index_cast %mul3A_45 : i32 to index
      %swap3A_46 = tpu.vector_load %arg9[%swap3A] {strides = array<i32>} : memref<640xf32, #tpu.memory_space<vmem>>, vector<16xf32>,
      %swap3A_47 = vector.shape_cast %swap3A_46 : vector<16xf32> to vector<16xf32>
      %swap3A_48 = vector.shape_cast %broadcast_in_dim3A_5 : vector<16xf32> to vector<16xf32>
      tpu.vector_store %arg9[%swap3A], %swap3A_48 {strides = array<i32>} : memref<640xf32, #tpu.memory_space<vmem>>, vector<16xf32>,
    }
    %scan3A_11 = arith.constant 40 : i32
    %scan3A_12 = arith.constant 0 : i32
    %scan3A_13 = arith.constant 625 : i32
    %scan3A_14 = arith.addi %scan3A_12, %scan3A_13 : i32
    %scan3A_15 = arith.constant 1 : i32
    scf.for %scan3A_39 = %scan3A_12 to %scan3A_14 step %scan3A_15  : i32 {
      %mul3A_40 = arith.constant 1 : i32
      %mul3A_41 = arith.muli %scan3A_39, %mul3A_40 : i32
      %add3A_42 = arith.constant 0 : i32
      %add3A_43 = arith.addi %add3A_42, %mul3A_41 : i32
      %mul3A_44 = arith.constant 16 : i32
      %mul3A_45 = arith.muli %add3A_43, %mul3A_44 : i32
      %swap3A = arith.index_cast %mul3A_45 : i32 to index
      %swap3A_46 = tpu.vector_load %arg8[%swap3A] {strides = array<i32>} : memref<10000xf32, #tpu.memory_space<vmem>>, vector<16xf32>,
      %swap3A_47 = vector.shape_cast %swap3A_46 : vector<16xf32> to vector<16xf32>
      %swap3A_48 = vector.shape_cast %broadcast_in_dim3A_7 : vector<16xf32> to vector<16xf32>
      tpu.vector_store %arg8[%swap3A], %swap3A_48 {strides = array<i32>} : memref<10000xf32, #tpu.memory_space<vmem>>, vector<16xf32>,
    }
    %scan3A_16 = arith.constant 625 : i32
    "tpu.region"() ({
      %run_scoped3A_39 = tpu.sem_alloc : memref<!tpu.dma_semaphore, #tpu.memory_space<semaphore_mem>>
      %dma_start3A_40 = tpu.memref_slice %arg4[%mul3A_0] : memref<10240xf32, #tpu.memory_space<vmem_shared>> -> memref<640xf32, #tpu.memory_space<vmem_shared>>
      %dma_start3A_41 = tpu.memref_slice %arg4[%mul3A_0] : memref<10240xf32, #tpu.memory_space<vmem_shared>> -> memref<640xf32, #tpu.memory_space<vmem_shared>>
      tpu.enqueue_dma source(%arg9 : memref<640xf32, #tpu.memory_space<vmem>>) target(%dma_start3A_41 : memref<640xf32, #tpu.memory_space<vmem_shared>>) target_semaphore(%run_scoped3A_39 : memref<!tpu.dma_semaphore, #tpu.memory_space<semaphore_mem>>)
      %dma_wait3A_42 = tpu.memref_slice %arg4[%mul3A_0] : memref<10240xf32, #tpu.memory_space<vmem_shared>> -> memref<640xf32, #tpu.memory_space<vmem_shared>>
      %dma_wait3A_43 = tpu.memref_slice %arg4[%mul3A_0] : memref<10240xf32, #tpu.memory_space<vmem_shared>> -> memref<640xf32, #tpu.memory_space<vmem_shared>>
      tpu.wait_dma2 semaphore(%run_scoped3A_39 : memref<!tpu.dma_semaphore, #tpu.memory_space<semaphore_mem>>) src(%arg9 : memref<640xf32, #tpu.memory_space<vmem>>) dst(%dma_wait3A_43 : memref<640xf32, #tpu.memory_space<vmem_shared>>)
      tpu.yield
    }) : () -> ()
    "tpu.region"() ({
      %run_scoped3A_39 = tpu.sem_alloc : memref<!tpu.dma_semaphore, #tpu.memory_space<semaphore_mem>>
      %dma_start3A_40 = tpu.memref_slice %arg5[%mul3A_0] : memref<10240xf32, #tpu.memory_space<vmem_shared>> -> memref<640xf32, #tpu.memory_space<vmem_shared>>
      %dma_start3A_41 = tpu.memref_slice %arg5[%mul3A_0] : memref<10240xf32, #tpu.memory_space<vmem_shared>> -> memref<640xf32, #tpu.memory_space<vmem_shared>>
      tpu.enqueue_dma source(%arg9 : memref<640xf32, #tpu.memory_space<vmem>>) target(%dma_start3A_41 : memref<640xf32, #tpu.memory_space<vmem_shared>>) target_semaphore(%run_scoped3A_39 : memref<!tpu.dma_semaphore, #tpu.memory_space<semaphore_mem>>)
      %dma_wait3A_42 = tpu.memref_slice %arg5[%mul3A_0] : memref<10240xf32, #tpu.memory_space<vmem_shared>> -> memref<640xf32, #tpu.memory_space<vmem_shared>>
      %dma_wait3A_43 = tpu.memref_slice %arg5[%mul3A_0] : memref<10240xf32, #tpu.memory_space<vmem_shared>> -> memref<640xf32, #tpu.memory_space<vmem_shared>>
      tpu.wait_dma2 semaphore(%run_scoped3A_39 : memref<!tpu.dma_semaphore, #tpu.memory_space<semaphore_mem>>) src(%arg9 : memref<640xf32, #tpu.memory_space<vmem>>) dst(%dma_wait3A_43 : memref<640xf32, #tpu.memory_space<vmem_shared>>)
      tpu.yield
    }) : () -> ()
    %barrier3A = arith.constant 0 : index
    tpu.barrier barrier_id(%barrier3A)
    %multiple_of3A = tpu.assume_multiple %mul3A_4, 8 : i32
    %run_scoped3A = arith.constant 0 : i32
    "tpu.region"() ({
      %run_scoped3A_39 = tpu.sem_alloc : memref<!tpu.dma_semaphore, #tpu.memory_space<semaphore_mem>>
      %dma_start3A_40 = tpu.memref_slice %arg2[%run_scoped3A, %multiple_of3A] : memref<2x320000xi32, #tpu.memory_space<hbm>> -> memref<1x10000xi32, #tpu.memory_space<hbm>>
      %dma_start3A_41 = tpu.memref_squeeze %dma_start3A_40 : memref<1x10000xi32, #tpu.memory_space<hbm>> -> memref<10000xi32, #tpu.memory_space<hbm>>
      %dma_start3A_42 = tpu.memref_slice %arg2[%run_scoped3A, %multiple_of3A] : memref<2x320000xi32, #tpu.memory_space<hbm>> -> memref<1x10000xi32, #tpu.memory_space<hbm>>
      %dma_start3A_43 = tpu.memref_squeeze %dma_start3A_42 : memref<1x10000xi32, #tpu.memory_space<hbm>> -> memref<10000xi32, #tpu.memory_space<hbm>>
      tpu.enqueue_dma source(%dma_start3A_43 : memref<10000xi32, #tpu.memory_space<hbm>>) target(%arg6 : memref<10000xi32, #tpu.memory_space<vmem>>) target_semaphore(%run_scoped3A_39 : memref<!tpu.dma_semaphore, #tpu.memory_space<semaphore_mem>>)
      %dma_wait3A_44 = tpu.memref_slice %arg2[%run_scoped3A, %multiple_of3A] : memref<2x320000xi32, #tpu.memory_space<hbm>> -> memref<1x10000xi32, #tpu.memory_space<hbm>>
      %dma_wait3A_45 = tpu.memref_squeeze %dma_wait3A_44 : memref<1x10000xi32, #tpu.memory_space<hbm>> -> memref<10000xi32, #tpu.memory_space<hbm>>
      %dma_wait3A_46 = tpu.memref_slice %arg2[%run_scoped3A, %multiple_of3A] : memref<2x320000xi32, #tpu.memory_space<hbm>> -> memref<1x10000xi32, #tpu.memory_space<hbm>>
      %dma_wait3A_47 = tpu.memref_squeeze %dma_wait3A_46 : memref<1x10000xi32, #tpu.memory_space<hbm>> -> memref<10000xi32, #tpu.memory_space<hbm>>
      tpu.wait_dma2 semaphore(%run_scoped3A_39 : memref<!tpu.dma_semaphore, #tpu.memory_space<semaphore_mem>>) src(%dma_wait3A_47 : memref<10000xi32, #tpu.memory_space<hbm>>) dst(%arg6 : memref<10000xi32, #tpu.memory_space<vmem>>)
      tpu.yield
    }) : () -> ()
    %run_scoped3A_17 = arith.constant 1 : i32
    "tpu.region"() ({
      %run_scoped3A_39 = tpu.sem_alloc : memref<!tpu.dma_semaphore, #tpu.memory_space<semaphore_mem>>
      %dma_start3A_40 = tpu.memref_slice %arg2[%run_scoped3A_17, %multiple_of3A] : memref<2x320000xi32, #tpu.memory_space<hbm>> -> memref<1x10000xi32, #tpu.memory_space<hbm>>
      %dma_start3A_41 = tpu.memref_squeeze %dma_start3A_40 : memref<1x10000xi32, #tpu.memory_space<hbm>> -> memref<10000xi32, #tpu.memory_space<hbm>>
      %dma_start3A_42 = tpu.memref_slice %arg2[%run_scoped3A_17, %multiple_of3A] : memref<2x320000xi32, #tpu.memory_space<hbm>> -> memref<1x10000xi32, #tpu.memory_space<hbm>>
      %dma_start3A_43 = tpu.memref_squeeze %dma_start3A_42 : memref<1x10000xi32, #tpu.memory_space<hbm>> -> memref<10000xi32, #tpu.memory_space<hbm>>
      tpu.enqueue_dma source(%dma_start3A_43 : memref<10000xi32, #tpu.memory_space<hbm>>) target(%arg7 : memref<10000xi32, #tpu.memory_space<vmem>>) target_semaphore(%run_scoped3A_39 : memref<!tpu.dma_semaphore, #tpu.memory_space<semaphore_mem>>)
      %dma_wait3A_44 = tpu.memref_slice %arg2[%run_scoped3A_17, %multiple_of3A] : memref<2x320000xi32, #tpu.memory_space<hbm>> -> memref<1x10000xi32, #tpu.memory_space<hbm>>
      %dma_wait3A_45 = tpu.memref_squeeze %dma_wait3A_44 : memref<1x10000xi32, #tpu.memory_space<hbm>> -> memref<10000xi32, #tpu.memory_space<hbm>>
      %dma_wait3A_46 = tpu.memref_slice %arg2[%run_scoped3A_17, %multiple_of3A] : memref<2x320000xi32, #tpu.memory_space<hbm>> -> memref<1x10000xi32, #tpu.memory_space<hbm>>
      %dma_wait3A_47 = tpu.memref_squeeze %dma_wait3A_46 : memref<1x10000xi32, #tpu.memory_space<hbm>> -> memref<10000xi32, #tpu.memory_space<hbm>>
      tpu.wait_dma2 semaphore(%run_scoped3A_39 : memref<!tpu.dma_semaphore, #tpu.memory_space<semaphore_mem>>) src(%dma_wait3A_47 : memref<10000xi32, #tpu.memory_space<hbm>>) dst(%arg7 : memref<10000xi32, #tpu.memory_space<vmem>>)
      tpu.yield
    }) : () -> ()
    %dma_start3A = arith.constant 0 : i32
    %dma_start3A_18 = tpu.memref_slice %arg4[%dma_start3A] : memref<10240xf32, #tpu.memory_space<vmem_shared>> -> memref<10240xf32, #tpu.memory_space<vmem_shared>>
    tpu.enqueue_indirect_dma source(%arg8 : memref<10000xf32, #tpu.memory_space<vmem>>) target(%dma_start3A_18 : memref<10240xf32, #tpu.memory_space<vmem_shared>>) offsets(%arg6 : memref<10000xi32, #tpu.memory_space<vmem>>) semaphore(%arg10 : memref<!tpu.dma_semaphore, #tpu.memory_space<semaphore_mem>>) {add = true}
    %dma_start3A_19 = arith.constant 0 : i32
    %dma_start3A_20 = tpu.memref_slice %arg5[%dma_start3A_19] : memref<10240xf32, #tpu.memory_space<vmem_shared>> -> memref<10240xf32, #tpu.memory_space<vmem_shared>>
    tpu.enqueue_indirect_dma source(%arg8 : memref<10000xf32, #tpu.memory_space<vmem>>) target(%dma_start3A_20 : memref<10240xf32, #tpu.memory_space<vmem_shared>>) offsets(%arg7 : memref<10000xi32, #tpu.memory_space<vmem>>) semaphore(%arg11 : memref<!tpu.dma_semaphore, #tpu.memory_space<semaphore_mem>>) {add = true}
    %dma_wait3A = arith.constant 0 : i32
    %dma_wait3A_21 = tpu.memref_slice %arg4[%dma_wait3A] : memref<10240xf32, #tpu.memory_space<vmem_shared>> -> memref<10240xf32, #tpu.memory_space<vmem_shared>>
    tpu.wait_indirect_dma semaphore(%arg10 : memref<!tpu.dma_semaphore, #tpu.memory_space<semaphore_mem>>) src(%arg8 : memref<10000xf32, #tpu.memory_space<vmem>>) dst(%dma_wait3A_21 : memref<10240xf32, #tpu.memory_space<vmem_shared>>)
    %dma_wait3A_22 = arith.constant 0 : i32
    %dma_wait3A_23 = tpu.memref_slice %arg5[%dma_wait3A_22] : memref<10240xf32, #tpu.memory_space<vmem_shared>> -> memref<10240xf32, #tpu.memory_space<vmem_shared>>
    tpu.wait_indirect_dma semaphore(%arg11 : memref<!tpu.dma_semaphore, #tpu.memory_space<semaphore_mem>>) src(%arg8 : memref<10000xf32, #tpu.memory_space<vmem>>) dst(%dma_wait3A_23 : memref<10240xf32, #tpu.memory_space<vmem_shared>>)
    %barrier3A_24 = arith.constant 0 : index
    tpu.barrier barrier_id(%barrier3A_24)
    "tpu.region"() ({
      %run_scoped3A_39 = tpu.sem_alloc : memref<!tpu.dma_semaphore, #tpu.memory_space<semaphore_mem>>
      %dma_start3A_40 = tpu.memref_slice %arg4[%mul3A_0] : memref<10240xf32, #tpu.memory_space<vmem_shared>> -> memref<640xf32, #tpu.memory_space<vmem_shared>>
      %dma_start3A_41 = tpu.memref_slice %arg4[%mul3A_0] : memref<10240xf32, #tpu.memory_space<vmem_shared>> -> memref<640xf32, #tpu.memory_space<vmem_shared>>
      tpu.enqueue_dma source(%dma_start3A_41 : memref<640xf32, #tpu.memory_space<vmem_shared>>) target(%arg9 : memref<640xf32, #tpu.memory_space<vmem>>) target_semaphore(%run_scoped3A_39 : memref<!tpu.dma_semaphore, #tpu.memory_space<semaphore_mem>>)
      %dma_wait3A_42 = tpu.memref_slice %arg4[%mul3A_0] : memref<10240xf32, #tpu.memory_space<vmem_shared>> -> memref<640xf32, #tpu.memory_space<vmem_shared>>
      %dma_wait3A_43 = tpu.memref_slice %arg4[%mul3A_0] : memref<10240xf32, #tpu.memory_space<vmem_shared>> -> memref<640xf32, #tpu.memory_space<vmem_shared>>
      tpu.wait_dma2 semaphore(%run_scoped3A_39 : memref<!tpu.dma_semaphore, #tpu.memory_space<semaphore_mem>>) src(%dma_wait3A_43 : memref<640xf32, #tpu.memory_space<vmem_shared>>) dst(%arg9 : memref<640xf32, #tpu.memory_space<vmem>>)
      tpu.yield
    }) : () -> ()
    %mul3A_25 = arith.constant 2 : i32
    %mul3A_26 = arith.muli %arg0, %mul3A_25 : i32
    %add3A_27 = arith.constant 0 : i32
    %add3A_28 = arith.addi %mul3A_26, %add3A_27 : i32
    %mul3A_29 = arith.constant 10240 : i32
    %mul3A_30 = arith.muli %add3A_28, %mul3A_29 : i32
    %add3A_31 = arith.addi %mul3A_30, %mul3A_0 : i32
    "tpu.region"() ({
      %run_scoped3A_39 = tpu.sem_alloc : memref<!tpu.dma_semaphore, #tpu.memory_space<semaphore_mem>>
      %dma_start3A_40 = tpu.memref_slice %arg3[%add3A_31] : memref<40960xf32, #tpu.memory_space<hbm>> -> memref<640xf32, #tpu.memory_space<hbm>>
      %dma_start3A_41 = tpu.memref_slice %arg3[%add3A_31] : memref<40960xf32, #tpu.memory_space<hbm>> -> memref<640xf32, #tpu.memory_space<hbm>>
      tpu.enqueue_dma source(%arg9 : memref<640xf32, #tpu.memory_space<vmem>>) target(%dma_start3A_41 : memref<640xf32, #tpu.memory_space<hbm>>) target_semaphore(%run_scoped3A_39 : memref<!tpu.dma_semaphore, #tpu.memory_space<semaphore_mem>>)
      %dma_wait3A_42 = tpu.memref_slice %arg3[%add3A_31] : memref<40960xf32, #tpu.memory_space<hbm>> -> memref<640xf32, #tpu.memory_space<hbm>>
      %dma_wait3A_43 = tpu.memref_slice %arg3[%add3A_31] : memref<40960xf32, #tpu.memory_space<hbm>> -> memref<640xf32, #tpu.memory_space<hbm>>
      tpu.wait_dma2 semaphore(%run_scoped3A_39 : memref<!tpu.dma_semaphore, #tpu.memory_space<semaphore_mem>>) src(%arg9 : memref<640xf32, #tpu.memory_space<vmem>>) dst(%dma_wait3A_43 : memref<640xf32, #tpu.memory_space<hbm>>)
      tpu.yield
    }) : () -> ()
    "tpu.region"() ({
      %run_scoped3A_39 = tpu.sem_alloc : memref<!tpu.dma_semaphore, #tpu.memory_space<semaphore_mem>>
      %dma_start3A_40 = tpu.memref_slice %arg5[%mul3A_0] : memref<10240xf32, #tpu.memory_space<vmem_shared>> -> memref<640xf32, #tpu.memory_space<vmem_shared>>
      %dma_start3A_41 = tpu.memref_slice %arg5[%mul3A_0] : memref<10240xf32, #tpu.memory_space<vmem_shared>> -> memref<640xf32, #tpu.memory_space<vmem_shared>>
      tpu.enqueue_dma source(%dma_start3A_41 : memref<640xf32, #tpu.memory_space<vmem_shared>>) target(%arg9 : memref<640xf32, #tpu.memory_space<vmem>>) target_semaphore(%run_scoped3A_39 : memref<!tpu.dma_semaphore, #tpu.memory_space<semaphore_mem>>)
      %dma_wait3A_42 = tpu.memref_slice %arg5[%mul3A_0] : memref<10240xf32, #tpu.memory_space<vmem_shared>> -> memref<640xf32, #tpu.memory_space<vmem_shared>>
      %dma_wait3A_43 = tpu.memref_slice %arg5[%mul3A_0] : memref<10240xf32, #tpu.memory_space<vmem_shared>> -> memref<640xf32, #tpu.memory_space<vmem_shared>>
      tpu.wait_dma2 semaphore(%run_scoped3A_39 : memref<!tpu.dma_semaphore, #tpu.memory_space<semaphore_mem>>) src(%dma_wait3A_43 : memref<640xf32, #tpu.memory_space<vmem_shared>>) dst(%arg9 : memref<640xf32, #tpu.memory_space<vmem>>)
      tpu.yield
    }) : () -> ()
    %mul3A_32 = arith.constant 2 : i32
    %mul3A_33 = arith.muli %arg0, %mul3A_32 : i32
    %add3A_34 = arith.constant 1 : i32
    %add3A_35 = arith.addi %mul3A_33, %add3A_34 : i32
    %mul3A_36 = arith.constant 10240 : i32
    %mul3A_37 = arith.muli %add3A_35, %mul3A_36 : i32
    %add3A_38 = arith.addi %mul3A_37, %mul3A_0 : i32
    "tpu.region"() ({
      %run_scoped3A_39 = tpu.sem_alloc : memref<!tpu.dma_semaphore, #tpu.memory_space<semaphore_mem>>
      %dma_start3A_40 = tpu.memref_slice %arg3[%add3A_38] : memref<40960xf32, #tpu.memory_space<hbm>> -> memref<640xf32, #tpu.memory_space<hbm>>
      %dma_start3A_41 = tpu.memref_slice %arg3[%add3A_38] : memref<40960xf32, #tpu.memory_space<hbm>> -> memref<640xf32, #tpu.memory_space<hbm>>
      tpu.enqueue_dma source(%arg9 : memref<640xf32, #tpu.memory_space<vmem>>) target(%dma_start3A_41 : memref<640xf32, #tpu.memory_space<hbm>>) target_semaphore(%run_scoped3A_39 : memref<!tpu.dma_semaphore, #tpu.memory_space<semaphore_mem>>)
      %dma_wait3A_42 = tpu.memref_slice %arg3[%add3A_38] : memref<40960xf32, #tpu.memory_space<hbm>> -> memref<640xf32, #tpu.memory_space<hbm>>
      %dma_wait3A_43 = tpu.memref_slice %arg3[%add3A_38] : memref<40960xf32, #tpu.memory_space<hbm>> -> memref<640xf32, #tpu.memory_space<hbm>>
      tpu.wait_dma2 semaphore(%run_scoped3A_39 : memref<!tpu.dma_semaphore, #tpu.memory_space<semaphore_mem>>) src(%arg9 : memref<640xf32, #tpu.memory_space<vmem>>) dst(%dma_wait3A_43 : memref<640xf32, #tpu.memory_space<hbm>>)
      tpu.yield
    }) : () -> ()
    return
  }
}

#map = affine_map<(d0, d1) -> (0, 0)>
#map1 = affine_map<(d0, d1) -> (0)>
module attributes {stable_mosaic.version = 14 : i64} {
  func.func @_p2_body(%arg0: i32, %arg1: i32, %arg2: memref<2x320000xi32, #tpu.memory_space<hbm>>, %arg3: memref<10240x16xf32, #tpu.memory_space<hbm>>, %arg4: memref<10240x16xf32, #tpu.memory_space<hbm>>, %arg5: memref<40960xf32, #tpu.memory_space<hbm>>, %arg6: memref<10240x16xf32, #tpu.memory_space<hbm>>, %arg7: memref<10240x16xf32, #tpu.memory_space<hbm>>, %arg8: memref<10240x16xf32, #tpu.memory_space<hbm>>, %arg9: memref<10240x16xf32, #tpu.memory_space<vmem_shared>>, %arg10: memref<10240x16xf32, #tpu.memory_space<vmem_shared>>, %arg11: memref<2000xi32, #tpu.memory_space<vmem>>, %arg12: memref<2000xi32, #tpu.memory_space<vmem>>, %arg13: memref<2000xi32, #tpu.memory_space<vmem>>, %arg14: memref<2000xi32, #tpu.memory_space<vmem>>, %arg15: memref<2000x16xf32, #tpu.memory_space<vmem>>, %arg16: memref<2000x16xf32, #tpu.memory_space<vmem>>, %arg17: memref<640x16xf32, #tpu.memory_space<vmem>>, %arg18: memref<640x16xf32, #tpu.memory_space<vmem>>, %arg19: memref<640xf32, #tpu.memory_space<vmem>>, %arg20: memref<640xf32, #tpu.memory_space<vmem>>, %arg21: memref<640xf32, #tpu.memory_space<vmem>>, %arg22: memref<!tpu.dma_semaphore, #tpu.memory_space<semaphore_mem>>, %arg23: memref<!tpu.dma_semaphore, #tpu.memory_space<semaphore_mem>>, %arg24: memref<!tpu.dma_semaphore, #tpu.memory_space<semaphore_mem>>) attributes {dimension_semantics = [#tpu.dimension_semantics<core_parallel>, #tpu.dimension_semantics<subcore_parallel>], iteration_bounds = array<i64: 2, 16>, scalar_prefetch = 0 : i64, scratch_operands = 16 : i64, tpu.core_type = #tpu.core_type<sc_vector_subcore>, window_params = [{transform_indices = #map}, {transform_indices = #map}, {transform_indices = #map}, {transform_indices = #map1}, {transform_indices = #map}, {transform_indices = #map}, {transform_indices = #map}]} {
    %mul3A = arith.constant 640 : i32
    %mul3A_0 = arith.muli %arg1, %mul3A : i32
    %mul3A_1 = arith.constant 16 : i32
    %mul3A_2 = arith.muli %arg0, %mul3A_1 : i32
    %add3A = arith.addi %mul3A_2, %arg1 : i32
    %mul3A_3 = arith.constant 10000 : i32
    %mul3A_4 = arith.muli %add3A, %mul3A_3 : i32
    %add3A_5 = arith.constant 0 : i32
    %add3A_6 = arith.addi %add3A_5, %mul3A_0 : i32
    "tpu.region"() ({
      %run_scoped3A = tpu.sem_alloc : memref<!tpu.dma_semaphore, #tpu.memory_space<semaphore_mem>>
      %dma_start3A_223 = tpu.memref_slice %arg5[%add3A_6] : memref<40960xf32, #tpu.memory_space<hbm>> -> memref<640xf32, #tpu.memory_space<hbm>>
      %dma_start3A_224 = tpu.memref_slice %arg5[%add3A_6] : memref<40960xf32, #tpu.memory_space<hbm>> -> memref<640xf32, #tpu.memory_space<hbm>>
      tpu.enqueue_dma source(%dma_start3A_224 : memref<640xf32, #tpu.memory_space<hbm>>) target(%arg19 : memref<640xf32, #tpu.memory_space<vmem>>) target_semaphore(%run_scoped3A : memref<!tpu.dma_semaphore, #tpu.memory_space<semaphore_mem>>)
      %dma_wait3A_225 = tpu.memref_slice %arg5[%add3A_6] : memref<40960xf32, #tpu.memory_space<hbm>> -> memref<640xf32, #tpu.memory_space<hbm>>
      %dma_wait3A_226 = tpu.memref_slice %arg5[%add3A_6] : memref<40960xf32, #tpu.memory_space<hbm>> -> memref<640xf32, #tpu.memory_space<hbm>>
      tpu.wait_dma2 semaphore(%run_scoped3A : memref<!tpu.dma_semaphore, #tpu.memory_space<semaphore_mem>>) src(%dma_wait3A_226 : memref<640xf32, #tpu.memory_space<hbm>>) dst(%arg19 : memref<640xf32, #tpu.memory_space<vmem>>)
      tpu.yield
    }) : () -> ()
    %add3A_7 = arith.constant 20480 : i32
    %add3A_8 = arith.addi %add3A_7, %mul3A_0 : i32
    "tpu.region"() ({
      %run_scoped3A = tpu.sem_alloc : memref<!tpu.dma_semaphore, #tpu.memory_space<semaphore_mem>>
      %dma_start3A_223 = tpu.memref_slice %arg5[%add3A_8] : memref<40960xf32, #tpu.memory_space<hbm>> -> memref<640xf32, #tpu.memory_space<hbm>>
      %dma_start3A_224 = tpu.memref_slice %arg5[%add3A_8] : memref<40960xf32, #tpu.memory_space<hbm>> -> memref<640xf32, #tpu.memory_space<hbm>>
      tpu.enqueue_dma source(%dma_start3A_224 : memref<640xf32, #tpu.memory_space<hbm>>) target(%arg21 : memref<640xf32, #tpu.memory_space<vmem>>) target_semaphore(%run_scoped3A : memref<!tpu.dma_semaphore, #tpu.memory_space<semaphore_mem>>)
      %dma_wait3A_225 = tpu.memref_slice %arg5[%add3A_8] : memref<40960xf32, #tpu.memory_space<hbm>> -> memref<640xf32, #tpu.memory_space<hbm>>
      %dma_wait3A_226 = tpu.memref_slice %arg5[%add3A_8] : memref<40960xf32, #tpu.memory_space<hbm>> -> memref<640xf32, #tpu.memory_space<hbm>>
      tpu.wait_dma2 semaphore(%run_scoped3A : memref<!tpu.dma_semaphore, #tpu.memory_space<semaphore_mem>>) src(%dma_wait3A_226 : memref<640xf32, #tpu.memory_space<hbm>>) dst(%arg21 : memref<640xf32, #tpu.memory_space<vmem>>)
      tpu.yield
    }) : () -> ()
    %scan3A = arith.constant 0 : i32
    %scan3A_9 = arith.constant 40 : i32
    %scan3A_10 = arith.addi %scan3A, %scan3A_9 : i32
    %scan3A_11 = arith.constant 1 : i32
    scf.for %scan3A_223 = %scan3A to %scan3A_10 step %scan3A_11  : i32 {
      %mul3A_224 = arith.constant 1 : i32
      %mul3A_225 = arith.muli %scan3A_223, %mul3A_224 : i32
      %add3A_226 = arith.constant 0 : i32
      %add3A_227 = arith.addi %add3A_226, %mul3A_225 : i32
      %mul3A_228 = arith.constant 16 : i32
      %mul3A_229 = arith.muli %add3A_227, %mul3A_228 : i32
      %get3A = arith.index_cast %mul3A_229 : i32 to index
      %get3A_230 = tpu.vector_load %arg19[%get3A] {strides = array<i32>} : memref<640xf32, #tpu.memory_space<vmem>>, vector<16xf32>,
      %get3A_231 = vector.shape_cast %get3A_230 : vector<16xf32> to vector<16xf32>
      %get3A_232 = arith.index_cast %mul3A_229 : i32 to index
      %get3A_233 = tpu.vector_load %arg21[%get3A_232] {strides = array<i32>} : memref<640xf32, #tpu.memory_space<vmem>>, vector<16xf32>,
      %get3A_234 = vector.shape_cast %get3A_233 : vector<16xf32> to vector<16xf32>
      %add3A_235 = arith.addf %get3A_231, %get3A_234 : vector<16xf32>
      %swap3A = arith.index_cast %mul3A_229 : i32 to index
      %swap3A_236 = tpu.vector_load %arg19[%swap3A] {strides = array<i32>} : memref<640xf32, #tpu.memory_space<vmem>>, vector<16xf32>,
      %swap3A_237 = vector.shape_cast %swap3A_236 : vector<16xf32> to vector<16xf32>
      %swap3A_238 = vector.shape_cast %add3A_235 : vector<16xf32> to vector<16xf32>
      tpu.vector_store %arg19[%swap3A], %swap3A_238 {strides = array<i32>} : memref<640xf32, #tpu.memory_space<vmem>>, vector<16xf32>,
    }
    %scan3A_12 = arith.constant 40 : i32
    %add3A_13 = arith.constant 10240 : i32
    %add3A_14 = arith.addi %add3A_13, %mul3A_0 : i32
    "tpu.region"() ({
      %run_scoped3A = tpu.sem_alloc : memref<!tpu.dma_semaphore, #tpu.memory_space<semaphore_mem>>
      %dma_start3A_223 = tpu.memref_slice %arg5[%add3A_14] : memref<40960xf32, #tpu.memory_space<hbm>> -> memref<640xf32, #tpu.memory_space<hbm>>
      %dma_start3A_224 = tpu.memref_slice %arg5[%add3A_14] : memref<40960xf32, #tpu.memory_space<hbm>> -> memref<640xf32, #tpu.memory_space<hbm>>
      tpu.enqueue_dma source(%dma_start3A_224 : memref<640xf32, #tpu.memory_space<hbm>>) target(%arg20 : memref<640xf32, #tpu.memory_space<vmem>>) target_semaphore(%run_scoped3A : memref<!tpu.dma_semaphore, #tpu.memory_space<semaphore_mem>>)
      %dma_wait3A_225 = tpu.memref_slice %arg5[%add3A_14] : memref<40960xf32, #tpu.memory_space<hbm>> -> memref<640xf32, #tpu.memory_space<hbm>>
      %dma_wait3A_226 = tpu.memref_slice %arg5[%add3A_14] : memref<40960xf32, #tpu.memory_space<hbm>> -> memref<640xf32, #tpu.memory_space<hbm>>
      tpu.wait_dma2 semaphore(%run_scoped3A : memref<!tpu.dma_semaphore, #tpu.memory_space<semaphore_mem>>) src(%dma_wait3A_226 : memref<640xf32, #tpu.memory_space<hbm>>) dst(%arg20 : memref<640xf32, #tpu.memory_space<vmem>>)
      tpu.yield
    }) : () -> ()
    %add3A_15 = arith.constant 30720 : i32
    %add3A_16 = arith.addi %add3A_15, %mul3A_0 : i32
    "tpu.region"() ({
      %run_scoped3A = tpu.sem_alloc : memref<!tpu.dma_semaphore, #tpu.memory_space<semaphore_mem>>
      %dma_start3A_223 = tpu.memref_slice %arg5[%add3A_16] : memref<40960xf32, #tpu.memory_space<hbm>> -> memref<640xf32, #tpu.memory_space<hbm>>
      %dma_start3A_224 = tpu.memref_slice %arg5[%add3A_16] : memref<40960xf32, #tpu.memory_space<hbm>> -> memref<640xf32, #tpu.memory_space<hbm>>
      tpu.enqueue_dma source(%dma_start3A_224 : memref<640xf32, #tpu.memory_space<hbm>>) target(%arg21 : memref<640xf32, #tpu.memory_space<vmem>>) target_semaphore(%run_scoped3A : memref<!tpu.dma_semaphore, #tpu.memory_space<semaphore_mem>>)
      %dma_wait3A_225 = tpu.memref_slice %arg5[%add3A_16] : memref<40960xf32, #tpu.memory_space<hbm>> -> memref<640xf32, #tpu.memory_space<hbm>>
      %dma_wait3A_226 = tpu.memref_slice %arg5[%add3A_16] : memref<40960xf32, #tpu.memory_space<hbm>> -> memref<640xf32, #tpu.memory_space<hbm>>
      tpu.wait_dma2 semaphore(%run_scoped3A : memref<!tpu.dma_semaphore, #tpu.memory_space<semaphore_mem>>) src(%dma_wait3A_226 : memref<640xf32, #tpu.memory_space<hbm>>) dst(%arg21 : memref<640xf32, #tpu.memory_space<vmem>>)
      tpu.yield
    }) : () -> ()
    %scan3A_17 = arith.constant 0 : i32
    %scan3A_18 = arith.constant 40 : i32
    %scan3A_19 = arith.addi %scan3A_17, %scan3A_18 : i32
    %scan3A_20 = arith.constant 1 : i32
    scf.for %scan3A_223 = %scan3A_17 to %scan3A_19 step %scan3A_20  : i32 {
      %mul3A_224 = arith.constant 1 : i32
      %mul3A_225 = arith.muli %scan3A_223, %mul3A_224 : i32
      %add3A_226 = arith.constant 0 : i32
      %add3A_227 = arith.addi %add3A_226, %mul3A_225 : i32
      %mul3A_228 = arith.constant 16 : i32
      %mul3A_229 = arith.muli %add3A_227, %mul3A_228 : i32
      %get3A = arith.index_cast %mul3A_229 : i32 to index
      %get3A_230 = tpu.vector_load %arg20[%get3A] {strides = array<i32>} : memref<640xf32, #tpu.memory_space<vmem>>, vector<16xf32>,
      %get3A_231 = vector.shape_cast %get3A_230 : vector<16xf32> to vector<16xf32>
      %get3A_232 = arith.index_cast %mul3A_229 : i32 to index
      %get3A_233 = tpu.vector_load %arg21[%get3A_232] {strides = array<i32>} : memref<640xf32, #tpu.memory_space<vmem>>, vector<16xf32>,
      %get3A_234 = vector.shape_cast %get3A_233 : vector<16xf32> to vector<16xf32>
      %add3A_235 = arith.addf %get3A_231, %get3A_234 : vector<16xf32>
      %swap3A = arith.index_cast %mul3A_229 : i32 to index
      %swap3A_236 = tpu.vector_load %arg20[%swap3A] {strides = array<i32>} : memref<640xf32, #tpu.memory_space<vmem>>, vector<16xf32>,
      %swap3A_237 = vector.shape_cast %swap3A_236 : vector<16xf32> to vector<16xf32>
      %swap3A_238 = vector.shape_cast %add3A_235 : vector<16xf32> to vector<16xf32>
      tpu.vector_store %arg20[%swap3A], %swap3A_238 {strides = array<i32>} : memref<640xf32, #tpu.memory_space<vmem>>, vector<16xf32>,
    }
    %scan3A_21 = arith.constant 40 : i32
    %scan3A_22 = arith.constant 0 : i32
    %scan3A_23 = arith.constant 40 : i32
    %scan3A_24 = arith.addi %scan3A_22, %scan3A_23 : i32
    %scan3A_25 = arith.constant 1 : i32
    scf.for %scan3A_223 = %scan3A_22 to %scan3A_24 step %scan3A_25  : i32 {
      %mul3A_224 = arith.constant 1 : i32
      %mul3A_225 = arith.muli %scan3A_223, %mul3A_224 : i32
      %add3A_226 = arith.constant 0 : i32
      %add3A_227 = arith.addi %add3A_226, %mul3A_225 : i32
      %mul3A_228 = arith.constant 16 : i32
      %mul3A_229 = arith.muli %add3A_227, %mul3A_228 : i32
      %get3A = arith.index_cast %mul3A_229 : i32 to index
      %get3A_230 = tpu.vector_load %arg19[%get3A] {strides = array<i32>} : memref<640xf32, #tpu.memory_space<vmem>>, vector<16xf32>,
      %get3A_231 = vector.shape_cast %get3A_230 : vector<16xf32> to vector<16xf32>
      %bitcast_convert_type3A = tpu.bitcast %get3A_231 : vector<16xf32> -> vector<16xi32>
      %shift_right_logical3A = arith.constant 1 : i32
      %shift_right_logical3A_232 = vector.broadcast %shift_right_logical3A : i32 to vector<16xi32>
      %shift_right_logical3A_233 = arith.shrui %bitcast_convert_type3A, %shift_right_logical3A_232 : vector<16xi32>
      %sub3A = arith.constant 1597463007 : i32
      %sub3A_234 = vector.broadcast %sub3A : i32 to vector<16xi32>
      %sub3A_235 = arith.subi %sub3A_234, %shift_right_logical3A_233 : vector<16xi32>
      %bitcast_convert_type3A_236 = tpu.bitcast %sub3A_235 : vector<16xi32> -> vector<16xf32>
      %mul3A_237 = arith.constant 5.000000e-01 : f32
      %mul3A_238 = vector.broadcast %mul3A_237 : f32 to vector<16xf32>
      %mul3A_239 = arith.mulf %mul3A_238, %get3A_231 : vector<16xf32>
      %mul3A_240 = arith.mulf %mul3A_239, %bitcast_convert_type3A_236 : vector<16xf32>
      %mul3A_241 = arith.mulf %mul3A_240, %bitcast_convert_type3A_236 : vector<16xf32>
      %sub3A_242 = arith.constant 1.500000e+00 : f32
      %sub3A_243 = vector.broadcast %sub3A_242 : f32 to vector<16xf32>
      %sub3A_244 = arith.subf %sub3A_243, %mul3A_241 : vector<16xf32>
      %mul3A_245 = arith.mulf %bitcast_convert_type3A_236, %sub3A_244 : vector<16xf32>
      %mul3A_246 = arith.constant 5.000000e-01 : f32
      %mul3A_247 = vector.broadcast %mul3A_246 : f32 to vector<16xf32>
      %mul3A_248 = arith.mulf %mul3A_247, %get3A_231 : vector<16xf32>
      %mul3A_249 = arith.mulf %mul3A_248, %mul3A_245 : vector<16xf32>
      %mul3A_250 = arith.mulf %mul3A_249, %mul3A_245 : vector<16xf32>
      %sub3A_251 = arith.constant 1.500000e+00 : f32
      %sub3A_252 = vector.broadcast %sub3A_251 : f32 to vector<16xf32>
      %sub3A_253 = arith.subf %sub3A_252, %mul3A_250 : vector<16xf32>
      %mul3A_254 = arith.mulf %mul3A_245, %sub3A_253 : vector<16xf32>
      %mul3A_255 = arith.constant 5.000000e-01 : f32
      %mul3A_256 = vector.broadcast %mul3A_255 : f32 to vector<16xf32>
      %mul3A_257 = arith.mulf %mul3A_256, %get3A_231 : vector<16xf32>
      %mul3A_258 = arith.mulf %mul3A_257, %mul3A_254 : vector<16xf32>
      %mul3A_259 = arith.mulf %mul3A_258, %mul3A_254 : vector<16xf32>
      %sub3A_260 = arith.constant 1.500000e+00 : f32
      %sub3A_261 = vector.broadcast %sub3A_260 : f32 to vector<16xf32>
      %sub3A_262 = arith.subf %sub3A_261, %mul3A_259 : vector<16xf32>
      %mul3A_263 = arith.mulf %mul3A_254, %sub3A_262 : vector<16xf32>
      %gt3A = arith.constant 5.000000e-01 : f32
      %gt3A_264 = vector.broadcast %gt3A : f32 to vector<16xf32>
      %gt3A_265 = arith.cmpf ogt, %get3A_231, %gt3A_264 : vector<16xf32>
      %jit3A = arith.constant 0.000000e+00 : f32
      %broadcast_in_dim3A_266 = vector.broadcast %jit3A : f32 to vector<16xf32>
      %select_n3A = arith.select %gt3A_265, %mul3A_263, %broadcast_in_dim3A_266 : vector<16xi1>, vector<16xf32>
      %swap3A = arith.index_cast %mul3A_229 : i32 to index
      %swap3A_267 = tpu.vector_load %arg19[%swap3A] {strides = array<i32>} : memref<640xf32, #tpu.memory_space<vmem>>, vector<16xf32>,
      %swap3A_268 = vector.shape_cast %swap3A_267 : vector<16xf32> to vector<16xf32>
      %swap3A_269 = vector.shape_cast %select_n3A : vector<16xf32> to vector<16xf32>
      tpu.vector_store %arg19[%swap3A], %swap3A_269 {strides = array<i32>} : memref<640xf32, #tpu.memory_space<vmem>>, vector<16xf32>,
      %get3A_270 = arith.index_cast %mul3A_229 : i32 to index
      %get3A_271 = tpu.vector_load %arg20[%get3A_270] {strides = array<i32>} : memref<640xf32, #tpu.memory_space<vmem>>, vector<16xf32>,
      %get3A_272 = vector.shape_cast %get3A_271 : vector<16xf32> to vector<16xf32>
      %bitcast_convert_type3A_273 = tpu.bitcast %get3A_272 : vector<16xf32> -> vector<16xi32>
      %shift_right_logical3A_274 = arith.constant 1 : i32
      %shift_right_logical3A_275 = vector.broadcast %shift_right_logical3A_274 : i32 to vector<16xi32>
      %shift_right_logical3A_276 = arith.shrui %bitcast_convert_type3A_273, %shift_right_logical3A_275 : vector<16xi32>
      %sub3A_277 = arith.constant 1597463007 : i32
      %sub3A_278 = vector.broadcast %sub3A_277 : i32 to vector<16xi32>
      %sub3A_279 = arith.subi %sub3A_278, %shift_right_logical3A_276 : vector<16xi32>
      %bitcast_convert_type3A_280 = tpu.bitcast %sub3A_279 : vector<16xi32> -> vector<16xf32>
      %mul3A_281 = arith.constant 5.000000e-01 : f32
      %mul3A_282 = vector.broadcast %mul3A_281 : f32 to vector<16xf32>
      %mul3A_283 = arith.mulf %mul3A_282, %get3A_272 : vector<16xf32>
      %mul3A_284 = arith.mulf %mul3A_283, %bitcast_convert_type3A_280 : vector<16xf32>
      %mul3A_285 = arith.mulf %mul3A_284, %bitcast_convert_type3A_280 : vector<16xf32>
      %sub3A_286 = arith.constant 1.500000e+00 : f32
      %sub3A_287 = vector.broadcast %sub3A_286 : f32 to vector<16xf32>
      %sub3A_288 = arith.subf %sub3A_287, %mul3A_285 : vector<16xf32>
      %mul3A_289 = arith.mulf %bitcast_convert_type3A_280, %sub3A_288 : vector<16xf32>
      %mul3A_290 = arith.constant 5.000000e-01 : f32
      %mul3A_291 = vector.broadcast %mul3A_290 : f32 to vector<16xf32>
      %mul3A_292 = arith.mulf %mul3A_291, %get3A_272 : vector<16xf32>
      %mul3A_293 = arith.mulf %mul3A_292, %mul3A_289 : vector<16xf32>
      %mul3A_294 = arith.mulf %mul3A_293, %mul3A_289 : vector<16xf32>
      %sub3A_295 = arith.constant 1.500000e+00 : f32
      %sub3A_296 = vector.broadcast %sub3A_295 : f32 to vector<16xf32>
      %sub3A_297 = arith.subf %sub3A_296, %mul3A_294 : vector<16xf32>
      %mul3A_298 = arith.mulf %mul3A_289, %sub3A_297 : vector<16xf32>
      %mul3A_299 = arith.constant 5.000000e-01 : f32
      %mul3A_300 = vector.broadcast %mul3A_299 : f32 to vector<16xf32>
      %mul3A_301 = arith.mulf %mul3A_300, %get3A_272 : vector<16xf32>
      %mul3A_302 = arith.mulf %mul3A_301, %mul3A_298 : vector<16xf32>
      %mul3A_303 = arith.mulf %mul3A_302, %mul3A_298 : vector<16xf32>
      %sub3A_304 = arith.constant 1.500000e+00 : f32
      %sub3A_305 = vector.broadcast %sub3A_304 : f32 to vector<16xf32>
      %sub3A_306 = arith.subf %sub3A_305, %mul3A_303 : vector<16xf32>
      %mul3A_307 = arith.mulf %mul3A_298, %sub3A_306 : vector<16xf32>
      %gt3A_308 = arith.constant 5.000000e-01 : f32
      %gt3A_309 = vector.broadcast %gt3A_308 : f32 to vector<16xf32>
      %gt3A_310 = arith.cmpf ogt, %get3A_272, %gt3A_309 : vector<16xf32>
      %jit3A_311 = arith.constant 0.000000e+00 : f32
      %broadcast_in_dim3A_312 = vector.broadcast %jit3A_311 : f32 to vector<16xf32>
      %select_n3A_313 = arith.select %gt3A_310, %mul3A_307, %broadcast_in_dim3A_312 : vector<16xi1>, vector<16xf32>
      %swap3A_314 = arith.index_cast %mul3A_229 : i32 to index
      %swap3A_315 = tpu.vector_load %arg20[%swap3A_314] {strides = array<i32>} : memref<640xf32, #tpu.memory_space<vmem>>, vector<16xf32>,
      %swap3A_316 = vector.shape_cast %swap3A_315 : vector<16xf32> to vector<16xf32>
      %swap3A_317 = vector.shape_cast %select_n3A_313 : vector<16xf32> to vector<16xf32>
      tpu.vector_store %arg20[%swap3A_314], %swap3A_317 {strides = array<i32>} : memref<640xf32, #tpu.memory_space<vmem>>, vector<16xf32>,
      %get3A_318 = arith.index_cast %mul3A_229 : i32 to index
      %get3A_319 = tpu.vector_load %arg19[%get3A_318] {strides = array<i32>} : memref<640xf32, #tpu.memory_space<vmem>>, vector<16xf32>,
      %get3A_320 = vector.shape_cast %get3A_319 : vector<16xf32> to vector<16xf32>
      %get3A_321 = arith.index_cast %mul3A_229 : i32 to index
      %get3A_322 = tpu.vector_load %arg20[%get3A_321] {strides = array<i32>} : memref<640xf32, #tpu.memory_space<vmem>>, vector<16xf32>,
      %get3A_323 = vector.shape_cast %get3A_322 : vector<16xf32> to vector<16xf32>
      %mul3A_324 = arith.mulf %get3A_320, %get3A_323 : vector<16xf32>
      %swap3A_325 = arith.index_cast %mul3A_229 : i32 to index
      %swap3A_326 = tpu.vector_load %arg19[%swap3A_325] {strides = array<i32>} : memref<640xf32, #tpu.memory_space<vmem>>, vector<16xf32>,
      %swap3A_327 = vector.shape_cast %swap3A_326 : vector<16xf32> to vector<16xf32>
      %swap3A_328 = vector.shape_cast %mul3A_324 : vector<16xf32> to vector<16xf32>
      tpu.vector_store %arg19[%swap3A_325], %swap3A_328 {strides = array<i32>} : memref<640xf32, #tpu.memory_space<vmem>>, vector<16xf32>,
    }
    %scan3A_26 = arith.constant 40 : i32
    "tpu.region"() ({
      %run_scoped3A = tpu.sem_alloc : memref<!tpu.dma_semaphore, #tpu.memory_space<semaphore_mem>>
      %dma_start3A_223 = arith.constant 0 : i32
      %dma_start3A_224 = tpu.memref_slice %arg3[%mul3A_0, %dma_start3A_223] : memref<10240x16xf32, #tpu.memory_space<hbm>> -> memref<640x16xf32, #tpu.memory_space<hbm>>
      %dma_start3A_225 = arith.constant 0 : i32
      %dma_start3A_226 = tpu.memref_slice %arg3[%mul3A_0, %dma_start3A_225] : memref<10240x16xf32, #tpu.memory_space<hbm>> -> memref<640x16xf32, #tpu.memory_space<hbm>>
      tpu.enqueue_dma source(%dma_start3A_226 : memref<640x16xf32, #tpu.memory_space<hbm>>) target(%arg17 : memref<640x16xf32, #tpu.memory_space<vmem>>) target_semaphore(%run_scoped3A : memref<!tpu.dma_semaphore, #tpu.memory_space<semaphore_mem>>)
      %dma_wait3A_227 = arith.constant 0 : i32
      %dma_wait3A_228 = tpu.memref_slice %arg3[%mul3A_0, %dma_wait3A_227] : memref<10240x16xf32, #tpu.memory_space<hbm>> -> memref<640x16xf32, #tpu.memory_space<hbm>>
      %dma_wait3A_229 = arith.constant 0 : i32
      %dma_wait3A_230 = tpu.memref_slice %arg3[%mul3A_0, %dma_wait3A_229] : memref<10240x16xf32, #tpu.memory_space<hbm>> -> memref<640x16xf32, #tpu.memory_space<hbm>>
      tpu.wait_dma2 semaphore(%run_scoped3A : memref<!tpu.dma_semaphore, #tpu.memory_space<semaphore_mem>>) src(%dma_wait3A_230 : memref<640x16xf32, #tpu.memory_space<hbm>>) dst(%arg17 : memref<640x16xf32, #tpu.memory_space<vmem>>)
      tpu.yield
    }) : () -> ()
    "tpu.region"() ({
      %run_scoped3A = tpu.sem_alloc : memref<!tpu.dma_semaphore, #tpu.memory_space<semaphore_mem>>
      %dma_start3A_223 = arith.constant 0 : i32
      %dma_start3A_224 = tpu.memref_slice %arg4[%mul3A_0, %dma_start3A_223] : memref<10240x16xf32, #tpu.memory_space<hbm>> -> memref<640x16xf32, #tpu.memory_space<hbm>>
      %dma_start3A_225 = arith.constant 0 : i32
      %dma_start3A_226 = tpu.memref_slice %arg4[%mul3A_0, %dma_start3A_225] : memref<10240x16xf32, #tpu.memory_space<hbm>> -> memref<640x16xf32, #tpu.memory_space<hbm>>
      tpu.enqueue_dma source(%dma_start3A_226 : memref<640x16xf32, #tpu.memory_space<hbm>>) target(%arg18 : memref<640x16xf32, #tpu.memory_space<vmem>>) target_semaphore(%run_scoped3A : memref<!tpu.dma_semaphore, #tpu.memory_space<semaphore_mem>>)
      %dma_wait3A_227 = arith.constant 0 : i32
      %dma_wait3A_228 = tpu.memref_slice %arg4[%mul3A_0, %dma_wait3A_227] : memref<10240x16xf32, #tpu.memory_space<hbm>> -> memref<640x16xf32, #tpu.memory_space<hbm>>
      %dma_wait3A_229 = arith.constant 0 : i32
      %dma_wait3A_230 = tpu.memref_slice %arg4[%mul3A_0, %dma_wait3A_229] : memref<10240x16xf32, #tpu.memory_space<hbm>> -> memref<640x16xf32, #tpu.memory_space<hbm>>
      tpu.wait_dma2 semaphore(%run_scoped3A : memref<!tpu.dma_semaphore, #tpu.memory_space<semaphore_mem>>) src(%dma_wait3A_230 : memref<640x16xf32, #tpu.memory_space<hbm>>) dst(%arg18 : memref<640x16xf32, #tpu.memory_space<vmem>>)
      tpu.yield
    }) : () -> ()
    %scan3A_27 = arith.constant 0 : i32
    %scan3A_28 = arith.constant 40 : i32
    %scan3A_29 = arith.addi %scan3A_27, %scan3A_28 : i32
    %scan3A_30 = arith.constant 1 : i32
    scf.for %scan3A_223 = %scan3A_27 to %scan3A_29 step %scan3A_30  : i32 {
      %mul3A_224 = arith.constant 1 : i32
      %mul3A_225 = arith.muli %scan3A_223, %mul3A_224 : i32
      %add3A_226 = arith.constant 0 : i32
      %add3A_227 = arith.addi %add3A_226, %mul3A_225 : i32
      %mul3A_228 = arith.constant 16 : i32
      %mul3A_229 = arith.muli %add3A_227, %mul3A_228 : i32
      %get3A = arith.index_cast %mul3A_229 : i32 to index
      %get3A_230 = tpu.vector_load %arg20[%get3A] {strides = array<i32>} : memref<640xf32, #tpu.memory_space<vmem>>, vector<16xf32>,
      %get3A_231 = vector.shape_cast %get3A_230 : vector<16xf32> to vector<16xf32>
      %mul3A_232 = arith.constant 16 : i32
      %mul3A_233 = arith.muli %add3A_227, %mul3A_232 : i32
      %get3A_234 = arith.index_cast %mul3A_233 : i32 to index
      %get3A_235 = tpu.vector_load %arg19[%get3A_234] {strides = array<i32>} : memref<640xf32, #tpu.memory_space<vmem>>, vector<16xf32>,
      %get3A_236 = vector.shape_cast %get3A_235 : vector<16xf32> to vector<16xf32>
      %mul3A_237 = arith.constant 16 : i32
      %mul3A_238 = arith.muli %add3A_227, %mul3A_237 : i32
      %add3A_239 = arith.constant 0 : i32
      %add3A_240 = arith.addi %mul3A_238, %add3A_239 : i32
      %get3A_241 = arith.index_cast %add3A_240 : i32 to index
      %get3A_242 = arith.constant 0 : index
      %get3A_243 = tpu.vector_load %arg17[%get3A_241, %get3A_242] {strides = array<i32>} : memref<640x16xf32, #tpu.memory_space<vmem>>, vector<1x16xf32>,
      %get3A_244 = vector.shape_cast %get3A_243 : vector<1x16xf32> to vector<16xf32>
      %get3A_245 = arith.index_cast %add3A_240 : i32 to index
      %get3A_246 = arith.constant 0 : index
      %get3A_247 = tpu.vector_load %arg18[%get3A_245, %get3A_246] {strides = array<i32>} : memref<640x16xf32, #tpu.memory_space<vmem>>, vector<1x16xf32>,
      %get3A_248 = vector.shape_cast %get3A_247 : vector<1x16xf32> to vector<16xf32>
      %add3A_249 = arith.addf %get3A_244, %get3A_248 : vector<16xf32>
      %broadcast_in_dim3A_250 = arith.constant 0 : i32
      %broadcast_in_dim3A_251 = vector.broadcast %broadcast_in_dim3A_250 : i32 to vector<16xi32>
      %lt3A = arith.constant 0 : i32
      %lt3A_252 = vector.broadcast %lt3A : i32 to vector<16xi32>
      %lt3A_253 = arith.cmpi slt, %broadcast_in_dim3A_251, %lt3A_252 : vector<16xi32>
      %add3A_254 = arith.constant 16 : i32
      %add3A_255 = vector.broadcast %add3A_254 : i32 to vector<16xi32>
      %add3A_256 = arith.addi %broadcast_in_dim3A_251, %add3A_255 : vector<16xi32>
      %select_n3A = arith.select %lt3A_253, %add3A_256, %broadcast_in_dim3A_251 : vector<16xi1>, vector<16xi32>
      %broadcast_in_dim3A_257 = vector.shape_cast %select_n3A : vector<16xi32> to vector<16x1xi32>
      %gather3A = vector.shape_cast %broadcast_in_dim3A_257 : vector<16x1xi32> to vector<16xi32>
      %gather3A_258 = tpu.dynamic_gather %get3A_231[%gather3A] in [0] : vector<16xf32>, vector<16xi32> -> vector<16xf32>
      %mul3A_259 = arith.mulf %add3A_249, %gather3A_258 : vector<16xf32>
      %swap3A = arith.index_cast %add3A_240 : i32 to index
      %swap3A_260 = arith.constant 0 : index
      %swap3A_261 = tpu.vector_load %arg18[%swap3A, %swap3A_260] {strides = array<i32>} : memref<640x16xf32, #tpu.memory_space<vmem>>, vector<1x16xf32>,
      %swap3A_262 = vector.shape_cast %swap3A_261 : vector<1x16xf32> to vector<16xf32>
      %swap3A_263 = vector.shape_cast %mul3A_259 : vector<16xf32> to vector<1x16xf32>
      tpu.vector_store %arg18[%swap3A, %swap3A_260], %swap3A_263 {strides = array<i32>} : memref<640x16xf32, #tpu.memory_space<vmem>>, vector<1x16xf32>,
      %lt3A_264 = arith.constant 0 : i32
      %lt3A_265 = vector.broadcast %lt3A_264 : i32 to vector<16xi32>
      %lt3A_266 = arith.cmpi slt, %broadcast_in_dim3A_251, %lt3A_265 : vector<16xi32>
      %add3A_267 = arith.constant 16 : i32
      %add3A_268 = vector.broadcast %add3A_267 : i32 to vector<16xi32>
      %add3A_269 = arith.addi %broadcast_in_dim3A_251, %add3A_268 : vector<16xi32>
      %select_n3A_270 = arith.select %lt3A_266, %add3A_269, %broadcast_in_dim3A_251 : vector<16xi1>, vector<16xi32>
      %broadcast_in_dim3A_271 = vector.shape_cast %select_n3A_270 : vector<16xi32> to vector<16x1xi32>
      %gather3A_272 = vector.shape_cast %broadcast_in_dim3A_271 : vector<16x1xi32> to vector<16xi32>
      %gather3A_273 = tpu.dynamic_gather %get3A_236[%gather3A_272] in [0] : vector<16xf32>, vector<16xi32> -> vector<16xf32>
      %mul3A_274 = arith.mulf %add3A_249, %gather3A_273 : vector<16xf32>
      %swap3A_275 = arith.index_cast %add3A_240 : i32 to index
      %swap3A_276 = arith.constant 0 : index
      %swap3A_277 = tpu.vector_load %arg17[%swap3A_275, %swap3A_276] {strides = array<i32>} : memref<640x16xf32, #tpu.memory_space<vmem>>, vector<1x16xf32>,
      %swap3A_278 = vector.shape_cast %swap3A_277 : vector<1x16xf32> to vector<16xf32>
      %swap3A_279 = vector.shape_cast %mul3A_274 : vector<16xf32> to vector<1x16xf32>
      tpu.vector_store %arg17[%swap3A_275, %swap3A_276], %swap3A_279 {strides = array<i32>} : memref<640x16xf32, #tpu.memory_space<vmem>>, vector<1x16xf32>,
      %mul3A_280 = arith.constant 16 : i32
      %mul3A_281 = arith.muli %add3A_227, %mul3A_280 : i32
      %add3A_282 = arith.constant 1 : i32
      %add3A_283 = arith.addi %mul3A_281, %add3A_282 : i32
      %get3A_284 = arith.index_cast %add3A_283 : i32 to index
      %get3A_285 = arith.constant 0 : index
      %get3A_286 = tpu.vector_load %arg17[%get3A_284, %get3A_285] {strides = array<i32>} : memref<640x16xf32, #tpu.memory_space<vmem>>, vector<1x16xf32>,
      %get3A_287 = vector.shape_cast %get3A_286 : vector<1x16xf32> to vector<16xf32>
      %get3A_288 = arith.index_cast %add3A_283 : i32 to index
      %get3A_289 = arith.constant 0 : index
      %get3A_290 = tpu.vector_load %arg18[%get3A_288, %get3A_289] {strides = array<i32>} : memref<640x16xf32, #tpu.memory_space<vmem>>, vector<1x16xf32>,
      %get3A_291 = vector.shape_cast %get3A_290 : vector<1x16xf32> to vector<16xf32>
      %add3A_292 = arith.addf %get3A_287, %get3A_291 : vector<16xf32>
      %broadcast_in_dim3A_293 = arith.constant 1 : i32
      %broadcast_in_dim3A_294 = vector.broadcast %broadcast_in_dim3A_293 : i32 to vector<16xi32>
      %lt3A_295 = arith.constant 0 : i32
      %lt3A_296 = vector.broadcast %lt3A_295 : i32 to vector<16xi32>
      %lt3A_297 = arith.cmpi slt, %broadcast_in_dim3A_294, %lt3A_296 : vector<16xi32>
      %add3A_298 = arith.constant 16 : i32
      %add3A_299 = vector.broadcast %add3A_298 : i32 to vector<16xi32>
      %add3A_300 = arith.addi %broadcast_in_dim3A_294, %add3A_299 : vector<16xi32>
      %select_n3A_301 = arith.select %lt3A_297, %add3A_300, %broadcast_in_dim3A_294 : vector<16xi1>, vector<16xi32>
      %broadcast_in_dim3A_302 = vector.shape_cast %select_n3A_301 : vector<16xi32> to vector<16x1xi32>
      %gather3A_303 = vector.shape_cast %broadcast_in_dim3A_302 : vector<16x1xi32> to vector<16xi32>
      %gather3A_304 = tpu.dynamic_gather %get3A_231[%gather3A_303] in [0] : vector<16xf32>, vector<16xi32> -> vector<16xf32>
      %mul3A_305 = arith.mulf %add3A_292, %gather3A_304 : vector<16xf32>
      %swap3A_306 = arith.index_cast %add3A_283 : i32 to index
      %swap3A_307 = arith.constant 0 : index
      %swap3A_308 = tpu.vector_load %arg18[%swap3A_306, %swap3A_307] {strides = array<i32>} : memref<640x16xf32, #tpu.memory_space<vmem>>, vector<1x16xf32>,
      %swap3A_309 = vector.shape_cast %swap3A_308 : vector<1x16xf32> to vector<16xf32>
      %swap3A_310 = vector.shape_cast %mul3A_305 : vector<16xf32> to vector<1x16xf32>
      tpu.vector_store %arg18[%swap3A_306, %swap3A_307], %swap3A_310 {strides = array<i32>} : memref<640x16xf32, #tpu.memory_space<vmem>>, vector<1x16xf32>,
      %lt3A_311 = arith.constant 0 : i32
      %lt3A_312 = vector.broadcast %lt3A_311 : i32 to vector<16xi32>
      %lt3A_313 = arith.cmpi slt, %broadcast_in_dim3A_294, %lt3A_312 : vector<16xi32>
      %add3A_314 = arith.constant 16 : i32
      %add3A_315 = vector.broadcast %add3A_314 : i32 to vector<16xi32>
      %add3A_316 = arith.addi %broadcast_in_dim3A_294, %add3A_315 : vector<16xi32>
      %select_n3A_317 = arith.select %lt3A_313, %add3A_316, %broadcast_in_dim3A_294 : vector<16xi1>, vector<16xi32>
      %broadcast_in_dim3A_318 = vector.shape_cast %select_n3A_317 : vector<16xi32> to vector<16x1xi32>
      %gather3A_319 = vector.shape_cast %broadcast_in_dim3A_318 : vector<16x1xi32> to vector<16xi32>
      %gather3A_320 = tpu.dynamic_gather %get3A_236[%gather3A_319] in [0] : vector<16xf32>, vector<16xi32> -> vector<16xf32>
      %mul3A_321 = arith.mulf %add3A_292, %gather3A_320 : vector<16xf32>
      %swap3A_322 = arith.index_cast %add3A_283 : i32 to index
      %swap3A_323 = arith.constant 0 : index
      %swap3A_324 = tpu.vector_load %arg17[%swap3A_322, %swap3A_323] {strides = array<i32>} : memref<640x16xf32, #tpu.memory_space<vmem>>, vector<1x16xf32>,
      %swap3A_325 = vector.shape_cast %swap3A_324 : vector<1x16xf32> to vector<16xf32>
      %swap3A_326 = vector.shape_cast %mul3A_321 : vector<16xf32> to vector<1x16xf32>
      tpu.vector_store %arg17[%swap3A_322, %swap3A_323], %swap3A_326 {strides = array<i32>} : memref<640x16xf32, #tpu.memory_space<vmem>>, vector<1x16xf32>,
      %mul3A_327 = arith.constant 16 : i32
      %mul3A_328 = arith.muli %add3A_227, %mul3A_327 : i32
      %add3A_329 = arith.constant 2 : i32
      %add3A_330 = arith.addi %mul3A_328, %add3A_329 : i32
      %get3A_331 = arith.index_cast %add3A_330 : i32 to index
      %get3A_332 = arith.constant 0 : index
      %get3A_333 = tpu.vector_load %arg17[%get3A_331, %get3A_332] {strides = array<i32>} : memref<640x16xf32, #tpu.memory_space<vmem>>, vector<1x16xf32>,
      %get3A_334 = vector.shape_cast %get3A_333 : vector<1x16xf32> to vector<16xf32>
      %get3A_335 = arith.index_cast %add3A_330 : i32 to index
      %get3A_336 = arith.constant 0 : index
      %get3A_337 = tpu.vector_load %arg18[%get3A_335, %get3A_336] {strides = array<i32>} : memref<640x16xf32, #tpu.memory_space<vmem>>, vector<1x16xf32>,
      %get3A_338 = vector.shape_cast %get3A_337 : vector<1x16xf32> to vector<16xf32>
      %add3A_339 = arith.addf %get3A_334, %get3A_338 : vector<16xf32>
      %broadcast_in_dim3A_340 = arith.constant 2 : i32
      %broadcast_in_dim3A_341 = vector.broadcast %broadcast_in_dim3A_340 : i32 to vector<16xi32>
      %lt3A_342 = arith.constant 0 : i32
      %lt3A_343 = vector.broadcast %lt3A_342 : i32 to vector<16xi32>
      %lt3A_344 = arith.cmpi slt, %broadcast_in_dim3A_341, %lt3A_343 : vector<16xi32>
      %add3A_345 = arith.constant 16 : i32
      %add3A_346 = vector.broadcast %add3A_345 : i32 to vector<16xi32>
      %add3A_347 = arith.addi %broadcast_in_dim3A_341, %add3A_346 : vector<16xi32>
      %select_n3A_348 = arith.select %lt3A_344, %add3A_347, %broadcast_in_dim3A_341 : vector<16xi1>, vector<16xi32>
      %broadcast_in_dim3A_349 = vector.shape_cast %select_n3A_348 : vector<16xi32> to vector<16x1xi32>
      %gather3A_350 = vector.shape_cast %broadcast_in_dim3A_349 : vector<16x1xi32> to vector<16xi32>
      %gather3A_351 = tpu.dynamic_gather %get3A_231[%gather3A_350] in [0] : vector<16xf32>, vector<16xi32> -> vector<16xf32>
      %mul3A_352 = arith.mulf %add3A_339, %gather3A_351 : vector<16xf32>
      %swap3A_353 = arith.index_cast %add3A_330 : i32 to index
      %swap3A_354 = arith.constant 0 : index
      %swap3A_355 = tpu.vector_load %arg18[%swap3A_353, %swap3A_354] {strides = array<i32>} : memref<640x16xf32, #tpu.memory_space<vmem>>, vector<1x16xf32>,
      %swap3A_356 = vector.shape_cast %swap3A_355 : vector<1x16xf32> to vector<16xf32>
      %swap3A_357 = vector.shape_cast %mul3A_352 : vector<16xf32> to vector<1x16xf32>
      tpu.vector_store %arg18[%swap3A_353, %swap3A_354], %swap3A_357 {strides = array<i32>} : memref<640x16xf32, #tpu.memory_space<vmem>>, vector<1x16xf32>,
      %lt3A_358 = arith.constant 0 : i32
      %lt3A_359 = vector.broadcast %lt3A_358 : i32 to vector<16xi32>
      %lt3A_360 = arith.cmpi slt, %broadcast_in_dim3A_341, %lt3A_359 : vector<16xi32>
      %add3A_361 = arith.constant 16 : i32
      %add3A_362 = vector.broadcast %add3A_361 : i32 to vector<16xi32>
      %add3A_363 = arith.addi %broadcast_in_dim3A_341, %add3A_362 : vector<16xi32>
      %select_n3A_364 = arith.select %lt3A_360, %add3A_363, %broadcast_in_dim3A_341 : vector<16xi1>, vector<16xi32>
      %broadcast_in_dim3A_365 = vector.shape_cast %select_n3A_364 : vector<16xi32> to vector<16x1xi32>
      %gather3A_366 = vector.shape_cast %broadcast_in_dim3A_365 : vector<16x1xi32> to vector<16xi32>
      %gather3A_367 = tpu.dynamic_gather %get3A_236[%gather3A_366] in [0] : vector<16xf32>, vector<16xi32> -> vector<16xf32>
      %mul3A_368 = arith.mulf %add3A_339, %gather3A_367 : vector<16xf32>
      %swap3A_369 = arith.index_cast %add3A_330 : i32 to index
      %swap3A_370 = arith.constant 0 : index
      %swap3A_371 = tpu.vector_load %arg17[%swap3A_369, %swap3A_370] {strides = array<i32>} : memref<640x16xf32, #tpu.memory_space<vmem>>, vector<1x16xf32>,
      %swap3A_372 = vector.shape_cast %swap3A_371 : vector<1x16xf32> to vector<16xf32>
      %swap3A_373 = vector.shape_cast %mul3A_368 : vector<16xf32> to vector<1x16xf32>
      tpu.vector_store %arg17[%swap3A_369, %swap3A_370], %swap3A_373 {strides = array<i32>} : memref<640x16xf32, #tpu.memory_space<vmem>>, vector<1x16xf32>,
      %mul3A_374 = arith.constant 16 : i32
      %mul3A_375 = arith.muli %add3A_227, %mul3A_374 : i32
      %add3A_376 = arith.constant 3 : i32
      %add3A_377 = arith.addi %mul3A_375, %add3A_376 : i32
      %get3A_378 = arith.index_cast %add3A_377 : i32 to index
      %get3A_379 = arith.constant 0 : index
      %get3A_380 = tpu.vector_load %arg17[%get3A_378, %get3A_379] {strides = array<i32>} : memref<640x16xf32, #tpu.memory_space<vmem>>, vector<1x16xf32>,
      %get3A_381 = vector.shape_cast %get3A_380 : vector<1x16xf32> to vector<16xf32>
      %get3A_382 = arith.index_cast %add3A_377 : i32 to index
      %get3A_383 = arith.constant 0 : index
      %get3A_384 = tpu.vector_load %arg18[%get3A_382, %get3A_383] {strides = array<i32>} : memref<640x16xf32, #tpu.memory_space<vmem>>, vector<1x16xf32>,
      %get3A_385 = vector.shape_cast %get3A_384 : vector<1x16xf32> to vector<16xf32>
      %add3A_386 = arith.addf %get3A_381, %get3A_385 : vector<16xf32>
      %broadcast_in_dim3A_387 = arith.constant 3 : i32
      %broadcast_in_dim3A_388 = vector.broadcast %broadcast_in_dim3A_387 : i32 to vector<16xi32>
      %lt3A_389 = arith.constant 0 : i32
      %lt3A_390 = vector.broadcast %lt3A_389 : i32 to vector<16xi32>
      %lt3A_391 = arith.cmpi slt, %broadcast_in_dim3A_388, %lt3A_390 : vector<16xi32>
      %add3A_392 = arith.constant 16 : i32
      %add3A_393 = vector.broadcast %add3A_392 : i32 to vector<16xi32>
      %add3A_394 = arith.addi %broadcast_in_dim3A_388, %add3A_393 : vector<16xi32>
      %select_n3A_395 = arith.select %lt3A_391, %add3A_394, %broadcast_in_dim3A_388 : vector<16xi1>, vector<16xi32>
      %broadcast_in_dim3A_396 = vector.shape_cast %select_n3A_395 : vector<16xi32> to vector<16x1xi32>
      %gather3A_397 = vector.shape_cast %broadcast_in_dim3A_396 : vector<16x1xi32> to vector<16xi32>
      %gather3A_398 = tpu.dynamic_gather %get3A_231[%gather3A_397] in [0] : vector<16xf32>, vector<16xi32> -> vector<16xf32>
      %mul3A_399 = arith.mulf %add3A_386, %gather3A_398 : vector<16xf32>
      %swap3A_400 = arith.index_cast %add3A_377 : i32 to index
      %swap3A_401 = arith.constant 0 : index
      %swap3A_402 = tpu.vector_load %arg18[%swap3A_400, %swap3A_401] {strides = array<i32>} : memref<640x16xf32, #tpu.memory_space<vmem>>, vector<1x16xf32>,
      %swap3A_403 = vector.shape_cast %swap3A_402 : vector<1x16xf32> to vector<16xf32>
      %swap3A_404 = vector.shape_cast %mul3A_399 : vector<16xf32> to vector<1x16xf32>
      tpu.vector_store %arg18[%swap3A_400, %swap3A_401], %swap3A_404 {strides = array<i32>} : memref<640x16xf32, #tpu.memory_space<vmem>>, vector<1x16xf32>,
      %lt3A_405 = arith.constant 0 : i32
      %lt3A_406 = vector.broadcast %lt3A_405 : i32 to vector<16xi32>
      %lt3A_407 = arith.cmpi slt, %broadcast_in_dim3A_388, %lt3A_406 : vector<16xi32>
      %add3A_408 = arith.constant 16 : i32
      %add3A_409 = vector.broadcast %add3A_408 : i32 to vector<16xi32>
      %add3A_410 = arith.addi %broadcast_in_dim3A_388, %add3A_409 : vector<16xi32>
      %select_n3A_411 = arith.select %lt3A_407, %add3A_410, %broadcast_in_dim3A_388 : vector<16xi1>, vector<16xi32>
      %broadcast_in_dim3A_412 = vector.shape_cast %select_n3A_411 : vector<16xi32> to vector<16x1xi32>
      %gather3A_413 = vector.shape_cast %broadcast_in_dim3A_412 : vector<16x1xi32> to vector<16xi32>
      %gather3A_414 = tpu.dynamic_gather %get3A_236[%gather3A_413] in [0] : vector<16xf32>, vector<16xi32> -> vector<16xf32>
      %mul3A_415 = arith.mulf %add3A_386, %gather3A_414 : vector<16xf32>
      %swap3A_416 = arith.index_cast %add3A_377 : i32 to index
      %swap3A_417 = arith.constant 0 : index
      %swap3A_418 = tpu.vector_load %arg17[%swap3A_416, %swap3A_417] {strides = array<i32>} : memref<640x16xf32, #tpu.memory_space<vmem>>, vector<1x16xf32>,
      %swap3A_419 = vector.shape_cast %swap3A_418 : vector<1x16xf32> to vector<16xf32>
      %swap3A_420 = vector.shape_cast %mul3A_415 : vector<16xf32> to vector<1x16xf32>
      tpu.vector_store %arg17[%swap3A_416, %swap3A_417], %swap3A_420 {strides = array<i32>} : memref<640x16xf32, #tpu.memory_space<vmem>>, vector<1x16xf32>,
      %mul3A_421 = arith.constant 16 : i32
      %mul3A_422 = arith.muli %add3A_227, %mul3A_421 : i32
      %add3A_423 = arith.constant 4 : i32
      %add3A_424 = arith.addi %mul3A_422, %add3A_423 : i32
      %get3A_425 = arith.index_cast %add3A_424 : i32 to index
      %get3A_426 = arith.constant 0 : index
      %get3A_427 = tpu.vector_load %arg17[%get3A_425, %get3A_426] {strides = array<i32>} : memref<640x16xf32, #tpu.memory_space<vmem>>, vector<1x16xf32>,
      %get3A_428 = vector.shape_cast %get3A_427 : vector<1x16xf32> to vector<16xf32>
      %get3A_429 = arith.index_cast %add3A_424 : i32 to index
      %get3A_430 = arith.constant 0 : index
      %get3A_431 = tpu.vector_load %arg18[%get3A_429, %get3A_430] {strides = array<i32>} : memref<640x16xf32, #tpu.memory_space<vmem>>, vector<1x16xf32>,
      %get3A_432 = vector.shape_cast %get3A_431 : vector<1x16xf32> to vector<16xf32>
      %add3A_433 = arith.addf %get3A_428, %get3A_432 : vector<16xf32>
      %broadcast_in_dim3A_434 = arith.constant 4 : i32
      %broadcast_in_dim3A_435 = vector.broadcast %broadcast_in_dim3A_434 : i32 to vector<16xi32>
      %lt3A_436 = arith.constant 0 : i32
      %lt3A_437 = vector.broadcast %lt3A_436 : i32 to vector<16xi32>
      %lt3A_438 = arith.cmpi slt, %broadcast_in_dim3A_435, %lt3A_437 : vector<16xi32>
      %add3A_439 = arith.constant 16 : i32
      %add3A_440 = vector.broadcast %add3A_439 : i32 to vector<16xi32>
      %add3A_441 = arith.addi %broadcast_in_dim3A_435, %add3A_440 : vector<16xi32>
      %select_n3A_442 = arith.select %lt3A_438, %add3A_441, %broadcast_in_dim3A_435 : vector<16xi1>, vector<16xi32>
      %broadcast_in_dim3A_443 = vector.shape_cast %select_n3A_442 : vector<16xi32> to vector<16x1xi32>
      %gather3A_444 = vector.shape_cast %broadcast_in_dim3A_443 : vector<16x1xi32> to vector<16xi32>
      %gather3A_445 = tpu.dynamic_gather %get3A_231[%gather3A_444] in [0] : vector<16xf32>, vector<16xi32> -> vector<16xf32>
      %mul3A_446 = arith.mulf %add3A_433, %gather3A_445 : vector<16xf32>
      %swap3A_447 = arith.index_cast %add3A_424 : i32 to index
      %swap3A_448 = arith.constant 0 : index
      %swap3A_449 = tpu.vector_load %arg18[%swap3A_447, %swap3A_448] {strides = array<i32>} : memref<640x16xf32, #tpu.memory_space<vmem>>, vector<1x16xf32>,
      %swap3A_450 = vector.shape_cast %swap3A_449 : vector<1x16xf32> to vector<16xf32>
      %swap3A_451 = vector.shape_cast %mul3A_446 : vector<16xf32> to vector<1x16xf32>
      tpu.vector_store %arg18[%swap3A_447, %swap3A_448], %swap3A_451 {strides = array<i32>} : memref<640x16xf32, #tpu.memory_space<vmem>>, vector<1x16xf32>,
      %lt3A_452 = arith.constant 0 : i32
      %lt3A_453 = vector.broadcast %lt3A_452 : i32 to vector<16xi32>
      %lt3A_454 = arith.cmpi slt, %broadcast_in_dim3A_435, %lt3A_453 : vector<16xi32>
      %add3A_455 = arith.constant 16 : i32
      %add3A_456 = vector.broadcast %add3A_455 : i32 to vector<16xi32>
      %add3A_457 = arith.addi %broadcast_in_dim3A_435, %add3A_456 : vector<16xi32>
      %select_n3A_458 = arith.select %lt3A_454, %add3A_457, %broadcast_in_dim3A_435 : vector<16xi1>, vector<16xi32>
      %broadcast_in_dim3A_459 = vector.shape_cast %select_n3A_458 : vector<16xi32> to vector<16x1xi32>
      %gather3A_460 = vector.shape_cast %broadcast_in_dim3A_459 : vector<16x1xi32> to vector<16xi32>
      %gather3A_461 = tpu.dynamic_gather %get3A_236[%gather3A_460] in [0] : vector<16xf32>, vector<16xi32> -> vector<16xf32>
      %mul3A_462 = arith.mulf %add3A_433, %gather3A_461 : vector<16xf32>
      %swap3A_463 = arith.index_cast %add3A_424 : i32 to index
      %swap3A_464 = arith.constant 0 : index
      %swap3A_465 = tpu.vector_load %arg17[%swap3A_463, %swap3A_464] {strides = array<i32>} : memref<640x16xf32, #tpu.memory_space<vmem>>, vector<1x16xf32>,
      %swap3A_466 = vector.shape_cast %swap3A_465 : vector<1x16xf32> to vector<16xf32>
      %swap3A_467 = vector.shape_cast %mul3A_462 : vector<16xf32> to vector<1x16xf32>
      tpu.vector_store %arg17[%swap3A_463, %swap3A_464], %swap3A_467 {strides = array<i32>} : memref<640x16xf32, #tpu.memory_space<vmem>>, vector<1x16xf32>,
      %mul3A_468 = arith.constant 16 : i32
      %mul3A_469 = arith.muli %add3A_227, %mul3A_468 : i32
      %add3A_470 = arith.constant 5 : i32
      %add3A_471 = arith.addi %mul3A_469, %add3A_470 : i32
      %get3A_472 = arith.index_cast %add3A_471 : i32 to index
      %get3A_473 = arith.constant 0 : index
      %get3A_474 = tpu.vector_load %arg17[%get3A_472, %get3A_473] {strides = array<i32>} : memref<640x16xf32, #tpu.memory_space<vmem>>, vector<1x16xf32>,
      %get3A_475 = vector.shape_cast %get3A_474 : vector<1x16xf32> to vector<16xf32>
      %get3A_476 = arith.index_cast %add3A_471 : i32 to index
      %get3A_477 = arith.constant 0 : index
      %get3A_478 = tpu.vector_load %arg18[%get3A_476, %get3A_477] {strides = array<i32>} : memref<640x16xf32, #tpu.memory_space<vmem>>, vector<1x16xf32>,
      %get3A_479 = vector.shape_cast %get3A_478 : vector<1x16xf32> to vector<16xf32>
      %add3A_480 = arith.addf %get3A_475, %get3A_479 : vector<16xf32>
      %broadcast_in_dim3A_481 = arith.constant 5 : i32
      %broadcast_in_dim3A_482 = vector.broadcast %broadcast_in_dim3A_481 : i32 to vector<16xi32>
      %lt3A_483 = arith.constant 0 : i32
      %lt3A_484 = vector.broadcast %lt3A_483 : i32 to vector<16xi32>
      %lt3A_485 = arith.cmpi slt, %broadcast_in_dim3A_482, %lt3A_484 : vector<16xi32>
      %add3A_486 = arith.constant 16 : i32
      %add3A_487 = vector.broadcast %add3A_486 : i32 to vector<16xi32>
      %add3A_488 = arith.addi %broadcast_in_dim3A_482, %add3A_487 : vector<16xi32>
      %select_n3A_489 = arith.select %lt3A_485, %add3A_488, %broadcast_in_dim3A_482 : vector<16xi1>, vector<16xi32>
      %broadcast_in_dim3A_490 = vector.shape_cast %select_n3A_489 : vector<16xi32> to vector<16x1xi32>
      %gather3A_491 = vector.shape_cast %broadcast_in_dim3A_490 : vector<16x1xi32> to vector<16xi32>
      %gather3A_492 = tpu.dynamic_gather %get3A_231[%gather3A_491] in [0] : vector<16xf32>, vector<16xi32> -> vector<16xf32>
      %mul3A_493 = arith.mulf %add3A_480, %gather3A_492 : vector<16xf32>
      %swap3A_494 = arith.index_cast %add3A_471 : i32 to index
      %swap3A_495 = arith.constant 0 : index
      %swap3A_496 = tpu.vector_load %arg18[%swap3A_494, %swap3A_495] {strides = array<i32>} : memref<640x16xf32, #tpu.memory_space<vmem>>, vector<1x16xf32>,
      %swap3A_497 = vector.shape_cast %swap3A_496 : vector<1x16xf32> to vector<16xf32>
      %swap3A_498 = vector.shape_cast %mul3A_493 : vector<16xf32> to vector<1x16xf32>
      tpu.vector_store %arg18[%swap3A_494, %swap3A_495], %swap3A_498 {strides = array<i32>} : memref<640x16xf32, #tpu.memory_space<vmem>>, vector<1x16xf32>,
      %lt3A_499 = arith.constant 0 : i32
      %lt3A_500 = vector.broadcast %lt3A_499 : i32 to vector<16xi32>
      %lt3A_501 = arith.cmpi slt, %broadcast_in_dim3A_482, %lt3A_500 : vector<16xi32>
      %add3A_502 = arith.constant 16 : i32
      %add3A_503 = vector.broadcast %add3A_502 : i32 to vector<16xi32>
      %add3A_504 = arith.addi %broadcast_in_dim3A_482, %add3A_503 : vector<16xi32>
      %select_n3A_505 = arith.select %lt3A_501, %add3A_504, %broadcast_in_dim3A_482 : vector<16xi1>, vector<16xi32>
      %broadcast_in_dim3A_506 = vector.shape_cast %select_n3A_505 : vector<16xi32> to vector<16x1xi32>
      %gather3A_507 = vector.shape_cast %broadcast_in_dim3A_506 : vector<16x1xi32> to vector<16xi32>
      %gather3A_508 = tpu.dynamic_gather %get3A_236[%gather3A_507] in [0] : vector<16xf32>, vector<16xi32> -> vector<16xf32>
      %mul3A_509 = arith.mulf %add3A_480, %gather3A_508 : vector<16xf32>
      %swap3A_510 = arith.index_cast %add3A_471 : i32 to index
      %swap3A_511 = arith.constant 0 : index
      %swap3A_512 = tpu.vector_load %arg17[%swap3A_510, %swap3A_511] {strides = array<i32>} : memref<640x16xf32, #tpu.memory_space<vmem>>, vector<1x16xf32>,
      %swap3A_513 = vector.shape_cast %swap3A_512 : vector<1x16xf32> to vector<16xf32>
      %swap3A_514 = vector.shape_cast %mul3A_509 : vector<16xf32> to vector<1x16xf32>
      tpu.vector_store %arg17[%swap3A_510, %swap3A_511], %swap3A_514 {strides = array<i32>} : memref<640x16xf32, #tpu.memory_space<vmem>>, vector<1x16xf32>,
      %mul3A_515 = arith.constant 16 : i32
      %mul3A_516 = arith.muli %add3A_227, %mul3A_515 : i32
      %add3A_517 = arith.constant 6 : i32
      %add3A_518 = arith.addi %mul3A_516, %add3A_517 : i32
      %get3A_519 = arith.index_cast %add3A_518 : i32 to index
      %get3A_520 = arith.constant 0 : index
      %get3A_521 = tpu.vector_load %arg17[%get3A_519, %get3A_520] {strides = array<i32>} : memref<640x16xf32, #tpu.memory_space<vmem>>, vector<1x16xf32>,
      %get3A_522 = vector.shape_cast %get3A_521 : vector<1x16xf32> to vector<16xf32>
      %get3A_523 = arith.index_cast %add3A_518 : i32 to index
      %get3A_524 = arith.constant 0 : index
      %get3A_525 = tpu.vector_load %arg18[%get3A_523, %get3A_524] {strides = array<i32>} : memref<640x16xf32, #tpu.memory_space<vmem>>, vector<1x16xf32>,
      %get3A_526 = vector.shape_cast %get3A_525 : vector<1x16xf32> to vector<16xf32>
      %add3A_527 = arith.addf %get3A_522, %get3A_526 : vector<16xf32>
      %broadcast_in_dim3A_528 = arith.constant 6 : i32
      %broadcast_in_dim3A_529 = vector.broadcast %broadcast_in_dim3A_528 : i32 to vector<16xi32>
      %lt3A_530 = arith.constant 0 : i32
      %lt3A_531 = vector.broadcast %lt3A_530 : i32 to vector<16xi32>
      %lt3A_532 = arith.cmpi slt, %broadcast_in_dim3A_529, %lt3A_531 : vector<16xi32>
      %add3A_533 = arith.constant 16 : i32
      %add3A_534 = vector.broadcast %add3A_533 : i32 to vector<16xi32>
      %add3A_535 = arith.addi %broadcast_in_dim3A_529, %add3A_534 : vector<16xi32>
      %select_n3A_536 = arith.select %lt3A_532, %add3A_535, %broadcast_in_dim3A_529 : vector<16xi1>, vector<16xi32>
      %broadcast_in_dim3A_537 = vector.shape_cast %select_n3A_536 : vector<16xi32> to vector<16x1xi32>
      %gather3A_538 = vector.shape_cast %broadcast_in_dim3A_537 : vector<16x1xi32> to vector<16xi32>
      %gather3A_539 = tpu.dynamic_gather %get3A_231[%gather3A_538] in [0] : vector<16xf32>, vector<16xi32> -> vector<16xf32>
      %mul3A_540 = arith.mulf %add3A_527, %gather3A_539 : vector<16xf32>
      %swap3A_541 = arith.index_cast %add3A_518 : i32 to index
      %swap3A_542 = arith.constant 0 : index
      %swap3A_543 = tpu.vector_load %arg18[%swap3A_541, %swap3A_542] {strides = array<i32>} : memref<640x16xf32, #tpu.memory_space<vmem>>, vector<1x16xf32>,
      %swap3A_544 = vector.shape_cast %swap3A_543 : vector<1x16xf32> to vector<16xf32>
      %swap3A_545 = vector.shape_cast %mul3A_540 : vector<16xf32> to vector<1x16xf32>
      tpu.vector_store %arg18[%swap3A_541, %swap3A_542], %swap3A_545 {strides = array<i32>} : memref<640x16xf32, #tpu.memory_space<vmem>>, vector<1x16xf32>,
      %lt3A_546 = arith.constant 0 : i32
      %lt3A_547 = vector.broadcast %lt3A_546 : i32 to vector<16xi32>
      %lt3A_548 = arith.cmpi slt, %broadcast_in_dim3A_529, %lt3A_547 : vector<16xi32>
      %add3A_549 = arith.constant 16 : i32
      %add3A_550 = vector.broadcast %add3A_549 : i32 to vector<16xi32>
      %add3A_551 = arith.addi %broadcast_in_dim3A_529, %add3A_550 : vector<16xi32>
      %select_n3A_552 = arith.select %lt3A_548, %add3A_551, %broadcast_in_dim3A_529 : vector<16xi1>, vector<16xi32>
      %broadcast_in_dim3A_553 = vector.shape_cast %select_n3A_552 : vector<16xi32> to vector<16x1xi32>
      %gather3A_554 = vector.shape_cast %broadcast_in_dim3A_553 : vector<16x1xi32> to vector<16xi32>
      %gather3A_555 = tpu.dynamic_gather %get3A_236[%gather3A_554] in [0] : vector<16xf32>, vector<16xi32> -> vector<16xf32>
      %mul3A_556 = arith.mulf %add3A_527, %gather3A_555 : vector<16xf32>
      %swap3A_557 = arith.index_cast %add3A_518 : i32 to index
      %swap3A_558 = arith.constant 0 : index
      %swap3A_559 = tpu.vector_load %arg17[%swap3A_557, %swap3A_558] {strides = array<i32>} : memref<640x16xf32, #tpu.memory_space<vmem>>, vector<1x16xf32>,
      %swap3A_560 = vector.shape_cast %swap3A_559 : vector<1x16xf32> to vector<16xf32>
      %swap3A_561 = vector.shape_cast %mul3A_556 : vector<16xf32> to vector<1x16xf32>
      tpu.vector_store %arg17[%swap3A_557, %swap3A_558], %swap3A_561 {strides = array<i32>} : memref<640x16xf32, #tpu.memory_space<vmem>>, vector<1x16xf32>,
      %mul3A_562 = arith.constant 16 : i32
      %mul3A_563 = arith.muli %add3A_227, %mul3A_562 : i32
      %add3A_564 = arith.constant 7 : i32
      %add3A_565 = arith.addi %mul3A_563, %add3A_564 : i32
      %get3A_566 = arith.index_cast %add3A_565 : i32 to index
      %get3A_567 = arith.constant 0 : index
      %get3A_568 = tpu.vector_load %arg17[%get3A_566, %get3A_567] {strides = array<i32>} : memref<640x16xf32, #tpu.memory_space<vmem>>, vector<1x16xf32>,
      %get3A_569 = vector.shape_cast %get3A_568 : vector<1x16xf32> to vector<16xf32>
      %get3A_570 = arith.index_cast %add3A_565 : i32 to index
      %get3A_571 = arith.constant 0 : index
      %get3A_572 = tpu.vector_load %arg18[%get3A_570, %get3A_571] {strides = array<i32>} : memref<640x16xf32, #tpu.memory_space<vmem>>, vector<1x16xf32>,
      %get3A_573 = vector.shape_cast %get3A_572 : vector<1x16xf32> to vector<16xf32>
      %add3A_574 = arith.addf %get3A_569, %get3A_573 : vector<16xf32>
      %broadcast_in_dim3A_575 = arith.constant 7 : i32
      %broadcast_in_dim3A_576 = vector.broadcast %broadcast_in_dim3A_575 : i32 to vector<16xi32>
      %lt3A_577 = arith.constant 0 : i32
      %lt3A_578 = vector.broadcast %lt3A_577 : i32 to vector<16xi32>
      %lt3A_579 = arith.cmpi slt, %broadcast_in_dim3A_576, %lt3A_578 : vector<16xi32>
      %add3A_580 = arith.constant 16 : i32
      %add3A_581 = vector.broadcast %add3A_580 : i32 to vector<16xi32>
      %add3A_582 = arith.addi %broadcast_in_dim3A_576, %add3A_581 : vector<16xi32>
      %select_n3A_583 = arith.select %lt3A_579, %add3A_582, %broadcast_in_dim3A_576 : vector<16xi1>, vector<16xi32>
      %broadcast_in_dim3A_584 = vector.shape_cast %select_n3A_583 : vector<16xi32> to vector<16x1xi32>
      %gather3A_585 = vector.shape_cast %broadcast_in_dim3A_584 : vector<16x1xi32> to vector<16xi32>
      %gather3A_586 = tpu.dynamic_gather %get3A_231[%gather3A_585] in [0] : vector<16xf32>, vector<16xi32> -> vector<16xf32>
      %mul3A_587 = arith.mulf %add3A_574, %gather3A_586 : vector<16xf32>
      %swap3A_588 = arith.index_cast %add3A_565 : i32 to index
      %swap3A_589 = arith.constant 0 : index
      %swap3A_590 = tpu.vector_load %arg18[%swap3A_588, %swap3A_589] {strides = array<i32>} : memref<640x16xf32, #tpu.memory_space<vmem>>, vector<1x16xf32>,
      %swap3A_591 = vector.shape_cast %swap3A_590 : vector<1x16xf32> to vector<16xf32>
      %swap3A_592 = vector.shape_cast %mul3A_587 : vector<16xf32> to vector<1x16xf32>
      tpu.vector_store %arg18[%swap3A_588, %swap3A_589], %swap3A_592 {strides = array<i32>} : memref<640x16xf32, #tpu.memory_space<vmem>>, vector<1x16xf32>,
      %lt3A_593 = arith.constant 0 : i32
      %lt3A_594 = vector.broadcast %lt3A_593 : i32 to vector<16xi32>
      %lt3A_595 = arith.cmpi slt, %broadcast_in_dim3A_576, %lt3A_594 : vector<16xi32>
      %add3A_596 = arith.constant 16 : i32
      %add3A_597 = vector.broadcast %add3A_596 : i32 to vector<16xi32>
      %add3A_598 = arith.addi %broadcast_in_dim3A_576, %add3A_597 : vector<16xi32>
      %select_n3A_599 = arith.select %lt3A_595, %add3A_598, %broadcast_in_dim3A_576 : vector<16xi1>, vector<16xi32>
      %broadcast_in_dim3A_600 = vector.shape_cast %select_n3A_599 : vector<16xi32> to vector<16x1xi32>
      %gather3A_601 = vector.shape_cast %broadcast_in_dim3A_600 : vector<16x1xi32> to vector<16xi32>
      %gather3A_602 = tpu.dynamic_gather %get3A_236[%gather3A_601] in [0] : vector<16xf32>, vector<16xi32> -> vector<16xf32>
      %mul3A_603 = arith.mulf %add3A_574, %gather3A_602 : vector<16xf32>
      %swap3A_604 = arith.index_cast %add3A_565 : i32 to index
      %swap3A_605 = arith.constant 0 : index
      %swap3A_606 = tpu.vector_load %arg17[%swap3A_604, %swap3A_605] {strides = array<i32>} : memref<640x16xf32, #tpu.memory_space<vmem>>, vector<1x16xf32>,
      %swap3A_607 = vector.shape_cast %swap3A_606 : vector<1x16xf32> to vector<16xf32>
      %swap3A_608 = vector.shape_cast %mul3A_603 : vector<16xf32> to vector<1x16xf32>
      tpu.vector_store %arg17[%swap3A_604, %swap3A_605], %swap3A_608 {strides = array<i32>} : memref<640x16xf32, #tpu.memory_space<vmem>>, vector<1x16xf32>,
      %mul3A_609 = arith.constant 16 : i32
      %mul3A_610 = arith.muli %add3A_227, %mul3A_609 : i32
      %add3A_611 = arith.constant 8 : i32
      %add3A_612 = arith.addi %mul3A_610, %add3A_611 : i32
      %get3A_613 = arith.index_cast %add3A_612 : i32 to index
      %get3A_614 = arith.constant 0 : index
      %get3A_615 = tpu.vector_load %arg17[%get3A_613, %get3A_614] {strides = array<i32>} : memref<640x16xf32, #tpu.memory_space<vmem>>, vector<1x16xf32>,
      %get3A_616 = vector.shape_cast %get3A_615 : vector<1x16xf32> to vector<16xf32>
      %get3A_617 = arith.index_cast %add3A_612 : i32 to index
      %get3A_618 = arith.constant 0 : index
      %get3A_619 = tpu.vector_load %arg18[%get3A_617, %get3A_618] {strides = array<i32>} : memref<640x16xf32, #tpu.memory_space<vmem>>, vector<1x16xf32>,
      %get3A_620 = vector.shape_cast %get3A_619 : vector<1x16xf32> to vector<16xf32>
      %add3A_621 = arith.addf %get3A_616, %get3A_620 : vector<16xf32>
      %broadcast_in_dim3A_622 = arith.constant 8 : i32
      %broadcast_in_dim3A_623 = vector.broadcast %broadcast_in_dim3A_622 : i32 to vector<16xi32>
      %lt3A_624 = arith.constant 0 : i32
      %lt3A_625 = vector.broadcast %lt3A_624 : i32 to vector<16xi32>
      %lt3A_626 = arith.cmpi slt, %broadcast_in_dim3A_623, %lt3A_625 : vector<16xi32>
      %add3A_627 = arith.constant 16 : i32
      %add3A_628 = vector.broadcast %add3A_627 : i32 to vector<16xi32>
      %add3A_629 = arith.addi %broadcast_in_dim3A_623, %add3A_628 : vector<16xi32>
      %select_n3A_630 = arith.select %lt3A_626, %add3A_629, %broadcast_in_dim3A_623 : vector<16xi1>, vector<16xi32>
      %broadcast_in_dim3A_631 = vector.shape_cast %select_n3A_630 : vector<16xi32> to vector<16x1xi32>
      %gather3A_632 = vector.shape_cast %broadcast_in_dim3A_631 : vector<16x1xi32> to vector<16xi32>
      %gather3A_633 = tpu.dynamic_gather %get3A_231[%gather3A_632] in [0] : vector<16xf32>, vector<16xi32> -> vector<16xf32>
      %mul3A_634 = arith.mulf %add3A_621, %gather3A_633 : vector<16xf32>
      %swap3A_635 = arith.index_cast %add3A_612 : i32 to index
      %swap3A_636 = arith.constant 0 : index
      %swap3A_637 = tpu.vector_load %arg18[%swap3A_635, %swap3A_636] {strides = array<i32>} : memref<640x16xf32, #tpu.memory_space<vmem>>, vector<1x16xf32>,
      %swap3A_638 = vector.shape_cast %swap3A_637 : vector<1x16xf32> to vector<16xf32>
      %swap3A_639 = vector.shape_cast %mul3A_634 : vector<16xf32> to vector<1x16xf32>
      tpu.vector_store %arg18[%swap3A_635, %swap3A_636], %swap3A_639 {strides = array<i32>} : memref<640x16xf32, #tpu.memory_space<vmem>>, vector<1x16xf32>,
      %lt3A_640 = arith.constant 0 : i32
      %lt3A_641 = vector.broadcast %lt3A_640 : i32 to vector<16xi32>
      %lt3A_642 = arith.cmpi slt, %broadcast_in_dim3A_623, %lt3A_641 : vector<16xi32>
      %add3A_643 = arith.constant 16 : i32
      %add3A_644 = vector.broadcast %add3A_643 : i32 to vector<16xi32>
      %add3A_645 = arith.addi %broadcast_in_dim3A_623, %add3A_644 : vector<16xi32>
      %select_n3A_646 = arith.select %lt3A_642, %add3A_645, %broadcast_in_dim3A_623 : vector<16xi1>, vector<16xi32>
      %broadcast_in_dim3A_647 = vector.shape_cast %select_n3A_646 : vector<16xi32> to vector<16x1xi32>
      %gather3A_648 = vector.shape_cast %broadcast_in_dim3A_647 : vector<16x1xi32> to vector<16xi32>
      %gather3A_649 = tpu.dynamic_gather %get3A_236[%gather3A_648] in [0] : vector<16xf32>, vector<16xi32> -> vector<16xf32>
      %mul3A_650 = arith.mulf %add3A_621, %gather3A_649 : vector<16xf32>
      %swap3A_651 = arith.index_cast %add3A_612 : i32 to index
      %swap3A_652 = arith.constant 0 : index
      %swap3A_653 = tpu.vector_load %arg17[%swap3A_651, %swap3A_652] {strides = array<i32>} : memref<640x16xf32, #tpu.memory_space<vmem>>, vector<1x16xf32>,
      %swap3A_654 = vector.shape_cast %swap3A_653 : vector<1x16xf32> to vector<16xf32>
      %swap3A_655 = vector.shape_cast %mul3A_650 : vector<16xf32> to vector<1x16xf32>
      tpu.vector_store %arg17[%swap3A_651, %swap3A_652], %swap3A_655 {strides = array<i32>} : memref<640x16xf32, #tpu.memory_space<vmem>>, vector<1x16xf32>,
      %mul3A_656 = arith.constant 16 : i32
      %mul3A_657 = arith.muli %add3A_227, %mul3A_656 : i32
      %add3A_658 = arith.constant 9 : i32
      %add3A_659 = arith.addi %mul3A_657, %add3A_658 : i32
      %get3A_660 = arith.index_cast %add3A_659 : i32 to index
      %get3A_661 = arith.constant 0 : index
      %get3A_662 = tpu.vector_load %arg17[%get3A_660, %get3A_661] {strides = array<i32>} : memref<640x16xf32, #tpu.memory_space<vmem>>, vector<1x16xf32>,
      %get3A_663 = vector.shape_cast %get3A_662 : vector<1x16xf32> to vector<16xf32>
      %get3A_664 = arith.index_cast %add3A_659 : i32 to index
      %get3A_665 = arith.constant 0 : index
      %get3A_666 = tpu.vector_load %arg18[%get3A_664, %get3A_665] {strides = array<i32>} : memref<640x16xf32, #tpu.memory_space<vmem>>, vector<1x16xf32>,
      %get3A_667 = vector.shape_cast %get3A_666 : vector<1x16xf32> to vector<16xf32>
      %add3A_668 = arith.addf %get3A_663, %get3A_667 : vector<16xf32>
      %broadcast_in_dim3A_669 = arith.constant 9 : i32
      %broadcast_in_dim3A_670 = vector.broadcast %broadcast_in_dim3A_669 : i32 to vector<16xi32>
      %lt3A_671 = arith.constant 0 : i32
      %lt3A_672 = vector.broadcast %lt3A_671 : i32 to vector<16xi32>
      %lt3A_673 = arith.cmpi slt, %broadcast_in_dim3A_670, %lt3A_672 : vector<16xi32>
      %add3A_674 = arith.constant 16 : i32
      %add3A_675 = vector.broadcast %add3A_674 : i32 to vector<16xi32>
      %add3A_676 = arith.addi %broadcast_in_dim3A_670, %add3A_675 : vector<16xi32>
      %select_n3A_677 = arith.select %lt3A_673, %add3A_676, %broadcast_in_dim3A_670 : vector<16xi1>, vector<16xi32>
      %broadcast_in_dim3A_678 = vector.shape_cast %select_n3A_677 : vector<16xi32> to vector<16x1xi32>
      %gather3A_679 = vector.shape_cast %broadcast_in_dim3A_678 : vector<16x1xi32> to vector<16xi32>
      %gather3A_680 = tpu.dynamic_gather %get3A_231[%gather3A_679] in [0] : vector<16xf32>, vector<16xi32> -> vector<16xf32>
      %mul3A_681 = arith.mulf %add3A_668, %gather3A_680 : vector<16xf32>
      %swap3A_682 = arith.index_cast %add3A_659 : i32 to index
      %swap3A_683 = arith.constant 0 : index
      %swap3A_684 = tpu.vector_load %arg18[%swap3A_682, %swap3A_683] {strides = array<i32>} : memref<640x16xf32, #tpu.memory_space<vmem>>, vector<1x16xf32>,
      %swap3A_685 = vector.shape_cast %swap3A_684 : vector<1x16xf32> to vector<16xf32>
      %swap3A_686 = vector.shape_cast %mul3A_681 : vector<16xf32> to vector<1x16xf32>
      tpu.vector_store %arg18[%swap3A_682, %swap3A_683], %swap3A_686 {strides = array<i32>} : memref<640x16xf32, #tpu.memory_space<vmem>>, vector<1x16xf32>,
      %lt3A_687 = arith.constant 0 : i32
      %lt3A_688 = vector.broadcast %lt3A_687 : i32 to vector<16xi32>
      %lt3A_689 = arith.cmpi slt, %broadcast_in_dim3A_670, %lt3A_688 : vector<16xi32>
      %add3A_690 = arith.constant 16 : i32
      %add3A_691 = vector.broadcast %add3A_690 : i32 to vector<16xi32>
      %add3A_692 = arith.addi %broadcast_in_dim3A_670, %add3A_691 : vector<16xi32>
      %select_n3A_693 = arith.select %lt3A_689, %add3A_692, %broadcast_in_dim3A_670 : vector<16xi1>, vector<16xi32>
      %broadcast_in_dim3A_694 = vector.shape_cast %select_n3A_693 : vector<16xi32> to vector<16x1xi32>
      %gather3A_695 = vector.shape_cast %broadcast_in_dim3A_694 : vector<16x1xi32> to vector<16xi32>
      %gather3A_696 = tpu.dynamic_gather %get3A_236[%gather3A_695] in [0] : vector<16xf32>, vector<16xi32> -> vector<16xf32>
      %mul3A_697 = arith.mulf %add3A_668, %gather3A_696 : vector<16xf32>
      %swap3A_698 = arith.index_cast %add3A_659 : i32 to index
      %swap3A_699 = arith.constant 0 : index
      %swap3A_700 = tpu.vector_load %arg17[%swap3A_698, %swap3A_699] {strides = array<i32>} : memref<640x16xf32, #tpu.memory_space<vmem>>, vector<1x16xf32>,
      %swap3A_701 = vector.shape_cast %swap3A_700 : vector<1x16xf32> to vector<16xf32>
      %swap3A_702 = vector.shape_cast %mul3A_697 : vector<16xf32> to vector<1x16xf32>
      tpu.vector_store %arg17[%swap3A_698, %swap3A_699], %swap3A_702 {strides = array<i32>} : memref<640x16xf32, #tpu.memory_space<vmem>>, vector<1x16xf32>,
      %mul3A_703 = arith.constant 16 : i32
      %mul3A_704 = arith.muli %add3A_227, %mul3A_703 : i32
      %add3A_705 = arith.constant 10 : i32
      %add3A_706 = arith.addi %mul3A_704, %add3A_705 : i32
      %get3A_707 = arith.index_cast %add3A_706 : i32 to index
      %get3A_708 = arith.constant 0 : index
      %get3A_709 = tpu.vector_load %arg17[%get3A_707, %get3A_708] {strides = array<i32>} : memref<640x16xf32, #tpu.memory_space<vmem>>, vector<1x16xf32>,
      %get3A_710 = vector.shape_cast %get3A_709 : vector<1x16xf32> to vector<16xf32>
      %get3A_711 = arith.index_cast %add3A_706 : i32 to index
      %get3A_712 = arith.constant 0 : index
      %get3A_713 = tpu.vector_load %arg18[%get3A_711, %get3A_712] {strides = array<i32>} : memref<640x16xf32, #tpu.memory_space<vmem>>, vector<1x16xf32>,
      %get3A_714 = vector.shape_cast %get3A_713 : vector<1x16xf32> to vector<16xf32>
      %add3A_715 = arith.addf %get3A_710, %get3A_714 : vector<16xf32>
      %broadcast_in_dim3A_716 = arith.constant 10 : i32
      %broadcast_in_dim3A_717 = vector.broadcast %broadcast_in_dim3A_716 : i32 to vector<16xi32>
      %lt3A_718 = arith.constant 0 : i32
      %lt3A_719 = vector.broadcast %lt3A_718 : i32 to vector<16xi32>
      %lt3A_720 = arith.cmpi slt, %broadcast_in_dim3A_717, %lt3A_719 : vector<16xi32>
      %add3A_721 = arith.constant 16 : i32
      %add3A_722 = vector.broadcast %add3A_721 : i32 to vector<16xi32>
      %add3A_723 = arith.addi %broadcast_in_dim3A_717, %add3A_722 : vector<16xi32>
      %select_n3A_724 = arith.select %lt3A_720, %add3A_723, %broadcast_in_dim3A_717 : vector<16xi1>, vector<16xi32>
      %broadcast_in_dim3A_725 = vector.shape_cast %select_n3A_724 : vector<16xi32> to vector<16x1xi32>
      %gather3A_726 = vector.shape_cast %broadcast_in_dim3A_725 : vector<16x1xi32> to vector<16xi32>
      %gather3A_727 = tpu.dynamic_gather %get3A_231[%gather3A_726] in [0] : vector<16xf32>, vector<16xi32> -> vector<16xf32>
      %mul3A_728 = arith.mulf %add3A_715, %gather3A_727 : vector<16xf32>
      %swap3A_729 = arith.index_cast %add3A_706 : i32 to index
      %swap3A_730 = arith.constant 0 : index
      %swap3A_731 = tpu.vector_load %arg18[%swap3A_729, %swap3A_730] {strides = array<i32>} : memref<640x16xf32, #tpu.memory_space<vmem>>, vector<1x16xf32>,
      %swap3A_732 = vector.shape_cast %swap3A_731 : vector<1x16xf32> to vector<16xf32>
      %swap3A_733 = vector.shape_cast %mul3A_728 : vector<16xf32> to vector<1x16xf32>
      tpu.vector_store %arg18[%swap3A_729, %swap3A_730], %swap3A_733 {strides = array<i32>} : memref<640x16xf32, #tpu.memory_space<vmem>>, vector<1x16xf32>,
      %lt3A_734 = arith.constant 0 : i32
      %lt3A_735 = vector.broadcast %lt3A_734 : i32 to vector<16xi32>
      %lt3A_736 = arith.cmpi slt, %broadcast_in_dim3A_717, %lt3A_735 : vector<16xi32>
      %add3A_737 = arith.constant 16 : i32
      %add3A_738 = vector.broadcast %add3A_737 : i32 to vector<16xi32>
      %add3A_739 = arith.addi %broadcast_in_dim3A_717, %add3A_738 : vector<16xi32>
      %select_n3A_740 = arith.select %lt3A_736, %add3A_739, %broadcast_in_dim3A_717 : vector<16xi1>, vector<16xi32>
      %broadcast_in_dim3A_741 = vector.shape_cast %select_n3A_740 : vector<16xi32> to vector<16x1xi32>
      %gather3A_742 = vector.shape_cast %broadcast_in_dim3A_741 : vector<16x1xi32> to vector<16xi32>
      %gather3A_743 = tpu.dynamic_gather %get3A_236[%gather3A_742] in [0] : vector<16xf32>, vector<16xi32> -> vector<16xf32>
      %mul3A_744 = arith.mulf %add3A_715, %gather3A_743 : vector<16xf32>
      %swap3A_745 = arith.index_cast %add3A_706 : i32 to index
      %swap3A_746 = arith.constant 0 : index
      %swap3A_747 = tpu.vector_load %arg17[%swap3A_745, %swap3A_746] {strides = array<i32>} : memref<640x16xf32, #tpu.memory_space<vmem>>, vector<1x16xf32>,
      %swap3A_748 = vector.shape_cast %swap3A_747 : vector<1x16xf32> to vector<16xf32>
      %swap3A_749 = vector.shape_cast %mul3A_744 : vector<16xf32> to vector<1x16xf32>
      tpu.vector_store %arg17[%swap3A_745, %swap3A_746], %swap3A_749 {strides = array<i32>} : memref<640x16xf32, #tpu.memory_space<vmem>>, vector<1x16xf32>,
      %mul3A_750 = arith.constant 16 : i32
      %mul3A_751 = arith.muli %add3A_227, %mul3A_750 : i32
      %add3A_752 = arith.constant 11 : i32
      %add3A_753 = arith.addi %mul3A_751, %add3A_752 : i32
      %get3A_754 = arith.index_cast %add3A_753 : i32 to index
      %get3A_755 = arith.constant 0 : index
      %get3A_756 = tpu.vector_load %arg17[%get3A_754, %get3A_755] {strides = array<i32>} : memref<640x16xf32, #tpu.memory_space<vmem>>, vector<1x16xf32>,
      %get3A_757 = vector.shape_cast %get3A_756 : vector<1x16xf32> to vector<16xf32>
      %get3A_758 = arith.index_cast %add3A_753 : i32 to index
      %get3A_759 = arith.constant 0 : index
      %get3A_760 = tpu.vector_load %arg18[%get3A_758, %get3A_759] {strides = array<i32>} : memref<640x16xf32, #tpu.memory_space<vmem>>, vector<1x16xf32>,
      %get3A_761 = vector.shape_cast %get3A_760 : vector<1x16xf32> to vector<16xf32>
      %add3A_762 = arith.addf %get3A_757, %get3A_761 : vector<16xf32>
      %broadcast_in_dim3A_763 = arith.constant 11 : i32
      %broadcast_in_dim3A_764 = vector.broadcast %broadcast_in_dim3A_763 : i32 to vector<16xi32>
      %lt3A_765 = arith.constant 0 : i32
      %lt3A_766 = vector.broadcast %lt3A_765 : i32 to vector<16xi32>
      %lt3A_767 = arith.cmpi slt, %broadcast_in_dim3A_764, %lt3A_766 : vector<16xi32>
      %add3A_768 = arith.constant 16 : i32
      %add3A_769 = vector.broadcast %add3A_768 : i32 to vector<16xi32>
      %add3A_770 = arith.addi %broadcast_in_dim3A_764, %add3A_769 : vector<16xi32>
      %select_n3A_771 = arith.select %lt3A_767, %add3A_770, %broadcast_in_dim3A_764 : vector<16xi1>, vector<16xi32>
      %broadcast_in_dim3A_772 = vector.shape_cast %select_n3A_771 : vector<16xi32> to vector<16x1xi32>
      %gather3A_773 = vector.shape_cast %broadcast_in_dim3A_772 : vector<16x1xi32> to vector<16xi32>
      %gather3A_774 = tpu.dynamic_gather %get3A_231[%gather3A_773] in [0] : vector<16xf32>, vector<16xi32> -> vector<16xf32>
      %mul3A_775 = arith.mulf %add3A_762, %gather3A_774 : vector<16xf32>
      %swap3A_776 = arith.index_cast %add3A_753 : i32 to index
      %swap3A_777 = arith.constant 0 : index
      %swap3A_778 = tpu.vector_load %arg18[%swap3A_776, %swap3A_777] {strides = array<i32>} : memref<640x16xf32, #tpu.memory_space<vmem>>, vector<1x16xf32>,
      %swap3A_779 = vector.shape_cast %swap3A_778 : vector<1x16xf32> to vector<16xf32>
      %swap3A_780 = vector.shape_cast %mul3A_775 : vector<16xf32> to vector<1x16xf32>
      tpu.vector_store %arg18[%swap3A_776, %swap3A_777], %swap3A_780 {strides = array<i32>} : memref<640x16xf32, #tpu.memory_space<vmem>>, vector<1x16xf32>,
      %lt3A_781 = arith.constant 0 : i32
      %lt3A_782 = vector.broadcast %lt3A_781 : i32 to vector<16xi32>
      %lt3A_783 = arith.cmpi slt, %broadcast_in_dim3A_764, %lt3A_782 : vector<16xi32>
      %add3A_784 = arith.constant 16 : i32
      %add3A_785 = vector.broadcast %add3A_784 : i32 to vector<16xi32>
      %add3A_786 = arith.addi %broadcast_in_dim3A_764, %add3A_785 : vector<16xi32>
      %select_n3A_787 = arith.select %lt3A_783, %add3A_786, %broadcast_in_dim3A_764 : vector<16xi1>, vector<16xi32>
      %broadcast_in_dim3A_788 = vector.shape_cast %select_n3A_787 : vector<16xi32> to vector<16x1xi32>
      %gather3A_789 = vector.shape_cast %broadcast_in_dim3A_788 : vector<16x1xi32> to vector<16xi32>
      %gather3A_790 = tpu.dynamic_gather %get3A_236[%gather3A_789] in [0] : vector<16xf32>, vector<16xi32> -> vector<16xf32>
      %mul3A_791 = arith.mulf %add3A_762, %gather3A_790 : vector<16xf32>
      %swap3A_792 = arith.index_cast %add3A_753 : i32 to index
      %swap3A_793 = arith.constant 0 : index
      %swap3A_794 = tpu.vector_load %arg17[%swap3A_792, %swap3A_793] {strides = array<i32>} : memref<640x16xf32, #tpu.memory_space<vmem>>, vector<1x16xf32>,
      %swap3A_795 = vector.shape_cast %swap3A_794 : vector<1x16xf32> to vector<16xf32>
      %swap3A_796 = vector.shape_cast %mul3A_791 : vector<16xf32> to vector<1x16xf32>
      tpu.vector_store %arg17[%swap3A_792, %swap3A_793], %swap3A_796 {strides = array<i32>} : memref<640x16xf32, #tpu.memory_space<vmem>>, vector<1x16xf32>,
      %mul3A_797 = arith.constant 16 : i32
      %mul3A_798 = arith.muli %add3A_227, %mul3A_797 : i32
      %add3A_799 = arith.constant 12 : i32
      %add3A_800 = arith.addi %mul3A_798, %add3A_799 : i32
      %get3A_801 = arith.index_cast %add3A_800 : i32 to index
      %get3A_802 = arith.constant 0 : index
      %get3A_803 = tpu.vector_load %arg17[%get3A_801, %get3A_802] {strides = array<i32>} : memref<640x16xf32, #tpu.memory_space<vmem>>, vector<1x16xf32>,
      %get3A_804 = vector.shape_cast %get3A_803 : vector<1x16xf32> to vector<16xf32>
      %get3A_805 = arith.index_cast %add3A_800 : i32 to index
      %get3A_806 = arith.constant 0 : index
      %get3A_807 = tpu.vector_load %arg18[%get3A_805, %get3A_806] {strides = array<i32>} : memref<640x16xf32, #tpu.memory_space<vmem>>, vector<1x16xf32>,
      %get3A_808 = vector.shape_cast %get3A_807 : vector<1x16xf32> to vector<16xf32>
      %add3A_809 = arith.addf %get3A_804, %get3A_808 : vector<16xf32>
      %broadcast_in_dim3A_810 = arith.constant 12 : i32
      %broadcast_in_dim3A_811 = vector.broadcast %broadcast_in_dim3A_810 : i32 to vector<16xi32>
      %lt3A_812 = arith.constant 0 : i32
      %lt3A_813 = vector.broadcast %lt3A_812 : i32 to vector<16xi32>
      %lt3A_814 = arith.cmpi slt, %broadcast_in_dim3A_811, %lt3A_813 : vector<16xi32>
      %add3A_815 = arith.constant 16 : i32
      %add3A_816 = vector.broadcast %add3A_815 : i32 to vector<16xi32>
      %add3A_817 = arith.addi %broadcast_in_dim3A_811, %add3A_816 : vector<16xi32>
      %select_n3A_818 = arith.select %lt3A_814, %add3A_817, %broadcast_in_dim3A_811 : vector<16xi1>, vector<16xi32>
      %broadcast_in_dim3A_819 = vector.shape_cast %select_n3A_818 : vector<16xi32> to vector<16x1xi32>
      %gather3A_820 = vector.shape_cast %broadcast_in_dim3A_819 : vector<16x1xi32> to vector<16xi32>
      %gather3A_821 = tpu.dynamic_gather %get3A_231[%gather3A_820] in [0] : vector<16xf32>, vector<16xi32> -> vector<16xf32>
      %mul3A_822 = arith.mulf %add3A_809, %gather3A_821 : vector<16xf32>
      %swap3A_823 = arith.index_cast %add3A_800 : i32 to index
      %swap3A_824 = arith.constant 0 : index
      %swap3A_825 = tpu.vector_load %arg18[%swap3A_823, %swap3A_824] {strides = array<i32>} : memref<640x16xf32, #tpu.memory_space<vmem>>, vector<1x16xf32>,
      %swap3A_826 = vector.shape_cast %swap3A_825 : vector<1x16xf32> to vector<16xf32>
      %swap3A_827 = vector.shape_cast %mul3A_822 : vector<16xf32> to vector<1x16xf32>
      tpu.vector_store %arg18[%swap3A_823, %swap3A_824], %swap3A_827 {strides = array<i32>} : memref<640x16xf32, #tpu.memory_space<vmem>>, vector<1x16xf32>,
      %lt3A_828 = arith.constant 0 : i32
      %lt3A_829 = vector.broadcast %lt3A_828 : i32 to vector<16xi32>
      %lt3A_830 = arith.cmpi slt, %broadcast_in_dim3A_811, %lt3A_829 : vector<16xi32>
      %add3A_831 = arith.constant 16 : i32
      %add3A_832 = vector.broadcast %add3A_831 : i32 to vector<16xi32>
      %add3A_833 = arith.addi %broadcast_in_dim3A_811, %add3A_832 : vector<16xi32>
      %select_n3A_834 = arith.select %lt3A_830, %add3A_833, %broadcast_in_dim3A_811 : vector<16xi1>, vector<16xi32>
      %broadcast_in_dim3A_835 = vector.shape_cast %select_n3A_834 : vector<16xi32> to vector<16x1xi32>
      %gather3A_836 = vector.shape_cast %broadcast_in_dim3A_835 : vector<16x1xi32> to vector<16xi32>
      %gather3A_837 = tpu.dynamic_gather %get3A_236[%gather3A_836] in [0] : vector<16xf32>, vector<16xi32> -> vector<16xf32>
      %mul3A_838 = arith.mulf %add3A_809, %gather3A_837 : vector<16xf32>
      %swap3A_839 = arith.index_cast %add3A_800 : i32 to index
      %swap3A_840 = arith.constant 0 : index
      %swap3A_841 = tpu.vector_load %arg17[%swap3A_839, %swap3A_840] {strides = array<i32>} : memref<640x16xf32, #tpu.memory_space<vmem>>, vector<1x16xf32>,
      %swap3A_842 = vector.shape_cast %swap3A_841 : vector<1x16xf32> to vector<16xf32>
      %swap3A_843 = vector.shape_cast %mul3A_838 : vector<16xf32> to vector<1x16xf32>
      tpu.vector_store %arg17[%swap3A_839, %swap3A_840], %swap3A_843 {strides = array<i32>} : memref<640x16xf32, #tpu.memory_space<vmem>>, vector<1x16xf32>,
      %mul3A_844 = arith.constant 16 : i32
      %mul3A_845 = arith.muli %add3A_227, %mul3A_844 : i32
      %add3A_846 = arith.constant 13 : i32
      %add3A_847 = arith.addi %mul3A_845, %add3A_846 : i32
      %get3A_848 = arith.index_cast %add3A_847 : i32 to index
      %get3A_849 = arith.constant 0 : index
      %get3A_850 = tpu.vector_load %arg17[%get3A_848, %get3A_849] {strides = array<i32>} : memref<640x16xf32, #tpu.memory_space<vmem>>, vector<1x16xf32>,
      %get3A_851 = vector.shape_cast %get3A_850 : vector<1x16xf32> to vector<16xf32>
      %get3A_852 = arith.index_cast %add3A_847 : i32 to index
      %get3A_853 = arith.constant 0 : index
      %get3A_854 = tpu.vector_load %arg18[%get3A_852, %get3A_853] {strides = array<i32>} : memref<640x16xf32, #tpu.memory_space<vmem>>, vector<1x16xf32>,
      %get3A_855 = vector.shape_cast %get3A_854 : vector<1x16xf32> to vector<16xf32>
      %add3A_856 = arith.addf %get3A_851, %get3A_855 : vector<16xf32>
      %broadcast_in_dim3A_857 = arith.constant 13 : i32
      %broadcast_in_dim3A_858 = vector.broadcast %broadcast_in_dim3A_857 : i32 to vector<16xi32>
      %lt3A_859 = arith.constant 0 : i32
      %lt3A_860 = vector.broadcast %lt3A_859 : i32 to vector<16xi32>
      %lt3A_861 = arith.cmpi slt, %broadcast_in_dim3A_858, %lt3A_860 : vector<16xi32>
      %add3A_862 = arith.constant 16 : i32
      %add3A_863 = vector.broadcast %add3A_862 : i32 to vector<16xi32>
      %add3A_864 = arith.addi %broadcast_in_dim3A_858, %add3A_863 : vector<16xi32>
      %select_n3A_865 = arith.select %lt3A_861, %add3A_864, %broadcast_in_dim3A_858 : vector<16xi1>, vector<16xi32>
      %broadcast_in_dim3A_866 = vector.shape_cast %select_n3A_865 : vector<16xi32> to vector<16x1xi32>
      %gather3A_867 = vector.shape_cast %broadcast_in_dim3A_866 : vector<16x1xi32> to vector<16xi32>
      %gather3A_868 = tpu.dynamic_gather %get3A_231[%gather3A_867] in [0] : vector<16xf32>, vector<16xi32> -> vector<16xf32>
      %mul3A_869 = arith.mulf %add3A_856, %gather3A_868 : vector<16xf32>
      %swap3A_870 = arith.index_cast %add3A_847 : i32 to index
      %swap3A_871 = arith.constant 0 : index
      %swap3A_872 = tpu.vector_load %arg18[%swap3A_870, %swap3A_871] {strides = array<i32>} : memref<640x16xf32, #tpu.memory_space<vmem>>, vector<1x16xf32>,
      %swap3A_873 = vector.shape_cast %swap3A_872 : vector<1x16xf32> to vector<16xf32>
      %swap3A_874 = vector.shape_cast %mul3A_869 : vector<16xf32> to vector<1x16xf32>
      tpu.vector_store %arg18[%swap3A_870, %swap3A_871], %swap3A_874 {strides = array<i32>} : memref<640x16xf32, #tpu.memory_space<vmem>>, vector<1x16xf32>,
      %lt3A_875 = arith.constant 0 : i32
      %lt3A_876 = vector.broadcast %lt3A_875 : i32 to vector<16xi32>
      %lt3A_877 = arith.cmpi slt, %broadcast_in_dim3A_858, %lt3A_876 : vector<16xi32>
      %add3A_878 = arith.constant 16 : i32
      %add3A_879 = vector.broadcast %add3A_878 : i32 to vector<16xi32>
      %add3A_880 = arith.addi %broadcast_in_dim3A_858, %add3A_879 : vector<16xi32>
      %select_n3A_881 = arith.select %lt3A_877, %add3A_880, %broadcast_in_dim3A_858 : vector<16xi1>, vector<16xi32>
      %broadcast_in_dim3A_882 = vector.shape_cast %select_n3A_881 : vector<16xi32> to vector<16x1xi32>
      %gather3A_883 = vector.shape_cast %broadcast_in_dim3A_882 : vector<16x1xi32> to vector<16xi32>
      %gather3A_884 = tpu.dynamic_gather %get3A_236[%gather3A_883] in [0] : vector<16xf32>, vector<16xi32> -> vector<16xf32>
      %mul3A_885 = arith.mulf %add3A_856, %gather3A_884 : vector<16xf32>
      %swap3A_886 = arith.index_cast %add3A_847 : i32 to index
      %swap3A_887 = arith.constant 0 : index
      %swap3A_888 = tpu.vector_load %arg17[%swap3A_886, %swap3A_887] {strides = array<i32>} : memref<640x16xf32, #tpu.memory_space<vmem>>, vector<1x16xf32>,
      %swap3A_889 = vector.shape_cast %swap3A_888 : vector<1x16xf32> to vector<16xf32>
      %swap3A_890 = vector.shape_cast %mul3A_885 : vector<16xf32> to vector<1x16xf32>
      tpu.vector_store %arg17[%swap3A_886, %swap3A_887], %swap3A_890 {strides = array<i32>} : memref<640x16xf32, #tpu.memory_space<vmem>>, vector<1x16xf32>,
      %mul3A_891 = arith.constant 16 : i32
      %mul3A_892 = arith.muli %add3A_227, %mul3A_891 : i32
      %add3A_893 = arith.constant 14 : i32
      %add3A_894 = arith.addi %mul3A_892, %add3A_893 : i32
      %get3A_895 = arith.index_cast %add3A_894 : i32 to index
      %get3A_896 = arith.constant 0 : index
      %get3A_897 = tpu.vector_load %arg17[%get3A_895, %get3A_896] {strides = array<i32>} : memref<640x16xf32, #tpu.memory_space<vmem>>, vector<1x16xf32>,
      %get3A_898 = vector.shape_cast %get3A_897 : vector<1x16xf32> to vector<16xf32>
      %get3A_899 = arith.index_cast %add3A_894 : i32 to index
      %get3A_900 = arith.constant 0 : index
      %get3A_901 = tpu.vector_load %arg18[%get3A_899, %get3A_900] {strides = array<i32>} : memref<640x16xf32, #tpu.memory_space<vmem>>, vector<1x16xf32>,
      %get3A_902 = vector.shape_cast %get3A_901 : vector<1x16xf32> to vector<16xf32>
      %add3A_903 = arith.addf %get3A_898, %get3A_902 : vector<16xf32>
      %broadcast_in_dim3A_904 = arith.constant 14 : i32
      %broadcast_in_dim3A_905 = vector.broadcast %broadcast_in_dim3A_904 : i32 to vector<16xi32>
      %lt3A_906 = arith.constant 0 : i32
      %lt3A_907 = vector.broadcast %lt3A_906 : i32 to vector<16xi32>
      %lt3A_908 = arith.cmpi slt, %broadcast_in_dim3A_905, %lt3A_907 : vector<16xi32>
      %add3A_909 = arith.constant 16 : i32
      %add3A_910 = vector.broadcast %add3A_909 : i32 to vector<16xi32>
      %add3A_911 = arith.addi %broadcast_in_dim3A_905, %add3A_910 : vector<16xi32>
      %select_n3A_912 = arith.select %lt3A_908, %add3A_911, %broadcast_in_dim3A_905 : vector<16xi1>, vector<16xi32>
      %broadcast_in_dim3A_913 = vector.shape_cast %select_n3A_912 : vector<16xi32> to vector<16x1xi32>
      %gather3A_914 = vector.shape_cast %broadcast_in_dim3A_913 : vector<16x1xi32> to vector<16xi32>
      %gather3A_915 = tpu.dynamic_gather %get3A_231[%gather3A_914] in [0] : vector<16xf32>, vector<16xi32> -> vector<16xf32>
      %mul3A_916 = arith.mulf %add3A_903, %gather3A_915 : vector<16xf32>
      %swap3A_917 = arith.index_cast %add3A_894 : i32 to index
      %swap3A_918 = arith.constant 0 : index
      %swap3A_919 = tpu.vector_load %arg18[%swap3A_917, %swap3A_918] {strides = array<i32>} : memref<640x16xf32, #tpu.memory_space<vmem>>, vector<1x16xf32>,
      %swap3A_920 = vector.shape_cast %swap3A_919 : vector<1x16xf32> to vector<16xf32>
      %swap3A_921 = vector.shape_cast %mul3A_916 : vector<16xf32> to vector<1x16xf32>
      tpu.vector_store %arg18[%swap3A_917, %swap3A_918], %swap3A_921 {strides = array<i32>} : memref<640x16xf32, #tpu.memory_space<vmem>>, vector<1x16xf32>,
      %lt3A_922 = arith.constant 0 : i32
      %lt3A_923 = vector.broadcast %lt3A_922 : i32 to vector<16xi32>
      %lt3A_924 = arith.cmpi slt, %broadcast_in_dim3A_905, %lt3A_923 : vector<16xi32>
      %add3A_925 = arith.constant 16 : i32
      %add3A_926 = vector.broadcast %add3A_925 : i32 to vector<16xi32>
      %add3A_927 = arith.addi %broadcast_in_dim3A_905, %add3A_926 : vector<16xi32>
      %select_n3A_928 = arith.select %lt3A_924, %add3A_927, %broadcast_in_dim3A_905 : vector<16xi1>, vector<16xi32>
      %broadcast_in_dim3A_929 = vector.shape_cast %select_n3A_928 : vector<16xi32> to vector<16x1xi32>
      %gather3A_930 = vector.shape_cast %broadcast_in_dim3A_929 : vector<16x1xi32> to vector<16xi32>
      %gather3A_931 = tpu.dynamic_gather %get3A_236[%gather3A_930] in [0] : vector<16xf32>, vector<16xi32> -> vector<16xf32>
      %mul3A_932 = arith.mulf %add3A_903, %gather3A_931 : vector<16xf32>
      %swap3A_933 = arith.index_cast %add3A_894 : i32 to index
      %swap3A_934 = arith.constant 0 : index
      %swap3A_935 = tpu.vector_load %arg17[%swap3A_933, %swap3A_934] {strides = array<i32>} : memref<640x16xf32, #tpu.memory_space<vmem>>, vector<1x16xf32>,
      %swap3A_936 = vector.shape_cast %swap3A_935 : vector<1x16xf32> to vector<16xf32>
      %swap3A_937 = vector.shape_cast %mul3A_932 : vector<16xf32> to vector<1x16xf32>
      tpu.vector_store %arg17[%swap3A_933, %swap3A_934], %swap3A_937 {strides = array<i32>} : memref<640x16xf32, #tpu.memory_space<vmem>>, vector<1x16xf32>,
      %mul3A_938 = arith.constant 16 : i32
      %mul3A_939 = arith.muli %add3A_227, %mul3A_938 : i32
      %add3A_940 = arith.constant 15 : i32
      %add3A_941 = arith.addi %mul3A_939, %add3A_940 : i32
      %get3A_942 = arith.index_cast %add3A_941 : i32 to index
      %get3A_943 = arith.constant 0 : index
      %get3A_944 = tpu.vector_load %arg17[%get3A_942, %get3A_943] {strides = array<i32>} : memref<640x16xf32, #tpu.memory_space<vmem>>, vector<1x16xf32>,
      %get3A_945 = vector.shape_cast %get3A_944 : vector<1x16xf32> to vector<16xf32>
      %get3A_946 = arith.index_cast %add3A_941 : i32 to index
      %get3A_947 = arith.constant 0 : index
      %get3A_948 = tpu.vector_load %arg18[%get3A_946, %get3A_947] {strides = array<i32>} : memref<640x16xf32, #tpu.memory_space<vmem>>, vector<1x16xf32>,
      %get3A_949 = vector.shape_cast %get3A_948 : vector<1x16xf32> to vector<16xf32>
      %add3A_950 = arith.addf %get3A_945, %get3A_949 : vector<16xf32>
      %broadcast_in_dim3A_951 = arith.constant 15 : i32
      %broadcast_in_dim3A_952 = vector.broadcast %broadcast_in_dim3A_951 : i32 to vector<16xi32>
      %lt3A_953 = arith.constant 0 : i32
      %lt3A_954 = vector.broadcast %lt3A_953 : i32 to vector<16xi32>
      %lt3A_955 = arith.cmpi slt, %broadcast_in_dim3A_952, %lt3A_954 : vector<16xi32>
      %add3A_956 = arith.constant 16 : i32
      %add3A_957 = vector.broadcast %add3A_956 : i32 to vector<16xi32>
      %add3A_958 = arith.addi %broadcast_in_dim3A_952, %add3A_957 : vector<16xi32>
      %select_n3A_959 = arith.select %lt3A_955, %add3A_958, %broadcast_in_dim3A_952 : vector<16xi1>, vector<16xi32>
      %broadcast_in_dim3A_960 = vector.shape_cast %select_n3A_959 : vector<16xi32> to vector<16x1xi32>
      %gather3A_961 = vector.shape_cast %broadcast_in_dim3A_960 : vector<16x1xi32> to vector<16xi32>
      %gather3A_962 = tpu.dynamic_gather %get3A_231[%gather3A_961] in [0] : vector<16xf32>, vector<16xi32> -> vector<16xf32>
      %mul3A_963 = arith.mulf %add3A_950, %gather3A_962 : vector<16xf32>
      %swap3A_964 = arith.index_cast %add3A_941 : i32 to index
      %swap3A_965 = arith.constant 0 : index
      %swap3A_966 = tpu.vector_load %arg18[%swap3A_964, %swap3A_965] {strides = array<i32>} : memref<640x16xf32, #tpu.memory_space<vmem>>, vector<1x16xf32>,
      %swap3A_967 = vector.shape_cast %swap3A_966 : vector<1x16xf32> to vector<16xf32>
      %swap3A_968 = vector.shape_cast %mul3A_963 : vector<16xf32> to vector<1x16xf32>
      tpu.vector_store %arg18[%swap3A_964, %swap3A_965], %swap3A_968 {strides = array<i32>} : memref<640x16xf32, #tpu.memory_space<vmem>>, vector<1x16xf32>,
      %lt3A_969 = arith.constant 0 : i32
      %lt3A_970 = vector.broadcast %lt3A_969 : i32 to vector<16xi32>
      %lt3A_971 = arith.cmpi slt, %broadcast_in_dim3A_952, %lt3A_970 : vector<16xi32>
      %add3A_972 = arith.constant 16 : i32
      %add3A_973 = vector.broadcast %add3A_972 : i32 to vector<16xi32>
      %add3A_974 = arith.addi %broadcast_in_dim3A_952, %add3A_973 : vector<16xi32>
      %select_n3A_975 = arith.select %lt3A_971, %add3A_974, %broadcast_in_dim3A_952 : vector<16xi1>, vector<16xi32>
      %broadcast_in_dim3A_976 = vector.shape_cast %select_n3A_975 : vector<16xi32> to vector<16x1xi32>
      %gather3A_977 = vector.shape_cast %broadcast_in_dim3A_976 : vector<16x1xi32> to vector<16xi32>
      %gather3A_978 = tpu.dynamic_gather %get3A_236[%gather3A_977] in [0] : vector<16xf32>, vector<16xi32> -> vector<16xf32>
      %mul3A_979 = arith.mulf %add3A_950, %gather3A_978 : vector<16xf32>
      %swap3A_980 = arith.index_cast %add3A_941 : i32 to index
      %swap3A_981 = arith.constant 0 : index
      %swap3A_982 = tpu.vector_load %arg17[%swap3A_980, %swap3A_981] {strides = array<i32>} : memref<640x16xf32, #tpu.memory_space<vmem>>, vector<1x16xf32>,
      %swap3A_983 = vector.shape_cast %swap3A_982 : vector<1x16xf32> to vector<16xf32>
      %swap3A_984 = vector.shape_cast %mul3A_979 : vector<16xf32> to vector<1x16xf32>
      tpu.vector_store %arg17[%swap3A_980, %swap3A_981], %swap3A_984 {strides = array<i32>} : memref<640x16xf32, #tpu.memory_space<vmem>>, vector<1x16xf32>,
    }
    %scan3A_31 = arith.constant 40 : i32
    %eq3A = arith.constant 0 : i32
    %eq3A_32 = arith.cmpi eq, %arg0, %eq3A : i32
    %convert_element_type3A = arith.extui %eq3A_32 : i1 to i32
    %cond3A = arith.constant 0 : i32
    %cond3A_33 = arith.cmpi ne, %convert_element_type3A, %cond3A : i32
    scf.if %cond3A_33 {
      "tpu.region"() ({
        %run_scoped3A = tpu.sem_alloc : memref<!tpu.dma_semaphore, #tpu.memory_space<semaphore_mem>>
        %dma_start3A_223 = arith.constant 0 : i32
        %dma_start3A_224 = tpu.memref_slice %arg8[%mul3A_0, %dma_start3A_223] : memref<10240x16xf32, #tpu.memory_space<hbm>> -> memref<640x16xf32, #tpu.memory_space<hbm>>
        %dma_start3A_225 = arith.constant 0 : i32
        %dma_start3A_226 = tpu.memref_slice %arg8[%mul3A_0, %dma_start3A_225] : memref<10240x16xf32, #tpu.memory_space<hbm>> -> memref<640x16xf32, #tpu.memory_space<hbm>>
        tpu.enqueue_dma source(%arg18 : memref<640x16xf32, #tpu.memory_space<vmem>>) target(%dma_start3A_226 : memref<640x16xf32, #tpu.memory_space<hbm>>) target_semaphore(%run_scoped3A : memref<!tpu.dma_semaphore, #tpu.memory_space<semaphore_mem>>)
        %dma_wait3A_227 = arith.constant 0 : i32
        %dma_wait3A_228 = tpu.memref_slice %arg8[%mul3A_0, %dma_wait3A_227] : memref<10240x16xf32, #tpu.memory_space<hbm>> -> memref<640x16xf32, #tpu.memory_space<hbm>>
        %dma_wait3A_229 = arith.constant 0 : i32
        %dma_wait3A_230 = tpu.memref_slice %arg8[%mul3A_0, %dma_wait3A_229] : memref<10240x16xf32, #tpu.memory_space<hbm>> -> memref<640x16xf32, #tpu.memory_space<hbm>>
        tpu.wait_dma2 semaphore(%run_scoped3A : memref<!tpu.dma_semaphore, #tpu.memory_space<semaphore_mem>>) src(%arg18 : memref<640x16xf32, #tpu.memory_space<vmem>>) dst(%dma_wait3A_230 : memref<640x16xf32, #tpu.memory_space<hbm>>)
        tpu.yield
      }) : () -> ()
    } else {
    }
    "tpu.region"() ({
      %run_scoped3A = tpu.sem_alloc : memref<!tpu.dma_semaphore, #tpu.memory_space<semaphore_mem>>
      %dma_start3A_223 = arith.constant 0 : i32
      %dma_start3A_224 = tpu.memref_slice %arg9[%mul3A_0, %dma_start3A_223] : memref<10240x16xf32, #tpu.memory_space<vmem_shared>> -> memref<640x16xf32, #tpu.memory_space<vmem_shared>>
      %dma_start3A_225 = arith.constant 0 : i32
      %dma_start3A_226 = tpu.memref_slice %arg9[%mul3A_0, %dma_start3A_225] : memref<10240x16xf32, #tpu.memory_space<vmem_shared>> -> memref<640x16xf32, #tpu.memory_space<vmem_shared>>
      tpu.enqueue_dma source(%arg17 : memref<640x16xf32, #tpu.memory_space<vmem>>) target(%dma_start3A_226 : memref<640x16xf32, #tpu.memory_space<vmem_shared>>) target_semaphore(%run_scoped3A : memref<!tpu.dma_semaphore, #tpu.memory_space<semaphore_mem>>)
      %dma_wait3A_227 = arith.constant 0 : i32
      %dma_wait3A_228 = tpu.memref_slice %arg9[%mul3A_0, %dma_wait3A_227] : memref<10240x16xf32, #tpu.memory_space<vmem_shared>> -> memref<640x16xf32, #tpu.memory_space<vmem_shared>>
      %dma_wait3A_229 = arith.constant 0 : i32
      %dma_wait3A_230 = tpu.memref_slice %arg9[%mul3A_0, %dma_wait3A_229] : memref<10240x16xf32, #tpu.memory_space<vmem_shared>> -> memref<640x16xf32, #tpu.memory_space<vmem_shared>>
      tpu.wait_dma2 semaphore(%run_scoped3A : memref<!tpu.dma_semaphore, #tpu.memory_space<semaphore_mem>>) src(%arg17 : memref<640x16xf32, #tpu.memory_space<vmem>>) dst(%dma_wait3A_230 : memref<640x16xf32, #tpu.memory_space<vmem_shared>>)
      tpu.yield
    }) : () -> ()
    %broadcast_in_dim3A = arith.constant 0.000000e+00 : f32
    %broadcast_in_dim3A_34 = vector.broadcast %broadcast_in_dim3A : f32 to vector<16xf32>
    %scan3A_35 = arith.constant 0 : i32
    %scan3A_36 = arith.constant 40 : i32
    %scan3A_37 = arith.addi %scan3A_35, %scan3A_36 : i32
    %scan3A_38 = arith.constant 1 : i32
    scf.for %scan3A_223 = %scan3A_35 to %scan3A_37 step %scan3A_38  : i32 {
      %mul3A_224 = arith.constant 1 : i32
      %mul3A_225 = arith.muli %scan3A_223, %mul3A_224 : i32
      %add3A_226 = arith.constant 0 : i32
      %add3A_227 = arith.addi %add3A_226, %mul3A_225 : i32
      %mul3A_228 = arith.constant 16 : i32
      %mul3A_229 = arith.muli %add3A_227, %mul3A_228 : i32
      %add3A_230 = arith.constant 0 : i32
      %add3A_231 = arith.addi %mul3A_229, %add3A_230 : i32
      %swap3A = arith.index_cast %add3A_231 : i32 to index
      %swap3A_232 = arith.constant 0 : index
      %swap3A_233 = tpu.vector_load %arg17[%swap3A, %swap3A_232] {strides = array<i32>} : memref<640x16xf32, #tpu.memory_space<vmem>>, vector<1x16xf32>,
      %swap3A_234 = vector.shape_cast %swap3A_233 : vector<1x16xf32> to vector<16xf32>
      %swap3A_235 = vector.shape_cast %broadcast_in_dim3A_34 : vector<16xf32> to vector<1x16xf32>
      tpu.vector_store %arg17[%swap3A, %swap3A_232], %swap3A_235 {strides = array<i32>} : memref<640x16xf32, #tpu.memory_space<vmem>>, vector<1x16xf32>,
      %mul3A_236 = arith.constant 16 : i32
      %mul3A_237 = arith.muli %add3A_227, %mul3A_236 : i32
      %add3A_238 = arith.constant 1 : i32
      %add3A_239 = arith.addi %mul3A_237, %add3A_238 : i32
      %swap3A_240 = arith.index_cast %add3A_239 : i32 to index
      %swap3A_241 = arith.constant 0 : index
      %swap3A_242 = tpu.vector_load %arg17[%swap3A_240, %swap3A_241] {strides = array<i32>} : memref<640x16xf32, #tpu.memory_space<vmem>>, vector<1x16xf32>,
      %swap3A_243 = vector.shape_cast %swap3A_242 : vector<1x16xf32> to vector<16xf32>
      %swap3A_244 = vector.shape_cast %broadcast_in_dim3A_34 : vector<16xf32> to vector<1x16xf32>
      tpu.vector_store %arg17[%swap3A_240, %swap3A_241], %swap3A_244 {strides = array<i32>} : memref<640x16xf32, #tpu.memory_space<vmem>>, vector<1x16xf32>,
      %mul3A_245 = arith.constant 16 : i32
      %mul3A_246 = arith.muli %add3A_227, %mul3A_245 : i32
      %add3A_247 = arith.constant 2 : i32
      %add3A_248 = arith.addi %mul3A_246, %add3A_247 : i32
      %swap3A_249 = arith.index_cast %add3A_248 : i32 to index
      %swap3A_250 = arith.constant 0 : index
      %swap3A_251 = tpu.vector_load %arg17[%swap3A_249, %swap3A_250] {strides = array<i32>} : memref<640x16xf32, #tpu.memory_space<vmem>>, vector<1x16xf32>,
      %swap3A_252 = vector.shape_cast %swap3A_251 : vector<1x16xf32> to vector<16xf32>
      %swap3A_253 = vector.shape_cast %broadcast_in_dim3A_34 : vector<16xf32> to vector<1x16xf32>
      tpu.vector_store %arg17[%swap3A_249, %swap3A_250], %swap3A_253 {strides = array<i32>} : memref<640x16xf32, #tpu.memory_space<vmem>>, vector<1x16xf32>,
      %mul3A_254 = arith.constant 16 : i32
      %mul3A_255 = arith.muli %add3A_227, %mul3A_254 : i32
      %add3A_256 = arith.constant 3 : i32
      %add3A_257 = arith.addi %mul3A_255, %add3A_256 : i32
      %swap3A_258 = arith.index_cast %add3A_257 : i32 to index
      %swap3A_259 = arith.constant 0 : index
      %swap3A_260 = tpu.vector_load %arg17[%swap3A_258, %swap3A_259] {strides = array<i32>} : memref<640x16xf32, #tpu.memory_space<vmem>>, vector<1x16xf32>,
      %swap3A_261 = vector.shape_cast %swap3A_260 : vector<1x16xf32> to vector<16xf32>
      %swap3A_262 = vector.shape_cast %broadcast_in_dim3A_34 : vector<16xf32> to vector<1x16xf32>
      tpu.vector_store %arg17[%swap3A_258, %swap3A_259], %swap3A_262 {strides = array<i32>} : memref<640x16xf32, #tpu.memory_space<vmem>>, vector<1x16xf32>,
      %mul3A_263 = arith.constant 16 : i32
      %mul3A_264 = arith.muli %add3A_227, %mul3A_263 : i32
      %add3A_265 = arith.constant 4 : i32
      %add3A_266 = arith.addi %mul3A_264, %add3A_265 : i32
      %swap3A_267 = arith.index_cast %add3A_266 : i32 to index
      %swap3A_268 = arith.constant 0 : index
      %swap3A_269 = tpu.vector_load %arg17[%swap3A_267, %swap3A_268] {strides = array<i32>} : memref<640x16xf32, #tpu.memory_space<vmem>>, vector<1x16xf32>,
      %swap3A_270 = vector.shape_cast %swap3A_269 : vector<1x16xf32> to vector<16xf32>
      %swap3A_271 = vector.shape_cast %broadcast_in_dim3A_34 : vector<16xf32> to vector<1x16xf32>
      tpu.vector_store %arg17[%swap3A_267, %swap3A_268], %swap3A_271 {strides = array<i32>} : memref<640x16xf32, #tpu.memory_space<vmem>>, vector<1x16xf32>,
      %mul3A_272 = arith.constant 16 : i32
      %mul3A_273 = arith.muli %add3A_227, %mul3A_272 : i32
      %add3A_274 = arith.constant 5 : i32
      %add3A_275 = arith.addi %mul3A_273, %add3A_274 : i32
      %swap3A_276 = arith.index_cast %add3A_275 : i32 to index
      %swap3A_277 = arith.constant 0 : index
      %swap3A_278 = tpu.vector_load %arg17[%swap3A_276, %swap3A_277] {strides = array<i32>} : memref<640x16xf32, #tpu.memory_space<vmem>>, vector<1x16xf32>,
      %swap3A_279 = vector.shape_cast %swap3A_278 : vector<1x16xf32> to vector<16xf32>
      %swap3A_280 = vector.shape_cast %broadcast_in_dim3A_34 : vector<16xf32> to vector<1x16xf32>
      tpu.vector_store %arg17[%swap3A_276, %swap3A_277], %swap3A_280 {strides = array<i32>} : memref<640x16xf32, #tpu.memory_space<vmem>>, vector<1x16xf32>,
      %mul3A_281 = arith.constant 16 : i32
      %mul3A_282 = arith.muli %add3A_227, %mul3A_281 : i32
      %add3A_283 = arith.constant 6 : i32
      %add3A_284 = arith.addi %mul3A_282, %add3A_283 : i32
      %swap3A_285 = arith.index_cast %add3A_284 : i32 to index
      %swap3A_286 = arith.constant 0 : index
      %swap3A_287 = tpu.vector_load %arg17[%swap3A_285, %swap3A_286] {strides = array<i32>} : memref<640x16xf32, #tpu.memory_space<vmem>>, vector<1x16xf32>,
      %swap3A_288 = vector.shape_cast %swap3A_287 : vector<1x16xf32> to vector<16xf32>
      %swap3A_289 = vector.shape_cast %broadcast_in_dim3A_34 : vector<16xf32> to vector<1x16xf32>
      tpu.vector_store %arg17[%swap3A_285, %swap3A_286], %swap3A_289 {strides = array<i32>} : memref<640x16xf32, #tpu.memory_space<vmem>>, vector<1x16xf32>,
      %mul3A_290 = arith.constant 16 : i32
      %mul3A_291 = arith.muli %add3A_227, %mul3A_290 : i32
      %add3A_292 = arith.constant 7 : i32
      %add3A_293 = arith.addi %mul3A_291, %add3A_292 : i32
      %swap3A_294 = arith.index_cast %add3A_293 : i32 to index
      %swap3A_295 = arith.constant 0 : index
      %swap3A_296 = tpu.vector_load %arg17[%swap3A_294, %swap3A_295] {strides = array<i32>} : memref<640x16xf32, #tpu.memory_space<vmem>>, vector<1x16xf32>,
      %swap3A_297 = vector.shape_cast %swap3A_296 : vector<1x16xf32> to vector<16xf32>
      %swap3A_298 = vector.shape_cast %broadcast_in_dim3A_34 : vector<16xf32> to vector<1x16xf32>
      tpu.vector_store %arg17[%swap3A_294, %swap3A_295], %swap3A_298 {strides = array<i32>} : memref<640x16xf32, #tpu.memory_space<vmem>>, vector<1x16xf32>,
      %mul3A_299 = arith.constant 16 : i32
      %mul3A_300 = arith.muli %add3A_227, %mul3A_299 : i32
      %add3A_301 = arith.constant 8 : i32
      %add3A_302 = arith.addi %mul3A_300, %add3A_301 : i32
      %swap3A_303 = arith.index_cast %add3A_302 : i32 to index
      %swap3A_304 = arith.constant 0 : index
      %swap3A_305 = tpu.vector_load %arg17[%swap3A_303, %swap3A_304] {strides = array<i32>} : memref<640x16xf32, #tpu.memory_space<vmem>>, vector<1x16xf32>,
      %swap3A_306 = vector.shape_cast %swap3A_305 : vector<1x16xf32> to vector<16xf32>
      %swap3A_307 = vector.shape_cast %broadcast_in_dim3A_34 : vector<16xf32> to vector<1x16xf32>
      tpu.vector_store %arg17[%swap3A_303, %swap3A_304], %swap3A_307 {strides = array<i32>} : memref<640x16xf32, #tpu.memory_space<vmem>>, vector<1x16xf32>,
      %mul3A_308 = arith.constant 16 : i32
      %mul3A_309 = arith.muli %add3A_227, %mul3A_308 : i32
      %add3A_310 = arith.constant 9 : i32
      %add3A_311 = arith.addi %mul3A_309, %add3A_310 : i32
      %swap3A_312 = arith.index_cast %add3A_311 : i32 to index
      %swap3A_313 = arith.constant 0 : index
      %swap3A_314 = tpu.vector_load %arg17[%swap3A_312, %swap3A_313] {strides = array<i32>} : memref<640x16xf32, #tpu.memory_space<vmem>>, vector<1x16xf32>,
      %swap3A_315 = vector.shape_cast %swap3A_314 : vector<1x16xf32> to vector<16xf32>
      %swap3A_316 = vector.shape_cast %broadcast_in_dim3A_34 : vector<16xf32> to vector<1x16xf32>
      tpu.vector_store %arg17[%swap3A_312, %swap3A_313], %swap3A_316 {strides = array<i32>} : memref<640x16xf32, #tpu.memory_space<vmem>>, vector<1x16xf32>,
      %mul3A_317 = arith.constant 16 : i32
      %mul3A_318 = arith.muli %add3A_227, %mul3A_317 : i32
      %add3A_319 = arith.constant 10 : i32
      %add3A_320 = arith.addi %mul3A_318, %add3A_319 : i32
      %swap3A_321 = arith.index_cast %add3A_320 : i32 to index
      %swap3A_322 = arith.constant 0 : index
      %swap3A_323 = tpu.vector_load %arg17[%swap3A_321, %swap3A_322] {strides = array<i32>} : memref<640x16xf32, #tpu.memory_space<vmem>>, vector<1x16xf32>,
      %swap3A_324 = vector.shape_cast %swap3A_323 : vector<1x16xf32> to vector<16xf32>
      %swap3A_325 = vector.shape_cast %broadcast_in_dim3A_34 : vector<16xf32> to vector<1x16xf32>
      tpu.vector_store %arg17[%swap3A_321, %swap3A_322], %swap3A_325 {strides = array<i32>} : memref<640x16xf32, #tpu.memory_space<vmem>>, vector<1x16xf32>,
      %mul3A_326 = arith.constant 16 : i32
      %mul3A_327 = arith.muli %add3A_227, %mul3A_326 : i32
      %add3A_328 = arith.constant 11 : i32
      %add3A_329 = arith.addi %mul3A_327, %add3A_328 : i32
      %swap3A_330 = arith.index_cast %add3A_329 : i32 to index
      %swap3A_331 = arith.constant 0 : index
      %swap3A_332 = tpu.vector_load %arg17[%swap3A_330, %swap3A_331] {strides = array<i32>} : memref<640x16xf32, #tpu.memory_space<vmem>>, vector<1x16xf32>,
      %swap3A_333 = vector.shape_cast %swap3A_332 : vector<1x16xf32> to vector<16xf32>
      %swap3A_334 = vector.shape_cast %broadcast_in_dim3A_34 : vector<16xf32> to vector<1x16xf32>
      tpu.vector_store %arg17[%swap3A_330, %swap3A_331], %swap3A_334 {strides = array<i32>} : memref<640x16xf32, #tpu.memory_space<vmem>>, vector<1x16xf32>,
      %mul3A_335 = arith.constant 16 : i32
      %mul3A_336 = arith.muli %add3A_227, %mul3A_335 : i32
      %add3A_337 = arith.constant 12 : i32
      %add3A_338 = arith.addi %mul3A_336, %add3A_337 : i32
      %swap3A_339 = arith.index_cast %add3A_338 : i32 to index
      %swap3A_340 = arith.constant 0 : index
      %swap3A_341 = tpu.vector_load %arg17[%swap3A_339, %swap3A_340] {strides = array<i32>} : memref<640x16xf32, #tpu.memory_space<vmem>>, vector<1x16xf32>,
      %swap3A_342 = vector.shape_cast %swap3A_341 : vector<1x16xf32> to vector<16xf32>
      %swap3A_343 = vector.shape_cast %broadcast_in_dim3A_34 : vector<16xf32> to vector<1x16xf32>
      tpu.vector_store %arg17[%swap3A_339, %swap3A_340], %swap3A_343 {strides = array<i32>} : memref<640x16xf32, #tpu.memory_space<vmem>>, vector<1x16xf32>,
      %mul3A_344 = arith.constant 16 : i32
      %mul3A_345 = arith.muli %add3A_227, %mul3A_344 : i32
      %add3A_346 = arith.constant 13 : i32
      %add3A_347 = arith.addi %mul3A_345, %add3A_346 : i32
      %swap3A_348 = arith.index_cast %add3A_347 : i32 to index
      %swap3A_349 = arith.constant 0 : index
      %swap3A_350 = tpu.vector_load %arg17[%swap3A_348, %swap3A_349] {strides = array<i32>} : memref<640x16xf32, #tpu.memory_space<vmem>>, vector<1x16xf32>,
      %swap3A_351 = vector.shape_cast %swap3A_350 : vector<1x16xf32> to vector<16xf32>
      %swap3A_352 = vector.shape_cast %broadcast_in_dim3A_34 : vector<16xf32> to vector<1x16xf32>
      tpu.vector_store %arg17[%swap3A_348, %swap3A_349], %swap3A_352 {strides = array<i32>} : memref<640x16xf32, #tpu.memory_space<vmem>>, vector<1x16xf32>,
      %mul3A_353 = arith.constant 16 : i32
      %mul3A_354 = arith.muli %add3A_227, %mul3A_353 : i32
      %add3A_355 = arith.constant 14 : i32
      %add3A_356 = arith.addi %mul3A_354, %add3A_355 : i32
      %swap3A_357 = arith.index_cast %add3A_356 : i32 to index
      %swap3A_358 = arith.constant 0 : index
      %swap3A_359 = tpu.vector_load %arg17[%swap3A_357, %swap3A_358] {strides = array<i32>} : memref<640x16xf32, #tpu.memory_space<vmem>>, vector<1x16xf32>,
      %swap3A_360 = vector.shape_cast %swap3A_359 : vector<1x16xf32> to vector<16xf32>
      %swap3A_361 = vector.shape_cast %broadcast_in_dim3A_34 : vector<16xf32> to vector<1x16xf32>
      tpu.vector_store %arg17[%swap3A_357, %swap3A_358], %swap3A_361 {strides = array<i32>} : memref<640x16xf32, #tpu.memory_space<vmem>>, vector<1x16xf32>,
      %mul3A_362 = arith.constant 16 : i32
      %mul3A_363 = arith.muli %add3A_227, %mul3A_362 : i32
      %add3A_364 = arith.constant 15 : i32
      %add3A_365 = arith.addi %mul3A_363, %add3A_364 : i32
      %swap3A_366 = arith.index_cast %add3A_365 : i32 to index
      %swap3A_367 = arith.constant 0 : index
      %swap3A_368 = tpu.vector_load %arg17[%swap3A_366, %swap3A_367] {strides = array<i32>} : memref<640x16xf32, #tpu.memory_space<vmem>>, vector<1x16xf32>,
      %swap3A_369 = vector.shape_cast %swap3A_368 : vector<1x16xf32> to vector<16xf32>
      %swap3A_370 = vector.shape_cast %broadcast_in_dim3A_34 : vector<16xf32> to vector<1x16xf32>
      tpu.vector_store %arg17[%swap3A_366, %swap3A_367], %swap3A_370 {strides = array<i32>} : memref<640x16xf32, #tpu.memory_space<vmem>>, vector<1x16xf32>,
    }
    %scan3A_39 = arith.constant 40 : i32
    "tpu.region"() ({
      %run_scoped3A = tpu.sem_alloc : memref<!tpu.dma_semaphore, #tpu.memory_space<semaphore_mem>>
      %dma_start3A_223 = arith.constant 0 : i32
      %dma_start3A_224 = tpu.memref_slice %arg10[%mul3A_0, %dma_start3A_223] : memref<10240x16xf32, #tpu.memory_space<vmem_shared>> -> memref<640x16xf32, #tpu.memory_space<vmem_shared>>
      %dma_start3A_225 = arith.constant 0 : i32
      %dma_start3A_226 = tpu.memref_slice %arg10[%mul3A_0, %dma_start3A_225] : memref<10240x16xf32, #tpu.memory_space<vmem_shared>> -> memref<640x16xf32, #tpu.memory_space<vmem_shared>>
      tpu.enqueue_dma source(%arg17 : memref<640x16xf32, #tpu.memory_space<vmem>>) target(%dma_start3A_226 : memref<640x16xf32, #tpu.memory_space<vmem_shared>>) target_semaphore(%run_scoped3A : memref<!tpu.dma_semaphore, #tpu.memory_space<semaphore_mem>>)
      %dma_wait3A_227 = arith.constant 0 : i32
      %dma_wait3A_228 = tpu.memref_slice %arg10[%mul3A_0, %dma_wait3A_227] : memref<10240x16xf32, #tpu.memory_space<vmem_shared>> -> memref<640x16xf32, #tpu.memory_space<vmem_shared>>
      %dma_wait3A_229 = arith.constant 0 : i32
      %dma_wait3A_230 = tpu.memref_slice %arg10[%mul3A_0, %dma_wait3A_229] : memref<10240x16xf32, #tpu.memory_space<vmem_shared>> -> memref<640x16xf32, #tpu.memory_space<vmem_shared>>
      tpu.wait_dma2 semaphore(%run_scoped3A : memref<!tpu.dma_semaphore, #tpu.memory_space<semaphore_mem>>) src(%arg17 : memref<640x16xf32, #tpu.memory_space<vmem>>) dst(%dma_wait3A_230 : memref<640x16xf32, #tpu.memory_space<vmem_shared>>)
      tpu.yield
    }) : () -> ()
    %barrier3A = arith.constant 0 : index
    tpu.barrier barrier_id(%barrier3A)
    %add3A_40 = arith.constant 0 : i32
    %add3A_41 = arith.addi %mul3A_4, %add3A_40 : i32
    %multiple_of3A = tpu.assume_multiple %add3A_41, 8 : i32
    %dma_start3A = arith.constant 0 : i32
    %dma_start3A_42 = tpu.memref_slice %arg2[%dma_start3A, %multiple_of3A] : memref<2x320000xi32, #tpu.memory_space<hbm>> -> memref<1x2000xi32, #tpu.memory_space<hbm>>
    %dma_start3A_43 = tpu.memref_squeeze %dma_start3A_42 : memref<1x2000xi32, #tpu.memory_space<hbm>> -> memref<2000xi32, #tpu.memory_space<hbm>>
    %dma_start3A_44 = tpu.memref_slice %arg2[%dma_start3A, %multiple_of3A] : memref<2x320000xi32, #tpu.memory_space<hbm>> -> memref<1x2000xi32, #tpu.memory_space<hbm>>
    %dma_start3A_45 = tpu.memref_squeeze %dma_start3A_44 : memref<1x2000xi32, #tpu.memory_space<hbm>> -> memref<2000xi32, #tpu.memory_space<hbm>>
    tpu.enqueue_dma source(%dma_start3A_45 : memref<2000xi32, #tpu.memory_space<hbm>>) target(%arg11 : memref<2000xi32, #tpu.memory_space<vmem>>) target_semaphore(%arg22 : memref<!tpu.dma_semaphore, #tpu.memory_space<semaphore_mem>>)
    %dma_start3A_46 = arith.constant 1 : i32
    %dma_start3A_47 = tpu.memref_slice %arg2[%dma_start3A_46, %multiple_of3A] : memref<2x320000xi32, #tpu.memory_space<hbm>> -> memref<1x2000xi32, #tpu.memory_space<hbm>>
    %dma_start3A_48 = tpu.memref_squeeze %dma_start3A_47 : memref<1x2000xi32, #tpu.memory_space<hbm>> -> memref<2000xi32, #tpu.memory_space<hbm>>
    %dma_start3A_49 = tpu.memref_slice %arg2[%dma_start3A_46, %multiple_of3A] : memref<2x320000xi32, #tpu.memory_space<hbm>> -> memref<1x2000xi32, #tpu.memory_space<hbm>>
    %dma_start3A_50 = tpu.memref_squeeze %dma_start3A_49 : memref<1x2000xi32, #tpu.memory_space<hbm>> -> memref<2000xi32, #tpu.memory_space<hbm>>
    tpu.enqueue_dma source(%dma_start3A_50 : memref<2000xi32, #tpu.memory_space<hbm>>) target(%arg13 : memref<2000xi32, #tpu.memory_space<vmem>>) target_semaphore(%arg23 : memref<!tpu.dma_semaphore, #tpu.memory_space<semaphore_mem>>)
    %dma_wait3A = arith.constant 0 : i32
    %dma_wait3A_51 = tpu.memref_slice %arg2[%dma_wait3A, %multiple_of3A] : memref<2x320000xi32, #tpu.memory_space<hbm>> -> memref<1x2000xi32, #tpu.memory_space<hbm>>
    %dma_wait3A_52 = tpu.memref_squeeze %dma_wait3A_51 : memref<1x2000xi32, #tpu.memory_space<hbm>> -> memref<2000xi32, #tpu.memory_space<hbm>>
    %dma_wait3A_53 = tpu.memref_slice %arg2[%dma_wait3A, %multiple_of3A] : memref<2x320000xi32, #tpu.memory_space<hbm>> -> memref<1x2000xi32, #tpu.memory_space<hbm>>
    %dma_wait3A_54 = tpu.memref_squeeze %dma_wait3A_53 : memref<1x2000xi32, #tpu.memory_space<hbm>> -> memref<2000xi32, #tpu.memory_space<hbm>>
    tpu.wait_dma2 semaphore(%arg22 : memref<!tpu.dma_semaphore, #tpu.memory_space<semaphore_mem>>) src(%dma_wait3A_54 : memref<2000xi32, #tpu.memory_space<hbm>>) dst(%arg11 : memref<2000xi32, #tpu.memory_space<vmem>>)
    %dma_wait3A_55 = arith.constant 1 : i32
    %dma_wait3A_56 = tpu.memref_slice %arg2[%dma_wait3A_55, %multiple_of3A] : memref<2x320000xi32, #tpu.memory_space<hbm>> -> memref<1x2000xi32, #tpu.memory_space<hbm>>
    %dma_wait3A_57 = tpu.memref_squeeze %dma_wait3A_56 : memref<1x2000xi32, #tpu.memory_space<hbm>> -> memref<2000xi32, #tpu.memory_space<hbm>>
    %dma_wait3A_58 = tpu.memref_slice %arg2[%dma_wait3A_55, %multiple_of3A] : memref<2x320000xi32, #tpu.memory_space<hbm>> -> memref<1x2000xi32, #tpu.memory_space<hbm>>
    %dma_wait3A_59 = tpu.memref_squeeze %dma_wait3A_58 : memref<1x2000xi32, #tpu.memory_space<hbm>> -> memref<2000xi32, #tpu.memory_space<hbm>>
    tpu.wait_dma2 semaphore(%arg23 : memref<!tpu.dma_semaphore, #tpu.memory_space<semaphore_mem>>) src(%dma_wait3A_59 : memref<2000xi32, #tpu.memory_space<hbm>>) dst(%arg13 : memref<2000xi32, #tpu.memory_space<vmem>>)
    %dma_start3A_60 = arith.constant 0 : i32
    %dma_start3A_61 = arith.constant 0 : i32
    %dma_start3A_62 = tpu.memref_slice %arg9[%dma_start3A_60, %dma_start3A_61] : memref<10240x16xf32, #tpu.memory_space<vmem_shared>> -> memref<10240x16xf32, #tpu.memory_space<vmem_shared>>
    tpu.enqueue_indirect_dma source(%dma_start3A_62 : memref<10240x16xf32, #tpu.memory_space<vmem_shared>>) target(%arg15 : memref<2000x16xf32, #tpu.memory_space<vmem>>) offsets(%arg11 : memref<2000xi32, #tpu.memory_space<vmem>>) semaphore(%arg22 : memref<!tpu.dma_semaphore, #tpu.memory_space<semaphore_mem>>)
    %dma_wait3A_63 = arith.constant 0 : i32
    %dma_wait3A_64 = arith.constant 0 : i32
    %dma_wait3A_65 = tpu.memref_slice %arg9[%dma_wait3A_63, %dma_wait3A_64] : memref<10240x16xf32, #tpu.memory_space<vmem_shared>> -> memref<10240x16xf32, #tpu.memory_space<vmem_shared>>
    tpu.wait_indirect_dma semaphore(%arg22 : memref<!tpu.dma_semaphore, #tpu.memory_space<semaphore_mem>>) src(%dma_wait3A_65 : memref<10240x16xf32, #tpu.memory_space<vmem_shared>>) dst(%arg15 : memref<2000x16xf32, #tpu.memory_space<vmem>>)
    %dma_start3A_66 = arith.constant 0 : i32
    %dma_start3A_67 = arith.constant 0 : i32
    %dma_start3A_68 = tpu.memref_slice %arg10[%dma_start3A_66, %dma_start3A_67] : memref<10240x16xf32, #tpu.memory_space<vmem_shared>> -> memref<10240x16xf32, #tpu.memory_space<vmem_shared>>
    tpu.enqueue_indirect_dma source(%arg15 : memref<2000x16xf32, #tpu.memory_space<vmem>>) target(%dma_start3A_68 : memref<10240x16xf32, #tpu.memory_space<vmem_shared>>) offsets(%arg13 : memref<2000xi32, #tpu.memory_space<vmem>>) semaphore(%arg23 : memref<!tpu.dma_semaphore, #tpu.memory_space<semaphore_mem>>) {add = true}
    %add3A_69 = arith.constant 2000 : i32
    %add3A_70 = arith.addi %mul3A_4, %add3A_69 : i32
    %multiple_of3A_71 = tpu.assume_multiple %add3A_70, 8 : i32
    %dma_start3A_72 = arith.constant 0 : i32
    %dma_start3A_73 = tpu.memref_slice %arg2[%dma_start3A_72, %multiple_of3A_71] : memref<2x320000xi32, #tpu.memory_space<hbm>> -> memref<1x2000xi32, #tpu.memory_space<hbm>>
    %dma_start3A_74 = tpu.memref_squeeze %dma_start3A_73 : memref<1x2000xi32, #tpu.memory_space<hbm>> -> memref<2000xi32, #tpu.memory_space<hbm>>
    %dma_start3A_75 = tpu.memref_slice %arg2[%dma_start3A_72, %multiple_of3A_71] : memref<2x320000xi32, #tpu.memory_space<hbm>> -> memref<1x2000xi32, #tpu.memory_space<hbm>>
    %dma_start3A_76 = tpu.memref_squeeze %dma_start3A_75 : memref<1x2000xi32, #tpu.memory_space<hbm>> -> memref<2000xi32, #tpu.memory_space<hbm>>
    tpu.enqueue_dma source(%dma_start3A_76 : memref<2000xi32, #tpu.memory_space<hbm>>) target(%arg12 : memref<2000xi32, #tpu.memory_space<vmem>>) target_semaphore(%arg22 : memref<!tpu.dma_semaphore, #tpu.memory_space<semaphore_mem>>)
    %dma_start3A_77 = arith.constant 1 : i32
    %dma_start3A_78 = tpu.memref_slice %arg2[%dma_start3A_77, %multiple_of3A_71] : memref<2x320000xi32, #tpu.memory_space<hbm>> -> memref<1x2000xi32, #tpu.memory_space<hbm>>
    %dma_start3A_79 = tpu.memref_squeeze %dma_start3A_78 : memref<1x2000xi32, #tpu.memory_space<hbm>> -> memref<2000xi32, #tpu.memory_space<hbm>>
    %dma_start3A_80 = tpu.memref_slice %arg2[%dma_start3A_77, %multiple_of3A_71] : memref<2x320000xi32, #tpu.memory_space<hbm>> -> memref<1x2000xi32, #tpu.memory_space<hbm>>
    %dma_start3A_81 = tpu.memref_squeeze %dma_start3A_80 : memref<1x2000xi32, #tpu.memory_space<hbm>> -> memref<2000xi32, #tpu.memory_space<hbm>>
    tpu.enqueue_dma source(%dma_start3A_81 : memref<2000xi32, #tpu.memory_space<hbm>>) target(%arg14 : memref<2000xi32, #tpu.memory_space<vmem>>) target_semaphore(%arg24 : memref<!tpu.dma_semaphore, #tpu.memory_space<semaphore_mem>>)
    %dma_wait3A_82 = arith.constant 0 : i32
    %dma_wait3A_83 = tpu.memref_slice %arg2[%dma_wait3A_82, %multiple_of3A_71] : memref<2x320000xi32, #tpu.memory_space<hbm>> -> memref<1x2000xi32, #tpu.memory_space<hbm>>
    %dma_wait3A_84 = tpu.memref_squeeze %dma_wait3A_83 : memref<1x2000xi32, #tpu.memory_space<hbm>> -> memref<2000xi32, #tpu.memory_space<hbm>>
    %dma_wait3A_85 = tpu.memref_slice %arg2[%dma_wait3A_82, %multiple_of3A_71] : memref<2x320000xi32, #tpu.memory_space<hbm>> -> memref<1x2000xi32, #tpu.memory_space<hbm>>
    %dma_wait3A_86 = tpu.memref_squeeze %dma_wait3A_85 : memref<1x2000xi32, #tpu.memory_space<hbm>> -> memref<2000xi32, #tpu.memory_space<hbm>>
    tpu.wait_dma2 semaphore(%arg22 : memref<!tpu.dma_semaphore, #tpu.memory_space<semaphore_mem>>) src(%dma_wait3A_86 : memref<2000xi32, #tpu.memory_space<hbm>>) dst(%arg12 : memref<2000xi32, #tpu.memory_space<vmem>>)
    %dma_wait3A_87 = arith.constant 1 : i32
    %dma_wait3A_88 = tpu.memref_slice %arg2[%dma_wait3A_87, %multiple_of3A_71] : memref<2x320000xi32, #tpu.memory_space<hbm>> -> memref<1x2000xi32, #tpu.memory_space<hbm>>
    %dma_wait3A_89 = tpu.memref_squeeze %dma_wait3A_88 : memref<1x2000xi32, #tpu.memory_space<hbm>> -> memref<2000xi32, #tpu.memory_space<hbm>>
    %dma_wait3A_90 = tpu.memref_slice %arg2[%dma_wait3A_87, %multiple_of3A_71] : memref<2x320000xi32, #tpu.memory_space<hbm>> -> memref<1x2000xi32, #tpu.memory_space<hbm>>
    %dma_wait3A_91 = tpu.memref_squeeze %dma_wait3A_90 : memref<1x2000xi32, #tpu.memory_space<hbm>> -> memref<2000xi32, #tpu.memory_space<hbm>>
    tpu.wait_dma2 semaphore(%arg24 : memref<!tpu.dma_semaphore, #tpu.memory_space<semaphore_mem>>) src(%dma_wait3A_91 : memref<2000xi32, #tpu.memory_space<hbm>>) dst(%arg14 : memref<2000xi32, #tpu.memory_space<vmem>>)
    %dma_start3A_92 = arith.constant 0 : i32
    %dma_start3A_93 = arith.constant 0 : i32
    %dma_start3A_94 = tpu.memref_slice %arg9[%dma_start3A_92, %dma_start3A_93] : memref<10240x16xf32, #tpu.memory_space<vmem_shared>> -> memref<10240x16xf32, #tpu.memory_space<vmem_shared>>
    tpu.enqueue_indirect_dma source(%dma_start3A_94 : memref<10240x16xf32, #tpu.memory_space<vmem_shared>>) target(%arg16 : memref<2000x16xf32, #tpu.memory_space<vmem>>) offsets(%arg12 : memref<2000xi32, #tpu.memory_space<vmem>>) semaphore(%arg22 : memref<!tpu.dma_semaphore, #tpu.memory_space<semaphore_mem>>)
    %dma_wait3A_95 = arith.constant 0 : i32
    %dma_wait3A_96 = arith.constant 0 : i32
    %dma_wait3A_97 = tpu.memref_slice %arg9[%dma_wait3A_95, %dma_wait3A_96] : memref<10240x16xf32, #tpu.memory_space<vmem_shared>> -> memref<10240x16xf32, #tpu.memory_space<vmem_shared>>
    tpu.wait_indirect_dma semaphore(%arg22 : memref<!tpu.dma_semaphore, #tpu.memory_space<semaphore_mem>>) src(%dma_wait3A_97 : memref<10240x16xf32, #tpu.memory_space<vmem_shared>>) dst(%arg16 : memref<2000x16xf32, #tpu.memory_space<vmem>>)
    %dma_start3A_98 = arith.constant 0 : i32
    %dma_start3A_99 = arith.constant 0 : i32
    %dma_start3A_100 = tpu.memref_slice %arg10[%dma_start3A_98, %dma_start3A_99] : memref<10240x16xf32, #tpu.memory_space<vmem_shared>> -> memref<10240x16xf32, #tpu.memory_space<vmem_shared>>
    tpu.enqueue_indirect_dma source(%arg16 : memref<2000x16xf32, #tpu.memory_space<vmem>>) target(%dma_start3A_100 : memref<10240x16xf32, #tpu.memory_space<vmem_shared>>) offsets(%arg14 : memref<2000xi32, #tpu.memory_space<vmem>>) semaphore(%arg24 : memref<!tpu.dma_semaphore, #tpu.memory_space<semaphore_mem>>) {add = true}
    %dma_wait3A_101 = arith.constant 0 : i32
    %dma_wait3A_102 = arith.constant 0 : i32
    %dma_wait3A_103 = tpu.memref_slice %arg10[%dma_wait3A_101, %dma_wait3A_102] : memref<10240x16xf32, #tpu.memory_space<vmem_shared>> -> memref<10240x16xf32, #tpu.memory_space<vmem_shared>>
    tpu.wait_indirect_dma semaphore(%arg23 : memref<!tpu.dma_semaphore, #tpu.memory_space<semaphore_mem>>) src(%arg15 : memref<2000x16xf32, #tpu.memory_space<vmem>>) dst(%dma_wait3A_103 : memref<10240x16xf32, #tpu.memory_space<vmem_shared>>)
    %add3A_104 = arith.constant 4000 : i32
    %add3A_105 = arith.addi %mul3A_4, %add3A_104 : i32
    %multiple_of3A_106 = tpu.assume_multiple %add3A_105, 8 : i32
    %dma_start3A_107 = arith.constant 0 : i32
    %dma_start3A_108 = tpu.memref_slice %arg2[%dma_start3A_107, %multiple_of3A_106] : memref<2x320000xi32, #tpu.memory_space<hbm>> -> memref<1x2000xi32, #tpu.memory_space<hbm>>
    %dma_start3A_109 = tpu.memref_squeeze %dma_start3A_108 : memref<1x2000xi32, #tpu.memory_space<hbm>> -> memref<2000xi32, #tpu.memory_space<hbm>>
    %dma_start3A_110 = tpu.memref_slice %arg2[%dma_start3A_107, %multiple_of3A_106] : memref<2x320000xi32, #tpu.memory_space<hbm>> -> memref<1x2000xi32, #tpu.memory_space<hbm>>
    %dma_start3A_111 = tpu.memref_squeeze %dma_start3A_110 : memref<1x2000xi32, #tpu.memory_space<hbm>> -> memref<2000xi32, #tpu.memory_space<hbm>>
    tpu.enqueue_dma source(%dma_start3A_111 : memref<2000xi32, #tpu.memory_space<hbm>>) target(%arg11 : memref<2000xi32, #tpu.memory_space<vmem>>) target_semaphore(%arg22 : memref<!tpu.dma_semaphore, #tpu.memory_space<semaphore_mem>>)
    %dma_start3A_112 = arith.constant 1 : i32
    %dma_start3A_113 = tpu.memref_slice %arg2[%dma_start3A_112, %multiple_of3A_106] : memref<2x320000xi32, #tpu.memory_space<hbm>> -> memref<1x2000xi32, #tpu.memory_space<hbm>>
    %dma_start3A_114 = tpu.memref_squeeze %dma_start3A_113 : memref<1x2000xi32, #tpu.memory_space<hbm>> -> memref<2000xi32, #tpu.memory_space<hbm>>
    %dma_start3A_115 = tpu.memref_slice %arg2[%dma_start3A_112, %multiple_of3A_106] : memref<2x320000xi32, #tpu.memory_space<hbm>> -> memref<1x2000xi32, #tpu.memory_space<hbm>>
    %dma_start3A_116 = tpu.memref_squeeze %dma_start3A_115 : memref<1x2000xi32, #tpu.memory_space<hbm>> -> memref<2000xi32, #tpu.memory_space<hbm>>
    tpu.enqueue_dma source(%dma_start3A_116 : memref<2000xi32, #tpu.memory_space<hbm>>) target(%arg13 : memref<2000xi32, #tpu.memory_space<vmem>>) target_semaphore(%arg23 : memref<!tpu.dma_semaphore, #tpu.memory_space<semaphore_mem>>)
    %dma_wait3A_117 = arith.constant 0 : i32
    %dma_wait3A_118 = tpu.memref_slice %arg2[%dma_wait3A_117, %multiple_of3A_106] : memref<2x320000xi32, #tpu.memory_space<hbm>> -> memref<1x2000xi32, #tpu.memory_space<hbm>>
    %dma_wait3A_119 = tpu.memref_squeeze %dma_wait3A_118 : memref<1x2000xi32, #tpu.memory_space<hbm>> -> memref<2000xi32, #tpu.memory_space<hbm>>
    %dma_wait3A_120 = tpu.memref_slice %arg2[%dma_wait3A_117, %multiple_of3A_106] : memref<2x320000xi32, #tpu.memory_space<hbm>> -> memref<1x2000xi32, #tpu.memory_space<hbm>>
    %dma_wait3A_121 = tpu.memref_squeeze %dma_wait3A_120 : memref<1x2000xi32, #tpu.memory_space<hbm>> -> memref<2000xi32, #tpu.memory_space<hbm>>
    tpu.wait_dma2 semaphore(%arg22 : memref<!tpu.dma_semaphore, #tpu.memory_space<semaphore_mem>>) src(%dma_wait3A_121 : memref<2000xi32, #tpu.memory_space<hbm>>) dst(%arg11 : memref<2000xi32, #tpu.memory_space<vmem>>)
    %dma_wait3A_122 = arith.constant 1 : i32
    %dma_wait3A_123 = tpu.memref_slice %arg2[%dma_wait3A_122, %multiple_of3A_106] : memref<2x320000xi32, #tpu.memory_space<hbm>> -> memref<1x2000xi32, #tpu.memory_space<hbm>>
    %dma_wait3A_124 = tpu.memref_squeeze %dma_wait3A_123 : memref<1x2000xi32, #tpu.memory_space<hbm>> -> memref<2000xi32, #tpu.memory_space<hbm>>
    %dma_wait3A_125 = tpu.memref_slice %arg2[%dma_wait3A_122, %multiple_of3A_106] : memref<2x320000xi32, #tpu.memory_space<hbm>> -> memref<1x2000xi32, #tpu.memory_space<hbm>>
    %dma_wait3A_126 = tpu.memref_squeeze %dma_wait3A_125 : memref<1x2000xi32, #tpu.memory_space<hbm>> -> memref<2000xi32, #tpu.memory_space<hbm>>
    tpu.wait_dma2 semaphore(%arg23 : memref<!tpu.dma_semaphore, #tpu.memory_space<semaphore_mem>>) src(%dma_wait3A_126 : memref<2000xi32, #tpu.memory_space<hbm>>) dst(%arg13 : memref<2000xi32, #tpu.memory_space<vmem>>)
    %dma_start3A_127 = arith.constant 0 : i32
    %dma_start3A_128 = arith.constant 0 : i32
    %dma_start3A_129 = tpu.memref_slice %arg9[%dma_start3A_127, %dma_start3A_128] : memref<10240x16xf32, #tpu.memory_space<vmem_shared>> -> memref<10240x16xf32, #tpu.memory_space<vmem_shared>>
    tpu.enqueue_indirect_dma source(%dma_start3A_129 : memref<10240x16xf32, #tpu.memory_space<vmem_shared>>) target(%arg15 : memref<2000x16xf32, #tpu.memory_space<vmem>>) offsets(%arg11 : memref<2000xi32, #tpu.memory_space<vmem>>) semaphore(%arg22 : memref<!tpu.dma_semaphore, #tpu.memory_space<semaphore_mem>>)
    %dma_wait3A_130 = arith.constant 0 : i32
    %dma_wait3A_131 = arith.constant 0 : i32
    %dma_wait3A_132 = tpu.memref_slice %arg9[%dma_wait3A_130, %dma_wait3A_131] : memref<10240x16xf32, #tpu.memory_space<vmem_shared>> -> memref<10240x16xf32, #tpu.memory_space<vmem_shared>>
    tpu.wait_indirect_dma semaphore(%arg22 : memref<!tpu.dma_semaphore, #tpu.memory_space<semaphore_mem>>) src(%dma_wait3A_132 : memref<10240x16xf32, #tpu.memory_space<vmem_shared>>) dst(%arg15 : memref<2000x16xf32, #tpu.memory_space<vmem>>)
    %dma_start3A_133 = arith.constant 0 : i32
    %dma_start3A_134 = arith.constant 0 : i32
    %dma_start3A_135 = tpu.memref_slice %arg10[%dma_start3A_133, %dma_start3A_134] : memref<10240x16xf32, #tpu.memory_space<vmem_shared>> -> memref<10240x16xf32, #tpu.memory_space<vmem_shared>>
    tpu.enqueue_indirect_dma source(%arg15 : memref<2000x16xf32, #tpu.memory_space<vmem>>) target(%dma_start3A_135 : memref<10240x16xf32, #tpu.memory_space<vmem_shared>>) offsets(%arg13 : memref<2000xi32, #tpu.memory_space<vmem>>) semaphore(%arg23 : memref<!tpu.dma_semaphore, #tpu.memory_space<semaphore_mem>>) {add = true}
    %dma_wait3A_136 = arith.constant 0 : i32
    %dma_wait3A_137 = arith.constant 0 : i32
    %dma_wait3A_138 = tpu.memref_slice %arg10[%dma_wait3A_136, %dma_wait3A_137] : memref<10240x16xf32, #tpu.memory_space<vmem_shared>> -> memref<10240x16xf32, #tpu.memory_space<vmem_shared>>
    tpu.wait_indirect_dma semaphore(%arg24 : memref<!tpu.dma_semaphore, #tpu.memory_space<semaphore_mem>>) src(%arg16 : memref<2000x16xf32, #tpu.memory_space<vmem>>) dst(%dma_wait3A_138 : memref<10240x16xf32, #tpu.memory_space<vmem_shared>>)
    %add3A_139 = arith.constant 6000 : i32
    %add3A_140 = arith.addi %mul3A_4, %add3A_139 : i32
    %multiple_of3A_141 = tpu.assume_multiple %add3A_140, 8 : i32
    %dma_start3A_142 = arith.constant 0 : i32
    %dma_start3A_143 = tpu.memref_slice %arg2[%dma_start3A_142, %multiple_of3A_141] : memref<2x320000xi32, #tpu.memory_space<hbm>> -> memref<1x2000xi32, #tpu.memory_space<hbm>>
    %dma_start3A_144 = tpu.memref_squeeze %dma_start3A_143 : memref<1x2000xi32, #tpu.memory_space<hbm>> -> memref<2000xi32, #tpu.memory_space<hbm>>
    %dma_start3A_145 = tpu.memref_slice %arg2[%dma_start3A_142, %multiple_of3A_141] : memref<2x320000xi32, #tpu.memory_space<hbm>> -> memref<1x2000xi32, #tpu.memory_space<hbm>>
    %dma_start3A_146 = tpu.memref_squeeze %dma_start3A_145 : memref<1x2000xi32, #tpu.memory_space<hbm>> -> memref<2000xi32, #tpu.memory_space<hbm>>
    tpu.enqueue_dma source(%dma_start3A_146 : memref<2000xi32, #tpu.memory_space<hbm>>) target(%arg12 : memref<2000xi32, #tpu.memory_space<vmem>>) target_semaphore(%arg22 : memref<!tpu.dma_semaphore, #tpu.memory_space<semaphore_mem>>)
    %dma_start3A_147 = arith.constant 1 : i32
    %dma_start3A_148 = tpu.memref_slice %arg2[%dma_start3A_147, %multiple_of3A_141] : memref<2x320000xi32, #tpu.memory_space<hbm>> -> memref<1x2000xi32, #tpu.memory_space<hbm>>
    %dma_start3A_149 = tpu.memref_squeeze %dma_start3A_148 : memref<1x2000xi32, #tpu.memory_space<hbm>> -> memref<2000xi32, #tpu.memory_space<hbm>>
    %dma_start3A_150 = tpu.memref_slice %arg2[%dma_start3A_147, %multiple_of3A_141] : memref<2x320000xi32, #tpu.memory_space<hbm>> -> memref<1x2000xi32, #tpu.memory_space<hbm>>
    %dma_start3A_151 = tpu.memref_squeeze %dma_start3A_150 : memref<1x2000xi32, #tpu.memory_space<hbm>> -> memref<2000xi32, #tpu.memory_space<hbm>>
    tpu.enqueue_dma source(%dma_start3A_151 : memref<2000xi32, #tpu.memory_space<hbm>>) target(%arg14 : memref<2000xi32, #tpu.memory_space<vmem>>) target_semaphore(%arg24 : memref<!tpu.dma_semaphore, #tpu.memory_space<semaphore_mem>>)
    %dma_wait3A_152 = arith.constant 0 : i32
    %dma_wait3A_153 = tpu.memref_slice %arg2[%dma_wait3A_152, %multiple_of3A_141] : memref<2x320000xi32, #tpu.memory_space<hbm>> -> memref<1x2000xi32, #tpu.memory_space<hbm>>
    %dma_wait3A_154 = tpu.memref_squeeze %dma_wait3A_153 : memref<1x2000xi32, #tpu.memory_space<hbm>> -> memref<2000xi32, #tpu.memory_space<hbm>>
    %dma_wait3A_155 = tpu.memref_slice %arg2[%dma_wait3A_152, %multiple_of3A_141] : memref<2x320000xi32, #tpu.memory_space<hbm>> -> memref<1x2000xi32, #tpu.memory_space<hbm>>
    %dma_wait3A_156 = tpu.memref_squeeze %dma_wait3A_155 : memref<1x2000xi32, #tpu.memory_space<hbm>> -> memref<2000xi32, #tpu.memory_space<hbm>>
    tpu.wait_dma2 semaphore(%arg22 : memref<!tpu.dma_semaphore, #tpu.memory_space<semaphore_mem>>) src(%dma_wait3A_156 : memref<2000xi32, #tpu.memory_space<hbm>>) dst(%arg12 : memref<2000xi32, #tpu.memory_space<vmem>>)
    %dma_wait3A_157 = arith.constant 1 : i32
    %dma_wait3A_158 = tpu.memref_slice %arg2[%dma_wait3A_157, %multiple_of3A_141] : memref<2x320000xi32, #tpu.memory_space<hbm>> -> memref<1x2000xi32, #tpu.memory_space<hbm>>
    %dma_wait3A_159 = tpu.memref_squeeze %dma_wait3A_158 : memref<1x2000xi32, #tpu.memory_space<hbm>> -> memref<2000xi32, #tpu.memory_space<hbm>>
    %dma_wait3A_160 = tpu.memref_slice %arg2[%dma_wait3A_157, %multiple_of3A_141] : memref<2x320000xi32, #tpu.memory_space<hbm>> -> memref<1x2000xi32, #tpu.memory_space<hbm>>
    %dma_wait3A_161 = tpu.memref_squeeze %dma_wait3A_160 : memref<1x2000xi32, #tpu.memory_space<hbm>> -> memref<2000xi32, #tpu.memory_space<hbm>>
    tpu.wait_dma2 semaphore(%arg24 : memref<!tpu.dma_semaphore, #tpu.memory_space<semaphore_mem>>) src(%dma_wait3A_161 : memref<2000xi32, #tpu.memory_space<hbm>>) dst(%arg14 : memref<2000xi32, #tpu.memory_space<vmem>>)
    %dma_start3A_162 = arith.constant 0 : i32
    %dma_start3A_163 = arith.constant 0 : i32
    %dma_start3A_164 = tpu.memref_slice %arg9[%dma_start3A_162, %dma_start3A_163] : memref<10240x16xf32, #tpu.memory_space<vmem_shared>> -> memref<10240x16xf32, #tpu.memory_space<vmem_shared>>
    tpu.enqueue_indirect_dma source(%dma_start3A_164 : memref<10240x16xf32, #tpu.memory_space<vmem_shared>>) target(%arg16 : memref<2000x16xf32, #tpu.memory_space<vmem>>) offsets(%arg12 : memref<2000xi32, #tpu.memory_space<vmem>>) semaphore(%arg22 : memref<!tpu.dma_semaphore, #tpu.memory_space<semaphore_mem>>)
    %dma_wait3A_165 = arith.constant 0 : i32
    %dma_wait3A_166 = arith.constant 0 : i32
    %dma_wait3A_167 = tpu.memref_slice %arg9[%dma_wait3A_165, %dma_wait3A_166] : memref<10240x16xf32, #tpu.memory_space<vmem_shared>> -> memref<10240x16xf32, #tpu.memory_space<vmem_shared>>
    tpu.wait_indirect_dma semaphore(%arg22 : memref<!tpu.dma_semaphore, #tpu.memory_space<semaphore_mem>>) src(%dma_wait3A_167 : memref<10240x16xf32, #tpu.memory_space<vmem_shared>>) dst(%arg16 : memref<2000x16xf32, #tpu.memory_space<vmem>>)
    %dma_start3A_168 = arith.constant 0 : i32
    %dma_start3A_169 = arith.constant 0 : i32
    %dma_start3A_170 = tpu.memref_slice %arg10[%dma_start3A_168, %dma_start3A_169] : memref<10240x16xf32, #tpu.memory_space<vmem_shared>> -> memref<10240x16xf32, #tpu.memory_space<vmem_shared>>
    tpu.enqueue_indirect_dma source(%arg16 : memref<2000x16xf32, #tpu.memory_space<vmem>>) target(%dma_start3A_170 : memref<10240x16xf32, #tpu.memory_space<vmem_shared>>) offsets(%arg14 : memref<2000xi32, #tpu.memory_space<vmem>>) semaphore(%arg24 : memref<!tpu.dma_semaphore, #tpu.memory_space<semaphore_mem>>) {add = true}
    %dma_wait3A_171 = arith.constant 0 : i32
    %dma_wait3A_172 = arith.constant 0 : i32
    %dma_wait3A_173 = tpu.memref_slice %arg10[%dma_wait3A_171, %dma_wait3A_172] : memref<10240x16xf32, #tpu.memory_space<vmem_shared>> -> memref<10240x16xf32, #tpu.memory_space<vmem_shared>>
    tpu.wait_indirect_dma semaphore(%arg23 : memref<!tpu.dma_semaphore, #tpu.memory_space<semaphore_mem>>) src(%arg15 : memref<2000x16xf32, #tpu.memory_space<vmem>>) dst(%dma_wait3A_173 : memref<10240x16xf32, #tpu.memory_space<vmem_shared>>)
    %add3A_174 = arith.constant 8000 : i32
    %add3A_175 = arith.addi %mul3A_4, %add3A_174 : i32
    %multiple_of3A_176 = tpu.assume_multiple %add3A_175, 8 : i32
    %dma_start3A_177 = arith.constant 0 : i32
    %dma_start3A_178 = tpu.memref_slice %arg2[%dma_start3A_177, %multiple_of3A_176] : memref<2x320000xi32, #tpu.memory_space<hbm>> -> memref<1x2000xi32, #tpu.memory_space<hbm>>
    %dma_start3A_179 = tpu.memref_squeeze %dma_start3A_178 : memref<1x2000xi32, #tpu.memory_space<hbm>> -> memref<2000xi32, #tpu.memory_space<hbm>>
    %dma_start3A_180 = tpu.memref_slice %arg2[%dma_start3A_177, %multiple_of3A_176] : memref<2x320000xi32, #tpu.memory_space<hbm>> -> memref<1x2000xi32, #tpu.memory_space<hbm>>
    %dma_start3A_181 = tpu.memref_squeeze %dma_start3A_180 : memref<1x2000xi32, #tpu.memory_space<hbm>> -> memref<2000xi32, #tpu.memory_space<hbm>>
    tpu.enqueue_dma source(%dma_start3A_181 : memref<2000xi32, #tpu.memory_space<hbm>>) target(%arg11 : memref<2000xi32, #tpu.memory_space<vmem>>) target_semaphore(%arg22 : memref<!tpu.dma_semaphore, #tpu.memory_space<semaphore_mem>>)
    %dma_start3A_182 = arith.constant 1 : i32
    %dma_start3A_183 = tpu.memref_slice %arg2[%dma_start3A_182, %multiple_of3A_176] : memref<2x320000xi32, #tpu.memory_space<hbm>> -> memref<1x2000xi32, #tpu.memory_space<hbm>>
    %dma_start3A_184 = tpu.memref_squeeze %dma_start3A_183 : memref<1x2000xi32, #tpu.memory_space<hbm>> -> memref<2000xi32, #tpu.memory_space<hbm>>
    %dma_start3A_185 = tpu.memref_slice %arg2[%dma_start3A_182, %multiple_of3A_176] : memref<2x320000xi32, #tpu.memory_space<hbm>> -> memref<1x2000xi32, #tpu.memory_space<hbm>>
    %dma_start3A_186 = tpu.memref_squeeze %dma_start3A_185 : memref<1x2000xi32, #tpu.memory_space<hbm>> -> memref<2000xi32, #tpu.memory_space<hbm>>
    tpu.enqueue_dma source(%dma_start3A_186 : memref<2000xi32, #tpu.memory_space<hbm>>) target(%arg13 : memref<2000xi32, #tpu.memory_space<vmem>>) target_semaphore(%arg23 : memref<!tpu.dma_semaphore, #tpu.memory_space<semaphore_mem>>)
    %dma_wait3A_187 = arith.constant 0 : i32
    %dma_wait3A_188 = tpu.memref_slice %arg2[%dma_wait3A_187, %multiple_of3A_176] : memref<2x320000xi32, #tpu.memory_space<hbm>> -> memref<1x2000xi32, #tpu.memory_space<hbm>>
    %dma_wait3A_189 = tpu.memref_squeeze %dma_wait3A_188 : memref<1x2000xi32, #tpu.memory_space<hbm>> -> memref<2000xi32, #tpu.memory_space<hbm>>
    %dma_wait3A_190 = tpu.memref_slice %arg2[%dma_wait3A_187, %multiple_of3A_176] : memref<2x320000xi32, #tpu.memory_space<hbm>> -> memref<1x2000xi32, #tpu.memory_space<hbm>>
    %dma_wait3A_191 = tpu.memref_squeeze %dma_wait3A_190 : memref<1x2000xi32, #tpu.memory_space<hbm>> -> memref<2000xi32, #tpu.memory_space<hbm>>
    tpu.wait_dma2 semaphore(%arg22 : memref<!tpu.dma_semaphore, #tpu.memory_space<semaphore_mem>>) src(%dma_wait3A_191 : memref<2000xi32, #tpu.memory_space<hbm>>) dst(%arg11 : memref<2000xi32, #tpu.memory_space<vmem>>)
    %dma_wait3A_192 = arith.constant 1 : i32
    %dma_wait3A_193 = tpu.memref_slice %arg2[%dma_wait3A_192, %multiple_of3A_176] : memref<2x320000xi32, #tpu.memory_space<hbm>> -> memref<1x2000xi32, #tpu.memory_space<hbm>>
    %dma_wait3A_194 = tpu.memref_squeeze %dma_wait3A_193 : memref<1x2000xi32, #tpu.memory_space<hbm>> -> memref<2000xi32, #tpu.memory_space<hbm>>
    %dma_wait3A_195 = tpu.memref_slice %arg2[%dma_wait3A_192, %multiple_of3A_176] : memref<2x320000xi32, #tpu.memory_space<hbm>> -> memref<1x2000xi32, #tpu.memory_space<hbm>>
    %dma_wait3A_196 = tpu.memref_squeeze %dma_wait3A_195 : memref<1x2000xi32, #tpu.memory_space<hbm>> -> memref<2000xi32, #tpu.memory_space<hbm>>
    tpu.wait_dma2 semaphore(%arg23 : memref<!tpu.dma_semaphore, #tpu.memory_space<semaphore_mem>>) src(%dma_wait3A_196 : memref<2000xi32, #tpu.memory_space<hbm>>) dst(%arg13 : memref<2000xi32, #tpu.memory_space<vmem>>)
    %dma_start3A_197 = arith.constant 0 : i32
    %dma_start3A_198 = arith.constant 0 : i32
    %dma_start3A_199 = tpu.memref_slice %arg9[%dma_start3A_197, %dma_start3A_198] : memref<10240x16xf32, #tpu.memory_space<vmem_shared>> -> memref<10240x16xf32, #tpu.memory_space<vmem_shared>>
    tpu.enqueue_indirect_dma source(%dma_start3A_199 : memref<10240x16xf32, #tpu.memory_space<vmem_shared>>) target(%arg15 : memref<2000x16xf32, #tpu.memory_space<vmem>>) offsets(%arg11 : memref<2000xi32, #tpu.memory_space<vmem>>) semaphore(%arg22 : memref<!tpu.dma_semaphore, #tpu.memory_space<semaphore_mem>>)
    %dma_wait3A_200 = arith.constant 0 : i32
    %dma_wait3A_201 = arith.constant 0 : i32
    %dma_wait3A_202 = tpu.memref_slice %arg9[%dma_wait3A_200, %dma_wait3A_201] : memref<10240x16xf32, #tpu.memory_space<vmem_shared>> -> memref<10240x16xf32, #tpu.memory_space<vmem_shared>>
    tpu.wait_indirect_dma semaphore(%arg22 : memref<!tpu.dma_semaphore, #tpu.memory_space<semaphore_mem>>) src(%dma_wait3A_202 : memref<10240x16xf32, #tpu.memory_space<vmem_shared>>) dst(%arg15 : memref<2000x16xf32, #tpu.memory_space<vmem>>)
    %dma_start3A_203 = arith.constant 0 : i32
    %dma_start3A_204 = arith.constant 0 : i32
    %dma_start3A_205 = tpu.memref_slice %arg10[%dma_start3A_203, %dma_start3A_204] : memref<10240x16xf32, #tpu.memory_space<vmem_shared>> -> memref<10240x16xf32, #tpu.memory_space<vmem_shared>>
    tpu.enqueue_indirect_dma source(%arg15 : memref<2000x16xf32, #tpu.memory_space<vmem>>) target(%dma_start3A_205 : memref<10240x16xf32, #tpu.memory_space<vmem_shared>>) offsets(%arg13 : memref<2000xi32, #tpu.memory_space<vmem>>) semaphore(%arg23 : memref<!tpu.dma_semaphore, #tpu.memory_space<semaphore_mem>>) {add = true}
    %dma_wait3A_206 = arith.constant 0 : i32
    %dma_wait3A_207 = arith.constant 0 : i32
    %dma_wait3A_208 = tpu.memref_slice %arg10[%dma_wait3A_206, %dma_wait3A_207] : memref<10240x16xf32, #tpu.memory_space<vmem_shared>> -> memref<10240x16xf32, #tpu.memory_space<vmem_shared>>
    tpu.wait_indirect_dma semaphore(%arg24 : memref<!tpu.dma_semaphore, #tpu.memory_space<semaphore_mem>>) src(%arg16 : memref<2000x16xf32, #tpu.memory_space<vmem>>) dst(%dma_wait3A_208 : memref<10240x16xf32, #tpu.memory_space<vmem_shared>>)
    %dma_wait3A_209 = arith.constant 0 : i32
    %dma_wait3A_210 = arith.constant 0 : i32
    %dma_wait3A_211 = tpu.memref_slice %arg10[%dma_wait3A_209, %dma_wait3A_210] : memref<10240x16xf32, #tpu.memory_space<vmem_shared>> -> memref<10240x16xf32, #tpu.memory_space<vmem_shared>>
    tpu.wait_indirect_dma semaphore(%arg23 : memref<!tpu.dma_semaphore, #tpu.memory_space<semaphore_mem>>) src(%arg15 : memref<2000x16xf32, #tpu.memory_space<vmem>>) dst(%dma_wait3A_211 : memref<10240x16xf32, #tpu.memory_space<vmem_shared>>)
    %barrier3A_212 = arith.constant 0 : index
    tpu.barrier barrier_id(%barrier3A_212)
    "tpu.region"() ({
      %run_scoped3A = tpu.sem_alloc : memref<!tpu.dma_semaphore, #tpu.memory_space<semaphore_mem>>
      %dma_start3A_223 = arith.constant 0 : i32
      %dma_start3A_224 = tpu.memref_slice %arg10[%mul3A_0, %dma_start3A_223] : memref<10240x16xf32, #tpu.memory_space<vmem_shared>> -> memref<640x16xf32, #tpu.memory_space<vmem_shared>>
      %dma_start3A_225 = arith.constant 0 : i32
      %dma_start3A_226 = tpu.memref_slice %arg10[%mul3A_0, %dma_start3A_225] : memref<10240x16xf32, #tpu.memory_space<vmem_shared>> -> memref<640x16xf32, #tpu.memory_space<vmem_shared>>
      tpu.enqueue_dma source(%dma_start3A_226 : memref<640x16xf32, #tpu.memory_space<vmem_shared>>) target(%arg17 : memref<640x16xf32, #tpu.memory_space<vmem>>) target_semaphore(%run_scoped3A : memref<!tpu.dma_semaphore, #tpu.memory_space<semaphore_mem>>)
      %dma_wait3A_227 = arith.constant 0 : i32
      %dma_wait3A_228 = tpu.memref_slice %arg10[%mul3A_0, %dma_wait3A_227] : memref<10240x16xf32, #tpu.memory_space<vmem_shared>> -> memref<640x16xf32, #tpu.memory_space<vmem_shared>>
      %dma_wait3A_229 = arith.constant 0 : i32
      %dma_wait3A_230 = tpu.memref_slice %arg10[%mul3A_0, %dma_wait3A_229] : memref<10240x16xf32, #tpu.memory_space<vmem_shared>> -> memref<640x16xf32, #tpu.memory_space<vmem_shared>>
      tpu.wait_dma2 semaphore(%run_scoped3A : memref<!tpu.dma_semaphore, #tpu.memory_space<semaphore_mem>>) src(%dma_wait3A_230 : memref<640x16xf32, #tpu.memory_space<vmem_shared>>) dst(%arg17 : memref<640x16xf32, #tpu.memory_space<vmem>>)
      tpu.yield
    }) : () -> ()
    %eq3A_213 = arith.constant 0 : i32
    %eq3A_214 = arith.cmpi eq, %arg0, %eq3A_213 : i32
    %convert_element_type3A_215 = arith.extui %eq3A_214 : i1 to i32
    %cond3A_216 = arith.constant 0 : i32
    %cond3A_217 = arith.cmpi ne, %convert_element_type3A_215, %cond3A_216 : i32
    scf.if %cond3A_217 {
      "tpu.region"() ({
        %run_scoped3A = tpu.sem_alloc : memref<!tpu.dma_semaphore, #tpu.memory_space<semaphore_mem>>
        %dma_start3A_223 = arith.constant 0 : i32
        %dma_start3A_224 = tpu.memref_slice %arg6[%mul3A_0, %dma_start3A_223] : memref<10240x16xf32, #tpu.memory_space<hbm>> -> memref<640x16xf32, #tpu.memory_space<hbm>>
        %dma_start3A_225 = arith.constant 0 : i32
        %dma_start3A_226 = tpu.memref_slice %arg6[%mul3A_0, %dma_start3A_225] : memref<10240x16xf32, #tpu.memory_space<hbm>> -> memref<640x16xf32, #tpu.memory_space<hbm>>
        tpu.enqueue_dma source(%arg17 : memref<640x16xf32, #tpu.memory_space<vmem>>) target(%dma_start3A_226 : memref<640x16xf32, #tpu.memory_space<hbm>>) target_semaphore(%run_scoped3A : memref<!tpu.dma_semaphore, #tpu.memory_space<semaphore_mem>>)
        %dma_wait3A_227 = arith.constant 0 : i32
        %dma_wait3A_228 = tpu.memref_slice %arg6[%mul3A_0, %dma_wait3A_227] : memref<10240x16xf32, #tpu.memory_space<hbm>> -> memref<640x16xf32, #tpu.memory_space<hbm>>
        %dma_wait3A_229 = arith.constant 0 : i32
        %dma_wait3A_230 = tpu.memref_slice %arg6[%mul3A_0, %dma_wait3A_229] : memref<10240x16xf32, #tpu.memory_space<hbm>> -> memref<640x16xf32, #tpu.memory_space<hbm>>
        tpu.wait_dma2 semaphore(%run_scoped3A : memref<!tpu.dma_semaphore, #tpu.memory_space<semaphore_mem>>) src(%arg17 : memref<640x16xf32, #tpu.memory_space<vmem>>) dst(%dma_wait3A_230 : memref<640x16xf32, #tpu.memory_space<hbm>>)
        tpu.yield
      }) : () -> ()
    } else {
    }
    %eq3A_218 = arith.constant 1 : i32
    %eq3A_219 = arith.cmpi eq, %arg0, %eq3A_218 : i32
    %convert_element_type3A_220 = arith.extui %eq3A_219 : i1 to i32
    %cond3A_221 = arith.constant 0 : i32
    %cond3A_222 = arith.cmpi ne, %convert_element_type3A_220, %cond3A_221 : i32
    scf.if %cond3A_222 {
      "tpu.region"() ({
        %run_scoped3A = tpu.sem_alloc : memref<!tpu.dma_semaphore, #tpu.memory_space<semaphore_mem>>
        %dma_start3A_223 = arith.constant 0 : i32
        %dma_start3A_224 = tpu.memref_slice %arg7[%mul3A_0, %dma_start3A_223] : memref<10240x16xf32, #tpu.memory_space<hbm>> -> memref<640x16xf32, #tpu.memory_space<hbm>>
        %dma_start3A_225 = arith.constant 0 : i32
        %dma_start3A_226 = tpu.memref_slice %arg7[%mul3A_0, %dma_start3A_225] : memref<10240x16xf32, #tpu.memory_space<hbm>> -> memref<640x16xf32, #tpu.memory_space<hbm>>
        tpu.enqueue_dma source(%arg17 : memref<640x16xf32, #tpu.memory_space<vmem>>) target(%dma_start3A_226 : memref<640x16xf32, #tpu.memory_space<hbm>>) target_semaphore(%run_scoped3A : memref<!tpu.dma_semaphore, #tpu.memory_space<semaphore_mem>>)
        %dma_wait3A_227 = arith.constant 0 : i32
        %dma_wait3A_228 = tpu.memref_slice %arg7[%mul3A_0, %dma_wait3A_227] : memref<10240x16xf32, #tpu.memory_space<hbm>> -> memref<640x16xf32, #tpu.memory_space<hbm>>
        %dma_wait3A_229 = arith.constant 0 : i32
        %dma_wait3A_230 = tpu.memref_slice %arg7[%mul3A_0, %dma_wait3A_229] : memref<10240x16xf32, #tpu.memory_space<hbm>> -> memref<640x16xf32, #tpu.memory_space<hbm>>
        tpu.wait_dma2 semaphore(%run_scoped3A : memref<!tpu.dma_semaphore, #tpu.memory_space<semaphore_mem>>) src(%arg17 : memref<640x16xf32, #tpu.memory_space<vmem>>) dst(%dma_wait3A_230 : memref<640x16xf32, #tpu.memory_space<hbm>>)
        tpu.yield
      }) : () -> ()
    } else {
    }
    return
  }
}

#map = affine_map<(d0, d1) -> (0, 0)>
#map1 = affine_map<(d0, d1) -> (0)>
module attributes {stable_mosaic.version = 14 : i64} {
  func.func @_p1_body(%arg0: i32, %arg1: i32, %arg2: memref<2x320000xi32, #tpu.memory_space<hbm>>, %arg3: memref<10240x16xf32, #tpu.memory_space<hbm>>, %arg4: memref<40960xf32, #tpu.memory_space<hbm>>, %arg5: memref<10240x16xf32, #tpu.memory_space<hbm>>, %arg6: memref<10240x16xf32, #tpu.memory_space<hbm>>, %arg7: memref<10240x16xf32, #tpu.memory_space<vmem_shared>>, %arg8: memref<10240x16xf32, #tpu.memory_space<vmem_shared>>, %arg9: memref<2000xi32, #tpu.memory_space<vmem>>, %arg10: memref<2000xi32, #tpu.memory_space<vmem>>, %arg11: memref<2000xi32, #tpu.memory_space<vmem>>, %arg12: memref<2000xi32, #tpu.memory_space<vmem>>, %arg13: memref<2000x16xf32, #tpu.memory_space<vmem>>, %arg14: memref<2000x16xf32, #tpu.memory_space<vmem>>, %arg15: memref<640x16xf32, #tpu.memory_space<vmem>>, %arg16: memref<640xf32, #tpu.memory_space<vmem>>, %arg17: memref<640xf32, #tpu.memory_space<vmem>>, %arg18: memref<!tpu.dma_semaphore, #tpu.memory_space<semaphore_mem>>, %arg19: memref<!tpu.dma_semaphore, #tpu.memory_space<semaphore_mem>>, %arg20: memref<!tpu.dma_semaphore, #tpu.memory_space<semaphore_mem>>) attributes {dimension_semantics = [#tpu.dimension_semantics<core_parallel>, #tpu.dimension_semantics<subcore_parallel>], iteration_bounds = array<i64: 2, 16>, scalar_prefetch = 0 : i64, scratch_operands = 14 : i64, tpu.core_type = #tpu.core_type<sc_vector_subcore>, window_params = [{transform_indices = #map}, {transform_indices = #map}, {transform_indices = #map1}, {transform_indices = #map}, {transform_indices = #map}]} {
    %mul3A = arith.constant 640 : i32
    %mul3A_0 = arith.muli %arg1, %mul3A : i32
    %mul3A_1 = arith.constant 16 : i32
    %mul3A_2 = arith.muli %arg0, %mul3A_1 : i32
    %add3A = arith.addi %mul3A_2, %arg1 : i32
    %mul3A_3 = arith.constant 10000 : i32
    %mul3A_4 = arith.muli %add3A, %mul3A_3 : i32
    %add3A_5 = arith.constant 0 : i32
    %add3A_6 = arith.addi %add3A_5, %mul3A_0 : i32
    "tpu.region"() ({
      %run_scoped3A = tpu.sem_alloc : memref<!tpu.dma_semaphore, #tpu.memory_space<semaphore_mem>>
      %dma_start3A_209 = tpu.memref_slice %arg4[%add3A_6] : memref<40960xf32, #tpu.memory_space<hbm>> -> memref<640xf32, #tpu.memory_space<hbm>>
      %dma_start3A_210 = tpu.memref_slice %arg4[%add3A_6] : memref<40960xf32, #tpu.memory_space<hbm>> -> memref<640xf32, #tpu.memory_space<hbm>>
      tpu.enqueue_dma source(%dma_start3A_210 : memref<640xf32, #tpu.memory_space<hbm>>) target(%arg16 : memref<640xf32, #tpu.memory_space<vmem>>) target_semaphore(%run_scoped3A : memref<!tpu.dma_semaphore, #tpu.memory_space<semaphore_mem>>)
      %dma_wait3A_211 = tpu.memref_slice %arg4[%add3A_6] : memref<40960xf32, #tpu.memory_space<hbm>> -> memref<640xf32, #tpu.memory_space<hbm>>
      %dma_wait3A_212 = tpu.memref_slice %arg4[%add3A_6] : memref<40960xf32, #tpu.memory_space<hbm>> -> memref<640xf32, #tpu.memory_space<hbm>>
      tpu.wait_dma2 semaphore(%run_scoped3A : memref<!tpu.dma_semaphore, #tpu.memory_space<semaphore_mem>>) src(%dma_wait3A_212 : memref<640xf32, #tpu.memory_space<hbm>>) dst(%arg16 : memref<640xf32, #tpu.memory_space<vmem>>)
      tpu.yield
    }) : () -> ()
    %add3A_7 = arith.constant 20480 : i32
    %add3A_8 = arith.addi %add3A_7, %mul3A_0 : i32
    "tpu.region"() ({
      %run_scoped3A = tpu.sem_alloc : memref<!tpu.dma_semaphore, #tpu.memory_space<semaphore_mem>>
      %dma_start3A_209 = tpu.memref_slice %arg4[%add3A_8] : memref<40960xf32, #tpu.memory_space<hbm>> -> memref<640xf32, #tpu.memory_space<hbm>>
      %dma_start3A_210 = tpu.memref_slice %arg4[%add3A_8] : memref<40960xf32, #tpu.memory_space<hbm>> -> memref<640xf32, #tpu.memory_space<hbm>>
      tpu.enqueue_dma source(%dma_start3A_210 : memref<640xf32, #tpu.memory_space<hbm>>) target(%arg17 : memref<640xf32, #tpu.memory_space<vmem>>) target_semaphore(%run_scoped3A : memref<!tpu.dma_semaphore, #tpu.memory_space<semaphore_mem>>)
      %dma_wait3A_211 = tpu.memref_slice %arg4[%add3A_8] : memref<40960xf32, #tpu.memory_space<hbm>> -> memref<640xf32, #tpu.memory_space<hbm>>
      %dma_wait3A_212 = tpu.memref_slice %arg4[%add3A_8] : memref<40960xf32, #tpu.memory_space<hbm>> -> memref<640xf32, #tpu.memory_space<hbm>>
      tpu.wait_dma2 semaphore(%run_scoped3A : memref<!tpu.dma_semaphore, #tpu.memory_space<semaphore_mem>>) src(%dma_wait3A_212 : memref<640xf32, #tpu.memory_space<hbm>>) dst(%arg17 : memref<640xf32, #tpu.memory_space<vmem>>)
      tpu.yield
    }) : () -> ()
    %scan3A = arith.constant 0 : i32
    %scan3A_9 = arith.constant 40 : i32
    %scan3A_10 = arith.addi %scan3A, %scan3A_9 : i32
    %scan3A_11 = arith.constant 1 : i32
    scf.for %scan3A_209 = %scan3A to %scan3A_10 step %scan3A_11  : i32 {
      %mul3A_210 = arith.constant 1 : i32
      %mul3A_211 = arith.muli %scan3A_209, %mul3A_210 : i32
      %add3A_212 = arith.constant 0 : i32
      %add3A_213 = arith.addi %add3A_212, %mul3A_211 : i32
      %mul3A_214 = arith.constant 16 : i32
      %mul3A_215 = arith.muli %add3A_213, %mul3A_214 : i32
      %get3A = arith.index_cast %mul3A_215 : i32 to index
      %get3A_216 = tpu.vector_load %arg16[%get3A] {strides = array<i32>} : memref<640xf32, #tpu.memory_space<vmem>>, vector<16xf32>,
      %get3A_217 = vector.shape_cast %get3A_216 : vector<16xf32> to vector<16xf32>
      %get3A_218 = arith.index_cast %mul3A_215 : i32 to index
      %get3A_219 = tpu.vector_load %arg17[%get3A_218] {strides = array<i32>} : memref<640xf32, #tpu.memory_space<vmem>>, vector<16xf32>,
      %get3A_220 = vector.shape_cast %get3A_219 : vector<16xf32> to vector<16xf32>
      %add3A_221 = arith.addf %get3A_217, %get3A_220 : vector<16xf32>
      %swap3A = arith.index_cast %mul3A_215 : i32 to index
      %swap3A_222 = tpu.vector_load %arg16[%swap3A] {strides = array<i32>} : memref<640xf32, #tpu.memory_space<vmem>>, vector<16xf32>,
      %swap3A_223 = vector.shape_cast %swap3A_222 : vector<16xf32> to vector<16xf32>
      %swap3A_224 = vector.shape_cast %add3A_221 : vector<16xf32> to vector<16xf32>
      tpu.vector_store %arg16[%swap3A], %swap3A_224 {strides = array<i32>} : memref<640xf32, #tpu.memory_space<vmem>>, vector<16xf32>,
    }
    %scan3A_12 = arith.constant 40 : i32
    %scan3A_13 = arith.constant 0 : i32
    %scan3A_14 = arith.constant 40 : i32
    %scan3A_15 = arith.addi %scan3A_13, %scan3A_14 : i32
    %scan3A_16 = arith.constant 1 : i32
    scf.for %scan3A_209 = %scan3A_13 to %scan3A_15 step %scan3A_16  : i32 {
      %mul3A_210 = arith.constant 1 : i32
      %mul3A_211 = arith.muli %scan3A_209, %mul3A_210 : i32
      %add3A_212 = arith.constant 0 : i32
      %add3A_213 = arith.addi %add3A_212, %mul3A_211 : i32
      %mul3A_214 = arith.constant 16 : i32
      %mul3A_215 = arith.muli %add3A_213, %mul3A_214 : i32
      %get3A = arith.index_cast %mul3A_215 : i32 to index
      %get3A_216 = tpu.vector_load %arg16[%get3A] {strides = array<i32>} : memref<640xf32, #tpu.memory_space<vmem>>, vector<16xf32>,
      %get3A_217 = vector.shape_cast %get3A_216 : vector<16xf32> to vector<16xf32>
      %bitcast_convert_type3A = tpu.bitcast %get3A_217 : vector<16xf32> -> vector<16xi32>
      %shift_right_logical3A = arith.constant 1 : i32
      %shift_right_logical3A_218 = vector.broadcast %shift_right_logical3A : i32 to vector<16xi32>
      %shift_right_logical3A_219 = arith.shrui %bitcast_convert_type3A, %shift_right_logical3A_218 : vector<16xi32>
      %sub3A = arith.constant 1597463007 : i32
      %sub3A_220 = vector.broadcast %sub3A : i32 to vector<16xi32>
      %sub3A_221 = arith.subi %sub3A_220, %shift_right_logical3A_219 : vector<16xi32>
      %bitcast_convert_type3A_222 = tpu.bitcast %sub3A_221 : vector<16xi32> -> vector<16xf32>
      %mul3A_223 = arith.constant 5.000000e-01 : f32
      %mul3A_224 = vector.broadcast %mul3A_223 : f32 to vector<16xf32>
      %mul3A_225 = arith.mulf %mul3A_224, %get3A_217 : vector<16xf32>
      %mul3A_226 = arith.mulf %mul3A_225, %bitcast_convert_type3A_222 : vector<16xf32>
      %mul3A_227 = arith.mulf %mul3A_226, %bitcast_convert_type3A_222 : vector<16xf32>
      %sub3A_228 = arith.constant 1.500000e+00 : f32
      %sub3A_229 = vector.broadcast %sub3A_228 : f32 to vector<16xf32>
      %sub3A_230 = arith.subf %sub3A_229, %mul3A_227 : vector<16xf32>
      %mul3A_231 = arith.mulf %bitcast_convert_type3A_222, %sub3A_230 : vector<16xf32>
      %mul3A_232 = arith.constant 5.000000e-01 : f32
      %mul3A_233 = vector.broadcast %mul3A_232 : f32 to vector<16xf32>
      %mul3A_234 = arith.mulf %mul3A_233, %get3A_217 : vector<16xf32>
      %mul3A_235 = arith.mulf %mul3A_234, %mul3A_231 : vector<16xf32>
      %mul3A_236 = arith.mulf %mul3A_235, %mul3A_231 : vector<16xf32>
      %sub3A_237 = arith.constant 1.500000e+00 : f32
      %sub3A_238 = vector.broadcast %sub3A_237 : f32 to vector<16xf32>
      %sub3A_239 = arith.subf %sub3A_238, %mul3A_236 : vector<16xf32>
      %mul3A_240 = arith.mulf %mul3A_231, %sub3A_239 : vector<16xf32>
      %mul3A_241 = arith.constant 5.000000e-01 : f32
      %mul3A_242 = vector.broadcast %mul3A_241 : f32 to vector<16xf32>
      %mul3A_243 = arith.mulf %mul3A_242, %get3A_217 : vector<16xf32>
      %mul3A_244 = arith.mulf %mul3A_243, %mul3A_240 : vector<16xf32>
      %mul3A_245 = arith.mulf %mul3A_244, %mul3A_240 : vector<16xf32>
      %sub3A_246 = arith.constant 1.500000e+00 : f32
      %sub3A_247 = vector.broadcast %sub3A_246 : f32 to vector<16xf32>
      %sub3A_248 = arith.subf %sub3A_247, %mul3A_245 : vector<16xf32>
      %mul3A_249 = arith.mulf %mul3A_240, %sub3A_248 : vector<16xf32>
      %gt3A = arith.constant 5.000000e-01 : f32
      %gt3A_250 = vector.broadcast %gt3A : f32 to vector<16xf32>
      %gt3A_251 = arith.cmpf ogt, %get3A_217, %gt3A_250 : vector<16xf32>
      %jit3A = arith.constant 0.000000e+00 : f32
      %broadcast_in_dim3A_252 = vector.broadcast %jit3A : f32 to vector<16xf32>
      %select_n3A = arith.select %gt3A_251, %mul3A_249, %broadcast_in_dim3A_252 : vector<16xi1>, vector<16xf32>
      %swap3A = arith.index_cast %mul3A_215 : i32 to index
      %swap3A_253 = tpu.vector_load %arg16[%swap3A] {strides = array<i32>} : memref<640xf32, #tpu.memory_space<vmem>>, vector<16xf32>,
      %swap3A_254 = vector.shape_cast %swap3A_253 : vector<16xf32> to vector<16xf32>
      %swap3A_255 = vector.shape_cast %select_n3A : vector<16xf32> to vector<16xf32>
      tpu.vector_store %arg16[%swap3A], %swap3A_255 {strides = array<i32>} : memref<640xf32, #tpu.memory_space<vmem>>, vector<16xf32>,
    }
    %scan3A_17 = arith.constant 40 : i32
    "tpu.region"() ({
      %run_scoped3A = tpu.sem_alloc : memref<!tpu.dma_semaphore, #tpu.memory_space<semaphore_mem>>
      %dma_start3A_209 = arith.constant 0 : i32
      %dma_start3A_210 = tpu.memref_slice %arg3[%mul3A_0, %dma_start3A_209] : memref<10240x16xf32, #tpu.memory_space<hbm>> -> memref<640x16xf32, #tpu.memory_space<hbm>>
      %dma_start3A_211 = arith.constant 0 : i32
      %dma_start3A_212 = tpu.memref_slice %arg3[%mul3A_0, %dma_start3A_211] : memref<10240x16xf32, #tpu.memory_space<hbm>> -> memref<640x16xf32, #tpu.memory_space<hbm>>
      tpu.enqueue_dma source(%dma_start3A_212 : memref<640x16xf32, #tpu.memory_space<hbm>>) target(%arg15 : memref<640x16xf32, #tpu.memory_space<vmem>>) target_semaphore(%run_scoped3A : memref<!tpu.dma_semaphore, #tpu.memory_space<semaphore_mem>>)
      %dma_wait3A_213 = arith.constant 0 : i32
      %dma_wait3A_214 = tpu.memref_slice %arg3[%mul3A_0, %dma_wait3A_213] : memref<10240x16xf32, #tpu.memory_space<hbm>> -> memref<640x16xf32, #tpu.memory_space<hbm>>
      %dma_wait3A_215 = arith.constant 0 : i32
      %dma_wait3A_216 = tpu.memref_slice %arg3[%mul3A_0, %dma_wait3A_215] : memref<10240x16xf32, #tpu.memory_space<hbm>> -> memref<640x16xf32, #tpu.memory_space<hbm>>
      tpu.wait_dma2 semaphore(%run_scoped3A : memref<!tpu.dma_semaphore, #tpu.memory_space<semaphore_mem>>) src(%dma_wait3A_216 : memref<640x16xf32, #tpu.memory_space<hbm>>) dst(%arg15 : memref<640x16xf32, #tpu.memory_space<vmem>>)
      tpu.yield
    }) : () -> ()
    %scan3A_18 = arith.constant 0 : i32
    %scan3A_19 = arith.constant 40 : i32
    %scan3A_20 = arith.addi %scan3A_18, %scan3A_19 : i32
    %scan3A_21 = arith.constant 1 : i32
    scf.for %scan3A_209 = %scan3A_18 to %scan3A_20 step %scan3A_21  : i32 {
      %mul3A_210 = arith.constant 1 : i32
      %mul3A_211 = arith.muli %scan3A_209, %mul3A_210 : i32
      %add3A_212 = arith.constant 0 : i32
      %add3A_213 = arith.addi %add3A_212, %mul3A_211 : i32
      %mul3A_214 = arith.constant 16 : i32
      %mul3A_215 = arith.muli %add3A_213, %mul3A_214 : i32
      %get3A = arith.index_cast %mul3A_215 : i32 to index
      %get3A_216 = tpu.vector_load %arg16[%get3A] {strides = array<i32>} : memref<640xf32, #tpu.memory_space<vmem>>, vector<16xf32>,
      %get3A_217 = vector.shape_cast %get3A_216 : vector<16xf32> to vector<16xf32>
      %broadcast_in_dim3A_218 = arith.constant 0 : i32
      %broadcast_in_dim3A_219 = vector.broadcast %broadcast_in_dim3A_218 : i32 to vector<16xi32>
      %lt3A = arith.constant 0 : i32
      %lt3A_220 = vector.broadcast %lt3A : i32 to vector<16xi32>
      %lt3A_221 = arith.cmpi slt, %broadcast_in_dim3A_219, %lt3A_220 : vector<16xi32>
      %add3A_222 = arith.constant 16 : i32
      %add3A_223 = vector.broadcast %add3A_222 : i32 to vector<16xi32>
      %add3A_224 = arith.addi %broadcast_in_dim3A_219, %add3A_223 : vector<16xi32>
      %select_n3A = arith.select %lt3A_221, %add3A_224, %broadcast_in_dim3A_219 : vector<16xi1>, vector<16xi32>
      %broadcast_in_dim3A_225 = vector.shape_cast %select_n3A : vector<16xi32> to vector<16x1xi32>
      %gather3A = vector.shape_cast %broadcast_in_dim3A_225 : vector<16x1xi32> to vector<16xi32>
      %gather3A_226 = tpu.dynamic_gather %get3A_217[%gather3A] in [0] : vector<16xf32>, vector<16xi32> -> vector<16xf32>
      %mul3A_227 = arith.constant 16 : i32
      %mul3A_228 = arith.muli %add3A_213, %mul3A_227 : i32
      %add3A_229 = arith.constant 0 : i32
      %add3A_230 = arith.addi %mul3A_228, %add3A_229 : i32
      %get3A_231 = arith.index_cast %add3A_230 : i32 to index
      %get3A_232 = arith.constant 0 : index
      %get3A_233 = tpu.vector_load %arg15[%get3A_231, %get3A_232] {strides = array<i32>} : memref<640x16xf32, #tpu.memory_space<vmem>>, vector<1x16xf32>,
      %get3A_234 = vector.shape_cast %get3A_233 : vector<1x16xf32> to vector<16xf32>
      %mul3A_235 = arith.mulf %get3A_234, %gather3A_226 : vector<16xf32>
      %mul3A_236 = arith.constant 16 : i32
      %mul3A_237 = arith.muli %add3A_213, %mul3A_236 : i32
      %add3A_238 = arith.constant 0 : i32
      %add3A_239 = arith.addi %mul3A_237, %add3A_238 : i32
      %swap3A = arith.index_cast %add3A_239 : i32 to index
      %swap3A_240 = arith.constant 0 : index
      %swap3A_241 = tpu.vector_load %arg15[%swap3A, %swap3A_240] {strides = array<i32>} : memref<640x16xf32, #tpu.memory_space<vmem>>, vector<1x16xf32>,
      %swap3A_242 = vector.shape_cast %swap3A_241 : vector<1x16xf32> to vector<16xf32>
      %swap3A_243 = vector.shape_cast %mul3A_235 : vector<16xf32> to vector<1x16xf32>
      tpu.vector_store %arg15[%swap3A, %swap3A_240], %swap3A_243 {strides = array<i32>} : memref<640x16xf32, #tpu.memory_space<vmem>>, vector<1x16xf32>,
      %broadcast_in_dim3A_244 = arith.constant 1 : i32
      %broadcast_in_dim3A_245 = vector.broadcast %broadcast_in_dim3A_244 : i32 to vector<16xi32>
      %lt3A_246 = arith.constant 0 : i32
      %lt3A_247 = vector.broadcast %lt3A_246 : i32 to vector<16xi32>
      %lt3A_248 = arith.cmpi slt, %broadcast_in_dim3A_245, %lt3A_247 : vector<16xi32>
      %add3A_249 = arith.constant 16 : i32
      %add3A_250 = vector.broadcast %add3A_249 : i32 to vector<16xi32>
      %add3A_251 = arith.addi %broadcast_in_dim3A_245, %add3A_250 : vector<16xi32>
      %select_n3A_252 = arith.select %lt3A_248, %add3A_251, %broadcast_in_dim3A_245 : vector<16xi1>, vector<16xi32>
      %broadcast_in_dim3A_253 = vector.shape_cast %select_n3A_252 : vector<16xi32> to vector<16x1xi32>
      %gather3A_254 = vector.shape_cast %broadcast_in_dim3A_253 : vector<16x1xi32> to vector<16xi32>
      %gather3A_255 = tpu.dynamic_gather %get3A_217[%gather3A_254] in [0] : vector<16xf32>, vector<16xi32> -> vector<16xf32>
      %mul3A_256 = arith.constant 16 : i32
      %mul3A_257 = arith.muli %add3A_213, %mul3A_256 : i32
      %add3A_258 = arith.constant 1 : i32
      %add3A_259 = arith.addi %mul3A_257, %add3A_258 : i32
      %get3A_260 = arith.index_cast %add3A_259 : i32 to index
      %get3A_261 = arith.constant 0 : index
      %get3A_262 = tpu.vector_load %arg15[%get3A_260, %get3A_261] {strides = array<i32>} : memref<640x16xf32, #tpu.memory_space<vmem>>, vector<1x16xf32>,
      %get3A_263 = vector.shape_cast %get3A_262 : vector<1x16xf32> to vector<16xf32>
      %mul3A_264 = arith.mulf %get3A_263, %gather3A_255 : vector<16xf32>
      %mul3A_265 = arith.constant 16 : i32
      %mul3A_266 = arith.muli %add3A_213, %mul3A_265 : i32
      %add3A_267 = arith.constant 1 : i32
      %add3A_268 = arith.addi %mul3A_266, %add3A_267 : i32
      %swap3A_269 = arith.index_cast %add3A_268 : i32 to index
      %swap3A_270 = arith.constant 0 : index
      %swap3A_271 = tpu.vector_load %arg15[%swap3A_269, %swap3A_270] {strides = array<i32>} : memref<640x16xf32, #tpu.memory_space<vmem>>, vector<1x16xf32>,
      %swap3A_272 = vector.shape_cast %swap3A_271 : vector<1x16xf32> to vector<16xf32>
      %swap3A_273 = vector.shape_cast %mul3A_264 : vector<16xf32> to vector<1x16xf32>
      tpu.vector_store %arg15[%swap3A_269, %swap3A_270], %swap3A_273 {strides = array<i32>} : memref<640x16xf32, #tpu.memory_space<vmem>>, vector<1x16xf32>,
      %broadcast_in_dim3A_274 = arith.constant 2 : i32
      %broadcast_in_dim3A_275 = vector.broadcast %broadcast_in_dim3A_274 : i32 to vector<16xi32>
      %lt3A_276 = arith.constant 0 : i32
      %lt3A_277 = vector.broadcast %lt3A_276 : i32 to vector<16xi32>
      %lt3A_278 = arith.cmpi slt, %broadcast_in_dim3A_275, %lt3A_277 : vector<16xi32>
      %add3A_279 = arith.constant 16 : i32
      %add3A_280 = vector.broadcast %add3A_279 : i32 to vector<16xi32>
      %add3A_281 = arith.addi %broadcast_in_dim3A_275, %add3A_280 : vector<16xi32>
      %select_n3A_282 = arith.select %lt3A_278, %add3A_281, %broadcast_in_dim3A_275 : vector<16xi1>, vector<16xi32>
      %broadcast_in_dim3A_283 = vector.shape_cast %select_n3A_282 : vector<16xi32> to vector<16x1xi32>
      %gather3A_284 = vector.shape_cast %broadcast_in_dim3A_283 : vector<16x1xi32> to vector<16xi32>
      %gather3A_285 = tpu.dynamic_gather %get3A_217[%gather3A_284] in [0] : vector<16xf32>, vector<16xi32> -> vector<16xf32>
      %mul3A_286 = arith.constant 16 : i32
      %mul3A_287 = arith.muli %add3A_213, %mul3A_286 : i32
      %add3A_288 = arith.constant 2 : i32
      %add3A_289 = arith.addi %mul3A_287, %add3A_288 : i32
      %get3A_290 = arith.index_cast %add3A_289 : i32 to index
      %get3A_291 = arith.constant 0 : index
      %get3A_292 = tpu.vector_load %arg15[%get3A_290, %get3A_291] {strides = array<i32>} : memref<640x16xf32, #tpu.memory_space<vmem>>, vector<1x16xf32>,
      %get3A_293 = vector.shape_cast %get3A_292 : vector<1x16xf32> to vector<16xf32>
      %mul3A_294 = arith.mulf %get3A_293, %gather3A_285 : vector<16xf32>
      %mul3A_295 = arith.constant 16 : i32
      %mul3A_296 = arith.muli %add3A_213, %mul3A_295 : i32
      %add3A_297 = arith.constant 2 : i32
      %add3A_298 = arith.addi %mul3A_296, %add3A_297 : i32
      %swap3A_299 = arith.index_cast %add3A_298 : i32 to index
      %swap3A_300 = arith.constant 0 : index
      %swap3A_301 = tpu.vector_load %arg15[%swap3A_299, %swap3A_300] {strides = array<i32>} : memref<640x16xf32, #tpu.memory_space<vmem>>, vector<1x16xf32>,
      %swap3A_302 = vector.shape_cast %swap3A_301 : vector<1x16xf32> to vector<16xf32>
      %swap3A_303 = vector.shape_cast %mul3A_294 : vector<16xf32> to vector<1x16xf32>
      tpu.vector_store %arg15[%swap3A_299, %swap3A_300], %swap3A_303 {strides = array<i32>} : memref<640x16xf32, #tpu.memory_space<vmem>>, vector<1x16xf32>,
      %broadcast_in_dim3A_304 = arith.constant 3 : i32
      %broadcast_in_dim3A_305 = vector.broadcast %broadcast_in_dim3A_304 : i32 to vector<16xi32>
      %lt3A_306 = arith.constant 0 : i32
      %lt3A_307 = vector.broadcast %lt3A_306 : i32 to vector<16xi32>
      %lt3A_308 = arith.cmpi slt, %broadcast_in_dim3A_305, %lt3A_307 : vector<16xi32>
      %add3A_309 = arith.constant 16 : i32
      %add3A_310 = vector.broadcast %add3A_309 : i32 to vector<16xi32>
      %add3A_311 = arith.addi %broadcast_in_dim3A_305, %add3A_310 : vector<16xi32>
      %select_n3A_312 = arith.select %lt3A_308, %add3A_311, %broadcast_in_dim3A_305 : vector<16xi1>, vector<16xi32>
      %broadcast_in_dim3A_313 = vector.shape_cast %select_n3A_312 : vector<16xi32> to vector<16x1xi32>
      %gather3A_314 = vector.shape_cast %broadcast_in_dim3A_313 : vector<16x1xi32> to vector<16xi32>
      %gather3A_315 = tpu.dynamic_gather %get3A_217[%gather3A_314] in [0] : vector<16xf32>, vector<16xi32> -> vector<16xf32>
      %mul3A_316 = arith.constant 16 : i32
      %mul3A_317 = arith.muli %add3A_213, %mul3A_316 : i32
      %add3A_318 = arith.constant 3 : i32
      %add3A_319 = arith.addi %mul3A_317, %add3A_318 : i32
      %get3A_320 = arith.index_cast %add3A_319 : i32 to index
      %get3A_321 = arith.constant 0 : index
      %get3A_322 = tpu.vector_load %arg15[%get3A_320, %get3A_321] {strides = array<i32>} : memref<640x16xf32, #tpu.memory_space<vmem>>, vector<1x16xf32>,
      %get3A_323 = vector.shape_cast %get3A_322 : vector<1x16xf32> to vector<16xf32>
      %mul3A_324 = arith.mulf %get3A_323, %gather3A_315 : vector<16xf32>
      %mul3A_325 = arith.constant 16 : i32
      %mul3A_326 = arith.muli %add3A_213, %mul3A_325 : i32
      %add3A_327 = arith.constant 3 : i32
      %add3A_328 = arith.addi %mul3A_326, %add3A_327 : i32
      %swap3A_329 = arith.index_cast %add3A_328 : i32 to index
      %swap3A_330 = arith.constant 0 : index
      %swap3A_331 = tpu.vector_load %arg15[%swap3A_329, %swap3A_330] {strides = array<i32>} : memref<640x16xf32, #tpu.memory_space<vmem>>, vector<1x16xf32>,
      %swap3A_332 = vector.shape_cast %swap3A_331 : vector<1x16xf32> to vector<16xf32>
      %swap3A_333 = vector.shape_cast %mul3A_324 : vector<16xf32> to vector<1x16xf32>
      tpu.vector_store %arg15[%swap3A_329, %swap3A_330], %swap3A_333 {strides = array<i32>} : memref<640x16xf32, #tpu.memory_space<vmem>>, vector<1x16xf32>,
      %broadcast_in_dim3A_334 = arith.constant 4 : i32
      %broadcast_in_dim3A_335 = vector.broadcast %broadcast_in_dim3A_334 : i32 to vector<16xi32>
      %lt3A_336 = arith.constant 0 : i32
      %lt3A_337 = vector.broadcast %lt3A_336 : i32 to vector<16xi32>
      %lt3A_338 = arith.cmpi slt, %broadcast_in_dim3A_335, %lt3A_337 : vector<16xi32>
      %add3A_339 = arith.constant 16 : i32
      %add3A_340 = vector.broadcast %add3A_339 : i32 to vector<16xi32>
      %add3A_341 = arith.addi %broadcast_in_dim3A_335, %add3A_340 : vector<16xi32>
      %select_n3A_342 = arith.select %lt3A_338, %add3A_341, %broadcast_in_dim3A_335 : vector<16xi1>, vector<16xi32>
      %broadcast_in_dim3A_343 = vector.shape_cast %select_n3A_342 : vector<16xi32> to vector<16x1xi32>
      %gather3A_344 = vector.shape_cast %broadcast_in_dim3A_343 : vector<16x1xi32> to vector<16xi32>
      %gather3A_345 = tpu.dynamic_gather %get3A_217[%gather3A_344] in [0] : vector<16xf32>, vector<16xi32> -> vector<16xf32>
      %mul3A_346 = arith.constant 16 : i32
      %mul3A_347 = arith.muli %add3A_213, %mul3A_346 : i32
      %add3A_348 = arith.constant 4 : i32
      %add3A_349 = arith.addi %mul3A_347, %add3A_348 : i32
      %get3A_350 = arith.index_cast %add3A_349 : i32 to index
      %get3A_351 = arith.constant 0 : index
      %get3A_352 = tpu.vector_load %arg15[%get3A_350, %get3A_351] {strides = array<i32>} : memref<640x16xf32, #tpu.memory_space<vmem>>, vector<1x16xf32>,
      %get3A_353 = vector.shape_cast %get3A_352 : vector<1x16xf32> to vector<16xf32>
      %mul3A_354 = arith.mulf %get3A_353, %gather3A_345 : vector<16xf32>
      %mul3A_355 = arith.constant 16 : i32
      %mul3A_356 = arith.muli %add3A_213, %mul3A_355 : i32
      %add3A_357 = arith.constant 4 : i32
      %add3A_358 = arith.addi %mul3A_356, %add3A_357 : i32
      %swap3A_359 = arith.index_cast %add3A_358 : i32 to index
      %swap3A_360 = arith.constant 0 : index
      %swap3A_361 = tpu.vector_load %arg15[%swap3A_359, %swap3A_360] {strides = array<i32>} : memref<640x16xf32, #tpu.memory_space<vmem>>, vector<1x16xf32>,
      %swap3A_362 = vector.shape_cast %swap3A_361 : vector<1x16xf32> to vector<16xf32>
      %swap3A_363 = vector.shape_cast %mul3A_354 : vector<16xf32> to vector<1x16xf32>
      tpu.vector_store %arg15[%swap3A_359, %swap3A_360], %swap3A_363 {strides = array<i32>} : memref<640x16xf32, #tpu.memory_space<vmem>>, vector<1x16xf32>,
      %broadcast_in_dim3A_364 = arith.constant 5 : i32
      %broadcast_in_dim3A_365 = vector.broadcast %broadcast_in_dim3A_364 : i32 to vector<16xi32>
      %lt3A_366 = arith.constant 0 : i32
      %lt3A_367 = vector.broadcast %lt3A_366 : i32 to vector<16xi32>
      %lt3A_368 = arith.cmpi slt, %broadcast_in_dim3A_365, %lt3A_367 : vector<16xi32>
      %add3A_369 = arith.constant 16 : i32
      %add3A_370 = vector.broadcast %add3A_369 : i32 to vector<16xi32>
      %add3A_371 = arith.addi %broadcast_in_dim3A_365, %add3A_370 : vector<16xi32>
      %select_n3A_372 = arith.select %lt3A_368, %add3A_371, %broadcast_in_dim3A_365 : vector<16xi1>, vector<16xi32>
      %broadcast_in_dim3A_373 = vector.shape_cast %select_n3A_372 : vector<16xi32> to vector<16x1xi32>
      %gather3A_374 = vector.shape_cast %broadcast_in_dim3A_373 : vector<16x1xi32> to vector<16xi32>
      %gather3A_375 = tpu.dynamic_gather %get3A_217[%gather3A_374] in [0] : vector<16xf32>, vector<16xi32> -> vector<16xf32>
      %mul3A_376 = arith.constant 16 : i32
      %mul3A_377 = arith.muli %add3A_213, %mul3A_376 : i32
      %add3A_378 = arith.constant 5 : i32
      %add3A_379 = arith.addi %mul3A_377, %add3A_378 : i32
      %get3A_380 = arith.index_cast %add3A_379 : i32 to index
      %get3A_381 = arith.constant 0 : index
      %get3A_382 = tpu.vector_load %arg15[%get3A_380, %get3A_381] {strides = array<i32>} : memref<640x16xf32, #tpu.memory_space<vmem>>, vector<1x16xf32>,
      %get3A_383 = vector.shape_cast %get3A_382 : vector<1x16xf32> to vector<16xf32>
      %mul3A_384 = arith.mulf %get3A_383, %gather3A_375 : vector<16xf32>
      %mul3A_385 = arith.constant 16 : i32
      %mul3A_386 = arith.muli %add3A_213, %mul3A_385 : i32
      %add3A_387 = arith.constant 5 : i32
      %add3A_388 = arith.addi %mul3A_386, %add3A_387 : i32
      %swap3A_389 = arith.index_cast %add3A_388 : i32 to index
      %swap3A_390 = arith.constant 0 : index
      %swap3A_391 = tpu.vector_load %arg15[%swap3A_389, %swap3A_390] {strides = array<i32>} : memref<640x16xf32, #tpu.memory_space<vmem>>, vector<1x16xf32>,
      %swap3A_392 = vector.shape_cast %swap3A_391 : vector<1x16xf32> to vector<16xf32>
      %swap3A_393 = vector.shape_cast %mul3A_384 : vector<16xf32> to vector<1x16xf32>
      tpu.vector_store %arg15[%swap3A_389, %swap3A_390], %swap3A_393 {strides = array<i32>} : memref<640x16xf32, #tpu.memory_space<vmem>>, vector<1x16xf32>,
      %broadcast_in_dim3A_394 = arith.constant 6 : i32
      %broadcast_in_dim3A_395 = vector.broadcast %broadcast_in_dim3A_394 : i32 to vector<16xi32>
      %lt3A_396 = arith.constant 0 : i32
      %lt3A_397 = vector.broadcast %lt3A_396 : i32 to vector<16xi32>
      %lt3A_398 = arith.cmpi slt, %broadcast_in_dim3A_395, %lt3A_397 : vector<16xi32>
      %add3A_399 = arith.constant 16 : i32
      %add3A_400 = vector.broadcast %add3A_399 : i32 to vector<16xi32>
      %add3A_401 = arith.addi %broadcast_in_dim3A_395, %add3A_400 : vector<16xi32>
      %select_n3A_402 = arith.select %lt3A_398, %add3A_401, %broadcast_in_dim3A_395 : vector<16xi1>, vector<16xi32>
      %broadcast_in_dim3A_403 = vector.shape_cast %select_n3A_402 : vector<16xi32> to vector<16x1xi32>
      %gather3A_404 = vector.shape_cast %broadcast_in_dim3A_403 : vector<16x1xi32> to vector<16xi32>
      %gather3A_405 = tpu.dynamic_gather %get3A_217[%gather3A_404] in [0] : vector<16xf32>, vector<16xi32> -> vector<16xf32>
      %mul3A_406 = arith.constant 16 : i32
      %mul3A_407 = arith.muli %add3A_213, %mul3A_406 : i32
      %add3A_408 = arith.constant 6 : i32
      %add3A_409 = arith.addi %mul3A_407, %add3A_408 : i32
      %get3A_410 = arith.index_cast %add3A_409 : i32 to index
      %get3A_411 = arith.constant 0 : index
      %get3A_412 = tpu.vector_load %arg15[%get3A_410, %get3A_411] {strides = array<i32>} : memref<640x16xf32, #tpu.memory_space<vmem>>, vector<1x16xf32>,
      %get3A_413 = vector.shape_cast %get3A_412 : vector<1x16xf32> to vector<16xf32>
      %mul3A_414 = arith.mulf %get3A_413, %gather3A_405 : vector<16xf32>
      %mul3A_415 = arith.constant 16 : i32
      %mul3A_416 = arith.muli %add3A_213, %mul3A_415 : i32
      %add3A_417 = arith.constant 6 : i32
      %add3A_418 = arith.addi %mul3A_416, %add3A_417 : i32
      %swap3A_419 = arith.index_cast %add3A_418 : i32 to index
      %swap3A_420 = arith.constant 0 : index
      %swap3A_421 = tpu.vector_load %arg15[%swap3A_419, %swap3A_420] {strides = array<i32>} : memref<640x16xf32, #tpu.memory_space<vmem>>, vector<1x16xf32>,
      %swap3A_422 = vector.shape_cast %swap3A_421 : vector<1x16xf32> to vector<16xf32>
      %swap3A_423 = vector.shape_cast %mul3A_414 : vector<16xf32> to vector<1x16xf32>
      tpu.vector_store %arg15[%swap3A_419, %swap3A_420], %swap3A_423 {strides = array<i32>} : memref<640x16xf32, #tpu.memory_space<vmem>>, vector<1x16xf32>,
      %broadcast_in_dim3A_424 = arith.constant 7 : i32
      %broadcast_in_dim3A_425 = vector.broadcast %broadcast_in_dim3A_424 : i32 to vector<16xi32>
      %lt3A_426 = arith.constant 0 : i32
      %lt3A_427 = vector.broadcast %lt3A_426 : i32 to vector<16xi32>
      %lt3A_428 = arith.cmpi slt, %broadcast_in_dim3A_425, %lt3A_427 : vector<16xi32>
      %add3A_429 = arith.constant 16 : i32
      %add3A_430 = vector.broadcast %add3A_429 : i32 to vector<16xi32>
      %add3A_431 = arith.addi %broadcast_in_dim3A_425, %add3A_430 : vector<16xi32>
      %select_n3A_432 = arith.select %lt3A_428, %add3A_431, %broadcast_in_dim3A_425 : vector<16xi1>, vector<16xi32>
      %broadcast_in_dim3A_433 = vector.shape_cast %select_n3A_432 : vector<16xi32> to vector<16x1xi32>
      %gather3A_434 = vector.shape_cast %broadcast_in_dim3A_433 : vector<16x1xi32> to vector<16xi32>
      %gather3A_435 = tpu.dynamic_gather %get3A_217[%gather3A_434] in [0] : vector<16xf32>, vector<16xi32> -> vector<16xf32>
      %mul3A_436 = arith.constant 16 : i32
      %mul3A_437 = arith.muli %add3A_213, %mul3A_436 : i32
      %add3A_438 = arith.constant 7 : i32
      %add3A_439 = arith.addi %mul3A_437, %add3A_438 : i32
      %get3A_440 = arith.index_cast %add3A_439 : i32 to index
      %get3A_441 = arith.constant 0 : index
      %get3A_442 = tpu.vector_load %arg15[%get3A_440, %get3A_441] {strides = array<i32>} : memref<640x16xf32, #tpu.memory_space<vmem>>, vector<1x16xf32>,
      %get3A_443 = vector.shape_cast %get3A_442 : vector<1x16xf32> to vector<16xf32>
      %mul3A_444 = arith.mulf %get3A_443, %gather3A_435 : vector<16xf32>
      %mul3A_445 = arith.constant 16 : i32
      %mul3A_446 = arith.muli %add3A_213, %mul3A_445 : i32
      %add3A_447 = arith.constant 7 : i32
      %add3A_448 = arith.addi %mul3A_446, %add3A_447 : i32
      %swap3A_449 = arith.index_cast %add3A_448 : i32 to index
      %swap3A_450 = arith.constant 0 : index
      %swap3A_451 = tpu.vector_load %arg15[%swap3A_449, %swap3A_450] {strides = array<i32>} : memref<640x16xf32, #tpu.memory_space<vmem>>, vector<1x16xf32>,
      %swap3A_452 = vector.shape_cast %swap3A_451 : vector<1x16xf32> to vector<16xf32>
      %swap3A_453 = vector.shape_cast %mul3A_444 : vector<16xf32> to vector<1x16xf32>
      tpu.vector_store %arg15[%swap3A_449, %swap3A_450], %swap3A_453 {strides = array<i32>} : memref<640x16xf32, #tpu.memory_space<vmem>>, vector<1x16xf32>,
      %broadcast_in_dim3A_454 = arith.constant 8 : i32
      %broadcast_in_dim3A_455 = vector.broadcast %broadcast_in_dim3A_454 : i32 to vector<16xi32>
      %lt3A_456 = arith.constant 0 : i32
      %lt3A_457 = vector.broadcast %lt3A_456 : i32 to vector<16xi32>
      %lt3A_458 = arith.cmpi slt, %broadcast_in_dim3A_455, %lt3A_457 : vector<16xi32>
      %add3A_459 = arith.constant 16 : i32
      %add3A_460 = vector.broadcast %add3A_459 : i32 to vector<16xi32>
      %add3A_461 = arith.addi %broadcast_in_dim3A_455, %add3A_460 : vector<16xi32>
      %select_n3A_462 = arith.select %lt3A_458, %add3A_461, %broadcast_in_dim3A_455 : vector<16xi1>, vector<16xi32>
      %broadcast_in_dim3A_463 = vector.shape_cast %select_n3A_462 : vector<16xi32> to vector<16x1xi32>
      %gather3A_464 = vector.shape_cast %broadcast_in_dim3A_463 : vector<16x1xi32> to vector<16xi32>
      %gather3A_465 = tpu.dynamic_gather %get3A_217[%gather3A_464] in [0] : vector<16xf32>, vector<16xi32> -> vector<16xf32>
      %mul3A_466 = arith.constant 16 : i32
      %mul3A_467 = arith.muli %add3A_213, %mul3A_466 : i32
      %add3A_468 = arith.constant 8 : i32
      %add3A_469 = arith.addi %mul3A_467, %add3A_468 : i32
      %get3A_470 = arith.index_cast %add3A_469 : i32 to index
      %get3A_471 = arith.constant 0 : index
      %get3A_472 = tpu.vector_load %arg15[%get3A_470, %get3A_471] {strides = array<i32>} : memref<640x16xf32, #tpu.memory_space<vmem>>, vector<1x16xf32>,
      %get3A_473 = vector.shape_cast %get3A_472 : vector<1x16xf32> to vector<16xf32>
      %mul3A_474 = arith.mulf %get3A_473, %gather3A_465 : vector<16xf32>
      %mul3A_475 = arith.constant 16 : i32
      %mul3A_476 = arith.muli %add3A_213, %mul3A_475 : i32
      %add3A_477 = arith.constant 8 : i32
      %add3A_478 = arith.addi %mul3A_476, %add3A_477 : i32
      %swap3A_479 = arith.index_cast %add3A_478 : i32 to index
      %swap3A_480 = arith.constant 0 : index
      %swap3A_481 = tpu.vector_load %arg15[%swap3A_479, %swap3A_480] {strides = array<i32>} : memref<640x16xf32, #tpu.memory_space<vmem>>, vector<1x16xf32>,
      %swap3A_482 = vector.shape_cast %swap3A_481 : vector<1x16xf32> to vector<16xf32>
      %swap3A_483 = vector.shape_cast %mul3A_474 : vector<16xf32> to vector<1x16xf32>
      tpu.vector_store %arg15[%swap3A_479, %swap3A_480], %swap3A_483 {strides = array<i32>} : memref<640x16xf32, #tpu.memory_space<vmem>>, vector<1x16xf32>,
      %broadcast_in_dim3A_484 = arith.constant 9 : i32
      %broadcast_in_dim3A_485 = vector.broadcast %broadcast_in_dim3A_484 : i32 to vector<16xi32>
      %lt3A_486 = arith.constant 0 : i32
      %lt3A_487 = vector.broadcast %lt3A_486 : i32 to vector<16xi32>
      %lt3A_488 = arith.cmpi slt, %broadcast_in_dim3A_485, %lt3A_487 : vector<16xi32>
      %add3A_489 = arith.constant 16 : i32
      %add3A_490 = vector.broadcast %add3A_489 : i32 to vector<16xi32>
      %add3A_491 = arith.addi %broadcast_in_dim3A_485, %add3A_490 : vector<16xi32>
      %select_n3A_492 = arith.select %lt3A_488, %add3A_491, %broadcast_in_dim3A_485 : vector<16xi1>, vector<16xi32>
      %broadcast_in_dim3A_493 = vector.shape_cast %select_n3A_492 : vector<16xi32> to vector<16x1xi32>
      %gather3A_494 = vector.shape_cast %broadcast_in_dim3A_493 : vector<16x1xi32> to vector<16xi32>
      %gather3A_495 = tpu.dynamic_gather %get3A_217[%gather3A_494] in [0] : vector<16xf32>, vector<16xi32> -> vector<16xf32>
      %mul3A_496 = arith.constant 16 : i32
      %mul3A_497 = arith.muli %add3A_213, %mul3A_496 : i32
      %add3A_498 = arith.constant 9 : i32
      %add3A_499 = arith.addi %mul3A_497, %add3A_498 : i32
      %get3A_500 = arith.index_cast %add3A_499 : i32 to index
      %get3A_501 = arith.constant 0 : index
      %get3A_502 = tpu.vector_load %arg15[%get3A_500, %get3A_501] {strides = array<i32>} : memref<640x16xf32, #tpu.memory_space<vmem>>, vector<1x16xf32>,
      %get3A_503 = vector.shape_cast %get3A_502 : vector<1x16xf32> to vector<16xf32>
      %mul3A_504 = arith.mulf %get3A_503, %gather3A_495 : vector<16xf32>
      %mul3A_505 = arith.constant 16 : i32
      %mul3A_506 = arith.muli %add3A_213, %mul3A_505 : i32
      %add3A_507 = arith.constant 9 : i32
      %add3A_508 = arith.addi %mul3A_506, %add3A_507 : i32
      %swap3A_509 = arith.index_cast %add3A_508 : i32 to index
      %swap3A_510 = arith.constant 0 : index
      %swap3A_511 = tpu.vector_load %arg15[%swap3A_509, %swap3A_510] {strides = array<i32>} : memref<640x16xf32, #tpu.memory_space<vmem>>, vector<1x16xf32>,
      %swap3A_512 = vector.shape_cast %swap3A_511 : vector<1x16xf32> to vector<16xf32>
      %swap3A_513 = vector.shape_cast %mul3A_504 : vector<16xf32> to vector<1x16xf32>
      tpu.vector_store %arg15[%swap3A_509, %swap3A_510], %swap3A_513 {strides = array<i32>} : memref<640x16xf32, #tpu.memory_space<vmem>>, vector<1x16xf32>,
      %broadcast_in_dim3A_514 = arith.constant 10 : i32
      %broadcast_in_dim3A_515 = vector.broadcast %broadcast_in_dim3A_514 : i32 to vector<16xi32>
      %lt3A_516 = arith.constant 0 : i32
      %lt3A_517 = vector.broadcast %lt3A_516 : i32 to vector<16xi32>
      %lt3A_518 = arith.cmpi slt, %broadcast_in_dim3A_515, %lt3A_517 : vector<16xi32>
      %add3A_519 = arith.constant 16 : i32
      %add3A_520 = vector.broadcast %add3A_519 : i32 to vector<16xi32>
      %add3A_521 = arith.addi %broadcast_in_dim3A_515, %add3A_520 : vector<16xi32>
      %select_n3A_522 = arith.select %lt3A_518, %add3A_521, %broadcast_in_dim3A_515 : vector<16xi1>, vector<16xi32>
      %broadcast_in_dim3A_523 = vector.shape_cast %select_n3A_522 : vector<16xi32> to vector<16x1xi32>
      %gather3A_524 = vector.shape_cast %broadcast_in_dim3A_523 : vector<16x1xi32> to vector<16xi32>
      %gather3A_525 = tpu.dynamic_gather %get3A_217[%gather3A_524] in [0] : vector<16xf32>, vector<16xi32> -> vector<16xf32>
      %mul3A_526 = arith.constant 16 : i32
      %mul3A_527 = arith.muli %add3A_213, %mul3A_526 : i32
      %add3A_528 = arith.constant 10 : i32
      %add3A_529 = arith.addi %mul3A_527, %add3A_528 : i32
      %get3A_530 = arith.index_cast %add3A_529 : i32 to index
      %get3A_531 = arith.constant 0 : index
      %get3A_532 = tpu.vector_load %arg15[%get3A_530, %get3A_531] {strides = array<i32>} : memref<640x16xf32, #tpu.memory_space<vmem>>, vector<1x16xf32>,
      %get3A_533 = vector.shape_cast %get3A_532 : vector<1x16xf32> to vector<16xf32>
      %mul3A_534 = arith.mulf %get3A_533, %gather3A_525 : vector<16xf32>
      %mul3A_535 = arith.constant 16 : i32
      %mul3A_536 = arith.muli %add3A_213, %mul3A_535 : i32
      %add3A_537 = arith.constant 10 : i32
      %add3A_538 = arith.addi %mul3A_536, %add3A_537 : i32
      %swap3A_539 = arith.index_cast %add3A_538 : i32 to index
      %swap3A_540 = arith.constant 0 : index
      %swap3A_541 = tpu.vector_load %arg15[%swap3A_539, %swap3A_540] {strides = array<i32>} : memref<640x16xf32, #tpu.memory_space<vmem>>, vector<1x16xf32>,
      %swap3A_542 = vector.shape_cast %swap3A_541 : vector<1x16xf32> to vector<16xf32>
      %swap3A_543 = vector.shape_cast %mul3A_534 : vector<16xf32> to vector<1x16xf32>
      tpu.vector_store %arg15[%swap3A_539, %swap3A_540], %swap3A_543 {strides = array<i32>} : memref<640x16xf32, #tpu.memory_space<vmem>>, vector<1x16xf32>,
      %broadcast_in_dim3A_544 = arith.constant 11 : i32
      %broadcast_in_dim3A_545 = vector.broadcast %broadcast_in_dim3A_544 : i32 to vector<16xi32>
      %lt3A_546 = arith.constant 0 : i32
      %lt3A_547 = vector.broadcast %lt3A_546 : i32 to vector<16xi32>
      %lt3A_548 = arith.cmpi slt, %broadcast_in_dim3A_545, %lt3A_547 : vector<16xi32>
      %add3A_549 = arith.constant 16 : i32
      %add3A_550 = vector.broadcast %add3A_549 : i32 to vector<16xi32>
      %add3A_551 = arith.addi %broadcast_in_dim3A_545, %add3A_550 : vector<16xi32>
      %select_n3A_552 = arith.select %lt3A_548, %add3A_551, %broadcast_in_dim3A_545 : vector<16xi1>, vector<16xi32>
      %broadcast_in_dim3A_553 = vector.shape_cast %select_n3A_552 : vector<16xi32> to vector<16x1xi32>
      %gather3A_554 = vector.shape_cast %broadcast_in_dim3A_553 : vector<16x1xi32> to vector<16xi32>
      %gather3A_555 = tpu.dynamic_gather %get3A_217[%gather3A_554] in [0] : vector<16xf32>, vector<16xi32> -> vector<16xf32>
      %mul3A_556 = arith.constant 16 : i32
      %mul3A_557 = arith.muli %add3A_213, %mul3A_556 : i32
      %add3A_558 = arith.constant 11 : i32
      %add3A_559 = arith.addi %mul3A_557, %add3A_558 : i32
      %get3A_560 = arith.index_cast %add3A_559 : i32 to index
      %get3A_561 = arith.constant 0 : index
      %get3A_562 = tpu.vector_load %arg15[%get3A_560, %get3A_561] {strides = array<i32>} : memref<640x16xf32, #tpu.memory_space<vmem>>, vector<1x16xf32>,
      %get3A_563 = vector.shape_cast %get3A_562 : vector<1x16xf32> to vector<16xf32>
      %mul3A_564 = arith.mulf %get3A_563, %gather3A_555 : vector<16xf32>
      %mul3A_565 = arith.constant 16 : i32
      %mul3A_566 = arith.muli %add3A_213, %mul3A_565 : i32
      %add3A_567 = arith.constant 11 : i32
      %add3A_568 = arith.addi %mul3A_566, %add3A_567 : i32
      %swap3A_569 = arith.index_cast %add3A_568 : i32 to index
      %swap3A_570 = arith.constant 0 : index
      %swap3A_571 = tpu.vector_load %arg15[%swap3A_569, %swap3A_570] {strides = array<i32>} : memref<640x16xf32, #tpu.memory_space<vmem>>, vector<1x16xf32>,
      %swap3A_572 = vector.shape_cast %swap3A_571 : vector<1x16xf32> to vector<16xf32>
      %swap3A_573 = vector.shape_cast %mul3A_564 : vector<16xf32> to vector<1x16xf32>
      tpu.vector_store %arg15[%swap3A_569, %swap3A_570], %swap3A_573 {strides = array<i32>} : memref<640x16xf32, #tpu.memory_space<vmem>>, vector<1x16xf32>,
      %broadcast_in_dim3A_574 = arith.constant 12 : i32
      %broadcast_in_dim3A_575 = vector.broadcast %broadcast_in_dim3A_574 : i32 to vector<16xi32>
      %lt3A_576 = arith.constant 0 : i32
      %lt3A_577 = vector.broadcast %lt3A_576 : i32 to vector<16xi32>
      %lt3A_578 = arith.cmpi slt, %broadcast_in_dim3A_575, %lt3A_577 : vector<16xi32>
      %add3A_579 = arith.constant 16 : i32
      %add3A_580 = vector.broadcast %add3A_579 : i32 to vector<16xi32>
      %add3A_581 = arith.addi %broadcast_in_dim3A_575, %add3A_580 : vector<16xi32>
      %select_n3A_582 = arith.select %lt3A_578, %add3A_581, %broadcast_in_dim3A_575 : vector<16xi1>, vector<16xi32>
      %broadcast_in_dim3A_583 = vector.shape_cast %select_n3A_582 : vector<16xi32> to vector<16x1xi32>
      %gather3A_584 = vector.shape_cast %broadcast_in_dim3A_583 : vector<16x1xi32> to vector<16xi32>
      %gather3A_585 = tpu.dynamic_gather %get3A_217[%gather3A_584] in [0] : vector<16xf32>, vector<16xi32> -> vector<16xf32>
      %mul3A_586 = arith.constant 16 : i32
      %mul3A_587 = arith.muli %add3A_213, %mul3A_586 : i32
      %add3A_588 = arith.constant 12 : i32
      %add3A_589 = arith.addi %mul3A_587, %add3A_588 : i32
      %get3A_590 = arith.index_cast %add3A_589 : i32 to index
      %get3A_591 = arith.constant 0 : index
      %get3A_592 = tpu.vector_load %arg15[%get3A_590, %get3A_591] {strides = array<i32>} : memref<640x16xf32, #tpu.memory_space<vmem>>, vector<1x16xf32>,
      %get3A_593 = vector.shape_cast %get3A_592 : vector<1x16xf32> to vector<16xf32>
      %mul3A_594 = arith.mulf %get3A_593, %gather3A_585 : vector<16xf32>
      %mul3A_595 = arith.constant 16 : i32
      %mul3A_596 = arith.muli %add3A_213, %mul3A_595 : i32
      %add3A_597 = arith.constant 12 : i32
      %add3A_598 = arith.addi %mul3A_596, %add3A_597 : i32
      %swap3A_599 = arith.index_cast %add3A_598 : i32 to index
      %swap3A_600 = arith.constant 0 : index
      %swap3A_601 = tpu.vector_load %arg15[%swap3A_599, %swap3A_600] {strides = array<i32>} : memref<640x16xf32, #tpu.memory_space<vmem>>, vector<1x16xf32>,
      %swap3A_602 = vector.shape_cast %swap3A_601 : vector<1x16xf32> to vector<16xf32>
      %swap3A_603 = vector.shape_cast %mul3A_594 : vector<16xf32> to vector<1x16xf32>
      tpu.vector_store %arg15[%swap3A_599, %swap3A_600], %swap3A_603 {strides = array<i32>} : memref<640x16xf32, #tpu.memory_space<vmem>>, vector<1x16xf32>,
      %broadcast_in_dim3A_604 = arith.constant 13 : i32
      %broadcast_in_dim3A_605 = vector.broadcast %broadcast_in_dim3A_604 : i32 to vector<16xi32>
      %lt3A_606 = arith.constant 0 : i32
      %lt3A_607 = vector.broadcast %lt3A_606 : i32 to vector<16xi32>
      %lt3A_608 = arith.cmpi slt, %broadcast_in_dim3A_605, %lt3A_607 : vector<16xi32>
      %add3A_609 = arith.constant 16 : i32
      %add3A_610 = vector.broadcast %add3A_609 : i32 to vector<16xi32>
      %add3A_611 = arith.addi %broadcast_in_dim3A_605, %add3A_610 : vector<16xi32>
      %select_n3A_612 = arith.select %lt3A_608, %add3A_611, %broadcast_in_dim3A_605 : vector<16xi1>, vector<16xi32>
      %broadcast_in_dim3A_613 = vector.shape_cast %select_n3A_612 : vector<16xi32> to vector<16x1xi32>
      %gather3A_614 = vector.shape_cast %broadcast_in_dim3A_613 : vector<16x1xi32> to vector<16xi32>
      %gather3A_615 = tpu.dynamic_gather %get3A_217[%gather3A_614] in [0] : vector<16xf32>, vector<16xi32> -> vector<16xf32>
      %mul3A_616 = arith.constant 16 : i32
      %mul3A_617 = arith.muli %add3A_213, %mul3A_616 : i32
      %add3A_618 = arith.constant 13 : i32
      %add3A_619 = arith.addi %mul3A_617, %add3A_618 : i32
      %get3A_620 = arith.index_cast %add3A_619 : i32 to index
      %get3A_621 = arith.constant 0 : index
      %get3A_622 = tpu.vector_load %arg15[%get3A_620, %get3A_621] {strides = array<i32>} : memref<640x16xf32, #tpu.memory_space<vmem>>, vector<1x16xf32>,
      %get3A_623 = vector.shape_cast %get3A_622 : vector<1x16xf32> to vector<16xf32>
      %mul3A_624 = arith.mulf %get3A_623, %gather3A_615 : vector<16xf32>
      %mul3A_625 = arith.constant 16 : i32
      %mul3A_626 = arith.muli %add3A_213, %mul3A_625 : i32
      %add3A_627 = arith.constant 13 : i32
      %add3A_628 = arith.addi %mul3A_626, %add3A_627 : i32
      %swap3A_629 = arith.index_cast %add3A_628 : i32 to index
      %swap3A_630 = arith.constant 0 : index
      %swap3A_631 = tpu.vector_load %arg15[%swap3A_629, %swap3A_630] {strides = array<i32>} : memref<640x16xf32, #tpu.memory_space<vmem>>, vector<1x16xf32>,
      %swap3A_632 = vector.shape_cast %swap3A_631 : vector<1x16xf32> to vector<16xf32>
      %swap3A_633 = vector.shape_cast %mul3A_624 : vector<16xf32> to vector<1x16xf32>
      tpu.vector_store %arg15[%swap3A_629, %swap3A_630], %swap3A_633 {strides = array<i32>} : memref<640x16xf32, #tpu.memory_space<vmem>>, vector<1x16xf32>,
      %broadcast_in_dim3A_634 = arith.constant 14 : i32
      %broadcast_in_dim3A_635 = vector.broadcast %broadcast_in_dim3A_634 : i32 to vector<16xi32>
      %lt3A_636 = arith.constant 0 : i32
      %lt3A_637 = vector.broadcast %lt3A_636 : i32 to vector<16xi32>
      %lt3A_638 = arith.cmpi slt, %broadcast_in_dim3A_635, %lt3A_637 : vector<16xi32>
      %add3A_639 = arith.constant 16 : i32
      %add3A_640 = vector.broadcast %add3A_639 : i32 to vector<16xi32>
      %add3A_641 = arith.addi %broadcast_in_dim3A_635, %add3A_640 : vector<16xi32>
      %select_n3A_642 = arith.select %lt3A_638, %add3A_641, %broadcast_in_dim3A_635 : vector<16xi1>, vector<16xi32>
      %broadcast_in_dim3A_643 = vector.shape_cast %select_n3A_642 : vector<16xi32> to vector<16x1xi32>
      %gather3A_644 = vector.shape_cast %broadcast_in_dim3A_643 : vector<16x1xi32> to vector<16xi32>
      %gather3A_645 = tpu.dynamic_gather %get3A_217[%gather3A_644] in [0] : vector<16xf32>, vector<16xi32> -> vector<16xf32>
      %mul3A_646 = arith.constant 16 : i32
      %mul3A_647 = arith.muli %add3A_213, %mul3A_646 : i32
      %add3A_648 = arith.constant 14 : i32
      %add3A_649 = arith.addi %mul3A_647, %add3A_648 : i32
      %get3A_650 = arith.index_cast %add3A_649 : i32 to index
      %get3A_651 = arith.constant 0 : index
      %get3A_652 = tpu.vector_load %arg15[%get3A_650, %get3A_651] {strides = array<i32>} : memref<640x16xf32, #tpu.memory_space<vmem>>, vector<1x16xf32>,
      %get3A_653 = vector.shape_cast %get3A_652 : vector<1x16xf32> to vector<16xf32>
      %mul3A_654 = arith.mulf %get3A_653, %gather3A_645 : vector<16xf32>
      %mul3A_655 = arith.constant 16 : i32
      %mul3A_656 = arith.muli %add3A_213, %mul3A_655 : i32
      %add3A_657 = arith.constant 14 : i32
      %add3A_658 = arith.addi %mul3A_656, %add3A_657 : i32
      %swap3A_659 = arith.index_cast %add3A_658 : i32 to index
      %swap3A_660 = arith.constant 0 : index
      %swap3A_661 = tpu.vector_load %arg15[%swap3A_659, %swap3A_660] {strides = array<i32>} : memref<640x16xf32, #tpu.memory_space<vmem>>, vector<1x16xf32>,
      %swap3A_662 = vector.shape_cast %swap3A_661 : vector<1x16xf32> to vector<16xf32>
      %swap3A_663 = vector.shape_cast %mul3A_654 : vector<16xf32> to vector<1x16xf32>
      tpu.vector_store %arg15[%swap3A_659, %swap3A_660], %swap3A_663 {strides = array<i32>} : memref<640x16xf32, #tpu.memory_space<vmem>>, vector<1x16xf32>,
      %broadcast_in_dim3A_664 = arith.constant 15 : i32
      %broadcast_in_dim3A_665 = vector.broadcast %broadcast_in_dim3A_664 : i32 to vector<16xi32>
      %lt3A_666 = arith.constant 0 : i32
      %lt3A_667 = vector.broadcast %lt3A_666 : i32 to vector<16xi32>
      %lt3A_668 = arith.cmpi slt, %broadcast_in_dim3A_665, %lt3A_667 : vector<16xi32>
      %add3A_669 = arith.constant 16 : i32
      %add3A_670 = vector.broadcast %add3A_669 : i32 to vector<16xi32>
      %add3A_671 = arith.addi %broadcast_in_dim3A_665, %add3A_670 : vector<16xi32>
      %select_n3A_672 = arith.select %lt3A_668, %add3A_671, %broadcast_in_dim3A_665 : vector<16xi1>, vector<16xi32>
      %broadcast_in_dim3A_673 = vector.shape_cast %select_n3A_672 : vector<16xi32> to vector<16x1xi32>
      %gather3A_674 = vector.shape_cast %broadcast_in_dim3A_673 : vector<16x1xi32> to vector<16xi32>
      %gather3A_675 = tpu.dynamic_gather %get3A_217[%gather3A_674] in [0] : vector<16xf32>, vector<16xi32> -> vector<16xf32>
      %mul3A_676 = arith.constant 16 : i32
      %mul3A_677 = arith.muli %add3A_213, %mul3A_676 : i32
      %add3A_678 = arith.constant 15 : i32
      %add3A_679 = arith.addi %mul3A_677, %add3A_678 : i32
      %get3A_680 = arith.index_cast %add3A_679 : i32 to index
      %get3A_681 = arith.constant 0 : index
      %get3A_682 = tpu.vector_load %arg15[%get3A_680, %get3A_681] {strides = array<i32>} : memref<640x16xf32, #tpu.memory_space<vmem>>, vector<1x16xf32>,
      %get3A_683 = vector.shape_cast %get3A_682 : vector<1x16xf32> to vector<16xf32>
      %mul3A_684 = arith.mulf %get3A_683, %gather3A_675 : vector<16xf32>
      %mul3A_685 = arith.constant 16 : i32
      %mul3A_686 = arith.muli %add3A_213, %mul3A_685 : i32
      %add3A_687 = arith.constant 15 : i32
      %add3A_688 = arith.addi %mul3A_686, %add3A_687 : i32
      %swap3A_689 = arith.index_cast %add3A_688 : i32 to index
      %swap3A_690 = arith.constant 0 : index
      %swap3A_691 = tpu.vector_load %arg15[%swap3A_689, %swap3A_690] {strides = array<i32>} : memref<640x16xf32, #tpu.memory_space<vmem>>, vector<1x16xf32>,
      %swap3A_692 = vector.shape_cast %swap3A_691 : vector<1x16xf32> to vector<16xf32>
      %swap3A_693 = vector.shape_cast %mul3A_684 : vector<16xf32> to vector<1x16xf32>
      tpu.vector_store %arg15[%swap3A_689, %swap3A_690], %swap3A_693 {strides = array<i32>} : memref<640x16xf32, #tpu.memory_space<vmem>>, vector<1x16xf32>,
    }
    %scan3A_22 = arith.constant 40 : i32
    "tpu.region"() ({
      %run_scoped3A = tpu.sem_alloc : memref<!tpu.dma_semaphore, #tpu.memory_space<semaphore_mem>>
      %dma_start3A_209 = arith.constant 0 : i32
      %dma_start3A_210 = tpu.memref_slice %arg7[%mul3A_0, %dma_start3A_209] : memref<10240x16xf32, #tpu.memory_space<vmem_shared>> -> memref<640x16xf32, #tpu.memory_space<vmem_shared>>
      %dma_start3A_211 = arith.constant 0 : i32
      %dma_start3A_212 = tpu.memref_slice %arg7[%mul3A_0, %dma_start3A_211] : memref<10240x16xf32, #tpu.memory_space<vmem_shared>> -> memref<640x16xf32, #tpu.memory_space<vmem_shared>>
      tpu.enqueue_dma source(%arg15 : memref<640x16xf32, #tpu.memory_space<vmem>>) target(%dma_start3A_212 : memref<640x16xf32, #tpu.memory_space<vmem_shared>>) target_semaphore(%run_scoped3A : memref<!tpu.dma_semaphore, #tpu.memory_space<semaphore_mem>>)
      %dma_wait3A_213 = arith.constant 0 : i32
      %dma_wait3A_214 = tpu.memref_slice %arg7[%mul3A_0, %dma_wait3A_213] : memref<10240x16xf32, #tpu.memory_space<vmem_shared>> -> memref<640x16xf32, #tpu.memory_space<vmem_shared>>
      %dma_wait3A_215 = arith.constant 0 : i32
      %dma_wait3A_216 = tpu.memref_slice %arg7[%mul3A_0, %dma_wait3A_215] : memref<10240x16xf32, #tpu.memory_space<vmem_shared>> -> memref<640x16xf32, #tpu.memory_space<vmem_shared>>
      tpu.wait_dma2 semaphore(%run_scoped3A : memref<!tpu.dma_semaphore, #tpu.memory_space<semaphore_mem>>) src(%arg15 : memref<640x16xf32, #tpu.memory_space<vmem>>) dst(%dma_wait3A_216 : memref<640x16xf32, #tpu.memory_space<vmem_shared>>)
      tpu.yield
    }) : () -> ()
    %broadcast_in_dim3A = arith.constant 0.000000e+00 : f32
    %broadcast_in_dim3A_23 = vector.broadcast %broadcast_in_dim3A : f32 to vector<16xf32>
    %scan3A_24 = arith.constant 0 : i32
    %scan3A_25 = arith.constant 40 : i32
    %scan3A_26 = arith.addi %scan3A_24, %scan3A_25 : i32
    %scan3A_27 = arith.constant 1 : i32
    scf.for %scan3A_209 = %scan3A_24 to %scan3A_26 step %scan3A_27  : i32 {
      %mul3A_210 = arith.constant 1 : i32
      %mul3A_211 = arith.muli %scan3A_209, %mul3A_210 : i32
      %add3A_212 = arith.constant 0 : i32
      %add3A_213 = arith.addi %add3A_212, %mul3A_211 : i32
      %mul3A_214 = arith.constant 16 : i32
      %mul3A_215 = arith.muli %add3A_213, %mul3A_214 : i32
      %add3A_216 = arith.constant 0 : i32
      %add3A_217 = arith.addi %mul3A_215, %add3A_216 : i32
      %swap3A = arith.index_cast %add3A_217 : i32 to index
      %swap3A_218 = arith.constant 0 : index
      %swap3A_219 = tpu.vector_load %arg15[%swap3A, %swap3A_218] {strides = array<i32>} : memref<640x16xf32, #tpu.memory_space<vmem>>, vector<1x16xf32>,
      %swap3A_220 = vector.shape_cast %swap3A_219 : vector<1x16xf32> to vector<16xf32>
      %swap3A_221 = vector.shape_cast %broadcast_in_dim3A_23 : vector<16xf32> to vector<1x16xf32>
      tpu.vector_store %arg15[%swap3A, %swap3A_218], %swap3A_221 {strides = array<i32>} : memref<640x16xf32, #tpu.memory_space<vmem>>, vector<1x16xf32>,
      %mul3A_222 = arith.constant 16 : i32
      %mul3A_223 = arith.muli %add3A_213, %mul3A_222 : i32
      %add3A_224 = arith.constant 1 : i32
      %add3A_225 = arith.addi %mul3A_223, %add3A_224 : i32
      %swap3A_226 = arith.index_cast %add3A_225 : i32 to index
      %swap3A_227 = arith.constant 0 : index
      %swap3A_228 = tpu.vector_load %arg15[%swap3A_226, %swap3A_227] {strides = array<i32>} : memref<640x16xf32, #tpu.memory_space<vmem>>, vector<1x16xf32>,
      %swap3A_229 = vector.shape_cast %swap3A_228 : vector<1x16xf32> to vector<16xf32>
      %swap3A_230 = vector.shape_cast %broadcast_in_dim3A_23 : vector<16xf32> to vector<1x16xf32>
      tpu.vector_store %arg15[%swap3A_226, %swap3A_227], %swap3A_230 {strides = array<i32>} : memref<640x16xf32, #tpu.memory_space<vmem>>, vector<1x16xf32>,
      %mul3A_231 = arith.constant 16 : i32
      %mul3A_232 = arith.muli %add3A_213, %mul3A_231 : i32
      %add3A_233 = arith.constant 2 : i32
      %add3A_234 = arith.addi %mul3A_232, %add3A_233 : i32
      %swap3A_235 = arith.index_cast %add3A_234 : i32 to index
      %swap3A_236 = arith.constant 0 : index
      %swap3A_237 = tpu.vector_load %arg15[%swap3A_235, %swap3A_236] {strides = array<i32>} : memref<640x16xf32, #tpu.memory_space<vmem>>, vector<1x16xf32>,
      %swap3A_238 = vector.shape_cast %swap3A_237 : vector<1x16xf32> to vector<16xf32>
      %swap3A_239 = vector.shape_cast %broadcast_in_dim3A_23 : vector<16xf32> to vector<1x16xf32>
      tpu.vector_store %arg15[%swap3A_235, %swap3A_236], %swap3A_239 {strides = array<i32>} : memref<640x16xf32, #tpu.memory_space<vmem>>, vector<1x16xf32>,
      %mul3A_240 = arith.constant 16 : i32
      %mul3A_241 = arith.muli %add3A_213, %mul3A_240 : i32
      %add3A_242 = arith.constant 3 : i32
      %add3A_243 = arith.addi %mul3A_241, %add3A_242 : i32
      %swap3A_244 = arith.index_cast %add3A_243 : i32 to index
      %swap3A_245 = arith.constant 0 : index
      %swap3A_246 = tpu.vector_load %arg15[%swap3A_244, %swap3A_245] {strides = array<i32>} : memref<640x16xf32, #tpu.memory_space<vmem>>, vector<1x16xf32>,
      %swap3A_247 = vector.shape_cast %swap3A_246 : vector<1x16xf32> to vector<16xf32>
      %swap3A_248 = vector.shape_cast %broadcast_in_dim3A_23 : vector<16xf32> to vector<1x16xf32>
      tpu.vector_store %arg15[%swap3A_244, %swap3A_245], %swap3A_248 {strides = array<i32>} : memref<640x16xf32, #tpu.memory_space<vmem>>, vector<1x16xf32>,
      %mul3A_249 = arith.constant 16 : i32
      %mul3A_250 = arith.muli %add3A_213, %mul3A_249 : i32
      %add3A_251 = arith.constant 4 : i32
      %add3A_252 = arith.addi %mul3A_250, %add3A_251 : i32
      %swap3A_253 = arith.index_cast %add3A_252 : i32 to index
      %swap3A_254 = arith.constant 0 : index
      %swap3A_255 = tpu.vector_load %arg15[%swap3A_253, %swap3A_254] {strides = array<i32>} : memref<640x16xf32, #tpu.memory_space<vmem>>, vector<1x16xf32>,
      %swap3A_256 = vector.shape_cast %swap3A_255 : vector<1x16xf32> to vector<16xf32>
      %swap3A_257 = vector.shape_cast %broadcast_in_dim3A_23 : vector<16xf32> to vector<1x16xf32>
      tpu.vector_store %arg15[%swap3A_253, %swap3A_254], %swap3A_257 {strides = array<i32>} : memref<640x16xf32, #tpu.memory_space<vmem>>, vector<1x16xf32>,
      %mul3A_258 = arith.constant 16 : i32
      %mul3A_259 = arith.muli %add3A_213, %mul3A_258 : i32
      %add3A_260 = arith.constant 5 : i32
      %add3A_261 = arith.addi %mul3A_259, %add3A_260 : i32
      %swap3A_262 = arith.index_cast %add3A_261 : i32 to index
      %swap3A_263 = arith.constant 0 : index
      %swap3A_264 = tpu.vector_load %arg15[%swap3A_262, %swap3A_263] {strides = array<i32>} : memref<640x16xf32, #tpu.memory_space<vmem>>, vector<1x16xf32>,
      %swap3A_265 = vector.shape_cast %swap3A_264 : vector<1x16xf32> to vector<16xf32>
      %swap3A_266 = vector.shape_cast %broadcast_in_dim3A_23 : vector<16xf32> to vector<1x16xf32>
      tpu.vector_store %arg15[%swap3A_262, %swap3A_263], %swap3A_266 {strides = array<i32>} : memref<640x16xf32, #tpu.memory_space<vmem>>, vector<1x16xf32>,
      %mul3A_267 = arith.constant 16 : i32
      %mul3A_268 = arith.muli %add3A_213, %mul3A_267 : i32
      %add3A_269 = arith.constant 6 : i32
      %add3A_270 = arith.addi %mul3A_268, %add3A_269 : i32
      %swap3A_271 = arith.index_cast %add3A_270 : i32 to index
      %swap3A_272 = arith.constant 0 : index
      %swap3A_273 = tpu.vector_load %arg15[%swap3A_271, %swap3A_272] {strides = array<i32>} : memref<640x16xf32, #tpu.memory_space<vmem>>, vector<1x16xf32>,
      %swap3A_274 = vector.shape_cast %swap3A_273 : vector<1x16xf32> to vector<16xf32>
      %swap3A_275 = vector.shape_cast %broadcast_in_dim3A_23 : vector<16xf32> to vector<1x16xf32>
      tpu.vector_store %arg15[%swap3A_271, %swap3A_272], %swap3A_275 {strides = array<i32>} : memref<640x16xf32, #tpu.memory_space<vmem>>, vector<1x16xf32>,
      %mul3A_276 = arith.constant 16 : i32
      %mul3A_277 = arith.muli %add3A_213, %mul3A_276 : i32
      %add3A_278 = arith.constant 7 : i32
      %add3A_279 = arith.addi %mul3A_277, %add3A_278 : i32
      %swap3A_280 = arith.index_cast %add3A_279 : i32 to index
      %swap3A_281 = arith.constant 0 : index
      %swap3A_282 = tpu.vector_load %arg15[%swap3A_280, %swap3A_281] {strides = array<i32>} : memref<640x16xf32, #tpu.memory_space<vmem>>, vector<1x16xf32>,
      %swap3A_283 = vector.shape_cast %swap3A_282 : vector<1x16xf32> to vector<16xf32>
      %swap3A_284 = vector.shape_cast %broadcast_in_dim3A_23 : vector<16xf32> to vector<1x16xf32>
      tpu.vector_store %arg15[%swap3A_280, %swap3A_281], %swap3A_284 {strides = array<i32>} : memref<640x16xf32, #tpu.memory_space<vmem>>, vector<1x16xf32>,
      %mul3A_285 = arith.constant 16 : i32
      %mul3A_286 = arith.muli %add3A_213, %mul3A_285 : i32
      %add3A_287 = arith.constant 8 : i32
      %add3A_288 = arith.addi %mul3A_286, %add3A_287 : i32
      %swap3A_289 = arith.index_cast %add3A_288 : i32 to index
      %swap3A_290 = arith.constant 0 : index
      %swap3A_291 = tpu.vector_load %arg15[%swap3A_289, %swap3A_290] {strides = array<i32>} : memref<640x16xf32, #tpu.memory_space<vmem>>, vector<1x16xf32>,
      %swap3A_292 = vector.shape_cast %swap3A_291 : vector<1x16xf32> to vector<16xf32>
      %swap3A_293 = vector.shape_cast %broadcast_in_dim3A_23 : vector<16xf32> to vector<1x16xf32>
      tpu.vector_store %arg15[%swap3A_289, %swap3A_290], %swap3A_293 {strides = array<i32>} : memref<640x16xf32, #tpu.memory_space<vmem>>, vector<1x16xf32>,
      %mul3A_294 = arith.constant 16 : i32
      %mul3A_295 = arith.muli %add3A_213, %mul3A_294 : i32
      %add3A_296 = arith.constant 9 : i32
      %add3A_297 = arith.addi %mul3A_295, %add3A_296 : i32
      %swap3A_298 = arith.index_cast %add3A_297 : i32 to index
      %swap3A_299 = arith.constant 0 : index
      %swap3A_300 = tpu.vector_load %arg15[%swap3A_298, %swap3A_299] {strides = array<i32>} : memref<640x16xf32, #tpu.memory_space<vmem>>, vector<1x16xf32>,
      %swap3A_301 = vector.shape_cast %swap3A_300 : vector<1x16xf32> to vector<16xf32>
      %swap3A_302 = vector.shape_cast %broadcast_in_dim3A_23 : vector<16xf32> to vector<1x16xf32>
      tpu.vector_store %arg15[%swap3A_298, %swap3A_299], %swap3A_302 {strides = array<i32>} : memref<640x16xf32, #tpu.memory_space<vmem>>, vector<1x16xf32>,
      %mul3A_303 = arith.constant 16 : i32
      %mul3A_304 = arith.muli %add3A_213, %mul3A_303 : i32
      %add3A_305 = arith.constant 10 : i32
      %add3A_306 = arith.addi %mul3A_304, %add3A_305 : i32
      %swap3A_307 = arith.index_cast %add3A_306 : i32 to index
      %swap3A_308 = arith.constant 0 : index
      %swap3A_309 = tpu.vector_load %arg15[%swap3A_307, %swap3A_308] {strides = array<i32>} : memref<640x16xf32, #tpu.memory_space<vmem>>, vector<1x16xf32>,
      %swap3A_310 = vector.shape_cast %swap3A_309 : vector<1x16xf32> to vector<16xf32>
      %swap3A_311 = vector.shape_cast %broadcast_in_dim3A_23 : vector<16xf32> to vector<1x16xf32>
      tpu.vector_store %arg15[%swap3A_307, %swap3A_308], %swap3A_311 {strides = array<i32>} : memref<640x16xf32, #tpu.memory_space<vmem>>, vector<1x16xf32>,
      %mul3A_312 = arith.constant 16 : i32
      %mul3A_313 = arith.muli %add3A_213, %mul3A_312 : i32
      %add3A_314 = arith.constant 11 : i32
      %add3A_315 = arith.addi %mul3A_313, %add3A_314 : i32
      %swap3A_316 = arith.index_cast %add3A_315 : i32 to index
      %swap3A_317 = arith.constant 0 : index
      %swap3A_318 = tpu.vector_load %arg15[%swap3A_316, %swap3A_317] {strides = array<i32>} : memref<640x16xf32, #tpu.memory_space<vmem>>, vector<1x16xf32>,
      %swap3A_319 = vector.shape_cast %swap3A_318 : vector<1x16xf32> to vector<16xf32>
      %swap3A_320 = vector.shape_cast %broadcast_in_dim3A_23 : vector<16xf32> to vector<1x16xf32>
      tpu.vector_store %arg15[%swap3A_316, %swap3A_317], %swap3A_320 {strides = array<i32>} : memref<640x16xf32, #tpu.memory_space<vmem>>, vector<1x16xf32>,
      %mul3A_321 = arith.constant 16 : i32
      %mul3A_322 = arith.muli %add3A_213, %mul3A_321 : i32
      %add3A_323 = arith.constant 12 : i32
      %add3A_324 = arith.addi %mul3A_322, %add3A_323 : i32
      %swap3A_325 = arith.index_cast %add3A_324 : i32 to index
      %swap3A_326 = arith.constant 0 : index
      %swap3A_327 = tpu.vector_load %arg15[%swap3A_325, %swap3A_326] {strides = array<i32>} : memref<640x16xf32, #tpu.memory_space<vmem>>, vector<1x16xf32>,
      %swap3A_328 = vector.shape_cast %swap3A_327 : vector<1x16xf32> to vector<16xf32>
      %swap3A_329 = vector.shape_cast %broadcast_in_dim3A_23 : vector<16xf32> to vector<1x16xf32>
      tpu.vector_store %arg15[%swap3A_325, %swap3A_326], %swap3A_329 {strides = array<i32>} : memref<640x16xf32, #tpu.memory_space<vmem>>, vector<1x16xf32>,
      %mul3A_330 = arith.constant 16 : i32
      %mul3A_331 = arith.muli %add3A_213, %mul3A_330 : i32
      %add3A_332 = arith.constant 13 : i32
      %add3A_333 = arith.addi %mul3A_331, %add3A_332 : i32
      %swap3A_334 = arith.index_cast %add3A_333 : i32 to index
      %swap3A_335 = arith.constant 0 : index
      %swap3A_336 = tpu.vector_load %arg15[%swap3A_334, %swap3A_335] {strides = array<i32>} : memref<640x16xf32, #tpu.memory_space<vmem>>, vector<1x16xf32>,
      %swap3A_337 = vector.shape_cast %swap3A_336 : vector<1x16xf32> to vector<16xf32>
      %swap3A_338 = vector.shape_cast %broadcast_in_dim3A_23 : vector<16xf32> to vector<1x16xf32>
      tpu.vector_store %arg15[%swap3A_334, %swap3A_335], %swap3A_338 {strides = array<i32>} : memref<640x16xf32, #tpu.memory_space<vmem>>, vector<1x16xf32>,
      %mul3A_339 = arith.constant 16 : i32
      %mul3A_340 = arith.muli %add3A_213, %mul3A_339 : i32
      %add3A_341 = arith.constant 14 : i32
      %add3A_342 = arith.addi %mul3A_340, %add3A_341 : i32
      %swap3A_343 = arith.index_cast %add3A_342 : i32 to index
      %swap3A_344 = arith.constant 0 : index
      %swap3A_345 = tpu.vector_load %arg15[%swap3A_343, %swap3A_344] {strides = array<i32>} : memref<640x16xf32, #tpu.memory_space<vmem>>, vector<1x16xf32>,
      %swap3A_346 = vector.shape_cast %swap3A_345 : vector<1x16xf32> to vector<16xf32>
      %swap3A_347 = vector.shape_cast %broadcast_in_dim3A_23 : vector<16xf32> to vector<1x16xf32>
      tpu.vector_store %arg15[%swap3A_343, %swap3A_344], %swap3A_347 {strides = array<i32>} : memref<640x16xf32, #tpu.memory_space<vmem>>, vector<1x16xf32>,
      %mul3A_348 = arith.constant 16 : i32
      %mul3A_349 = arith.muli %add3A_213, %mul3A_348 : i32
      %add3A_350 = arith.constant 15 : i32
      %add3A_351 = arith.addi %mul3A_349, %add3A_350 : i32
      %swap3A_352 = arith.index_cast %add3A_351 : i32 to index
      %swap3A_353 = arith.constant 0 : index
      %swap3A_354 = tpu.vector_load %arg15[%swap3A_352, %swap3A_353] {strides = array<i32>} : memref<640x16xf32, #tpu.memory_space<vmem>>, vector<1x16xf32>,
      %swap3A_355 = vector.shape_cast %swap3A_354 : vector<1x16xf32> to vector<16xf32>
      %swap3A_356 = vector.shape_cast %broadcast_in_dim3A_23 : vector<16xf32> to vector<1x16xf32>
      tpu.vector_store %arg15[%swap3A_352, %swap3A_353], %swap3A_356 {strides = array<i32>} : memref<640x16xf32, #tpu.memory_space<vmem>>, vector<1x16xf32>,
    }
    %scan3A_28 = arith.constant 40 : i32
    "tpu.region"() ({
      %run_scoped3A = tpu.sem_alloc : memref<!tpu.dma_semaphore, #tpu.memory_space<semaphore_mem>>
      %dma_start3A_209 = arith.constant 0 : i32
      %dma_start3A_210 = tpu.memref_slice %arg8[%mul3A_0, %dma_start3A_209] : memref<10240x16xf32, #tpu.memory_space<vmem_shared>> -> memref<640x16xf32, #tpu.memory_space<vmem_shared>>
      %dma_start3A_211 = arith.constant 0 : i32
      %dma_start3A_212 = tpu.memref_slice %arg8[%mul3A_0, %dma_start3A_211] : memref<10240x16xf32, #tpu.memory_space<vmem_shared>> -> memref<640x16xf32, #tpu.memory_space<vmem_shared>>
      tpu.enqueue_dma source(%arg15 : memref<640x16xf32, #tpu.memory_space<vmem>>) target(%dma_start3A_212 : memref<640x16xf32, #tpu.memory_space<vmem_shared>>) target_semaphore(%run_scoped3A : memref<!tpu.dma_semaphore, #tpu.memory_space<semaphore_mem>>)
      %dma_wait3A_213 = arith.constant 0 : i32
      %dma_wait3A_214 = tpu.memref_slice %arg8[%mul3A_0, %dma_wait3A_213] : memref<10240x16xf32, #tpu.memory_space<vmem_shared>> -> memref<640x16xf32, #tpu.memory_space<vmem_shared>>
      %dma_wait3A_215 = arith.constant 0 : i32
      %dma_wait3A_216 = tpu.memref_slice %arg8[%mul3A_0, %dma_wait3A_215] : memref<10240x16xf32, #tpu.memory_space<vmem_shared>> -> memref<640x16xf32, #tpu.memory_space<vmem_shared>>
      tpu.wait_dma2 semaphore(%run_scoped3A : memref<!tpu.dma_semaphore, #tpu.memory_space<semaphore_mem>>) src(%arg15 : memref<640x16xf32, #tpu.memory_space<vmem>>) dst(%dma_wait3A_216 : memref<640x16xf32, #tpu.memory_space<vmem_shared>>)
      tpu.yield
    }) : () -> ()
    %barrier3A = arith.constant 0 : index
    tpu.barrier barrier_id(%barrier3A)
    %add3A_29 = arith.constant 0 : i32
    %add3A_30 = arith.addi %mul3A_4, %add3A_29 : i32
    %multiple_of3A = tpu.assume_multiple %add3A_30, 8 : i32
    %dma_start3A = arith.constant 0 : i32
    %dma_start3A_31 = tpu.memref_slice %arg2[%dma_start3A, %multiple_of3A] : memref<2x320000xi32, #tpu.memory_space<hbm>> -> memref<1x2000xi32, #tpu.memory_space<hbm>>
    %dma_start3A_32 = tpu.memref_squeeze %dma_start3A_31 : memref<1x2000xi32, #tpu.memory_space<hbm>> -> memref<2000xi32, #tpu.memory_space<hbm>>
    %dma_start3A_33 = tpu.memref_slice %arg2[%dma_start3A, %multiple_of3A] : memref<2x320000xi32, #tpu.memory_space<hbm>> -> memref<1x2000xi32, #tpu.memory_space<hbm>>
    %dma_start3A_34 = tpu.memref_squeeze %dma_start3A_33 : memref<1x2000xi32, #tpu.memory_space<hbm>> -> memref<2000xi32, #tpu.memory_space<hbm>>
    tpu.enqueue_dma source(%dma_start3A_34 : memref<2000xi32, #tpu.memory_space<hbm>>) target(%arg9 : memref<2000xi32, #tpu.memory_space<vmem>>) target_semaphore(%arg18 : memref<!tpu.dma_semaphore, #tpu.memory_space<semaphore_mem>>)
    %dma_start3A_35 = arith.constant 1 : i32
    %dma_start3A_36 = tpu.memref_slice %arg2[%dma_start3A_35, %multiple_of3A] : memref<2x320000xi32, #tpu.memory_space<hbm>> -> memref<1x2000xi32, #tpu.memory_space<hbm>>
    %dma_start3A_37 = tpu.memref_squeeze %dma_start3A_36 : memref<1x2000xi32, #tpu.memory_space<hbm>> -> memref<2000xi32, #tpu.memory_space<hbm>>
    %dma_start3A_38 = tpu.memref_slice %arg2[%dma_start3A_35, %multiple_of3A] : memref<2x320000xi32, #tpu.memory_space<hbm>> -> memref<1x2000xi32, #tpu.memory_space<hbm>>
    %dma_start3A_39 = tpu.memref_squeeze %dma_start3A_38 : memref<1x2000xi32, #tpu.memory_space<hbm>> -> memref<2000xi32, #tpu.memory_space<hbm>>
    tpu.enqueue_dma source(%dma_start3A_39 : memref<2000xi32, #tpu.memory_space<hbm>>) target(%arg11 : memref<2000xi32, #tpu.memory_space<vmem>>) target_semaphore(%arg19 : memref<!tpu.dma_semaphore, #tpu.memory_space<semaphore_mem>>)
    %dma_wait3A = arith.constant 0 : i32
    %dma_wait3A_40 = tpu.memref_slice %arg2[%dma_wait3A, %multiple_of3A] : memref<2x320000xi32, #tpu.memory_space<hbm>> -> memref<1x2000xi32, #tpu.memory_space<hbm>>
    %dma_wait3A_41 = tpu.memref_squeeze %dma_wait3A_40 : memref<1x2000xi32, #tpu.memory_space<hbm>> -> memref<2000xi32, #tpu.memory_space<hbm>>
    %dma_wait3A_42 = tpu.memref_slice %arg2[%dma_wait3A, %multiple_of3A] : memref<2x320000xi32, #tpu.memory_space<hbm>> -> memref<1x2000xi32, #tpu.memory_space<hbm>>
    %dma_wait3A_43 = tpu.memref_squeeze %dma_wait3A_42 : memref<1x2000xi32, #tpu.memory_space<hbm>> -> memref<2000xi32, #tpu.memory_space<hbm>>
    tpu.wait_dma2 semaphore(%arg18 : memref<!tpu.dma_semaphore, #tpu.memory_space<semaphore_mem>>) src(%dma_wait3A_43 : memref<2000xi32, #tpu.memory_space<hbm>>) dst(%arg9 : memref<2000xi32, #tpu.memory_space<vmem>>)
    %dma_wait3A_44 = arith.constant 1 : i32
    %dma_wait3A_45 = tpu.memref_slice %arg2[%dma_wait3A_44, %multiple_of3A] : memref<2x320000xi32, #tpu.memory_space<hbm>> -> memref<1x2000xi32, #tpu.memory_space<hbm>>
    %dma_wait3A_46 = tpu.memref_squeeze %dma_wait3A_45 : memref<1x2000xi32, #tpu.memory_space<hbm>> -> memref<2000xi32, #tpu.memory_space<hbm>>
    %dma_wait3A_47 = tpu.memref_slice %arg2[%dma_wait3A_44, %multiple_of3A] : memref<2x320000xi32, #tpu.memory_space<hbm>> -> memref<1x2000xi32, #tpu.memory_space<hbm>>
    %dma_wait3A_48 = tpu.memref_squeeze %dma_wait3A_47 : memref<1x2000xi32, #tpu.memory_space<hbm>> -> memref<2000xi32, #tpu.memory_space<hbm>>
    tpu.wait_dma2 semaphore(%arg19 : memref<!tpu.dma_semaphore, #tpu.memory_space<semaphore_mem>>) src(%dma_wait3A_48 : memref<2000xi32, #tpu.memory_space<hbm>>) dst(%arg11 : memref<2000xi32, #tpu.memory_space<vmem>>)
    %dma_start3A_49 = arith.constant 0 : i32
    %dma_start3A_50 = arith.constant 0 : i32
    %dma_start3A_51 = tpu.memref_slice %arg7[%dma_start3A_49, %dma_start3A_50] : memref<10240x16xf32, #tpu.memory_space<vmem_shared>> -> memref<10240x16xf32, #tpu.memory_space<vmem_shared>>
    tpu.enqueue_indirect_dma source(%dma_start3A_51 : memref<10240x16xf32, #tpu.memory_space<vmem_shared>>) target(%arg13 : memref<2000x16xf32, #tpu.memory_space<vmem>>) offsets(%arg9 : memref<2000xi32, #tpu.memory_space<vmem>>) semaphore(%arg18 : memref<!tpu.dma_semaphore, #tpu.memory_space<semaphore_mem>>)
    %dma_wait3A_52 = arith.constant 0 : i32
    %dma_wait3A_53 = arith.constant 0 : i32
    %dma_wait3A_54 = tpu.memref_slice %arg7[%dma_wait3A_52, %dma_wait3A_53] : memref<10240x16xf32, #tpu.memory_space<vmem_shared>> -> memref<10240x16xf32, #tpu.memory_space<vmem_shared>>
    tpu.wait_indirect_dma semaphore(%arg18 : memref<!tpu.dma_semaphore, #tpu.memory_space<semaphore_mem>>) src(%dma_wait3A_54 : memref<10240x16xf32, #tpu.memory_space<vmem_shared>>) dst(%arg13 : memref<2000x16xf32, #tpu.memory_space<vmem>>)
    %dma_start3A_55 = arith.constant 0 : i32
    %dma_start3A_56 = arith.constant 0 : i32
    %dma_start3A_57 = tpu.memref_slice %arg8[%dma_start3A_55, %dma_start3A_56] : memref<10240x16xf32, #tpu.memory_space<vmem_shared>> -> memref<10240x16xf32, #tpu.memory_space<vmem_shared>>
    tpu.enqueue_indirect_dma source(%arg13 : memref<2000x16xf32, #tpu.memory_space<vmem>>) target(%dma_start3A_57 : memref<10240x16xf32, #tpu.memory_space<vmem_shared>>) offsets(%arg11 : memref<2000xi32, #tpu.memory_space<vmem>>) semaphore(%arg19 : memref<!tpu.dma_semaphore, #tpu.memory_space<semaphore_mem>>) {add = true}
    %add3A_58 = arith.constant 2000 : i32
    %add3A_59 = arith.addi %mul3A_4, %add3A_58 : i32
    %multiple_of3A_60 = tpu.assume_multiple %add3A_59, 8 : i32
    %dma_start3A_61 = arith.constant 0 : i32
    %dma_start3A_62 = tpu.memref_slice %arg2[%dma_start3A_61, %multiple_of3A_60] : memref<2x320000xi32, #tpu.memory_space<hbm>> -> memref<1x2000xi32, #tpu.memory_space<hbm>>
    %dma_start3A_63 = tpu.memref_squeeze %dma_start3A_62 : memref<1x2000xi32, #tpu.memory_space<hbm>> -> memref<2000xi32, #tpu.memory_space<hbm>>
    %dma_start3A_64 = tpu.memref_slice %arg2[%dma_start3A_61, %multiple_of3A_60] : memref<2x320000xi32, #tpu.memory_space<hbm>> -> memref<1x2000xi32, #tpu.memory_space<hbm>>
    %dma_start3A_65 = tpu.memref_squeeze %dma_start3A_64 : memref<1x2000xi32, #tpu.memory_space<hbm>> -> memref<2000xi32, #tpu.memory_space<hbm>>
    tpu.enqueue_dma source(%dma_start3A_65 : memref<2000xi32, #tpu.memory_space<hbm>>) target(%arg10 : memref<2000xi32, #tpu.memory_space<vmem>>) target_semaphore(%arg18 : memref<!tpu.dma_semaphore, #tpu.memory_space<semaphore_mem>>)
    %dma_start3A_66 = arith.constant 1 : i32
    %dma_start3A_67 = tpu.memref_slice %arg2[%dma_start3A_66, %multiple_of3A_60] : memref<2x320000xi32, #tpu.memory_space<hbm>> -> memref<1x2000xi32, #tpu.memory_space<hbm>>
    %dma_start3A_68 = tpu.memref_squeeze %dma_start3A_67 : memref<1x2000xi32, #tpu.memory_space<hbm>> -> memref<2000xi32, #tpu.memory_space<hbm>>
    %dma_start3A_69 = tpu.memref_slice %arg2[%dma_start3A_66, %multiple_of3A_60] : memref<2x320000xi32, #tpu.memory_space<hbm>> -> memref<1x2000xi32, #tpu.memory_space<hbm>>
    %dma_start3A_70 = tpu.memref_squeeze %dma_start3A_69 : memref<1x2000xi32, #tpu.memory_space<hbm>> -> memref<2000xi32, #tpu.memory_space<hbm>>
    tpu.enqueue_dma source(%dma_start3A_70 : memref<2000xi32, #tpu.memory_space<hbm>>) target(%arg12 : memref<2000xi32, #tpu.memory_space<vmem>>) target_semaphore(%arg20 : memref<!tpu.dma_semaphore, #tpu.memory_space<semaphore_mem>>)
    %dma_wait3A_71 = arith.constant 0 : i32
    %dma_wait3A_72 = tpu.memref_slice %arg2[%dma_wait3A_71, %multiple_of3A_60] : memref<2x320000xi32, #tpu.memory_space<hbm>> -> memref<1x2000xi32, #tpu.memory_space<hbm>>
    %dma_wait3A_73 = tpu.memref_squeeze %dma_wait3A_72 : memref<1x2000xi32, #tpu.memory_space<hbm>> -> memref<2000xi32, #tpu.memory_space<hbm>>
    %dma_wait3A_74 = tpu.memref_slice %arg2[%dma_wait3A_71, %multiple_of3A_60] : memref<2x320000xi32, #tpu.memory_space<hbm>> -> memref<1x2000xi32, #tpu.memory_space<hbm>>
    %dma_wait3A_75 = tpu.memref_squeeze %dma_wait3A_74 : memref<1x2000xi32, #tpu.memory_space<hbm>> -> memref<2000xi32, #tpu.memory_space<hbm>>
    tpu.wait_dma2 semaphore(%arg18 : memref<!tpu.dma_semaphore, #tpu.memory_space<semaphore_mem>>) src(%dma_wait3A_75 : memref<2000xi32, #tpu.memory_space<hbm>>) dst(%arg10 : memref<2000xi32, #tpu.memory_space<vmem>>)
    %dma_wait3A_76 = arith.constant 1 : i32
    %dma_wait3A_77 = tpu.memref_slice %arg2[%dma_wait3A_76, %multiple_of3A_60] : memref<2x320000xi32, #tpu.memory_space<hbm>> -> memref<1x2000xi32, #tpu.memory_space<hbm>>
    %dma_wait3A_78 = tpu.memref_squeeze %dma_wait3A_77 : memref<1x2000xi32, #tpu.memory_space<hbm>> -> memref<2000xi32, #tpu.memory_space<hbm>>
    %dma_wait3A_79 = tpu.memref_slice %arg2[%dma_wait3A_76, %multiple_of3A_60] : memref<2x320000xi32, #tpu.memory_space<hbm>> -> memref<1x2000xi32, #tpu.memory_space<hbm>>
    %dma_wait3A_80 = tpu.memref_squeeze %dma_wait3A_79 : memref<1x2000xi32, #tpu.memory_space<hbm>> -> memref<2000xi32, #tpu.memory_space<hbm>>
    tpu.wait_dma2 semaphore(%arg20 : memref<!tpu.dma_semaphore, #tpu.memory_space<semaphore_mem>>) src(%dma_wait3A_80 : memref<2000xi32, #tpu.memory_space<hbm>>) dst(%arg12 : memref<2000xi32, #tpu.memory_space<vmem>>)
    %dma_start3A_81 = arith.constant 0 : i32
    %dma_start3A_82 = arith.constant 0 : i32
    %dma_start3A_83 = tpu.memref_slice %arg7[%dma_start3A_81, %dma_start3A_82] : memref<10240x16xf32, #tpu.memory_space<vmem_shared>> -> memref<10240x16xf32, #tpu.memory_space<vmem_shared>>
    tpu.enqueue_indirect_dma source(%dma_start3A_83 : memref<10240x16xf32, #tpu.memory_space<vmem_shared>>) target(%arg14 : memref<2000x16xf32, #tpu.memory_space<vmem>>) offsets(%arg10 : memref<2000xi32, #tpu.memory_space<vmem>>) semaphore(%arg18 : memref<!tpu.dma_semaphore, #tpu.memory_space<semaphore_mem>>)
    %dma_wait3A_84 = arith.constant 0 : i32
    %dma_wait3A_85 = arith.constant 0 : i32
    %dma_wait3A_86 = tpu.memref_slice %arg7[%dma_wait3A_84, %dma_wait3A_85] : memref<10240x16xf32, #tpu.memory_space<vmem_shared>> -> memref<10240x16xf32, #tpu.memory_space<vmem_shared>>
    tpu.wait_indirect_dma semaphore(%arg18 : memref<!tpu.dma_semaphore, #tpu.memory_space<semaphore_mem>>) src(%dma_wait3A_86 : memref<10240x16xf32, #tpu.memory_space<vmem_shared>>) dst(%arg14 : memref<2000x16xf32, #tpu.memory_space<vmem>>)
    %dma_start3A_87 = arith.constant 0 : i32
    %dma_start3A_88 = arith.constant 0 : i32
    %dma_start3A_89 = tpu.memref_slice %arg8[%dma_start3A_87, %dma_start3A_88] : memref<10240x16xf32, #tpu.memory_space<vmem_shared>> -> memref<10240x16xf32, #tpu.memory_space<vmem_shared>>
    tpu.enqueue_indirect_dma source(%arg14 : memref<2000x16xf32, #tpu.memory_space<vmem>>) target(%dma_start3A_89 : memref<10240x16xf32, #tpu.memory_space<vmem_shared>>) offsets(%arg12 : memref<2000xi32, #tpu.memory_space<vmem>>) semaphore(%arg20 : memref<!tpu.dma_semaphore, #tpu.memory_space<semaphore_mem>>) {add = true}
    %dma_wait3A_90 = arith.constant 0 : i32
    %dma_wait3A_91 = arith.constant 0 : i32
    %dma_wait3A_92 = tpu.memref_slice %arg8[%dma_wait3A_90, %dma_wait3A_91] : memref<10240x16xf32, #tpu.memory_space<vmem_shared>> -> memref<10240x16xf32, #tpu.memory_space<vmem_shared>>
    tpu.wait_indirect_dma semaphore(%arg19 : memref<!tpu.dma_semaphore, #tpu.memory_space<semaphore_mem>>) src(%arg13 : memref<2000x16xf32, #tpu.memory_space<vmem>>) dst(%dma_wait3A_92 : memref<10240x16xf32, #tpu.memory_space<vmem_shared>>)
    %add3A_93 = arith.constant 4000 : i32
    %add3A_94 = arith.addi %mul3A_4, %add3A_93 : i32
    %multiple_of3A_95 = tpu.assume_multiple %add3A_94, 8 : i32
    %dma_start3A_96 = arith.constant 0 : i32
    %dma_start3A_97 = tpu.memref_slice %arg2[%dma_start3A_96, %multiple_of3A_95] : memref<2x320000xi32, #tpu.memory_space<hbm>> -> memref<1x2000xi32, #tpu.memory_space<hbm>>
    %dma_start3A_98 = tpu.memref_squeeze %dma_start3A_97 : memref<1x2000xi32, #tpu.memory_space<hbm>> -> memref<2000xi32, #tpu.memory_space<hbm>>
    %dma_start3A_99 = tpu.memref_slice %arg2[%dma_start3A_96, %multiple_of3A_95] : memref<2x320000xi32, #tpu.memory_space<hbm>> -> memref<1x2000xi32, #tpu.memory_space<hbm>>
    %dma_start3A_100 = tpu.memref_squeeze %dma_start3A_99 : memref<1x2000xi32, #tpu.memory_space<hbm>> -> memref<2000xi32, #tpu.memory_space<hbm>>
    tpu.enqueue_dma source(%dma_start3A_100 : memref<2000xi32, #tpu.memory_space<hbm>>) target(%arg9 : memref<2000xi32, #tpu.memory_space<vmem>>) target_semaphore(%arg18 : memref<!tpu.dma_semaphore, #tpu.memory_space<semaphore_mem>>)
    %dma_start3A_101 = arith.constant 1 : i32
    %dma_start3A_102 = tpu.memref_slice %arg2[%dma_start3A_101, %multiple_of3A_95] : memref<2x320000xi32, #tpu.memory_space<hbm>> -> memref<1x2000xi32, #tpu.memory_space<hbm>>
    %dma_start3A_103 = tpu.memref_squeeze %dma_start3A_102 : memref<1x2000xi32, #tpu.memory_space<hbm>> -> memref<2000xi32, #tpu.memory_space<hbm>>
    %dma_start3A_104 = tpu.memref_slice %arg2[%dma_start3A_101, %multiple_of3A_95] : memref<2x320000xi32, #tpu.memory_space<hbm>> -> memref<1x2000xi32, #tpu.memory_space<hbm>>
    %dma_start3A_105 = tpu.memref_squeeze %dma_start3A_104 : memref<1x2000xi32, #tpu.memory_space<hbm>> -> memref<2000xi32, #tpu.memory_space<hbm>>
    tpu.enqueue_dma source(%dma_start3A_105 : memref<2000xi32, #tpu.memory_space<hbm>>) target(%arg11 : memref<2000xi32, #tpu.memory_space<vmem>>) target_semaphore(%arg19 : memref<!tpu.dma_semaphore, #tpu.memory_space<semaphore_mem>>)
    %dma_wait3A_106 = arith.constant 0 : i32
    %dma_wait3A_107 = tpu.memref_slice %arg2[%dma_wait3A_106, %multiple_of3A_95] : memref<2x320000xi32, #tpu.memory_space<hbm>> -> memref<1x2000xi32, #tpu.memory_space<hbm>>
    %dma_wait3A_108 = tpu.memref_squeeze %dma_wait3A_107 : memref<1x2000xi32, #tpu.memory_space<hbm>> -> memref<2000xi32, #tpu.memory_space<hbm>>
    %dma_wait3A_109 = tpu.memref_slice %arg2[%dma_wait3A_106, %multiple_of3A_95] : memref<2x320000xi32, #tpu.memory_space<hbm>> -> memref<1x2000xi32, #tpu.memory_space<hbm>>
    %dma_wait3A_110 = tpu.memref_squeeze %dma_wait3A_109 : memref<1x2000xi32, #tpu.memory_space<hbm>> -> memref<2000xi32, #tpu.memory_space<hbm>>
    tpu.wait_dma2 semaphore(%arg18 : memref<!tpu.dma_semaphore, #tpu.memory_space<semaphore_mem>>) src(%dma_wait3A_110 : memref<2000xi32, #tpu.memory_space<hbm>>) dst(%arg9 : memref<2000xi32, #tpu.memory_space<vmem>>)
    %dma_wait3A_111 = arith.constant 1 : i32
    %dma_wait3A_112 = tpu.memref_slice %arg2[%dma_wait3A_111, %multiple_of3A_95] : memref<2x320000xi32, #tpu.memory_space<hbm>> -> memref<1x2000xi32, #tpu.memory_space<hbm>>
    %dma_wait3A_113 = tpu.memref_squeeze %dma_wait3A_112 : memref<1x2000xi32, #tpu.memory_space<hbm>> -> memref<2000xi32, #tpu.memory_space<hbm>>
    %dma_wait3A_114 = tpu.memref_slice %arg2[%dma_wait3A_111, %multiple_of3A_95] : memref<2x320000xi32, #tpu.memory_space<hbm>> -> memref<1x2000xi32, #tpu.memory_space<hbm>>
    %dma_wait3A_115 = tpu.memref_squeeze %dma_wait3A_114 : memref<1x2000xi32, #tpu.memory_space<hbm>> -> memref<2000xi32, #tpu.memory_space<hbm>>
    tpu.wait_dma2 semaphore(%arg19 : memref<!tpu.dma_semaphore, #tpu.memory_space<semaphore_mem>>) src(%dma_wait3A_115 : memref<2000xi32, #tpu.memory_space<hbm>>) dst(%arg11 : memref<2000xi32, #tpu.memory_space<vmem>>)
    %dma_start3A_116 = arith.constant 0 : i32
    %dma_start3A_117 = arith.constant 0 : i32
    %dma_start3A_118 = tpu.memref_slice %arg7[%dma_start3A_116, %dma_start3A_117] : memref<10240x16xf32, #tpu.memory_space<vmem_shared>> -> memref<10240x16xf32, #tpu.memory_space<vmem_shared>>
    tpu.enqueue_indirect_dma source(%dma_start3A_118 : memref<10240x16xf32, #tpu.memory_space<vmem_shared>>) target(%arg13 : memref<2000x16xf32, #tpu.memory_space<vmem>>) offsets(%arg9 : memref<2000xi32, #tpu.memory_space<vmem>>) semaphore(%arg18 : memref<!tpu.dma_semaphore, #tpu.memory_space<semaphore_mem>>)
    %dma_wait3A_119 = arith.constant 0 : i32
    %dma_wait3A_120 = arith.constant 0 : i32
    %dma_wait3A_121 = tpu.memref_slice %arg7[%dma_wait3A_119, %dma_wait3A_120] : memref<10240x16xf32, #tpu.memory_space<vmem_shared>> -> memref<10240x16xf32, #tpu.memory_space<vmem_shared>>
    tpu.wait_indirect_dma semaphore(%arg18 : memref<!tpu.dma_semaphore, #tpu.memory_space<semaphore_mem>>) src(%dma_wait3A_121 : memref<10240x16xf32, #tpu.memory_space<vmem_shared>>) dst(%arg13 : memref<2000x16xf32, #tpu.memory_space<vmem>>)
    %dma_start3A_122 = arith.constant 0 : i32
    %dma_start3A_123 = arith.constant 0 : i32
    %dma_start3A_124 = tpu.memref_slice %arg8[%dma_start3A_122, %dma_start3A_123] : memref<10240x16xf32, #tpu.memory_space<vmem_shared>> -> memref<10240x16xf32, #tpu.memory_space<vmem_shared>>
    tpu.enqueue_indirect_dma source(%arg13 : memref<2000x16xf32, #tpu.memory_space<vmem>>) target(%dma_start3A_124 : memref<10240x16xf32, #tpu.memory_space<vmem_shared>>) offsets(%arg11 : memref<2000xi32, #tpu.memory_space<vmem>>) semaphore(%arg19 : memref<!tpu.dma_semaphore, #tpu.memory_space<semaphore_mem>>) {add = true}
    %dma_wait3A_125 = arith.constant 0 : i32
    %dma_wait3A_126 = arith.constant 0 : i32
    %dma_wait3A_127 = tpu.memref_slice %arg8[%dma_wait3A_125, %dma_wait3A_126] : memref<10240x16xf32, #tpu.memory_space<vmem_shared>> -> memref<10240x16xf32, #tpu.memory_space<vmem_shared>>
    tpu.wait_indirect_dma semaphore(%arg20 : memref<!tpu.dma_semaphore, #tpu.memory_space<semaphore_mem>>) src(%arg14 : memref<2000x16xf32, #tpu.memory_space<vmem>>) dst(%dma_wait3A_127 : memref<10240x16xf32, #tpu.memory_space<vmem_shared>>)
    %add3A_128 = arith.constant 6000 : i32
    %add3A_129 = arith.addi %mul3A_4, %add3A_128 : i32
    %multiple_of3A_130 = tpu.assume_multiple %add3A_129, 8 : i32
    %dma_start3A_131 = arith.constant 0 : i32
    %dma_start3A_132 = tpu.memref_slice %arg2[%dma_start3A_131, %multiple_of3A_130] : memref<2x320000xi32, #tpu.memory_space<hbm>> -> memref<1x2000xi32, #tpu.memory_space<hbm>>
    %dma_start3A_133 = tpu.memref_squeeze %dma_start3A_132 : memref<1x2000xi32, #tpu.memory_space<hbm>> -> memref<2000xi32, #tpu.memory_space<hbm>>
    %dma_start3A_134 = tpu.memref_slice %arg2[%dma_start3A_131, %multiple_of3A_130] : memref<2x320000xi32, #tpu.memory_space<hbm>> -> memref<1x2000xi32, #tpu.memory_space<hbm>>
    %dma_start3A_135 = tpu.memref_squeeze %dma_start3A_134 : memref<1x2000xi32, #tpu.memory_space<hbm>> -> memref<2000xi32, #tpu.memory_space<hbm>>
    tpu.enqueue_dma source(%dma_start3A_135 : memref<2000xi32, #tpu.memory_space<hbm>>) target(%arg10 : memref<2000xi32, #tpu.memory_space<vmem>>) target_semaphore(%arg18 : memref<!tpu.dma_semaphore, #tpu.memory_space<semaphore_mem>>)
    %dma_start3A_136 = arith.constant 1 : i32
    %dma_start3A_137 = tpu.memref_slice %arg2[%dma_start3A_136, %multiple_of3A_130] : memref<2x320000xi32, #tpu.memory_space<hbm>> -> memref<1x2000xi32, #tpu.memory_space<hbm>>
    %dma_start3A_138 = tpu.memref_squeeze %dma_start3A_137 : memref<1x2000xi32, #tpu.memory_space<hbm>> -> memref<2000xi32, #tpu.memory_space<hbm>>
    %dma_start3A_139 = tpu.memref_slice %arg2[%dma_start3A_136, %multiple_of3A_130] : memref<2x320000xi32, #tpu.memory_space<hbm>> -> memref<1x2000xi32, #tpu.memory_space<hbm>>
    %dma_start3A_140 = tpu.memref_squeeze %dma_start3A_139 : memref<1x2000xi32, #tpu.memory_space<hbm>> -> memref<2000xi32, #tpu.memory_space<hbm>>
    tpu.enqueue_dma source(%dma_start3A_140 : memref<2000xi32, #tpu.memory_space<hbm>>) target(%arg12 : memref<2000xi32, #tpu.memory_space<vmem>>) target_semaphore(%arg20 : memref<!tpu.dma_semaphore, #tpu.memory_space<semaphore_mem>>)
    %dma_wait3A_141 = arith.constant 0 : i32
    %dma_wait3A_142 = tpu.memref_slice %arg2[%dma_wait3A_141, %multiple_of3A_130] : memref<2x320000xi32, #tpu.memory_space<hbm>> -> memref<1x2000xi32, #tpu.memory_space<hbm>>
    %dma_wait3A_143 = tpu.memref_squeeze %dma_wait3A_142 : memref<1x2000xi32, #tpu.memory_space<hbm>> -> memref<2000xi32, #tpu.memory_space<hbm>>
    %dma_wait3A_144 = tpu.memref_slice %arg2[%dma_wait3A_141, %multiple_of3A_130] : memref<2x320000xi32, #tpu.memory_space<hbm>> -> memref<1x2000xi32, #tpu.memory_space<hbm>>
    %dma_wait3A_145 = tpu.memref_squeeze %dma_wait3A_144 : memref<1x2000xi32, #tpu.memory_space<hbm>> -> memref<2000xi32, #tpu.memory_space<hbm>>
    tpu.wait_dma2 semaphore(%arg18 : memref<!tpu.dma_semaphore, #tpu.memory_space<semaphore_mem>>) src(%dma_wait3A_145 : memref<2000xi32, #tpu.memory_space<hbm>>) dst(%arg10 : memref<2000xi32, #tpu.memory_space<vmem>>)
    %dma_wait3A_146 = arith.constant 1 : i32
    %dma_wait3A_147 = tpu.memref_slice %arg2[%dma_wait3A_146, %multiple_of3A_130] : memref<2x320000xi32, #tpu.memory_space<hbm>> -> memref<1x2000xi32, #tpu.memory_space<hbm>>
    %dma_wait3A_148 = tpu.memref_squeeze %dma_wait3A_147 : memref<1x2000xi32, #tpu.memory_space<hbm>> -> memref<2000xi32, #tpu.memory_space<hbm>>
    %dma_wait3A_149 = tpu.memref_slice %arg2[%dma_wait3A_146, %multiple_of3A_130] : memref<2x320000xi32, #tpu.memory_space<hbm>> -> memref<1x2000xi32, #tpu.memory_space<hbm>>
    %dma_wait3A_150 = tpu.memref_squeeze %dma_wait3A_149 : memref<1x2000xi32, #tpu.memory_space<hbm>> -> memref<2000xi32, #tpu.memory_space<hbm>>
    tpu.wait_dma2 semaphore(%arg20 : memref<!tpu.dma_semaphore, #tpu.memory_space<semaphore_mem>>) src(%dma_wait3A_150 : memref<2000xi32, #tpu.memory_space<hbm>>) dst(%arg12 : memref<2000xi32, #tpu.memory_space<vmem>>)
    %dma_start3A_151 = arith.constant 0 : i32
    %dma_start3A_152 = arith.constant 0 : i32
    %dma_start3A_153 = tpu.memref_slice %arg7[%dma_start3A_151, %dma_start3A_152] : memref<10240x16xf32, #tpu.memory_space<vmem_shared>> -> memref<10240x16xf32, #tpu.memory_space<vmem_shared>>
    tpu.enqueue_indirect_dma source(%dma_start3A_153 : memref<10240x16xf32, #tpu.memory_space<vmem_shared>>) target(%arg14 : memref<2000x16xf32, #tpu.memory_space<vmem>>) offsets(%arg10 : memref<2000xi32, #tpu.memory_space<vmem>>) semaphore(%arg18 : memref<!tpu.dma_semaphore, #tpu.memory_space<semaphore_mem>>)
    %dma_wait3A_154 = arith.constant 0 : i32
    %dma_wait3A_155 = arith.constant 0 : i32
    %dma_wait3A_156 = tpu.memref_slice %arg7[%dma_wait3A_154, %dma_wait3A_155] : memref<10240x16xf32, #tpu.memory_space<vmem_shared>> -> memref<10240x16xf32, #tpu.memory_space<vmem_shared>>
    tpu.wait_indirect_dma semaphore(%arg18 : memref<!tpu.dma_semaphore, #tpu.memory_space<semaphore_mem>>) src(%dma_wait3A_156 : memref<10240x16xf32, #tpu.memory_space<vmem_shared>>) dst(%arg14 : memref<2000x16xf32, #tpu.memory_space<vmem>>)
    %dma_start3A_157 = arith.constant 0 : i32
    %dma_start3A_158 = arith.constant 0 : i32
    %dma_start3A_159 = tpu.memref_slice %arg8[%dma_start3A_157, %dma_start3A_158] : memref<10240x16xf32, #tpu.memory_space<vmem_shared>> -> memref<10240x16xf32, #tpu.memory_space<vmem_shared>>
    tpu.enqueue_indirect_dma source(%arg14 : memref<2000x16xf32, #tpu.memory_space<vmem>>) target(%dma_start3A_159 : memref<10240x16xf32, #tpu.memory_space<vmem_shared>>) offsets(%arg12 : memref<2000xi32, #tpu.memory_space<vmem>>) semaphore(%arg20 : memref<!tpu.dma_semaphore, #tpu.memory_space<semaphore_mem>>) {add = true}
    %dma_wait3A_160 = arith.constant 0 : i32
    %dma_wait3A_161 = arith.constant 0 : i32
    %dma_wait3A_162 = tpu.memref_slice %arg8[%dma_wait3A_160, %dma_wait3A_161] : memref<10240x16xf32, #tpu.memory_space<vmem_shared>> -> memref<10240x16xf32, #tpu.memory_space<vmem_shared>>
    tpu.wait_indirect_dma semaphore(%arg19 : memref<!tpu.dma_semaphore, #tpu.memory_space<semaphore_mem>>) src(%arg13 : memref<2000x16xf32, #tpu.memory_space<vmem>>) dst(%dma_wait3A_162 : memref<10240x16xf32, #tpu.memory_space<vmem_shared>>)
    %add3A_163 = arith.constant 8000 : i32
    %add3A_164 = arith.addi %mul3A_4, %add3A_163 : i32
    %multiple_of3A_165 = tpu.assume_multiple %add3A_164, 8 : i32
    %dma_start3A_166 = arith.constant 0 : i32
    %dma_start3A_167 = tpu.memref_slice %arg2[%dma_start3A_166, %multiple_of3A_165] : memref<2x320000xi32, #tpu.memory_space<hbm>> -> memref<1x2000xi32, #tpu.memory_space<hbm>>
    %dma_start3A_168 = tpu.memref_squeeze %dma_start3A_167 : memref<1x2000xi32, #tpu.memory_space<hbm>> -> memref<2000xi32, #tpu.memory_space<hbm>>
    %dma_start3A_169 = tpu.memref_slice %arg2[%dma_start3A_166, %multiple_of3A_165] : memref<2x320000xi32, #tpu.memory_space<hbm>> -> memref<1x2000xi32, #tpu.memory_space<hbm>>
    %dma_start3A_170 = tpu.memref_squeeze %dma_start3A_169 : memref<1x2000xi32, #tpu.memory_space<hbm>> -> memref<2000xi32, #tpu.memory_space<hbm>>
    tpu.enqueue_dma source(%dma_start3A_170 : memref<2000xi32, #tpu.memory_space<hbm>>) target(%arg9 : memref<2000xi32, #tpu.memory_space<vmem>>) target_semaphore(%arg18 : memref<!tpu.dma_semaphore, #tpu.memory_space<semaphore_mem>>)
    %dma_start3A_171 = arith.constant 1 : i32
    %dma_start3A_172 = tpu.memref_slice %arg2[%dma_start3A_171, %multiple_of3A_165] : memref<2x320000xi32, #tpu.memory_space<hbm>> -> memref<1x2000xi32, #tpu.memory_space<hbm>>
    %dma_start3A_173 = tpu.memref_squeeze %dma_start3A_172 : memref<1x2000xi32, #tpu.memory_space<hbm>> -> memref<2000xi32, #tpu.memory_space<hbm>>
    %dma_start3A_174 = tpu.memref_slice %arg2[%dma_start3A_171, %multiple_of3A_165] : memref<2x320000xi32, #tpu.memory_space<hbm>> -> memref<1x2000xi32, #tpu.memory_space<hbm>>
    %dma_start3A_175 = tpu.memref_squeeze %dma_start3A_174 : memref<1x2000xi32, #tpu.memory_space<hbm>> -> memref<2000xi32, #tpu.memory_space<hbm>>
    tpu.enqueue_dma source(%dma_start3A_175 : memref<2000xi32, #tpu.memory_space<hbm>>) target(%arg11 : memref<2000xi32, #tpu.memory_space<vmem>>) target_semaphore(%arg19 : memref<!tpu.dma_semaphore, #tpu.memory_space<semaphore_mem>>)
    %dma_wait3A_176 = arith.constant 0 : i32
    %dma_wait3A_177 = tpu.memref_slice %arg2[%dma_wait3A_176, %multiple_of3A_165] : memref<2x320000xi32, #tpu.memory_space<hbm>> -> memref<1x2000xi32, #tpu.memory_space<hbm>>
    %dma_wait3A_178 = tpu.memref_squeeze %dma_wait3A_177 : memref<1x2000xi32, #tpu.memory_space<hbm>> -> memref<2000xi32, #tpu.memory_space<hbm>>
    %dma_wait3A_179 = tpu.memref_slice %arg2[%dma_wait3A_176, %multiple_of3A_165] : memref<2x320000xi32, #tpu.memory_space<hbm>> -> memref<1x2000xi32, #tpu.memory_space<hbm>>
    %dma_wait3A_180 = tpu.memref_squeeze %dma_wait3A_179 : memref<1x2000xi32, #tpu.memory_space<hbm>> -> memref<2000xi32, #tpu.memory_space<hbm>>
    tpu.wait_dma2 semaphore(%arg18 : memref<!tpu.dma_semaphore, #tpu.memory_space<semaphore_mem>>) src(%dma_wait3A_180 : memref<2000xi32, #tpu.memory_space<hbm>>) dst(%arg9 : memref<2000xi32, #tpu.memory_space<vmem>>)
    %dma_wait3A_181 = arith.constant 1 : i32
    %dma_wait3A_182 = tpu.memref_slice %arg2[%dma_wait3A_181, %multiple_of3A_165] : memref<2x320000xi32, #tpu.memory_space<hbm>> -> memref<1x2000xi32, #tpu.memory_space<hbm>>
    %dma_wait3A_183 = tpu.memref_squeeze %dma_wait3A_182 : memref<1x2000xi32, #tpu.memory_space<hbm>> -> memref<2000xi32, #tpu.memory_space<hbm>>
    %dma_wait3A_184 = tpu.memref_slice %arg2[%dma_wait3A_181, %multiple_of3A_165] : memref<2x320000xi32, #tpu.memory_space<hbm>> -> memref<1x2000xi32, #tpu.memory_space<hbm>>
    %dma_wait3A_185 = tpu.memref_squeeze %dma_wait3A_184 : memref<1x2000xi32, #tpu.memory_space<hbm>> -> memref<2000xi32, #tpu.memory_space<hbm>>
    tpu.wait_dma2 semaphore(%arg19 : memref<!tpu.dma_semaphore, #tpu.memory_space<semaphore_mem>>) src(%dma_wait3A_185 : memref<2000xi32, #tpu.memory_space<hbm>>) dst(%arg11 : memref<2000xi32, #tpu.memory_space<vmem>>)
    %dma_start3A_186 = arith.constant 0 : i32
    %dma_start3A_187 = arith.constant 0 : i32
    %dma_start3A_188 = tpu.memref_slice %arg7[%dma_start3A_186, %dma_start3A_187] : memref<10240x16xf32, #tpu.memory_space<vmem_shared>> -> memref<10240x16xf32, #tpu.memory_space<vmem_shared>>
    tpu.enqueue_indirect_dma source(%dma_start3A_188 : memref<10240x16xf32, #tpu.memory_space<vmem_shared>>) target(%arg13 : memref<2000x16xf32, #tpu.memory_space<vmem>>) offsets(%arg9 : memref<2000xi32, #tpu.memory_space<vmem>>) semaphore(%arg18 : memref<!tpu.dma_semaphore, #tpu.memory_space<semaphore_mem>>)
    %dma_wait3A_189 = arith.constant 0 : i32
    %dma_wait3A_190 = arith.constant 0 : i32
    %dma_wait3A_191 = tpu.memref_slice %arg7[%dma_wait3A_189, %dma_wait3A_190] : memref<10240x16xf32, #tpu.memory_space<vmem_shared>> -> memref<10240x16xf32, #tpu.memory_space<vmem_shared>>
    tpu.wait_indirect_dma semaphore(%arg18 : memref<!tpu.dma_semaphore, #tpu.memory_space<semaphore_mem>>) src(%dma_wait3A_191 : memref<10240x16xf32, #tpu.memory_space<vmem_shared>>) dst(%arg13 : memref<2000x16xf32, #tpu.memory_space<vmem>>)
    %dma_start3A_192 = arith.constant 0 : i32
    %dma_start3A_193 = arith.constant 0 : i32
    %dma_start3A_194 = tpu.memref_slice %arg8[%dma_start3A_192, %dma_start3A_193] : memref<10240x16xf32, #tpu.memory_space<vmem_shared>> -> memref<10240x16xf32, #tpu.memory_space<vmem_shared>>
    tpu.enqueue_indirect_dma source(%arg13 : memref<2000x16xf32, #tpu.memory_space<vmem>>) target(%dma_start3A_194 : memref<10240x16xf32, #tpu.memory_space<vmem_shared>>) offsets(%arg11 : memref<2000xi32, #tpu.memory_space<vmem>>) semaphore(%arg19 : memref<!tpu.dma_semaphore, #tpu.memory_space<semaphore_mem>>) {add = true}
    %dma_wait3A_195 = arith.constant 0 : i32
    %dma_wait3A_196 = arith.constant 0 : i32
    %dma_wait3A_197 = tpu.memref_slice %arg8[%dma_wait3A_195, %dma_wait3A_196] : memref<10240x16xf32, #tpu.memory_space<vmem_shared>> -> memref<10240x16xf32, #tpu.memory_space<vmem_shared>>
    tpu.wait_indirect_dma semaphore(%arg20 : memref<!tpu.dma_semaphore, #tpu.memory_space<semaphore_mem>>) src(%arg14 : memref<2000x16xf32, #tpu.memory_space<vmem>>) dst(%dma_wait3A_197 : memref<10240x16xf32, #tpu.memory_space<vmem_shared>>)
    %dma_wait3A_198 = arith.constant 0 : i32
    %dma_wait3A_199 = arith.constant 0 : i32
    %dma_wait3A_200 = tpu.memref_slice %arg8[%dma_wait3A_198, %dma_wait3A_199] : memref<10240x16xf32, #tpu.memory_space<vmem_shared>> -> memref<10240x16xf32, #tpu.memory_space<vmem_shared>>
    tpu.wait_indirect_dma semaphore(%arg19 : memref<!tpu.dma_semaphore, #tpu.memory_space<semaphore_mem>>) src(%arg13 : memref<2000x16xf32, #tpu.memory_space<vmem>>) dst(%dma_wait3A_200 : memref<10240x16xf32, #tpu.memory_space<vmem_shared>>)
    %barrier3A_201 = arith.constant 0 : index
    tpu.barrier barrier_id(%barrier3A_201)
    "tpu.region"() ({
      %run_scoped3A = tpu.sem_alloc : memref<!tpu.dma_semaphore, #tpu.memory_space<semaphore_mem>>
      %dma_start3A_209 = arith.constant 0 : i32
      %dma_start3A_210 = tpu.memref_slice %arg8[%mul3A_0, %dma_start3A_209] : memref<10240x16xf32, #tpu.memory_space<vmem_shared>> -> memref<640x16xf32, #tpu.memory_space<vmem_shared>>
      %dma_start3A_211 = arith.constant 0 : i32
      %dma_start3A_212 = tpu.memref_slice %arg8[%mul3A_0, %dma_start3A_211] : memref<10240x16xf32, #tpu.memory_space<vmem_shared>> -> memref<640x16xf32, #tpu.memory_space<vmem_shared>>
      tpu.enqueue_dma source(%dma_start3A_212 : memref<640x16xf32, #tpu.memory_space<vmem_shared>>) target(%arg15 : memref<640x16xf32, #tpu.memory_space<vmem>>) target_semaphore(%run_scoped3A : memref<!tpu.dma_semaphore, #tpu.memory_space<semaphore_mem>>)
      %dma_wait3A_213 = arith.constant 0 : i32
      %dma_wait3A_214 = tpu.memref_slice %arg8[%mul3A_0, %dma_wait3A_213] : memref<10240x16xf32, #tpu.memory_space<vmem_shared>> -> memref<640x16xf32, #tpu.memory_space<vmem_shared>>
      %dma_wait3A_215 = arith.constant 0 : i32
      %dma_wait3A_216 = tpu.memref_slice %arg8[%mul3A_0, %dma_wait3A_215] : memref<10240x16xf32, #tpu.memory_space<vmem_shared>> -> memref<640x16xf32, #tpu.memory_space<vmem_shared>>
      tpu.wait_dma2 semaphore(%run_scoped3A : memref<!tpu.dma_semaphore, #tpu.memory_space<semaphore_mem>>) src(%dma_wait3A_216 : memref<640x16xf32, #tpu.memory_space<vmem_shared>>) dst(%arg15 : memref<640x16xf32, #tpu.memory_space<vmem>>)
      tpu.yield
    }) : () -> ()
    %eq3A = arith.constant 0 : i32
    %eq3A_202 = arith.cmpi eq, %arg0, %eq3A : i32
    %convert_element_type3A = arith.extui %eq3A_202 : i1 to i32
    %cond3A = arith.constant 0 : i32
    %cond3A_203 = arith.cmpi ne, %convert_element_type3A, %cond3A : i32
    scf.if %cond3A_203 {
      "tpu.region"() ({
        %run_scoped3A = tpu.sem_alloc : memref<!tpu.dma_semaphore, #tpu.memory_space<semaphore_mem>>
        %dma_start3A_209 = arith.constant 0 : i32
        %dma_start3A_210 = tpu.memref_slice %arg5[%mul3A_0, %dma_start3A_209] : memref<10240x16xf32, #tpu.memory_space<hbm>> -> memref<640x16xf32, #tpu.memory_space<hbm>>
        %dma_start3A_211 = arith.constant 0 : i32
        %dma_start3A_212 = tpu.memref_slice %arg5[%mul3A_0, %dma_start3A_211] : memref<10240x16xf32, #tpu.memory_space<hbm>> -> memref<640x16xf32, #tpu.memory_space<hbm>>
        tpu.enqueue_dma source(%arg15 : memref<640x16xf32, #tpu.memory_space<vmem>>) target(%dma_start3A_212 : memref<640x16xf32, #tpu.memory_space<hbm>>) target_semaphore(%run_scoped3A : memref<!tpu.dma_semaphore, #tpu.memory_space<semaphore_mem>>)
        %dma_wait3A_213 = arith.constant 0 : i32
        %dma_wait3A_214 = tpu.memref_slice %arg5[%mul3A_0, %dma_wait3A_213] : memref<10240x16xf32, #tpu.memory_space<hbm>> -> memref<640x16xf32, #tpu.memory_space<hbm>>
        %dma_wait3A_215 = arith.constant 0 : i32
        %dma_wait3A_216 = tpu.memref_slice %arg5[%mul3A_0, %dma_wait3A_215] : memref<10240x16xf32, #tpu.memory_space<hbm>> -> memref<640x16xf32, #tpu.memory_space<hbm>>
        tpu.wait_dma2 semaphore(%run_scoped3A : memref<!tpu.dma_semaphore, #tpu.memory_space<semaphore_mem>>) src(%arg15 : memref<640x16xf32, #tpu.memory_space<vmem>>) dst(%dma_wait3A_216 : memref<640x16xf32, #tpu.memory_space<hbm>>)
        tpu.yield
      }) : () -> ()
    } else {
    }
    %eq3A_204 = arith.constant 1 : i32
    %eq3A_205 = arith.cmpi eq, %arg0, %eq3A_204 : i32
    %convert_element_type3A_206 = arith.extui %eq3A_205 : i1 to i32
    %cond3A_207 = arith.constant 0 : i32
    %cond3A_208 = arith.cmpi ne, %convert_element_type3A_206, %cond3A_207 : i32
    scf.if %cond3A_208 {
      "tpu.region"() ({
        %run_scoped3A = tpu.sem_alloc : memref<!tpu.dma_semaphore, #tpu.memory_space<semaphore_mem>>
        %dma_start3A_209 = arith.constant 0 : i32
        %dma_start3A_210 = tpu.memref_slice %arg6[%mul3A_0, %dma_start3A_209] : memref<10240x16xf32, #tpu.memory_space<hbm>> -> memref<640x16xf32, #tpu.memory_space<hbm>>
        %dma_start3A_211 = arith.constant 0 : i32
        %dma_start3A_212 = tpu.memref_slice %arg6[%mul3A_0, %dma_start3A_211] : memref<10240x16xf32, #tpu.memory_space<hbm>> -> memref<640x16xf32, #tpu.memory_space<hbm>>
        tpu.enqueue_dma source(%arg15 : memref<640x16xf32, #tpu.memory_space<vmem>>) target(%dma_start3A_212 : memref<640x16xf32, #tpu.memory_space<hbm>>) target_semaphore(%run_scoped3A : memref<!tpu.dma_semaphore, #tpu.memory_space<semaphore_mem>>)
        %dma_wait3A_213 = arith.constant 0 : i32
        %dma_wait3A_214 = tpu.memref_slice %arg6[%mul3A_0, %dma_wait3A_213] : memref<10240x16xf32, #tpu.memory_space<hbm>> -> memref<640x16xf32, #tpu.memory_space<hbm>>
        %dma_wait3A_215 = arith.constant 0 : i32
        %dma_wait3A_216 = tpu.memref_slice %arg6[%mul3A_0, %dma_wait3A_215] : memref<10240x16xf32, #tpu.memory_space<hbm>> -> memref<640x16xf32, #tpu.memory_space<hbm>>
        tpu.wait_dma2 semaphore(%run_scoped3A : memref<!tpu.dma_semaphore, #tpu.memory_space<semaphore_mem>>) src(%arg15 : memref<640x16xf32, #tpu.memory_space<vmem>>) dst(%dma_wait3A_216 : memref<640x16xf32, #tpu.memory_space<hbm>>)
        tpu.yield
      }) : () -> ()
    } else {
    }
    return
  }
}

module attributes {stable_mosaic.version = 14 : i64} {
  func.func @_tc_body(%arg0: memref<10240x128xf32, #tpu.memory_space<vmem>>, %arg1: memref<128x128xf32, #tpu.memory_space<vmem>>, %arg2: memref<128x16xf32, #tpu.memory_space<vmem>>, %arg3: memref<1x128xf32, #tpu.memory_space<vmem>>, %arg4: memref<1x16xf32, #tpu.memory_space<vmem>>, %arg5: memref<10240x16xf32, #tpu.memory_space<vmem>>, %arg6: memref<1x16xf32, #tpu.memory_space<vmem>>) attributes {dimension_semantics = [], scalar_prefetch = 0 : i64, scratch_operands = 0 : i64, tpu.core_type = #tpu.core_type<tc>} {
    %get3A = arith.constant 0 : index
    %get3A_0 = arith.constant 0 : index
    %get3A_1 = vector.load %arg1[%get3A, %get3A_0] : memref<128x128xf32, #tpu.memory_space<vmem>>, vector<128x128xf32>
    %get3A_2 = arith.constant 0 : index
    %get3A_3 = arith.constant 0 : index
    %get3A_4 = vector.load %arg2[%get3A_2, %get3A_3] : memref<128x16xf32, #tpu.memory_space<vmem>>, vector<128x16xf32>
    %dot_general3A = arith.constant dense<0.000000e+00> : vector<128x16xf32>
    %dot_general3A_5 = tpu.matmul %get3A_1, %get3A_4, %dot_general3A {dimension_numbers = #tpu.dot_dimension_numbers<[1], [0], [0], [1], [0, 0, 1, 1], [], []>, precision = #tpu.contract_precision<fp32>, transpose_lhs_hint = false} : vector<128x128xf32>, vector<128x16xf32>, vector<128x16xf32> -> vector<128x16xf32>
    %get3A_6 = arith.constant 0 : index
    %get3A_7 = arith.constant 0 : index
    %get3A_8 = vector.load %arg0[%get3A_6, %get3A_7] : memref<10240x128xf32, #tpu.memory_space<vmem>>, vector<10240x128xf32>
    %dot_general3A_9 = arith.constant dense<0.000000e+00> : vector<10240x16xf32>
    %dot_general3A_10 = tpu.matmul %get3A_8, %dot_general3A_5, %dot_general3A_9 {dimension_numbers = #tpu.dot_dimension_numbers<[1], [0], [0], [1], [0, 0, 1, 1], [], []>, transpose_lhs_hint = false} : vector<10240x128xf32>, vector<128x16xf32>, vector<10240x16xf32> -> vector<10240x16xf32>
    %get3A_11 = arith.constant 0 : index
    %get3A_12 = arith.constant 0 : index
    %get3A_13 = vector.load %arg4[%get3A_11, %get3A_12] : memref<1x16xf32, #tpu.memory_space<vmem>>, vector<1x16xf32>
    %add3A = vector.broadcast %get3A_13 : vector<1x16xf32> to vector<10240x16xf32>
    %add3A_14 = arith.addf %dot_general3A_10, %add3A : vector<10240x16xf32>
    %swap3A = arith.constant 0 : index
    %swap3A_15 = arith.constant 0 : index
    %swap3A_16 = vector.load %arg5[%swap3A, %swap3A_15] : memref<10240x16xf32, #tpu.memory_space<vmem>>, vector<10240x16xf32>
    tpu.vector_store %arg5[%swap3A, %swap3A_15], %add3A_14 {strides = array<i32>} : memref<10240x16xf32, #tpu.memory_space<vmem>>, vector<10240x16xf32>,
    %get3A_17 = arith.constant 0 : index
    %get3A_18 = arith.constant 0 : index
    %get3A_19 = vector.load %arg3[%get3A_17, %get3A_18] : memref<1x128xf32, #tpu.memory_space<vmem>>, vector<1x128xf32>
    %get3A_20 = arith.constant 0 : index
    %get3A_21 = arith.constant 0 : index
    %get3A_22 = vector.load %arg2[%get3A_20, %get3A_21] : memref<128x16xf32, #tpu.memory_space<vmem>>, vector<128x16xf32>
    %dot_general3A_23 = arith.constant dense<0.000000e+00> : vector<1x16xf32>
    %dot_general3A_24 = tpu.matmul %get3A_19, %get3A_22, %dot_general3A_23 {dimension_numbers = #tpu.dot_dimension_numbers<[1], [0], [0], [1], [0, 0, 1, 1], [], []>, precision = #tpu.contract_precision<fp32>, transpose_lhs_hint = false} : vector<1x128xf32>, vector<128x16xf32>, vector<1x16xf32> -> vector<1x16xf32>
    %swap3A_25 = arith.constant 0 : index
    %swap3A_26 = arith.constant 0 : index
    %swap3A_27 = vector.load %arg6[%swap3A_25, %swap3A_26] : memref<1x16xf32, #tpu.memory_space<vmem>>, vector<1x16xf32>
    tpu.vector_store %arg6[%swap3A_25, %swap3A_26], %dot_general3A_24 {strides = array<i32>} : memref<1x16xf32, #tpu.memory_space<vmem>>, vector<1x16xf32>,
    return
  }
}

</mosaic_0001>

<sc_bundles>
// kernel: kernel.10.cloned.1.call-start
scs
__scs_entry_jumppad:
0x0: {  	(pc) =	sbr.rel $0x88, $3  }
0x1: {  	(tag) =	ssettag $0x0;
	lr =	simm.s32 $0x1  }
0x2: {  	[smem:$0x3F9B] =	sst lr;
	_ =	strace $0xD0000000  }
0x3: {  	_ = 	snop  }
0x4: {  	_ = 	snop  }
0x5: {  	_ = 	snop  }
0x6: {  	_ = 	snop  }
0x7: {  	_ = 	snop  }
__scs_overlays_trampoline_lowered:
0x8: {  	[smem:$0x3FAA] =	sst s0  }
0x9: {  	[smem:$0x3FAB] =	sst s1  }
0xa: {  	[smem:$0x3FAC] =	sst s2  }
0xb: {  	[smem:$0x3FAD] =	sst s3  }
0xc: {  	[smem:$0x3FAE] =	sst s4  }
0xd: {  	[smem:$0x3FAF] =	sst s5  }
0xe: {  	[smem:$0x3FB0] =	sst s6  }
0xf: {  	[smem:$0x3FB1] =	sst s7  }
0x10: {  	[smem:$0x3FB2] =	sst s8  }
0x11: {  	[smem:$0x3FB3] =	sst s9;
	s0 =	simm.s32 @!p0 $0x0  }
0x12: {  	s1 =	sld [smem:$0x3F99];
	s0 =	simm.s32 @p0 $0x1  }
0x13: {  	[smem:$0x3FB4] =	sst s0;
	s0 =	simm.s32 @!p1 $0x0  }
0x14: {  	s2 =	sld [smem:$0x3F98];
	s0 =	simm.s32 @p1 $0x1  }
0x15: {  	[smem:$0x3FB5] =	sst s0;
	s0 =	simm.s32 @!p2 $0x0  }
0x16: {  	s3 =	sld [smem:$0x3FDB];
	s0 =	simm.s32 @p2 $0x1  }
0x17: {  	s4 =	simm.s32 $0x1BF5;
	[smem:$0x3FB7] =	sst s0  }
0x18: {  	s0 =	sld [smem:$0x3F9A];
	_ =	swait.ge [sflag:s4], $0x0  }
0x19: {  	s7 =	sld [smem:$0x3F9B]  }
0x1a: {  	s8 =	sadd.s32 $0xFFFFE003, lr  }
0x1b: {  	s9 =	sadd.s32 $0xFFFFFEF7, lr;
	s5 =	simm.s32 $0xFFFFFFFF;
	p2 =	slt.u32 s8, $0xFFFFF086  }
0x1c: {  	p1 =	slt.u32 s9, $0xF7A;
	s5 =	simm.s32 @!p2 $0x0  }
0x1d: {  	s5 =	simm.s32 @p1 $0x1;
	p0 =	seq.s32 s7, s2  }
0x1e: {  	s7 =	smul.u32 @!p0 $0xF7A, s2;
	p2 =	seq.s32 @!p0 s5, $0x0  }
0x1f: {  	s9 =	smul.u32 $0xF7A, s1;
	s8 =	simm.s32 @!p0 $0x1BF5;
	p2 =	por !p2, p0  }
0x20: {  	[sflag:s8] =	ssyncset.s32 @!p0 $0xFFFFF086;
	s6 =	sadd.s32 @!p0 s3, s7;
	s7 =	simm.s32 @!p0 $0x108  }
0x21: {  	s3 =	sadd.s32 s3, s9;
	s6 =	sadd.s32 @!p0 $0x88, s6;
	s7 =	simm.s32 @p2 $0x1082  }
0x22: {  	[simem:s7], [sflag:s8] =	dma.local @!p0 [hbm:s6], $0xF7A  }
0x23: {  	s9 =	sor.u32 $0xD0000000, s2;
	s6 =	simm.s32 $0x108;
	_ =	swait.ge @!p0 [sflag:s8], $0x0  }
0x24: {  	s3 =	sadd.s32 $0x88, s3;
	s6 =	simm.s32 @!p1 $0x1082;
	[sflag:s4] =	ssyncset.s32 $0xFFFFF086  }
0x25: {  	[simem:s6], [sflag:s4] =	dma.local [hbm:s3], $0xF7A  }
0x26: {  	[smem:$0x3F9B] =	sst s1;
	(tag) =	ssettag s2;
	_ =	strace s9  }
0x27: {  	s1 =	sld [smem:$0x3FAB]  }
0x28: {  	s2 =	sld [smem:$0x3FAC]  }
0x29: {  	s4 =	sld [smem:$0x3FAE]  }
0x2a: {  	p0 =	seq.s32 s5, $0x0;
	s5 =	sld [smem:$0x3FAF]  }
0x2b: {  	s6 =	sld [smem:$0x3FB0]  }
0x2c: {  	s7 =	sld [smem:$0x3FB1]  }
0x2d: {  	s3 =	simm.s32 $0x108;
	s8 =	sld [smem:$0x3FB2]  }
0x2e: {  	s3 =	simm.s32 @!p0 $0x1082;
	s9 =	sld [smem:$0x3FB3]  }
0x2f: {  	lr =	sadd.s32 s0, s3;
	s0 =	sld [smem:$0x3FAA]  }
0x30: {  	s3 =	sld [smem:$0x3FAD]  }
0x31: {  	[smem:$0x3FB6] =	sst s10  }
0x32: {  	s10 =	sld [smem:$0x3FB4];
	_ =	sdelay $0x3  }
0x33: {  	p0 =	seq.s32 s10, $0x1;
	s10 =	sld [smem:$0x3FB6];
	_ =	sdelay $0x3  }
0x34: {  	[smem:$0x3FB6] =	sst s10  }
0x35: {  	s10 =	sld [smem:$0x3FB5];
	_ =	sdelay $0x3  }
0x36: {  	p1 =	seq.s32 s10, $0x1;
	s10 =	sld [smem:$0x3FB6];
	_ =	sdelay $0x3  }
0x37: {  	[smem:$0x3FB6] =	sst s10  }
0x38: {  	s10 =	sld [smem:$0x3FB7]  }
0x39: {  	_ = 	snop;
	(pc) =	sbr.ind lr, $3  }
0x3a: {  	_ = 	snop  }
0x3b: {  	_ = 	snop  }
0x3c: {  	p2 =	seq.s32 s10, $0x1;
	s10 =	sld [smem:$0x3FB6]  }
0x3d: {  	_ =	shalt  }
0x3e: {  	_ =	shalt  }
0x3f: {  	_ =	shalt  }
0x40: {  	_ =	shalt  }
0x41: {  	_ =	shalt  }
0x42: {  	_ =	shalt  }
0x43: {  	_ =	shalt  }
0x44: {  	_ =	shalt  }
0x45: {  	_ =	shalt  }
0x46: {  	_ =	shalt  }
0x47: {  	_ =	shalt  }
0x48: {  	_ =	shalt  }
0x49: {  	_ =	shalt  }
0x4a: {  	_ =	shalt  }
0x4b: {  	_ =	shalt  }
0x4c: {  	_ =	shalt  }
0x4d: {  	_ =	shalt  }
0x4e: {  	_ =	shalt  }
0x4f: {  	_ =	shalt  }
0x50: {  	_ =	shalt  }
0x51: {  	_ =	shalt  }
0x52: {  	_ =	shalt  }
0x53: {  	_ =	shalt  }
0x54: {  	_ =	shalt  }
0x55: {  	_ =	shalt  }
0x56: {  	_ =	shalt  }
0x57: {  	_ =	shalt  }
0x58: {  	_ =	shalt  }
0x59: {  	_ =	shalt  }
0x5a: {  	_ =	shalt  }
0x5b: {  	_ =	shalt  }
0x5c: {  	_ =	shalt  }
0x5d: {  	_ =	shalt  }
0x5e: {  	_ =	shalt  }
0x5f: {  	_ =	shalt  }
0x60: {  	_ =	shalt  }
0x61: {  	_ =	shalt  }
0x62: {  	_ =	shalt  }
0x63: {  	_ =	shalt  }
0x64: {  	_ =	shalt  }
0x65: {  	_ =	shalt  }
0x66: {  	_ =	shalt  }
0x67: {  	_ =	shalt  }
0x68: {  	_ =	shalt  }
0x69: {  	_ =	shalt  }
0x6a: {  	_ =	shalt  }
0x6b: {  	_ =	shalt  }
0x6c: {  	_ =	shalt  }
0x6d: {  	_ =	shalt  }
0x6e: {  	_ =	shalt  }
0x6f: {  	_ =	shalt  }
0x70: {  	_ =	shalt  }
0x71: {  	_ =	shalt  }
0x72: {  	_ =	shalt  }
0x73: {  	_ =	shalt  }
0x74: {  	_ =	shalt  }
0x75: {  	_ =	shalt  }
0x76: {  	_ =	shalt  }
0x77: {  	_ =	shalt  }
0x78: {  	_ =	shalt  }
0x79: {  	_ =	shalt  }
0x7a: {  	_ =	shalt  }
0x7b: {  	_ =	shalt  }
0x7c: {  	_ =	shalt  }
0x7d: {  	_ =	shalt  }
0x7e: {  	_ =	shalt  }
0x7f: {  	_ =	shalt  }
0x80: {  	_ =	shalt  }
0x81: {  	_ =	shalt  }
0x82: {  	_ =	shalt  }
0x83: {  	_ =	shalt  }
0x84: {  	_ =	shalt  }
0x85: {  	_ =	shalt  }
0x86: {  	_ =	shalt  }
0x87: {  	_ =	shalt  }
.Lfunc_end0:
.L_simem_size_0:
called_computation.1_lowered:
.L_overlay_start_0:
0x88: {  	s2 =	sld [smem:$0x3FD9]  }
0x89: {  	s3 =	sld [smem:$0x3FFE];
	_ =	sdelay $0x1  }
0x8a: {  	s1 =	srdreg.scid  }
0x8b: {  	s0 =	sand.u32 $0x1, s1  }
0x8c: {  	s16 =	sshll.u32 s0, $0xA;
	s2 =	sadd.s32 s3, s2  }
0x8d: {  	s2 =	sadd.s32 s2, s16  }
0x8e: {  	[smem:$0x3FC2] =	sst s2  }
0x8f: {  	_ = 	snop  }
0x90: {  	(tm) =	ssettm $0x1  }
0x91: {  	s17 =	sld [smem:$0x3FFB];
	_ =	sdelay $0x3  }
0x92: {  	_ =	strace s17  }
0x93: {  	s2 =	sld [smem:$0x3FFC];
	_ =	sdelay $0x3  }
0x94: {  	_ =	strace s2  }
0x95: {  	s2 =	sld [smem:$0x3FFD];
	_ =	sdelay $0x3  }
0x96: {  	_ =	strace s2  }
0x97: {  	_ =	strace $0x8FFFFFFF  }
0x98: {  	s18 =	sld [smem:$0x3FDB];
	_ =	sdelay $0x1  }
0x99: {  	s19 =	simm.s32 $_scs_section_size  }
0x9a: {  	s4 =	simm.s32 $_size__tile_overlayer_lowered;
	s5 =	simm.s32 $_tile_overlayer_lowered  }
0x9b: {  	s22 =	simm.s32 $0x1BFF;
	s21 =	sshll.u32 s5, $0x1;
	s2 =	sadd.s32 s19, s18  }
0x9c: {  	s6 =	simm.s32 $0x0;
	s20 =	sshll.u32 s4, $0x1;
	s4 =	sadd.s32 s21, s2  }
0x9d: {  	[timem:s6], [sflag:s22] =	dma.local [hbm:s4], s20  }
0x9e: {  	_ =	swait.ge [sflag:s22], s20  }
0x9f: {  	s3 =	ssub.s32 $0x0, s20;
	[sflag:s22] =	ssyncset.done $0x0  }
0xa0: {  	[sflag:s22] =	ssyncadd.s32 s3;
	_ =	sdelay $0x1  }
0xa1: {  	s23 =	simm.s32 $0x1B8B  }
0xa2: {  	_ =	swait.ge [sflag:s23], $0x1  }
0xa3: {  	[sflag:s23] =	ssyncset.done $0x0  }
0xa4: {  	s25 =	simm.s32 $0x1B8E;
	s24 =	sld [smem:$0x3FFE];
	[sflag:s23] =	ssyncadd.s32 $0xFFFFFFFF  }
0xa5: {  	s26 =	simm.s32 $execute0_lowered;
	[smem:$0x3FD2] =	sst s25  }
0xa6: {  	s4 =	sshll.u32 s26, $0x1;
	_ =	strace $0x80000049;
	[dreg:$0x1] =	wrdreg $0xFFFFFFFF  }
0xa7: {  	s28 =	simm.s32 $_size_execute0_lowered;
	s2 =	sadd.s32 s2, s4;
	[dreg:$0x0] =	wrdreg $0x0  }
0xa8: {  	s4 =	sshll.u32 s28, $0x1;
	[dreg:$0x2] =	wrdreg s2  }
0xa9: {  	[dreg:$0x3] =	wrdreg s4  }
0xaa: {  	[dreg:$0x4] =	wrdreg $0xC0  }
0xab: {  	_ =	task [dreg:s6], $0x5FFFF  }
0xac: {  	[dreg:$0x1] =	wrdreg $0xFFFFFFFF  }
0xad: {  	[dreg:$0x0] =	wrdreg $0x60  }
0xae: {  	[dreg:$0x2] =	wrdreg s24  }
0xaf: {  	[dreg:$0x3] =	wrdreg $0x0  }
0xb0: {  	[dreg:$0x4] =	wrdreg $0x28000  }
0xb1: {  	[dreg:$0x5] =	wrdreg $0x9  }
0xb2: {  	_ =	task.clear_ibuf [dreg:s6], $0x6FFFF;
	_ =	strace $0x90000049  }
0xb3: {  	s29 =	simm.s32 $0x9;
	_ =	strace $0x8000004B  }
0xb4: {  	_ =	swait.ge [sflag:s29], $0x1  }
0xb5: {  	[sflag:s29] =	ssyncadd.s32 $0xFFFFFFFF  }
0xb6: {  	_ =	strace $0x9000004B  }
0xb7: {  	_ =	sfence  }
0xb8: {  	s30 =	sld [smem:$0x0];
	_ =	sdelay $0x2  }
0xb9: {  	s31 =	sshll.u32 s1, $0xD;
	s1 =	sshrl.u32 s1, $0x2  }
0xba: {  	s3 =	sand.u32 $0x4000, s31;
	s1 =	sadd.s32 s1, s30  }
0xbb: {  	s0 =	sor.u32 s3, s0;
	s1 =	sshll.u32 s1, $0x11  }
0xbc: {  	s0 =	sor.u32 s1, s0  }
0xbd: {  	s0 =	sadd.s32 $0x8F2B, s0  }
0xbe: {  	[sflag:s0] =	ssyncadd.remote.s32 $0x1  }
0xbf: {  	_ =	sfence.sel $0xFFFF  }
0xc0: {  	[dreg:$0x0] =	wrdreg $0xFFFFFFFF;
	(pc) =	sbr.abs _section_cstart, $3  }
0xc1: {  	[dreg:$0x1] =	wrdreg $0xFFFFFFFF  }
0xc2: {  	_ =	task.clear_ibuf [dreg:s6], $0x2FFFF;
	_ =	strace $0x9FFFFFFF  }
0xc3: {  	(tm) =	ssettm $0x7FFFFFFF  }
tec
execute0_lowered:
.L_overlay_start_1:
0x0: {  	(tag) =	ssettag $0x1  }
0x1: {  	s0 =	srdreg.scid;
	s1 =	rddreg [dreg:$0x0]  }
0x2: {  	s7 =	stileid.u32;
	s2 =	rddreg [dreg:$0x1];
	s28 =	simm.s32 $0x5FA0  }
0x3: {  	s29 =	simm.s32 $0x1;
	s30 =	simm.s32 $0x2;
	s0 =	sand.u32 $0x1, s0  }
0x4: {  	s31 =	simm.s32 $0x7D0;
	s6 =	smul.u32 $0x2800, s7;
	s3 =	sshll.u32 s0, $0x4  }
0x5: {  	s9 =	ssub.s32 $0x2, s0;
	p0 =	seq.s32 s0, $0x1;
	s0 =	simm.s32 $0x20E00  }
0x6: {  	s4 =	sor.u32 s7, s3;
	s3 =	rddreg [dreg:$0x2];
	s7 =	smul.u32 $0x280, s7  }
0x7: {  	s8 =	sshrl.u32 s6, $0x3;
	s21 =	sshrl.u32 s9, $0x1;
	s24 =	sadd.s32 s6, s2  }
0x8: {  	s5 =	smul.u32 $0x2710, s4;
	s4 =	simm.s32 $0x0;
	s8 =	sadd.s32 s8, s1  }
0x9: {  	s0 =	simm.s32 @!p0 $0x1BE00;
	[smem:$0x7FF] =	sst s4;
	s23 =	sadd.s32 $0x16E00, s8  }
0xa: {  	s7 =	sshrl.u32 s7, $0x3;
	_ =	strace $0x8000004A;
	[dreg:$0x6] =	wrdreg s23  }
0xb: {  	s5 =	sshrl.u32 s5, $0x3;
	[dreg:$0x7] =	wrdreg s24;
	s23 =	simm.s32 $0x4  }
0xc: {  	s24 =	simm.s32 $0x3;
	s5 =	sadd.s32 s5, s1;
	s1 =	sadd.s32 s7, s1  }
0xd: {  	s7 =	ssub.s32 s9, s21;
	s9 =	sadd.s32 s6, s3;
	s21 =	sadd.s32 s0, s8  }
0xe: {  	s0 =	simm.s32 $0x57D0;
	s6 =	simm.s32 $0x0;
	s22 =	sadd.s32 $0x15A00, s1  }
0xf: {  	s1 =	sadd.s32 $0x16400, s1;
	s25 =	sadd.s32 $0x2000, s5;
	s26 =	sadd.s32 $0xBC40, s5  }
0x10: {  	v0 =	vimm.s32 $0x0;
	v1 =	vimm.s32 $0x1;
	s12 =	sadd.s32 $0x20FA, s5;
	s13 =	sadd.s32 $0xBD3A, s5;
	s14 =	sadd.s32 $0x21F4, s5  }
0x11: {  	v2 =	vimm.s32 $0x2;
	v3 =	vimm.s32 $0x3;
	v4 =	vimm.s32 $0x4;
	s15 =	sadd.s32 $0xBE34, s5;
	s16 =	sadd.s32 $0x22EE, s5;
	[dreg:$0x4] =	wrdreg s22  }
0x12: {  	v5 =	vimm.s32 $0x5;
	v6 =	vimm.s32 $0x6;
	v7 =	vimm.s32 $0x7;
	s17 =	sadd.s32 $0xBF2E, s5;
	s18 =	sadd.s32 $0x23E8, s5;
	[dreg:$0x5] =	wrdreg s1  }
0x13: {  	v8 =	vimm.s32 $0x8;
	v9 =	vimm.s32 $0x9;
	v10 =	vimm.s32 $0xA;
	s19 =	sadd.s32 $0xC028, s5;
	s20 =	smax.u32 s7, $0x1;
	[dreg:$0x8] =	wrdreg s25  }
0x14: {  	v11 =	vimm.s32 $0xB;
	v12 =	vimm.s32 $0xC;
	v13 =	vimm.s32 $0xD;
	s5 =	simm.s32 $0xEC40;
	[dreg:$0x9] =	wrdreg s26;
	s25 =	simm.s32 $0x16940  }
0x15: {  	v14 =	vimm.s32 $0xE;
	v15 =	vimm.s32 $0xF;
	v16 =	vimm.f32 $0.0e+00;
	s26 =	simm.s32 $0x5000;
	s1 =	simm.s32 $0x6F40;
	s22 =	simm.s32 $0x6770  }
.LBB2_1:
0x16: {  	s7 =	rddreg [dreg:$0x4];
	s8 =	simm.s32 $0x19140  }
0x17: {  	[tilespmem:s8], [sflag:$0x4] =	stream.linear.gather [hbm4b:s7+s4], $0x280, $0x38;
	[tilespmem:$0x19640] =	vst v63  }
0x18: {  	_ =	swait.ge [sflag:s23], $0x280  }
0x19: {  	[sflag:s23] =	ssyncset.done $0x0  }
0x1a: {  	s11 =	simm.s32 $0x193C0;
	s10 =	rddreg [dreg:$0x5];
	[sflag:s23] =	ssyncadd.s32 $0xFFFFFD80  }
0x1b: {  	[tilespmem:s11], [sflag:$0x4] =	stream.linear.gather [hbm4b:s10+s4], $0x280, $0x38;
	[tilespmem:$0x19640] =	vst v63  }
0x1c: {  	_ =	swait.ge [sflag:s23], $0x280  }
0x1d: {  	[sflag:s23] =	ssyncset.done $0x0  }
0x1e: {  	s7 =	simm.s32 $0x0;
	[sflag:s23] =	ssyncadd.s32 $0xFFFFFD80  }
0x1f: {  	s8 =	simm.s32 $0x40;
	v17 =	vld [tilespmem:s7+$0x193C0]  }
.LBB2_2:
0x20: {  	p0 =	sne.s32 s8, $0x9C0;
	v18 =	vld [tilespmem:s7+$0x19140];
	_ =	sdelay $0x2  }
.Ltmp0:
0x21: {  	(pc) =	sbr.rel @p0 .LBB2_2-.Ltmp0, $4  }
0x22: {  	_ = 	snop  }
0x23: {  	v18 =	vadd.f32 v17, v18  }
0x24: {  	s10 =	sshra.s32 s8, $0x2  }
0x25: {  	s8 =	sadd.s32 $0x40, s8;
	v17 =	vld [tilespmem:s10+$0x193C0];
	[tilespmem:s7+$0x19140] =	vst v18;
	s7 =	smov.u32 s10  }
0x26: {  	v18 =	vld [tilespmem:s7+$0x19140];
	_ =	sdelay $0x4  }
0x27: {  	v17 =	vadd.f32 v17, v18;
	_ =	sdelay $0x1  }
0x28: {  	s8 =	simm.s32 $0x40;
	[tilespmem:s7+$0x19140] =	vst v17;
	s7 =	simm.s32 $0x0  }
.LBB2_4:
0x29: {  	p0 =	sne.s32 s8, $0x9C0;
	v17 =	vld [tilespmem:s7+$0x19140];
	_ =	sdelay $0x4  }
0x2a: {  	v18 =	vshrl.u32 v17, $0x1;
	v19 =	vmul.f32 $5.000000000e-01, v17  }
0x2b: {  	v18 =	vsub.s32 $0x5F3759DF, v18  }
0x2c: {  	v20 =	vmul.f32 v18, v19;
	_ =	sdelay $0x1  }
0x2d: {  	v20 =	vmul.f32 v18, v20;
	_ =	sdelay $0x1  }
0x2e: {  	v20 =	vsub.f32 $1.500000000e+00, v20;
	_ =	sdelay $0x1  }
0x2f: {  	v18 =	vmul.f32 v18, v20;
	_ =	sdelay $0x1  }
0x30: {  	v20 =	vmul.f32 v18, v19;
	_ =	sdelay $0x1  }
0x31: {  	v20 =	vmul.f32 v20, v18;
	_ =	sdelay $0x1  }
0x32: {  	v20 =	vsub.f32 $1.500000000e+00, v20;
	_ =	sdelay $0x1  }
0x33: {  	v18 =	vmul.f32 v20, v18;
	_ =	sdelay $0x1  }
0x34: {  	v19 =	vmul.f32 v18, v19;
	_ =	sdelay $0x1  }
0x35: {  	v19 =	vmul.f32 v19, v18;
	_ =	sdelay $0x1  }
0x36: {  	v19 =	vsub.f32 $1.500000000e+00, v19  }
.Ltmp1:
0x37: {  	(pc) =	sbr.rel @p0 .LBB2_4-.Ltmp1, $4  }
0x38: {  	v18 =	vmul.f32 v19, v18  }
0x39: {  	vm0 =	vgt.f32 v17, $5.000000000e-01  }
0x3a: {  	v17 =	vnsel vm0, $0x0, v18  }
0x3b: {  	[tilespmem:s7+$0x19140] =	vst v17;
	s7 =	sshra.s32 s8, $0x2;
	s8 =	sadd.s32 $0x40, s8  }
0x3c: {  	v17 =	vld [tilespmem:s7+$0x19140];
	_ =	sdelay $0x4  }
0x3d: {  	v18 =	vshrl.u32 v17, $0x1;
	v19 =	vmul.f32 $5.000000000e-01, v17  }
0x3e: {  	v18 =	vsub.s32 $0x5F3759DF, v18  }
0x3f: {  	v20 =	vmul.f32 v18, v19;
	_ =	sdelay $0x1  }
0x40: {  	v20 =	vmul.f32 v18, v20;
	_ =	sdelay $0x1  }
0x41: {  	v20 =	vsub.f32 $1.500000000e+00, v20;
	_ =	sdelay $0x1  }
0x42: {  	v18 =	vmul.f32 v18, v20;
	_ =	sdelay $0x1  }
0x43: {  	v20 =	vmul.f32 v18, v19;
	_ =	sdelay $0x1  }
0x44: {  	v20 =	vmul.f32 v20, v18;
	_ =	sdelay $0x1  }
0x45: {  	v20 =	vsub.f32 $1.500000000e+00, v20;
	_ =	sdelay $0x1  }
0x46: {  	v18 =	vmul.f32 v20, v18;
	_ =	sdelay $0x1  }
0x47: {  	v19 =	vmul.f32 v18, v19;
	_ =	sdelay $0x1  }
0x48: {  	v19 =	vmul.f32 v19, v18;
	_ =	sdelay $0x1  }
0x49: {  	v19 =	vsub.f32 $1.500000000e+00, v19;
	_ =	sdelay $0x1  }
0x4a: {  	v18 =	vmul.f32 v19, v18  }
0x4b: {  	vm0 =	vgt.f32 v17, $5.000000000e-01  }
0x4c: {  	v17 =	vnsel vm0, $0x0, v18  }
0x4d: {  	s11 =	simm.s32 $0x0;
	s8 =	rddreg [dreg:$0x6];
	[tilespmem:s7+$0x19140] =	vst v17  }
0x4e: {  	[tilespmem:s25], [sflag:$0x4] =	stream.linear.gather [hbm4b:s8+s11], $0x2800, $0x38;
	[tilespmem:$0x19640] =	vst v63  }
0x4f: {  	_ =	swait.ge [sflag:s23], $0x2800  }
0x50: {  	[sflag:s23] =	ssyncset.done $0x0  }
0x51: {  	s7 =	simm.s32 $0x169C0;
	[sflag:s23] =	ssyncadd.s32 $0xFFFFD800  }
0x52: {  	s10 =	simm.s32 $0x40;
	s11 =	simm.s32 $0x0;
	s8 =	simm.s32 $0x169C0;
	v17 =	vld [tilespmem:s7+$0xFFFFFFB0]  }
.LBB2_6:
0x53: {  	p0 =	sne.s32 s10, $0x9C0;
	v18 =	vld [tilespmem:s11+$0x19140]  }
0x54: {  	v19 =	vld [tilespmem:s7+$0xFFFFFF90]  }
0x55: {  	v20 =	vld [tilespmem:s7+$0xFFFFFF80]  }
0x56: {  	v21 =	vld [tilespmem:s7+$0xFFFFFFA0]  }
0x57: {  	v22 =	vld [tilespmem:s7+$0xFFFFFFF0]  }
0x58: {  	v23 =	vperm.xlane v18, v0;
	v24 =	vperm.xlane v18, v1;
	v25 =	vld [tilespmem:s7+$0xFFFFFFD0]  }
0x59: {  	v26 =	vperm.xlane v18, v2;
	v27 =	vperm.xlane v18, v3;
	v28 =	vld [tilespmem:s7+$0xFFFFFFC0]  }
0x5a: {  	v20 =	vmul.f32 v20, v23;
	v19 =	vmul.f32 v19, v24;
	v23 =	vld [tilespmem:s7+$0xFFFFFFE0]  }
0x5b: {  	v17 =	vmul.f32 v17, v27;
	v21 =	vmul.f32 v21, v26;
	v24 =	vld [tilespmem:s7+$0x30]  }
0x5c: {  	v26 =	vperm.xlane v18, v5;
	[tilespmem:s7+$0xFFFFFF80] =	vst v20;
	v20 =	vperm.xlane v18, v4;
	v27 =	vld [tilespmem:s7+$0x10]  }
0x5d: {  	v29 =	vperm.xlane v18, v7;
	[tilespmem:s7+$0xFFFFFF90] =	vst v19;
	v19 =	vperm.xlane v18, v6;
	v30 =	vld [tilespmem:s7+$0x0]  }
0x5e: {  	[tilespmem:s7+$0xFFFFFFA0] =	vst v21;
	v20 =	vmul.f32 v28, v20;
	v21 =	vmul.f32 v25, v26;
	v25 =	vld [tilespmem:s7+$0x20]  }
0x5f: {  	[tilespmem:s7+$0xFFFFFFB0] =	vst v17;
	v17 =	vmul.f32 v23, v19;
	v19 =	vmul.f32 v22, v29;
	v22 =	vld [tilespmem:s7+$0x70]  }
0x60: {  	v23 =	vperm.xlane v18, v9;
	[tilespmem:s7+$0xFFFFFFC0] =	vst v20;
	v20 =	vperm.xlane v18, v8;
	v26 =	vld [tilespmem:s7+$0x50]  }
0x61: {  	v28 =	vperm.xlane v18, v11;
	[tilespmem:s7+$0xFFFFFFD0] =	vst v21;
	v21 =	vperm.xlane v18, v10;
	v29 =	vld [tilespmem:s7+$0x40]  }
0x62: {  	[tilespmem:s7+$0xFFFFFFE0] =	vst v17;
	v17 =	vmul.f32 v30, v20;
	v20 =	vmul.f32 v27, v23;
	v23 =	vld [tilespmem:s7+$0x60]  }
0x63: {  	[tilespmem:s7+$0xFFFFFFF0] =	vst v19;
	v19 =	vmul.f32 v25, v21;
	v21 =	vmul.f32 v24, v28  }
0x64: {  	v24 =	vperm.xlane v18, v13;
	[tilespmem:s7+$0x0] =	vst v17;
	v17 =	vperm.xlane v18, v12  }
0x65: {  	[tilespmem:s7+$0x10] =	vst v20;
	v20 =	vperm.xlane v18, v14;
	v18 =	vperm.xlane v18, v15  }
0x66: {  	[tilespmem:s7+$0x20] =	vst v19;
	v17 =	vmul.f32 v29, v17;
	v19 =	vmul.f32 v26, v24  }
.Ltmp2:
0x67: {  	[tilespmem:s7+$0x30] =	vst v21;
	v20 =	vmul.f32 v23, v20;
	v18 =	vmul.f32 v22, v18;
	(pc) =	sbr.rel @p0 .LBB2_6-.Ltmp2, $4  }
0x68: {  	[tilespmem:s7+$0x40] =	vst v17  }
0x69: {  	[tilespmem:s7+$0x50] =	vst v19  }
0x6a: {  	s7 =	sadd.s32 $0x100, s7;
	[tilespmem:s8+$0x60] =	vst v20  }
0x6b: {  	s11 =	sshra.s32 s10, $0x2;
	s10 =	sadd.s32 $0x40, s10;
	v17 =	vld [tilespmem:s7+$0xFFFFFFB0];
	[tilespmem:s8+$0x70] =	vst v18;
	s8 =	smov.u32 s7  }
0x6c: {  	v18 =	vld [tilespmem:s11+$0x19140];
	_ =	sdelay $0x1  }
0x6d: {  	v19 =	vld [tilespmem:s7+$0xFFFFFF80]  }
0x6e: {  	v20 =	vld [tilespmem:s7+$0xFFFFFF90]  }
0x6f: {  	v21 =	vld [tilespmem:s7+$0xFFFFFFA0]  }
0x70: {  	v22 =	vperm.xlane v18, v0  }
0x71: {  	v25 =	vld [tilespmem:s7+$0xFFFFFFD0];
	v23 =	vperm.xlane v18, v1  }
0x72: {  	v24 =	vld [tilespmem:s7+$0xFFFFFFC0];
	v26 =	vperm.xlane v18, v2;
	v19 =	vmul.f32 v19, v22  }
0x73: {  	v48 =	vld [tilespmem:s7+$0xFFFFFFE0];
	v47 =	vperm.xlane v18, v3;
	v20 =	vmul.f32 v20, v23  }
0x74: {  	v51 =	vld [tilespmem:s7+$0x10];
	v49 =	vperm.xlane v18, v5;
	v21 =	vmul.f32 v21, v26;
	[tilespmem:s7+$0xFFFFFF80] =	vst v19  }
0x75: {  	v27 =	vld [tilespmem:s7+$0xFFFFFFF0];
	v17 =	vmul.f32 v17, v47;
	v19 =	vperm.xlane v18, v4;
	[tilespmem:s7+$0xFFFFFF90] =	vst v20  }
0x76: {  	v50 =	vld [tilespmem:s7+$0x0];
	v28 =	vperm.xlane v18, v6;
	v22 =	vmul.f32 v25, v49;
	[tilespmem:s7+$0xFFFFFFA0] =	vst v21  }
0x77: {  	v56 =	vld [tilespmem:s7+$0x50];
	v54 =	vperm.xlane v18, v9;
	[tilespmem:s7+$0xFFFFFFB0] =	vst v17;
	v19 =	vmul.f32 v24, v19  }
0x78: {  	v53 =	vld [tilespmem:s7+$0x20];
	v52 =	vperm.xlane v18, v7;
	v23 =	vmul.f32 v48, v28;
	[tilespmem:s7+$0xFFFFFFD0] =	vst v22  }
0x79: {  	v59 =	vmul.f32 v51, v54;
	v17 =	vld [tilespmem:s7+$0x30];
	[tilespmem:s7+$0xFFFFFFC0] =	vst v19;
	v19 =	vperm.xlane v18, v8  }
0x7a: {  	v55 =	vld [tilespmem:s7+$0x40];
	v62 =	vperm.xlane v18, v13;
	v21 =	vmul.f32 v27, v52;
	[tilespmem:s7+$0xFFFFFFE0] =	vst v23  }
0x7b: {  	v60 =	vld [tilespmem:s7+$0x60];
	v57 =	vperm.xlane v18, v10;
	[tilespmem:s7+$0x10] =	vst v59;
	v19 =	vmul.f32 v50, v19  }
0x7c: {  	v61 =	vld [tilespmem:s7+$0x70];
	v58 =	vperm.xlane v18, v11;
	v20 =	vmul.f32 v56, v62;
	[tilespmem:s7+$0xFFFFFFF0] =	vst v21  }
0x7d: {  	v24 =	vmul.f32 v53, v57;
	[tilespmem:s7+$0x0] =	vst v19;
	v19 =	vperm.xlane v18, v12  }
0x7e: {  	v63 =	vperm.xlane v18, v14;
	[tilespmem:s7+$0x50] =	vst v20;
	v17 =	vmul.f32 v17, v58  }
0x7f: {  	[tilespmem:s7+$0x20] =	vst v24;
	v18 =	vperm.xlane v18, v15;
	v19 =	vmul.f32 v55, v19  }
0x80: {  	[tilespmem:s7+$0x30] =	vst v17;
	v17 =	vmul.f32 v60, v63  }
0x81: {  	v18 =	vmul.f32 v61, v18;
	[tilespmem:s7+$0x40] =	vst v19  }
0x82: {  	[tilespmem:s8+$0x60] =	vst v17  }
0x83: {  	s11 =	rddreg [dreg:$0x7];
	[tilespmem:s8+$0x70] =	vst v18  }
0x84: {  	[spmem:s11] =	stream.linear.scatter [tilespmem:s25], [sflag:$0x4], $0x2800, $0x38;
	[tilespmem:$0x19640] =	vst v63  }
0x85: {  	_ =	swait.ge [sflag:s23], $0x2800  }
0x86: {  	[sflag:s23] =	ssyncset.done $0x0  }
0x87: {  	s7 =	simm.s32 $0x0;
	s8 =	simm.s32 $0x400;
	[sflag:s23] =	ssyncadd.s32 $0xFFFFD800  }
.LBB2_8:
0x88: {  	p0 =	sne.s32 s8, $0x9C00;
	[tilespmem:s7+$0x16A30] =	vst v16  }
0x89: {  	[tilespmem:s7+$0x16940] =	vst v16  }
0x8a: {  	[tilespmem:s7+$0x16950] =	vst v16  }
0x8b: {  	[tilespmem:s7+$0x16960] =	vst v16  }
0x8c: {  	[tilespmem:s7+$0x16970] =	vst v16  }
0x8d: {  	[tilespmem:s7+$0x16980] =	vst v16  }
0x8e: {  	[tilespmem:s7+$0x16990] =	vst v16  }
0x8f: {  	[tilespmem:s7+$0x169A0] =	vst v16  }
0x90: {  	[tilespmem:s7+$0x169B0] =	vst v16  }
0x91: {  	[tilespmem:s7+$0x169C0] =	vst v16  }
0x92: {  	[tilespmem:s7+$0x169D0] =	vst v16  }
.Ltmp3:
0x93: {  	[tilespmem:s7+$0x169E0] =	vst v16;
	(pc) =	sbr.rel @p0 .LBB2_8-.Ltmp3, $4  }
0x94: {  	[tilespmem:s7+$0x169F0] =	vst v16  }
0x95: {  	[tilespmem:s7+$0x16A00] =	vst v16  }
0x96: {  	[tilespmem:s7+$0x16A10] =	vst v16  }
0x97: {  	[tilespmem:s7+$0x16A20] =	vst v16;
	s7 =	sshra.s32 s8, $0x2;
	s8 =	sadd.s32 $0x400, s8  }
0x98: {  	[tilespmem:s7+$0x16A30] =	vst v16  }
0x99: {  	[tilespmem:s7+$0x16940] =	vst v16  }
0x9a: {  	[tilespmem:s7+$0x16950] =	vst v16  }
0x9b: {  	[tilespmem:s7+$0x16960] =	vst v16  }
0x9c: {  	[tilespmem:s7+$0x16970] =	vst v16  }
0x9d: {  	[tilespmem:s7+$0x16980] =	vst v16  }
0x9e: {  	[tilespmem:s7+$0x16990] =	vst v16  }
0x9f: {  	[tilespmem:s7+$0x169A0] =	vst v16  }
0xa0: {  	[tilespmem:s7+$0x169B0] =	vst v16  }
0xa1: {  	[tilespmem:s7+$0x169C0] =	vst v16  }
0xa2: {  	[tilespmem:s7+$0x169D0] =	vst v16  }
0xa3: {  	[tilespmem:s7+$0x169E0] =	vst v16  }
0xa4: {  	[tilespmem:s7+$0x169F0] =	vst v16  }
0xa5: {  	[tilespmem:s7+$0x16A00] =	vst v16  }
0xa6: {  	[tilespmem:s7+$0x16A10] =	vst v16  }
0xa7: {  	[tilespmem:s7+$0x16A20] =	vst v16  }
0xa8: {  	[spmem:s9] =	stream.linear.scatter [tilespmem:s25], [sflag:$0x4], $0x2800, $0x38;
	[tilespmem:$0x19640] =	vst v63  }
0xa9: {  	_ =	swait.ge [sflag:s23], $0x2800  }
0xaa: {  	[sflag:s23] =	ssyncset.done $0x0  }
0xab: {  	[sflag:s23] =	ssyncadd.s32 $0xFFFFD800  }
0xac: {  	[bflag:$0x0] =	sbarrier.arrive $0xFFFF  }
0xad: {  	s10 =	rddreg [dreg:$0x8]  }
0xae: {  	[tilespmem:s26], [sflag:$0x1] =	stream.linear.gather [hbm4b:s10+s4], $0x7D0, $0x38;
	[tilespmem:$0x19640] =	vst v63  }
0xaf: {  	s11 =	rddreg [dreg:$0x9]  }
0xb0: {  	[tilespmem:s28], [sflag:$0x2] =	stream.linear.gather [hbm4b:s11+s4], $0x7D0, $0x38;
	[tilespmem:$0x19640] =	vst v63  }
0xb1: {  	_ =	swait.ge [sflag:s29], $0x7D0  }
0xb2: {  	[sflag:s29] =	ssyncset.done $0x0  }
0xb3: {  	[sflag:s29] =	ssyncadd.s32 $0xFFFFF830  }
0xb4: {  	_ =	swait.ge [sflag:s30], $0x7D0  }
0xb5: {  	[sflag:s30] =	ssyncset.done $0x0  }
0xb6: {  	[sflag:s30] =	ssyncadd.s32 $0xFFFFF830  }
0xb7: {  	[tilespmem:s1], [sflag:$0x1] =	stream.indirect.gather [spmem:s2], $0x10, s26, s31, $0xb8;
	[tilespmem:$0x19640] =	vst v63  }
0xb8: {  	_ =	swait.ge [sflag:s29], $0x7D00  }
0xb9: {  	[sflag:s29] =	ssyncset.done $0x0  }
0xba: {  	[sflag:s29] =	ssyncadd.s32 $0xFFFF8300  }
0xbb: {  	[spmem:s3] =	stream.indirect.scatter.add.f32 [tilespmem:s1], [sflag:$0x2], $0x10, s28, s31, $0xb8;
	[tilespmem:$0x19640] =	vst v63  }
0xbc: {  	_ = 	snop  }
0xbd: {  	[tilespmem:s0], [sflag:$0x1] =	stream.linear.gather [hbm4b:s12+s4], $0x7D0, $0x38;
	[tilespmem:$0x19640] =	vst v63  }
0xbe: {  	_ = 	snop  }
0xbf: {  	[tilespmem:s22], [sflag:$0x3] =	stream.linear.gather [hbm4b:s13+s4], $0x7D0, $0x38;
	[tilespmem:$0x19640] =	vst v63  }
0xc0: {  	_ =	swait.ge [sflag:s29], $0x7D0  }
0xc1: {  	[sflag:s29] =	ssyncset.done $0x0  }
0xc2: {  	[sflag:s29] =	ssyncadd.s32 $0xFFFFF830  }
0xc3: {  	_ =	swait.ge [sflag:s24], $0x7D0  }
0xc4: {  	[sflag:s24] =	ssyncset.done $0x0  }
0xc5: {  	[sflag:s24] =	ssyncadd.s32 $0xFFFFF830  }
0xc6: {  	[tilespmem:s5], [sflag:$0x1] =	stream.indirect.gather [spmem:s2], $0x10, s0, s31, $0xb8;
	[tilespmem:$0x19640] =	vst v63  }
0xc7: {  	_ =	swait.ge [sflag:s29], $0x7D00  }
0xc8: {  	[sflag:s29] =	ssyncset.done $0x0  }
0xc9: {  	[sflag:s29] =	ssyncadd.s32 $0xFFFF8300  }
0xca: {  	[spmem:s3] =	stream.indirect.scatter.add.f32 [tilespmem:s5], [sflag:$0x3], $0x10, s22, s31, $0xb8;
	[tilespmem:$0x19640] =	vst v63  }
0xcb: {  	_ =	swait.ge [sflag:s30], $0x7D00  }
0xcc: {  	[sflag:s30] =	ssyncset.done $0x0  }
0xcd: {  	[sflag:s30] =	ssyncadd.s32 $0xFFFF8300  }
0xce: {  	[tilespmem:s26], [sflag:$0x1] =	stream.linear.gather [hbm4b:s14+s4], $0x7D0, $0x38;
	[tilespmem:$0x19640] =	vst v63  }
0xcf: {  	_ = 	snop  }
0xd0: {  	[tilespmem:s28], [sflag:$0x2] =	stream.linear.gather [hbm4b:s15+s4], $0x7D0, $0x38;
	[tilespmem:$0x19640] =	vst v63  }
0xd1: {  	_ =	swait.ge [sflag:s29], $0x7D0  }
0xd2: {  	[sflag:s29] =	ssyncset.done $0x0  }
0xd3: {  	[sflag:s29] =	ssyncadd.s32 $0xFFFFF830  }
0xd4: {  	_ =	swait.ge [sflag:s30], $0x7D0  }
0xd5: {  	[sflag:s30] =	ssyncset.done $0x0  }
0xd6: {  	[sflag:s30] =	ssyncadd.s32 $0xFFFFF830  }
0xd7: {  	[tilespmem:s1], [sflag:$0x1] =	stream.indirect.gather [spmem:s2], $0x10, s26, s31, $0xb8;
	[tilespmem:$0x19640] =	vst v63  }
0xd8: {  	_ =	swait.ge [sflag:s29], $0x7D00  }
0xd9: {  	[sflag:s29] =	ssyncset.done $0x0  }
0xda: {  	[sflag:s29] =	ssyncadd.s32 $0xFFFF8300  }
0xdb: {  	[spmem:s3] =	stream.indirect.scatter.add.f32 [tilespmem:s1], [sflag:$0x2], $0x10, s28, s31, $0xb8;
	[tilespmem:$0x19640] =	vst v63  }
0xdc: {  	_ =	swait.ge [sflag:s24], $0x7D00  }
0xdd: {  	[sflag:s24] =	ssyncset.done $0x0  }
0xde: {  	[sflag:s24] =	ssyncadd.s32 $0xFFFF8300  }
0xdf: {  	[tilespmem:s0], [sflag:$0x1] =	stream.linear.gather [hbm4b:s16+s4], $0x7D0, $0x38;
	[tilespmem:$0x19640] =	vst v63  }
0xe0: {  	_ = 	snop  }
0xe1: {  	[tilespmem:s22], [sflag:$0x3] =	stream.linear.gather [hbm4b:s17+s4], $0x7D0, $0x38;
	[tilespmem:$0x19640] =	vst v63  }
0xe2: {  	_ =	swait.ge [sflag:s29], $0x7D0  }
0xe3: {  	[sflag:s29] =	ssyncset.done $0x0  }
0xe4: {  	[sflag:s29] =	ssyncadd.s32 $0xFFFFF830  }
0xe5: {  	_ =	swait.ge [sflag:s24], $0x7D0  }
0xe6: {  	[sflag:s24] =	ssyncset.done $0x0  }
0xe7: {  	[sflag:s24] =	ssyncadd.s32 $0xFFFFF830  }
0xe8: {  	[tilespmem:s5], [sflag:$0x1] =	stream.indirect.gather [spmem:s2], $0x10, s0, s31, $0xb8;
	[tilespmem:$0x19640] =	vst v63  }
0xe9: {  	_ =	swait.ge [sflag:s29], $0x7D00  }
0xea: {  	[sflag:s29] =	ssyncset.done $0x0  }
0xeb: {  	[sflag:s29] =	ssyncadd.s32 $0xFFFF8300  }
0xec: {  	[spmem:s3] =	stream.indirect.scatter.add.f32 [tilespmem:s5], [sflag:$0x3], $0x10, s22, s31, $0xb8;
	[tilespmem:$0x19640] =	vst v63  }
0xed: {  	_ =	swait.ge [sflag:s30], $0x7D00  }
0xee: {  	[sflag:s30] =	ssyncset.done $0x0  }
0xef: {  	[sflag:s30] =	ssyncadd.s32 $0xFFFF8300  }
0xf0: {  	[tilespmem:s26], [sflag:$0x1] =	stream.linear.gather [hbm4b:s18+s4], $0x7D0, $0x38;
	[tilespmem:$0x19640] =	vst v63  }
0xf1: {  	_ = 	snop  }
0xf2: {  	[tilespmem:s28], [sflag:$0x2] =	stream.linear.gather [hbm4b:s19+s4], $0x7D0, $0x38;
	[tilespmem:$0x19640] =	vst v63  }
0xf3: {  	_ =	swait.ge [sflag:s29], $0x7D0  }
0xf4: {  	[sflag:s29] =	ssyncset.done $0x0  }
0xf5: {  	[sflag:s29] =	ssyncadd.s32 $0xFFFFF830  }
0xf6: {  	_ =	swait.ge [sflag:s30], $0x7D0  }
0xf7: {  	[sflag:s30] =	ssyncset.done $0x0  }
0xf8: {  	[sflag:s30] =	ssyncadd.s32 $0xFFFFF830  }
0xf9: {  	[tilespmem:s1], [sflag:$0x1] =	stream.indirect.gather [spmem:s2], $0x10, s26, s31, $0xb8;
	[tilespmem:$0x19640] =	vst v63  }
0xfa: {  	_ =	swait.ge [sflag:s29], $0x7D00  }
0xfb: {  	[sflag:s29] =	ssyncset.done $0x0  }
0xfc: {  	[sflag:s29] =	ssyncadd.s32 $0xFFFF8300  }
0xfd: {  	[spmem:s3] =	stream.indirect.scatter.add.f32 [tilespmem:s1], [sflag:$0x2], $0x10, s28, s31, $0xb8;
	[tilespmem:$0x19640] =	vst v63  }
0xfe: {  	_ =	swait.ge [sflag:s24], $0x7D00  }
0xff: {  	[sflag:s24] =	ssyncset.done $0x0  }
0x100: {  	[sflag:s24] =	ssyncadd.s32 $0xFFFF8300  }
0x101: {  	_ =	swait.ge [sflag:s30], $0x7D00  }
0x102: {  	[sflag:s30] =	ssyncset.done $0x0  }
0x103: {  	[sflag:s30] =	ssyncadd.s32 $0xFFFF8300  }
0x104: {  	[bflag:$0x0] =	sbarrier.arrive $0xFFFF  }
0x105: {  	[tilespmem:s25], [sflag:$0x4] =	stream.linear.gather [spmem:s9], $0x2800, $0x38;
	[tilespmem:$0x19640] =	vst v63  }
0x106: {  	s6 =	sadd.s32 $0x1, s6;
	_ =	swait.ge [sflag:s23], $0x2800  }
0x107: {  	p0 =	sne.s32 s6, s20;
	[sflag:s23] =	ssyncset.done $0x0  }
.Ltmp4:
0x108: {  	[sflag:s23] =	ssyncadd.s32 $0xFFFFD800;
	(pc) =	sbr.rel @p0 .LBB2_1-.Ltmp4, $4  }
0x109: {  	[hbm4b:s21+s4] =	stream.linear.scatter [tilespmem:s25], [sflag:$0x4], $0x2800, $0x38;
	[tilespmem:$0x19640] =	vst v63  }
0x10a: {  	_ =	swait.ge [sflag:s23], $0x2800  }
0x10b: {  	[sflag:s23] =	ssyncset.done $0x0  }
0x10c: {  	[sflag:s23] =	ssyncadd.s32 $0xFFFFD800  }
0x10d: {  	_ =	sfence.sel $0x180000  }
0x10e: {  	[bflag:$0x0] =	sbarrier.arrive $0xFFFF  }
0x10f: {  	_ =	strace $0x9000004A  }
0x110: {  	s0 =	stileid.u32;
	[bflag:$0x2] =	sbarrier.arrive $0xFFFF  }
0x111: {  	p0 =	sne.s32 s0, $0x0;
	s0 =	rddreg [dreg:$0x3]  }
0x112: {  	s0 =	sadd.s32 @!p0 $0x100000, s0  }
0x113: {  	[sflag:s0] =	ssyncadd.tile.s32 @!p0 $0x1;
	_ =	shalt  }
.Lfunc_end2:
_tile_overlayer_lowered:
.L_overlay_start_2:
0x114: {  	(tag) =	ssettag $0x2  }
0x115: {  	s0 =	rddreg [dreg:$0x0];
	s2 =	stileid.u32  }
0x116: {  	s1 =	rddreg [dreg:$0x1];
	p0 =	sne.s32 s2, $0x0  }
0x117: {  	s3 =	rddreg [dreg:$0x2];
	[bflag:$0x3] =	sbarrier.arrive $0xFFFF;
	s2 =	simm.s32 @!p0 $0x1C04  }
0x118: {  	[timem:s3], [sflag:s2] =	dma.local @!p0 [hbm:s0], s1  }
0x119: {  	s0 =	simm.s32 @!p0 $0x4  }
0x11a: {  	_ =	swait.ge @!p0 [sflag:s0], s1  }
0x11b: {  	s1 =	ssub.s32 @!p0 $0x0, s1;
	[sflag:s0] =	ssyncset.done @!p0 $0x0  }
0x11c: {  	[sflag:s0] =	ssyncadd.s32 @!p0 s1  }
0x11d: {  	[bflag:$0x3] =	sbarrier.arrive $0xFFFF  }
0x11e: {  	_ =	shalt  }

// kernel: kernel.13.cloned.1.call-start
scs
__scs_entry_jumppad:
0x0: {  	(pc) =	sbr.rel $0x88, $3  }
0x1: {  	(tag) =	ssettag $0x0;
	lr =	simm.s32 $0x1  }
0x2: {  	[smem:$0x3F9B] =	sst lr;
	_ =	strace $0xD0000000  }
0x3: {  	_ = 	snop  }
0x4: {  	_ = 	snop  }
0x5: {  	_ = 	snop  }
0x6: {  	_ = 	snop  }
0x7: {  	_ = 	snop  }
__scs_overlays_trampoline_lowered:
0x8: {  	[smem:$0x3FAA] =	sst s0  }
0x9: {  	[smem:$0x3FAB] =	sst s1  }
0xa: {  	[smem:$0x3FAC] =	sst s2  }
0xb: {  	[smem:$0x3FAD] =	sst s3  }
0xc: {  	[smem:$0x3FAE] =	sst s4  }
0xd: {  	[smem:$0x3FAF] =	sst s5  }
0xe: {  	[smem:$0x3FB0] =	sst s6  }
0xf: {  	[smem:$0x3FB1] =	sst s7  }
0x10: {  	[smem:$0x3FB2] =	sst s8  }
0x11: {  	[smem:$0x3FB3] =	sst s9;
	s0 =	simm.s32 @!p0 $0x0  }
0x12: {  	s1 =	sld [smem:$0x3F99];
	s0 =	simm.s32 @p0 $0x1  }
0x13: {  	[smem:$0x3FB4] =	sst s0;
	s0 =	simm.s32 @!p1 $0x0  }
0x14: {  	s2 =	sld [smem:$0x3F98];
	s0 =	simm.s32 @p1 $0x1  }
0x15: {  	[smem:$0x3FB5] =	sst s0;
	s0 =	simm.s32 @!p2 $0x0  }
0x16: {  	s3 =	sld [smem:$0x3FDB];
	s0 =	simm.s32 @p2 $0x1  }
0x17: {  	s4 =	simm.s32 $0x1BF5;
	[smem:$0x3FB7] =	sst s0  }
0x18: {  	s0 =	sld [smem:$0x3F9A];
	_ =	swait.ge [sflag:s4], $0x0  }
0x19: {  	s7 =	sld [smem:$0x3F9B]  }
0x1a: {  	s8 =	sadd.s32 $0xFFFFE003, lr  }
0x1b: {  	s9 =	sadd.s32 $0xFFFFFEF7, lr;
	s5 =	simm.s32 $0xFFFFFFFF;
	p2 =	slt.u32 s8, $0xFFFFF086  }
0x1c: {  	p1 =	slt.u32 s9, $0xF7A;
	s5 =	simm.s32 @!p2 $0x0  }
0x1d: {  	s5 =	simm.s32 @p1 $0x1;
	p0 =	seq.s32 s7, s2  }
0x1e: {  	s7 =	smul.u32 @!p0 $0xF7A, s2;
	p2 =	seq.s32 @!p0 s5, $0x0  }
0x1f: {  	s9 =	smul.u32 $0xF7A, s1;
	s8 =	simm.s32 @!p0 $0x1BF5;
	p2 =	por !p2, p0  }
0x20: {  	[sflag:s8] =	ssyncset.s32 @!p0 $0xFFFFF086;
	s6 =	sadd.s32 @!p0 s3, s7;
	s7 =	simm.s32 @!p0 $0x108  }
0x21: {  	s3 =	sadd.s32 s3, s9;
	s6 =	sadd.s32 @!p0 $0x88, s6;
	s7 =	simm.s32 @p2 $0x1082  }
0x22: {  	[simem:s7], [sflag:s8] =	dma.local @!p0 [hbm:s6], $0xF7A  }
0x23: {  	s9 =	sor.u32 $0xD0000000, s2;
	s6 =	simm.s32 $0x108;
	_ =	swait.ge @!p0 [sflag:s8], $0x0  }
0x24: {  	s3 =	sadd.s32 $0x88, s3;
	s6 =	simm.s32 @!p1 $0x1082;
	[sflag:s4] =	ssyncset.s32 $0xFFFFF086  }
0x25: {  	[simem:s6], [sflag:s4] =	dma.local [hbm:s3], $0xF7A  }
0x26: {  	[smem:$0x3F9B] =	sst s1;
	(tag) =	ssettag s2;
	_ =	strace s9  }
0x27: {  	s1 =	sld [smem:$0x3FAB]  }
0x28: {  	s2 =	sld [smem:$0x3FAC]  }
0x29: {  	s4 =	sld [smem:$0x3FAE]  }
0x2a: {  	p0 =	seq.s32 s5, $0x0;
	s5 =	sld [smem:$0x3FAF]  }
0x2b: {  	s6 =	sld [smem:$0x3FB0]  }
0x2c: {  	s7 =	sld [smem:$0x3FB1]  }
0x2d: {  	s3 =	simm.s32 $0x108;
	s8 =	sld [smem:$0x3FB2]  }
0x2e: {  	s3 =	simm.s32 @!p0 $0x1082;
	s9 =	sld [smem:$0x3FB3]  }
0x2f: {  	lr =	sadd.s32 s0, s3;
	s0 =	sld [smem:$0x3FAA]  }
0x30: {  	s3 =	sld [smem:$0x3FAD]  }
0x31: {  	[smem:$0x3FB6] =	sst s10  }
0x32: {  	s10 =	sld [smem:$0x3FB4];
	_ =	sdelay $0x3  }
0x33: {  	p0 =	seq.s32 s10, $0x1;
	s10 =	sld [smem:$0x3FB6];
	_ =	sdelay $0x3  }
0x34: {  	[smem:$0x3FB6] =	sst s10  }
0x35: {  	s10 =	sld [smem:$0x3FB5];
	_ =	sdelay $0x3  }
0x36: {  	p1 =	seq.s32 s10, $0x1;
	s10 =	sld [smem:$0x3FB6];
	_ =	sdelay $0x3  }
0x37: {  	[smem:$0x3FB6] =	sst s10  }
0x38: {  	s10 =	sld [smem:$0x3FB7]  }
0x39: {  	_ = 	snop;
	(pc) =	sbr.ind lr, $3  }
0x3a: {  	_ = 	snop  }
0x3b: {  	_ = 	snop  }
0x3c: {  	p2 =	seq.s32 s10, $0x1;
	s10 =	sld [smem:$0x3FB6]  }
0x3d: {  	_ =	shalt  }
0x3e: {  	_ =	shalt  }
0x3f: {  	_ =	shalt  }
0x40: {  	_ =	shalt  }
0x41: {  	_ =	shalt  }
0x42: {  	_ =	shalt  }
0x43: {  	_ =	shalt  }
0x44: {  	_ =	shalt  }
0x45: {  	_ =	shalt  }
0x46: {  	_ =	shalt  }
0x47: {  	_ =	shalt  }
0x48: {  	_ =	shalt  }
0x49: {  	_ =	shalt  }
0x4a: {  	_ =	shalt  }
0x4b: {  	_ =	shalt  }
0x4c: {  	_ =	shalt  }
0x4d: {  	_ =	shalt  }
0x4e: {  	_ =	shalt  }
0x4f: {  	_ =	shalt  }
0x50: {  	_ =	shalt  }
0x51: {  	_ =	shalt  }
0x52: {  	_ =	shalt  }
0x53: {  	_ =	shalt  }
0x54: {  	_ =	shalt  }
0x55: {  	_ =	shalt  }
0x56: {  	_ =	shalt  }
0x57: {  	_ =	shalt  }
0x58: {  	_ =	shalt  }
0x59: {  	_ =	shalt  }
0x5a: {  	_ =	shalt  }
0x5b: {  	_ =	shalt  }
0x5c: {  	_ =	shalt  }
0x5d: {  	_ =	shalt  }
0x5e: {  	_ =	shalt  }
0x5f: {  	_ =	shalt  }
0x60: {  	_ =	shalt  }
0x61: {  	_ =	shalt  }
0x62: {  	_ =	shalt  }
0x63: {  	_ =	shalt  }
0x64: {  	_ =	shalt  }
0x65: {  	_ =	shalt  }
0x66: {  	_ =	shalt  }
0x67: {  	_ =	shalt  }
0x68: {  	_ =	shalt  }
0x69: {  	_ =	shalt  }
0x6a: {  	_ =	shalt  }
0x6b: {  	_ =	shalt  }
0x6c: {  	_ =	shalt  }
0x6d: {  	_ =	shalt  }
0x6e: {  	_ =	shalt  }
0x6f: {  	_ =	shalt  }
0x70: {  	_ =	shalt  }
0x71: {  	_ =	shalt  }
0x72: {  	_ =	shalt  }
0x73: {  	_ =	shalt  }
0x74: {  	_ =	shalt  }
0x75: {  	_ =	shalt  }
0x76: {  	_ =	shalt  }
0x77: {  	_ =	shalt  }
0x78: {  	_ =	shalt  }
0x79: {  	_ =	shalt  }
0x7a: {  	_ =	shalt  }
0x7b: {  	_ =	shalt  }
0x7c: {  	_ =	shalt  }
0x7d: {  	_ =	shalt  }
0x7e: {  	_ =	shalt  }
0x7f: {  	_ =	shalt  }
0x80: {  	_ =	shalt  }
0x81: {  	_ =	shalt  }
0x82: {  	_ =	shalt  }
0x83: {  	_ =	shalt  }
0x84: {  	_ =	shalt  }
0x85: {  	_ =	shalt  }
0x86: {  	_ =	shalt  }
0x87: {  	_ =	shalt  }
.Lfunc_end0:
.L_simem_size_0:
called_computation.2_lowered:
.L_overlay_start_0:
0x88: {  	s2 =	sld [smem:$0x3FD9]  }
0x89: {  	s3 =	sld [smem:$0x3FFE];
	_ =	sdelay $0x1  }
0x8a: {  	s1 =	srdreg.scid  }
0x8b: {  	s0 =	sand.u32 $0x1, s1  }
0x8c: {  	s16 =	sshll.u32 s0, $0xA;
	s2 =	sadd.s32 s3, s2  }
0x8d: {  	s2 =	sadd.s32 s2, s16  }
0x8e: {  	[smem:$0x3FC2] =	sst s2  }
0x8f: {  	_ = 	snop  }
0x90: {  	(tm) =	ssettm $0x1  }
0x91: {  	s17 =	sld [smem:$0x3FFB];
	_ =	sdelay $0x3  }
0x92: {  	_ =	strace s17  }
0x93: {  	s2 =	sld [smem:$0x3FFC];
	_ =	sdelay $0x3  }
0x94: {  	_ =	strace s2  }
0x95: {  	s2 =	sld [smem:$0x3FFD];
	_ =	sdelay $0x3  }
0x96: {  	_ =	strace s2  }
0x97: {  	_ =	strace $0x8FFFFFFF  }
0x98: {  	s18 =	sld [smem:$0x3FDB];
	_ =	sdelay $0x1  }
0x99: {  	s19 =	simm.s32 $_scs_section_size  }
0x9a: {  	s4 =	simm.s32 $_size__tile_overlayer_lowered;
	s5 =	simm.s32 $_tile_overlayer_lowered  }
0x9b: {  	s22 =	simm.s32 $0x1BFF;
	s21 =	sshll.u32 s5, $0x1;
	s2 =	sadd.s32 s19, s18  }
0x9c: {  	s6 =	simm.s32 $0x0;
	s20 =	sshll.u32 s4, $0x1;
	s4 =	sadd.s32 s21, s2  }
0x9d: {  	[timem:s6], [sflag:s22] =	dma.local [hbm:s4], s20  }
0x9e: {  	_ =	swait.ge [sflag:s22], s20  }
0x9f: {  	s3 =	ssub.s32 $0x0, s20;
	[sflag:s22] =	ssyncset.done $0x0  }
0xa0: {  	[sflag:s22] =	ssyncadd.s32 s3;
	_ =	sdelay $0x1  }
0xa1: {  	s23 =	simm.s32 $0x1B8B  }
0xa2: {  	_ =	swait.ge [sflag:s23], $0x1  }
0xa3: {  	[sflag:s23] =	ssyncset.done $0x0  }
0xa4: {  	s25 =	simm.s32 $0x1B8E;
	s24 =	sld [smem:$0x3FFE];
	[sflag:s23] =	ssyncadd.s32 $0xFFFFFFFF  }
0xa5: {  	s26 =	simm.s32 $execute0_lowered;
	[smem:$0x3FD2] =	sst s25  }
0xa6: {  	s4 =	sshll.u32 s26, $0x1;
	_ =	strace $0x8000004C;
	[dreg:$0x1] =	wrdreg $0xFFFFFFFF  }
0xa7: {  	s28 =	simm.s32 $_size_execute0_lowered;
	s2 =	sadd.s32 s2, s4;
	[dreg:$0x0] =	wrdreg $0x0  }
0xa8: {  	s4 =	sshll.u32 s28, $0x1;
	[dreg:$0x2] =	wrdreg s2  }
0xa9: {  	[dreg:$0x3] =	wrdreg s4  }
0xaa: {  	[dreg:$0x4] =	wrdreg $0xC0  }
0xab: {  	_ =	task [dreg:s6], $0x5FFFF  }
0xac: {  	[dreg:$0x1] =	wrdreg $0xFFFFFFFF  }
0xad: {  	[dreg:$0x0] =	wrdreg $0x60  }
0xae: {  	[dreg:$0x2] =	wrdreg s24  }
0xaf: {  	[dreg:$0x3] =	wrdreg $0x0  }
0xb0: {  	[dreg:$0x4] =	wrdreg $0x28000  }
0xb1: {  	[dreg:$0x5] =	wrdreg $0x9  }
0xb2: {  	_ =	task.clear_ibuf [dreg:s6], $0x6FFFF;
	_ =	strace $0x9000004C  }
0xb3: {  	s29 =	simm.s32 $0x9;
	_ =	strace $0x8000004E  }
0xb4: {  	_ =	swait.ge [sflag:s29], $0x1  }
0xb5: {  	[sflag:s29] =	ssyncadd.s32 $0xFFFFFFFF  }
0xb6: {  	_ =	strace $0x9000004E  }
0xb7: {  	_ =	sfence  }
0xb8: {  	s30 =	sld [smem:$0x0];
	_ =	sdelay $0x2  }
0xb9: {  	s31 =	sshll.u32 s1, $0xD;
	s1 =	sshrl.u32 s1, $0x2  }
0xba: {  	s3 =	sand.u32 $0x4000, s31;
	s1 =	sadd.s32 s1, s30  }
0xbb: {  	s0 =	sor.u32 s3, s0;
	s1 =	sshll.u32 s1, $0x11  }
0xbc: {  	s0 =	sor.u32 s1, s0  }
0xbd: {  	s0 =	sadd.s32 $0x8F2B, s0  }
0xbe: {  	[sflag:s0] =	ssyncadd.remote.s32 $0x1  }
0xbf: {  	_ =	sfence.sel $0xFFFF  }
0xc0: {  	[dreg:$0x0] =	wrdreg $0xFFFFFFFF;
	(pc) =	sbr.abs _section_cstart, $3  }
0xc1: {  	[dreg:$0x1] =	wrdreg $0xFFFFFFFF  }
0xc2: {  	_ =	task.clear_ibuf [dreg:s6], $0x2FFFF;
	_ =	strace $0x9FFFFFFF  }
0xc3: {  	(tm) =	ssettm $0x7FFFFFFF  }
tec
execute0_lowered:
.L_overlay_start_1:
0x0: {  	(tag) =	ssettag $0x1  }
0x1: {  	s0 =	srdreg.scid;
	s1 =	rddreg [dreg:$0x0]  }
0x2: {  	s7 =	stileid.u32;
	s2 =	rddreg [dreg:$0x1];
	s28 =	simm.s32 $0x4  }
0x3: {  	s29 =	simm.s32 $0x1BE40;
	s31 =	simm.s32 $0x16940;
	s30 =	simm.s32 $0x1  }
0x4: {  	s11 =	simm.s32 $0x0;
	s0 =	sand.u32 $0x1, s0;
	s6 =	smul.u32 $0x280, s7  }
0x5: {  	s3 =	sshll.u32 s0, $0x4;
	s8 =	ssub.s32 $0x2, s0;
	p0 =	seq.s32 s0, $0x0  }
0x6: {  	s4 =	sor.u32 s7, s3;
	s3 =	rddreg [dreg:$0x2];
	s7 =	smul.u32 $0x2800, s7  }
0x7: {  	s6 =	sshrl.u32 s6, $0x3;
	s10 =	sshrl.u32 s8, $0x1;
	s5 =	smul.u32 $0x2710, s4  }
0x8: {  	s4 =	simm.s32 $0x0;
	s6 =	sadd.s32 s6, s1;
	s8 =	ssub.s32 s8, s10  }
0x9: {  	s10 =	simm.s32 $0xEC40;
	[smem:$0x7FF] =	sst s4;
	s9 =	sshrl.u32 s7, $0x3  }
0xa: {  	s16 =	sadd.s32 $0x15A00, s6;
	s17 =	sadd.s32 $0x16400, s6;
	s18 =	sadd.s32 $0x15F00, s6  }
0xb: {  	s6 =	sadd.s32 $0x16900, s6;
	_ =	strace $0x8000004D;
	[dreg:$0x4] =	wrdreg s16  }
0xc: {  	s22 =	sadd.s32 s7, s2;
	s13 =	sadd.s32 s7, s3;
	[dreg:$0x5] =	wrdreg s17  }
0xd: {  	s7 =	simm.s32 $0x57D0;
	s5 =	sshrl.u32 s5, $0x3;
	[dreg:$0x6] =	wrdreg s18  }
0xe: {  	[dreg:$0x7] =	wrdreg s6;
	s5 =	sadd.s32 s5, s1;
	s1 =	sadd.s32 s9, s1  }
0xf: {  	[dreg:$0xb] =	wrdreg s22;
	s6 =	simm.s32 $0x16E00;
	s19 =	sadd.s32 $0x1BE00, s1  }
0x10: {  	s6 =	simm.s32 @!p0 $0x25E00;
	s20 =	sadd.s32 $0x20E00, s1;
	[dreg:$0x8] =	wrdreg s19  }
0x11: {  	p0 =	sne.s32 s0, $0x0;
	s21 =	sadd.s32 $0x2AE00, s1;
	[dreg:$0x9] =	wrdreg s20  }
0x12: {  	s0 =	simm.s32 $0x5000;
	s23 =	sadd.s32 $0x2000, s5;
	[dreg:$0xa] =	wrdreg s21  }
0x13: {  	s9 =	simm.s32 $0x3;
	s24 =	sadd.s32 $0xBC40, s5;
	[dreg:$0xc] =	wrdreg s23  }
0x14: {  	v0 =	vimm.s32 $0x0;
	v1 =	vimm.s32 $0x1;
	s25 =	sadd.s32 $0x20FA, s5;
	s26 =	sadd.s32 $0xBD3A, s5;
	[dreg:$0xd] =	wrdreg s24  }
0x15: {  	v2 =	vimm.s32 $0x2;
	v3 =	vimm.s32 $0x3;
	v4 =	vimm.s32 $0x4;
	s18 =	sadd.s32 $0x21F4, s5;
	s22 =	sadd.s32 $0xBF2E, s5;
	[dreg:$0xe] =	wrdreg s25  }
0x16: {  	v5 =	vimm.s32 $0x5;
	v6 =	vimm.s32 $0x6;
	v7 =	vimm.s32 $0x7;
	[dreg:$0xf] =	wrdreg s26;
	s19 =	sadd.s32 $0xBE34, s5;
	s20 =	sadd.s32 $0x22EE, s5  }
0x17: {  	v8 =	vimm.s32 $0x8;
	v9 =	vimm.s32 $0x9;
	v10 =	vimm.s32 $0xA;
	s21 =	sadd.s32 s6, s1;
	s23 =	sadd.s32 $0x23E8, s5;
	s24 =	sadd.s32 $0xC028, s5  }
0x18: {  	v11 =	vimm.s32 $0xB;
	v12 =	vimm.s32 $0xC;
	v13 =	vimm.s32 $0xD;
	s25 =	smax.u32 s8, $0x1;
	s26 =	simm.s32 $0x5FA0;
	s1 =	simm.s32 $0x2  }
0x19: {  	v14 =	vimm.s32 $0xE;
	v15 =	vimm.s32 $0xF;
	v16 =	vimm.f32 $0.0e+00;
	s5 =	simm.s32 $0x7D0;
	s6 =	simm.s32 $0x6F40;
	s8 =	simm.s32 $0x6770  }
.LBB2_1:
0x1a: {  	s12 =	rddreg [dreg:$0x4];
	s14 =	simm.s32 $0x1B940  }
0x1b: {  	[tilespmem:s14], [sflag:$0x4] =	stream.linear.gather [hbm4b:s12+s4], $0x280, $0x38;
	[tilespmem:$0x1C0C0] =	vst v63  }
0x1c: {  	_ =	swait.ge [sflag:s28], $0x280  }
0x1d: {  	[sflag:s28] =	ssyncset.done $0x0  }
0x1e: {  	s17 =	rddreg [dreg:$0x5];
	[sflag:s28] =	ssyncadd.s32 $0xFFFFFD80  }
0x1f: {  	[tilespmem:s29], [sflag:$0x4] =	stream.linear.gather [hbm4b:s17+s4], $0x280, $0x38;
	[tilespmem:$0x1C0C0] =	vst v63  }
0x20: {  	_ =	swait.ge [sflag:s28], $0x280  }
0x21: {  	[sflag:s28] =	ssyncset.done $0x0  }
0x22: {  	s12 =	simm.s32 $0x0;
	[sflag:s28] =	ssyncadd.s32 $0xFFFFFD80  }
0x23: {  	s14 =	simm.s32 $0x40;
	v17 =	vld [tilespmem:s12+$0x1BE40]  }
.LBB2_2:
0x24: {  	p1 =	sne.s32 s14, $0x9C0;
	v18 =	vld [tilespmem:s12+$0x1B940];
	_ =	sdelay $0x2  }
.Ltmp0:
0x25: {  	(pc) =	sbr.rel @p1 .LBB2_2-.Ltmp0, $4  }
0x26: {  	_ = 	snop  }
0x27: {  	v18 =	vadd.f32 v17, v18  }
0x28: {  	s15 =	sshra.s32 s14, $0x2  }
0x29: {  	s14 =	sadd.s32 $0x40, s14;
	v17 =	vld [tilespmem:s15+$0x1BE40];
	[tilespmem:s12+$0x1B940] =	vst v18;
	s12 =	smov.u32 s15  }
0x2a: {  	v18 =	vld [tilespmem:s12+$0x1B940];
	_ =	sdelay $0x4  }
0x2b: {  	v17 =	vadd.f32 v17, v18;
	_ =	sdelay $0x1  }
0x2c: {  	s16 =	simm.s32 $0x0;
	s14 =	rddreg [dreg:$0x6];
	s15 =	simm.s32 $0x1BBC0;
	[tilespmem:s12+$0x1B940] =	vst v17  }
0x2d: {  	[tilespmem:s15], [sflag:$0x4] =	stream.linear.gather [hbm4b:s14+s16], $0x280, $0x38;
	[tilespmem:$0x1C0C0] =	vst v63  }
0x2e: {  	_ =	swait.ge [sflag:s28], $0x280  }
0x2f: {  	[sflag:s28] =	ssyncset.done $0x0  }
0x30: {  	s17 =	rddreg [dreg:$0x7];
	[sflag:s28] =	ssyncadd.s32 $0xFFFFFD80  }
0x31: {  	[tilespmem:s29], [sflag:$0x4] =	stream.linear.gather [hbm4b:s17+s16], $0x280, $0x38;
	[tilespmem:$0x1C0C0] =	vst v63  }
0x32: {  	_ =	swait.ge [sflag:s28], $0x280  }
0x33: {  	[sflag:s28] =	ssyncset.done $0x0  }
0x34: {  	s12 =	simm.s32 $0x0;
	[sflag:s28] =	ssyncadd.s32 $0xFFFFFD80  }
0x35: {  	s15 =	simm.s32 $0x40;
	s14 =	simm.s32 $0x0;
	v17 =	vld [tilespmem:s12+$0x1BE40]  }
.LBB2_4:
0x36: {  	p1 =	sne.s32 s15, $0x9C0;
	v18 =	vld [tilespmem:s14+$0x1BBC0];
	_ =	sdelay $0x2  }
.Ltmp1:
0x37: {  	(pc) =	sbr.rel @p1 .LBB2_4-.Ltmp1, $4  }
0x38: {  	_ = 	snop  }
0x39: {  	v18 =	vadd.f32 v17, v18  }
0x3a: {  	s16 =	sshra.s32 s15, $0x2  }
0x3b: {  	s15 =	sadd.s32 $0x40, s15;
	v17 =	vld [tilespmem:s16+$0x1BE40];
	[tilespmem:s14+$0x1BBC0] =	vst v18;
	s14 =	smov.u32 s16  }
0x3c: {  	v18 =	vld [tilespmem:s14+$0x1BBC0];
	_ =	sdelay $0x4  }
0x3d: {  	v17 =	vadd.f32 v17, v18;
	_ =	sdelay $0x1  }
0x3e: {  	[tilespmem:s14+$0x1BBC0] =	vst v17  }
0x3f: {  	s14 =	simm.s32 $0x40;
	v17 =	vld [tilespmem:s12+$0x1BBC0]  }
.LBB2_6:
0x40: {  	p1 =	sne.s32 s14, $0x9C0;
	v18 =	vld [tilespmem:s12+$0x1B940];
	_ =	sdelay $0x3  }
0x41: {  	v19 =	vshrl.u32 v17, $0x1  }
0x42: {  	v22 =	vmul.f32 $5.000000000e-01, v17;
	v20 =	vshrl.u32 v18, $0x1;
	v21 =	vmul.f32 $5.000000000e-01, v18  }
0x43: {  	v19 =	vsub.s32 $0x5F3759DF, v19;
	v20 =	vsub.s32 $0x5F3759DF, v20  }
0x44: {  	v24 =	vmul.f32 v19, v22;
	v23 =	vmul.f32 v20, v21;
	_ =	sdelay $0x1  }
0x45: {  	v24 =	vmul.f32 v19, v24;
	v23 =	vmul.f32 v20, v23;
	_ =	sdelay $0x1  }
0x46: {  	v24 =	vsub.f32 $1.500000000e+00, v24;
	v23 =	vsub.f32 $1.500000000e+00, v23;
	_ =	sdelay $0x1  }
0x47: {  	v19 =	vmul.f32 v19, v24;
	v20 =	vmul.f32 v20, v23;
	_ =	sdelay $0x1  }
0x48: {  	v24 =	vmul.f32 v19, v22;
	v23 =	vmul.f32 v20, v21;
	_ =	sdelay $0x1  }
0x49: {  	v24 =	vmul.f32 v24, v19;
	v23 =	vmul.f32 v23, v20;
	_ =	sdelay $0x1  }
0x4a: {  	v24 =	vsub.f32 $1.500000000e+00, v24;
	v23 =	vsub.f32 $1.500000000e+00, v23;
	_ =	sdelay $0x1  }
0x4b: {  	v19 =	vmul.f32 v24, v19;
	v20 =	vmul.f32 v23, v20;
	_ =	sdelay $0x1  }
0x4c: {  	v22 =	vmul.f32 v19, v22;
	v21 =	vmul.f32 v20, v21;
	_ =	sdelay $0x1  }
0x4d: {  	v22 =	vmul.f32 v22, v19;
	v21 =	vmul.f32 v21, v20;
	_ =	sdelay $0x1  }
0x4e: {  	v22 =	vsub.f32 $1.500000000e+00, v22;
	v21 =	vsub.f32 $1.500000000e+00, v21;
	_ =	sdelay $0x1  }
0x4f: {  	v19 =	vmul.f32 v22, v19;
	v20 =	vmul.f32 v21, v20  }
.Ltmp2:
0x50: {  	vm1 =	vgt.f32 v17, $5.000000000e-01;
	vm0 =	vgt.f32 v18, $5.000000000e-01;
	(pc) =	sbr.rel @p1 .LBB2_6-.Ltmp2, $4  }
0x51: {  	v18 =	vnsel vm1, $0x0, v19;
	v17 =	vnsel vm0, $0x0, v20  }
0x52: {  	[tilespmem:s12+$0x1BBC0] =	vst v18;
	v18 =	vmul.f32 v18, v17  }
0x53: {  	s15 =	sshra.s32 s14, $0x2  }
0x54: {  	s14 =	sadd.s32 $0x40, s14;
	v17 =	vld [tilespmem:s15+$0x1BBC0];
	[tilespmem:s12+$0x1B940] =	vst v18;
	s12 =	smov.u32 s15  }
0x55: {  	v18 =	vld [tilespmem:s12+$0x1B940];
	_ =	sdelay $0x3  }
0x56: {  	v19 =	vshrl.u32 v17, $0x1  }
0x57: {  	v22 =	vmul.f32 $5.000000000e-01, v17;
	v20 =	vshrl.u32 v18, $0x1;
	v21 =	vmul.f32 $5.000000000e-01, v18  }
0x58: {  	v19 =	vsub.s32 $0x5F3759DF, v19;
	v20 =	vsub.s32 $0x5F3759DF, v20  }
0x59: {  	v24 =	vmul.f32 v19, v22;
	v23 =	vmul.f32 v20, v21;
	_ =	sdelay $0x1  }
0x5a: {  	v24 =	vmul.f32 v19, v24;
	v23 =	vmul.f32 v20, v23;
	_ =	sdelay $0x1  }
0x5b: {  	v24 =	vsub.f32 $1.500000000e+00, v24;
	v23 =	vsub.f32 $1.500000000e+00, v23;
	_ =	sdelay $0x1  }
0x5c: {  	v19 =	vmul.f32 v19, v24;
	v20 =	vmul.f32 v20, v23;
	_ =	sdelay $0x1  }
0x5d: {  	v24 =	vmul.f32 v19, v22;
	v23 =	vmul.f32 v20, v21;
	_ =	sdelay $0x1  }
0x5e: {  	v24 =	vmul.f32 v24, v19;
	v23 =	vmul.f32 v23, v20;
	_ =	sdelay $0x1  }
0x5f: {  	v24 =	vsub.f32 $1.500000000e+00, v24;
	v23 =	vsub.f32 $1.500000000e+00, v23;
	_ =	sdelay $0x1  }
0x60: {  	v19 =	vmul.f32 v24, v19;
	v20 =	vmul.f32 v23, v20;
	_ =	sdelay $0x1  }
0x61: {  	v22 =	vmul.f32 v19, v22;
	v21 =	vmul.f32 v20, v21;
	_ =	sdelay $0x1  }
0x62: {  	v22 =	vmul.f32 v22, v19;
	v21 =	vmul.f32 v21, v20;
	_ =	sdelay $0x1  }
0x63: {  	v22 =	vsub.f32 $1.500000000e+00, v22;
	v21 =	vsub.f32 $1.500000000e+00, v21;
	_ =	sdelay $0x1  }
0x64: {  	v19 =	vmul.f32 v22, v19;
	v20 =	vmul.f32 v21, v20  }
0x65: {  	vm1 =	vgt.f32 v17, $5.000000000e-01;
	vm0 =	vgt.f32 v18, $5.000000000e-01  }
0x66: {  	v18 =	vnsel vm1, $0x0, v19;
	v17 =	vnsel vm0, $0x0, v20  }
0x67: {  	v17 =	vmul.f32 v18, v17  }
0x68: {  	[tilespmem:s12+$0x1BBC0] =	vst v18  }
0x69: {  	s17 =	simm.s32 $0x0;
	s14 =	rddreg [dreg:$0x8];
	[tilespmem:s12+$0x1B940] =	vst v17  }
0x6a: {  	[tilespmem:s31], [sflag:$0x4] =	stream.linear.gather [hbm4b:s14+s17], $0x2800, $0x38;
	[tilespmem:$0x1C0C0] =	vst v63  }
0x6b: {  	_ =	swait.ge [sflag:s28], $0x2800  }
0x6c: {  	[sflag:s28] =	ssyncset.done $0x0  }
0x6d: {  	s15 =	simm.s32 $0x19140;
	s16 =	rddreg [dreg:$0x9];
	[sflag:s28] =	ssyncadd.s32 $0xFFFFD800  }
0x6e: {  	[tilespmem:s15], [sflag:$0x4] =	stream.linear.gather [hbm4b:s16+s17], $0x2800, $0x38;
	[tilespmem:$0x1C0C0] =	vst v63  }
0x6f: {  	_ =	swait.ge [sflag:s28], $0x2800  }
0x70: {  	[sflag:s28] =	ssyncset.done $0x0  }
0x71: {  	s14 =	simm.s32 $0x169C0;
	[sflag:s28] =	ssyncadd.s32 $0xFFFFD800  }
0x72: {  	s12 =	simm.s32 $0x191C0;
	v19 =	vld [tilespmem:s14+$0xFFFFFF80]  }
0x73: {  	s17 =	simm.s32 $0x0;
	v58 =	vld [tilespmem:s12+$0xFFFFFF80]  }
0x74: {  	v17 =	vld [tilespmem:s17+$0x1BBC0]  }
0x75: {  	v18 =	vld [tilespmem:s17+$0x1B940];
	_ =	sdelay $0x3  }
0x76: {  	v19 =	vadd.f32 v58, v19;
	v59 =	vperm.xlane v17, v0  }
0x77: {  	v60 =	vperm.xlane v18, v0  }
0x78: {  	v20 =	vmul.f32 v59, v19  }
0x79: {  	v19 =	vmul.f32 v60, v19  }
0x7a: {  	[tilespmem:s12+$0xFFFFFF80] =	vst v20  }
0x7b: {  	[tilespmem:s14+$0xFFFFFF80] =	vst v19;
	v19 =	vld [tilespmem:s14+$0xFFFFFF90]  }
0x7c: {  	v61 =	vld [tilespmem:s12+$0xFFFFFF90];
	_ =	sdelay $0x4  }
0x7d: {  	v62 =	vperm.xlane v17, v1;
	v19 =	vadd.f32 v61, v19  }
0x7e: {  	v63 =	vperm.xlane v18, v1  }
0x7f: {  	v20 =	vmul.f32 v62, v19  }
0x80: {  	v19 =	vmul.f32 v63, v19  }
0x81: {  	[tilespmem:s12+$0xFFFFFF90] =	vst v20  }
0x82: {  	[tilespmem:s14+$0xFFFFFF90] =	vst v19;
	v19 =	vld [tilespmem:s14+$0xFFFFFFA0]  }
0x83: {  	v24 =	vld [tilespmem:s12+$0xFFFFFFA0];
	_ =	sdelay $0x4  }
0x84: {  	v25 =	vperm.xlane v17, v2;
	v19 =	vadd.f32 v24, v19  }
0x85: {  	v26 =	vperm.xlane v18, v2  }
0x86: {  	v20 =	vmul.f32 v25, v19  }
0x87: {  	v19 =	vmul.f32 v26, v19  }
0x88: {  	[tilespmem:s12+$0xFFFFFFA0] =	vst v20  }
0x89: {  	[tilespmem:s14+$0xFFFFFFA0] =	vst v19;
	v19 =	vld [tilespmem:s14+$0xFFFFFFB0]  }
0x8a: {  	v27 =	vld [tilespmem:s12+$0xFFFFFFB0];
	_ =	sdelay $0x4  }
0x8b: {  	v28 =	vperm.xlane v17, v3;
	v19 =	vadd.f32 v27, v19  }
0x8c: {  	v29 =	vperm.xlane v18, v3  }
0x8d: {  	v20 =	vmul.f32 v28, v19  }
0x8e: {  	v19 =	vmul.f32 v29, v19  }
0x8f: {  	[tilespmem:s12+$0xFFFFFFB0] =	vst v20  }
0x90: {  	[tilespmem:s14+$0xFFFFFFB0] =	vst v19;
	v19 =	vld [tilespmem:s14+$0xFFFFFFC0]  }
0x91: {  	v30 =	vld [tilespmem:s12+$0xFFFFFFC0];
	_ =	sdelay $0x4  }
0x92: {  	v31 =	vperm.xlane v17, v4;
	v19 =	vadd.f32 v30, v19  }
0x93: {  	v32 =	vperm.xlane v18, v4  }
0x94: {  	v20 =	vmul.f32 v31, v19  }
0x95: {  	v19 =	vmul.f32 v32, v19  }
0x96: {  	[tilespmem:s12+$0xFFFFFFC0] =	vst v20  }
0x97: {  	[tilespmem:s14+$0xFFFFFFC0] =	vst v19;
	v19 =	vld [tilespmem:s14+$0xFFFFFFD0]  }
0x98: {  	v33 =	vld [tilespmem:s12+$0xFFFFFFD0];
	_ =	sdelay $0x4  }
0x99: {  	v34 =	vperm.xlane v17, v5;
	v19 =	vadd.f32 v33, v19  }
0x9a: {  	v35 =	vperm.xlane v18, v5  }
0x9b: {  	v20 =	vmul.f32 v34, v19  }
0x9c: {  	v19 =	vmul.f32 v35, v19  }
0x9d: {  	[tilespmem:s12+$0xFFFFFFD0] =	vst v20  }
0x9e: {  	[tilespmem:s14+$0xFFFFFFD0] =	vst v19;
	v19 =	vld [tilespmem:s14+$0xFFFFFFE0]  }
0x9f: {  	v36 =	vld [tilespmem:s12+$0xFFFFFFE0];
	_ =	sdelay $0x4  }
0xa0: {  	v37 =	vperm.xlane v17, v6;
	v19 =	vadd.f32 v36, v19  }
0xa1: {  	v38 =	vperm.xlane v18, v6  }
0xa2: {  	v20 =	vmul.f32 v37, v19  }
0xa3: {  	v19 =	vmul.f32 v38, v19  }
0xa4: {  	[tilespmem:s12+$0xFFFFFFE0] =	vst v20  }
0xa5: {  	[tilespmem:s14+$0xFFFFFFE0] =	vst v19;
	v19 =	vld [tilespmem:s14+$0xFFFFFFF0]  }
0xa6: {  	v39 =	vld [tilespmem:s12+$0xFFFFFFF0];
	_ =	sdelay $0x4  }
0xa7: {  	v40 =	vperm.xlane v17, v7;
	v19 =	vadd.f32 v39, v19  }
0xa8: {  	v41 =	vperm.xlane v18, v7  }
0xa9: {  	v20 =	vmul.f32 v40, v19  }
0xaa: {  	v19 =	vmul.f32 v41, v19  }
0xab: {  	[tilespmem:s12+$0xFFFFFFF0] =	vst v20  }
0xac: {  	[tilespmem:s14+$0xFFFFFFF0] =	vst v19;
	v19 =	vld [tilespmem:s14+$0x0]  }
0xad: {  	v42 =	vld [tilespmem:s12+$0x0];
	_ =	sdelay $0x4  }
0xae: {  	v43 =	vperm.xlane v17, v8;
	v19 =	vadd.f32 v42, v19  }
0xaf: {  	v44 =	vperm.xlane v18, v8  }
0xb0: {  	v20 =	vmul.f32 v43, v19  }
0xb1: {  	v19 =	vmul.f32 v44, v19  }
0xb2: {  	[tilespmem:s12+$0x0] =	vst v20  }
0xb3: {  	[tilespmem:s14+$0x0] =	vst v19;
	v19 =	vld [tilespmem:s14+$0x10]  }
0xb4: {  	v45 =	vld [tilespmem:s12+$0x10];
	_ =	sdelay $0x4  }
0xb5: {  	v46 =	vperm.xlane v17, v9;
	v19 =	vadd.f32 v45, v19  }
0xb6: {  	v47 =	vperm.xlane v18, v9  }
0xb7: {  	v20 =	vmul.f32 v46, v19  }
0xb8: {  	v19 =	vmul.f32 v47, v19  }
0xb9: {  	[tilespmem:s12+$0x10] =	vst v20  }
0xba: {  	[tilespmem:s14+$0x10] =	vst v19;
	v19 =	vld [tilespmem:s14+$0x20]  }
0xbb: {  	v48 =	vld [tilespmem:s12+$0x20];
	_ =	sdelay $0x4  }
0xbc: {  	v49 =	vperm.xlane v17, v10;
	v19 =	vadd.f32 v48, v19  }
0xbd: {  	v50 =	vperm.xlane v18, v10  }
0xbe: {  	v20 =	vmul.f32 v49, v19  }
0xbf: {  	v19 =	vmul.f32 v50, v19  }
0xc0: {  	[tilespmem:s12+$0x20] =	vst v20  }
0xc1: {  	[tilespmem:s14+$0x20] =	vst v19;
	v19 =	vld [tilespmem:s14+$0x30]  }
0xc2: {  	v51 =	vld [tilespmem:s12+$0x30];
	_ =	sdelay $0x4  }
0xc3: {  	v52 =	vperm.xlane v17, v11;
	v19 =	vadd.f32 v51, v19  }
0xc4: {  	v53 =	vperm.xlane v18, v11  }
0xc5: {  	v20 =	vmul.f32 v52, v19  }
0xc6: {  	v19 =	vmul.f32 v53, v19  }
0xc7: {  	[tilespmem:s12+$0x30] =	vst v20  }
0xc8: {  	[tilespmem:s14+$0x30] =	vst v19;
	v19 =	vld [tilespmem:s14+$0x40]  }
0xc9: {  	v54 =	vld [tilespmem:s12+$0x40];
	_ =	sdelay $0x4  }
0xca: {  	v55 =	vperm.xlane v17, v12;
	v19 =	vadd.f32 v54, v19  }
0xcb: {  	v56 =	vperm.xlane v18, v12  }
0xcc: {  	v20 =	vmul.f32 v55, v19  }
0xcd: {  	v19 =	vmul.f32 v56, v19  }
0xce: {  	[tilespmem:s12+$0x40] =	vst v20  }
0xcf: {  	[tilespmem:s14+$0x40] =	vst v19;
	v19 =	vld [tilespmem:s14+$0x50]  }
0xd0: {  	v57 =	vld [tilespmem:s12+$0x50];
	_ =	sdelay $0x4  }
0xd1: {  	v58 =	vperm.xlane v17, v13;
	v19 =	vadd.f32 v57, v19  }
0xd2: {  	v59 =	vperm.xlane v18, v13  }
0xd3: {  	v20 =	vmul.f32 v58, v19  }
0xd4: {  	v19 =	vmul.f32 v59, v19  }
0xd5: {  	[tilespmem:s12+$0x50] =	vst v20  }
0xd6: {  	[tilespmem:s14+$0x50] =	vst v19;
	v19 =	vld [tilespmem:s14+$0x60]  }
0xd7: {  	v60 =	vld [tilespmem:s12+$0x60];
	_ =	sdelay $0x4  }
0xd8: {  	v61 =	vperm.xlane v17, v14;
	v19 =	vadd.f32 v60, v19  }
0xd9: {  	v62 =	vperm.xlane v18, v14  }
0xda: {  	v20 =	vmul.f32 v61, v19  }
0xdb: {  	v19 =	vmul.f32 v62, v19  }
0xdc: {  	[tilespmem:s12+$0x60] =	vst v20  }
0xdd: {  	[tilespmem:s14+$0x60] =	vst v19;
	v19 =	vld [tilespmem:s14+$0x70]  }
0xde: {  	v63 =	vld [tilespmem:s12+$0x70];
	_ =	sdelay $0x4  }
0xdf: {  	v17 =	vperm.xlane v17, v15;
	v19 =	vadd.f32 v63, v19;
	_ =	sdelay $0x1  }
0xe0: {  	v18 =	vperm.xlane v18, v15;
	v20 =	vmul.f32 v17, v19;
	_ =	sdelay $0x1  }
0xe1: {  	s15 =	simm.s32 $0x40;
	s16 =	simm.s32 $0x16AC0;
	v17 =	vmul.f32 v18, v19;
	[tilespmem:s12+$0x70] =	vst v20  }
.LBB2_8:
0xe2: {  	p1 =	sne.s32 s15, $0x9C0;
	s12 =	sadd.s32 $0x100, s12  }
0xe3: {  	v19 =	vld [tilespmem:s16+$0xFFFFFF80];
	[tilespmem:s14+$0x70] =	vst v17;
	s17 =	smov.u32 s15;
	s15 =	sadd.s32 $0x40, s15;
	s14 =	smov.u32 s16  }
0xe4: {  	s17 =	sshra.s32 s17, $0x2;
	v20 =	vld [tilespmem:s12+$0xFFFFFF80]  }
0xe5: {  	v17 =	vld [tilespmem:s17+$0x1BBC0]  }
0xe6: {  	v18 =	vld [tilespmem:s17+$0x1B940];
	_ =	sdelay $0x3  }
0xe7: {  	v19 =	vadd.f32 v20, v19;
	v20 =	vperm.xlane v17, v0  }
0xe8: {  	v21 =	vperm.xlane v18, v0  }
0xe9: {  	v20 =	vmul.f32 v20, v19  }
0xea: {  	v19 =	vmul.f32 v21, v19  }
0xeb: {  	[tilespmem:s12+$0xFFFFFF80] =	vst v20  }
0xec: {  	[tilespmem:s16+$0xFFFFFF80] =	vst v19;
	v19 =	vld [tilespmem:s16+$0xFFFFFF90]  }
0xed: {  	v20 =	vld [tilespmem:s12+$0xFFFFFF90];
	_ =	sdelay $0x4  }
0xee: {  	v19 =	vadd.f32 v20, v19;
	v20 =	vperm.xlane v17, v1  }
0xef: {  	v21 =	vperm.xlane v18, v1  }
0xf0: {  	v20 =	vmul.f32 v20, v19  }
0xf1: {  	v19 =	vmul.f32 v21, v19  }
0xf2: {  	[tilespmem:s12+$0xFFFFFF90] =	vst v20  }
0xf3: {  	[tilespmem:s16+$0xFFFFFF90] =	vst v19;
	v19 =	vld [tilespmem:s16+$0xFFFFFFA0]  }
0xf4: {  	v20 =	vld [tilespmem:s12+$0xFFFFFFA0];
	_ =	sdelay $0x4  }
0xf5: {  	v19 =	vadd.f32 v20, v19;
	v20 =	vperm.xlane v17, v2  }
0xf6: {  	v21 =	vperm.xlane v18, v2  }
0xf7: {  	v20 =	vmul.f32 v20, v19  }
0xf8: {  	v19 =	vmul.f32 v21, v19  }
0xf9: {  	[tilespmem:s12+$0xFFFFFFA0] =	vst v20  }
0xfa: {  	[tilespmem:s16+$0xFFFFFFA0] =	vst v19;
	v19 =	vld [tilespmem:s16+$0xFFFFFFB0]  }
0xfb: {  	v20 =	vld [tilespmem:s12+$0xFFFFFFB0];
	_ =	sdelay $0x4  }
0xfc: {  	v19 =	vadd.f32 v20, v19;
	v20 =	vperm.xlane v17, v3  }
0xfd: {  	v21 =	vperm.xlane v18, v3  }
0xfe: {  	v20 =	vmul.f32 v20, v19  }
0xff: {  	v19 =	vmul.f32 v21, v19  }
0x100: {  	[tilespmem:s12+$0xFFFFFFB0] =	vst v20  }
0x101: {  	[tilespmem:s16+$0xFFFFFFB0] =	vst v19;
	v19 =	vld [tilespmem:s16+$0xFFFFFFC0]  }
0x102: {  	v20 =	vld [tilespmem:s12+$0xFFFFFFC0];
	_ =	sdelay $0x4  }
0x103: {  	v19 =	vadd.f32 v20, v19;
	v20 =	vperm.xlane v17, v4  }
0x104: {  	v21 =	vperm.xlane v18, v4  }
0x105: {  	v20 =	vmul.f32 v20, v19  }
0x106: {  	v19 =	vmul.f32 v21, v19  }
0x107: {  	[tilespmem:s12+$0xFFFFFFC0] =	vst v20  }
0x108: {  	[tilespmem:s16+$0xFFFFFFC0] =	vst v19;
	v19 =	vld [tilespmem:s16+$0xFFFFFFD0]  }
0x109: {  	v20 =	vld [tilespmem:s12+$0xFFFFFFD0];
	_ =	sdelay $0x4  }
0x10a: {  	v19 =	vadd.f32 v20, v19;
	v20 =	vperm.xlane v17, v5  }
0x10b: {  	v21 =	vperm.xlane v18, v5  }
0x10c: {  	v20 =	vmul.f32 v20, v19  }
0x10d: {  	v19 =	vmul.f32 v21, v19  }
0x10e: {  	[tilespmem:s12+$0xFFFFFFD0] =	vst v20  }
0x10f: {  	[tilespmem:s16+$0xFFFFFFD0] =	vst v19;
	v19 =	vld [tilespmem:s16+$0xFFFFFFE0]  }
0x110: {  	v20 =	vld [tilespmem:s12+$0xFFFFFFE0];
	_ =	sdelay $0x4  }
0x111: {  	v19 =	vadd.f32 v20, v19;
	v20 =	vperm.xlane v17, v6  }
0x112: {  	v21 =	vperm.xlane v18, v6  }
0x113: {  	v20 =	vmul.f32 v20, v19  }
0x114: {  	v19 =	vmul.f32 v21, v19  }
0x115: {  	[tilespmem:s12+$0xFFFFFFE0] =	vst v20  }
0x116: {  	[tilespmem:s16+$0xFFFFFFE0] =	vst v19;
	v19 =	vld [tilespmem:s16+$0xFFFFFFF0]  }
0x117: {  	v20 =	vld [tilespmem:s12+$0xFFFFFFF0];
	_ =	sdelay $0x4  }
0x118: {  	v19 =	vadd.f32 v20, v19;
	v20 =	vperm.xlane v17, v7  }
0x119: {  	v21 =	vperm.xlane v18, v7  }
0x11a: {  	v20 =	vmul.f32 v20, v19  }
0x11b: {  	v19 =	vmul.f32 v21, v19  }
0x11c: {  	[tilespmem:s12+$0xFFFFFFF0] =	vst v20  }
0x11d: {  	[tilespmem:s16+$0xFFFFFFF0] =	vst v19;
	v19 =	vld [tilespmem:s16+$0x0]  }
0x11e: {  	v20 =	vld [tilespmem:s12+$0x0];
	_ =	sdelay $0x4  }
0x11f: {  	v19 =	vadd.f32 v20, v19;
	v20 =	vperm.xlane v17, v8  }
0x120: {  	v21 =	vperm.xlane v18, v8  }
0x121: {  	v20 =	vmul.f32 v20, v19  }
0x122: {  	v19 =	vmul.f32 v21, v19  }
0x123: {  	[tilespmem:s12+$0x0] =	vst v20  }
0x124: {  	[tilespmem:s16+$0x0] =	vst v19;
	v19 =	vld [tilespmem:s16+$0x10]  }
0x125: {  	v20 =	vld [tilespmem:s12+$0x10];
	_ =	sdelay $0x4  }
0x126: {  	v19 =	vadd.f32 v20, v19;
	v20 =	vperm.xlane v17, v9  }
0x127: {  	v21 =	vperm.xlane v18, v9  }
0x128: {  	v20 =	vmul.f32 v20, v19  }
0x129: {  	v19 =	vmul.f32 v21, v19  }
0x12a: {  	[tilespmem:s12+$0x10] =	vst v20  }
0x12b: {  	[tilespmem:s16+$0x10] =	vst v19;
	v19 =	vld [tilespmem:s16+$0x20]  }
0x12c: {  	v20 =	vld [tilespmem:s12+$0x20];
	_ =	sdelay $0x4  }
0x12d: {  	v19 =	vadd.f32 v20, v19;
	v20 =	vperm.xlane v17, v10  }
0x12e: {  	v21 =	vperm.xlane v18, v10  }
0x12f: {  	v20 =	vmul.f32 v20, v19  }
0x130: {  	v19 =	vmul.f32 v21, v19  }
0x131: {  	[tilespmem:s12+$0x20] =	vst v20  }
0x132: {  	[tilespmem:s16+$0x20] =	vst v19;
	v19 =	vld [tilespmem:s16+$0x30]  }
0x133: {  	v20 =	vld [tilespmem:s12+$0x30];
	_ =	sdelay $0x4  }
0x134: {  	v19 =	vadd.f32 v20, v19;
	v20 =	vperm.xlane v17, v11  }
0x135: {  	v21 =	vperm.xlane v18, v11  }
0x136: {  	v20 =	vmul.f32 v20, v19  }
0x137: {  	v19 =	vmul.f32 v21, v19  }
0x138: {  	[tilespmem:s12+$0x30] =	vst v20  }
0x139: {  	[tilespmem:s16+$0x30] =	vst v19;
	v19 =	vld [tilespmem:s16+$0x40]  }
0x13a: {  	v20 =	vld [tilespmem:s12+$0x40];
	_ =	sdelay $0x4  }
0x13b: {  	v19 =	vadd.f32 v20, v19;
	v20 =	vperm.xlane v17, v12  }
0x13c: {  	v21 =	vperm.xlane v18, v12  }
0x13d: {  	v20 =	vmul.f32 v20, v19  }
0x13e: {  	v19 =	vmul.f32 v21, v19  }
0x13f: {  	[tilespmem:s12+$0x40] =	vst v20  }
0x140: {  	[tilespmem:s16+$0x40] =	vst v19;
	v19 =	vld [tilespmem:s16+$0x50]  }
0x141: {  	v20 =	vld [tilespmem:s12+$0x50];
	_ =	sdelay $0x4  }
0x142: {  	v19 =	vadd.f32 v20, v19;
	v20 =	vperm.xlane v17, v13  }
0x143: {  	v21 =	vperm.xlane v18, v13  }
0x144: {  	v20 =	vmul.f32 v20, v19  }
0x145: {  	v19 =	vmul.f32 v21, v19  }
0x146: {  	[tilespmem:s12+$0x50] =	vst v20  }
0x147: {  	[tilespmem:s16+$0x50] =	vst v19;
	v19 =	vld [tilespmem:s16+$0x60]  }
0x148: {  	v20 =	vld [tilespmem:s12+$0x60];
	_ =	sdelay $0x4  }
0x149: {  	v19 =	vadd.f32 v20, v19;
	v20 =	vperm.xlane v17, v14  }
0x14a: {  	v21 =	vperm.xlane v18, v14  }
0x14b: {  	v20 =	vmul.f32 v20, v19  }
0x14c: {  	v19 =	vmul.f32 v21, v19  }
0x14d: {  	[tilespmem:s12+$0x60] =	vst v20  }
0x14e: {  	[tilespmem:s16+$0x60] =	vst v19;
	v19 =	vld [tilespmem:s16+$0x70]  }
0x14f: {  	v20 =	vld [tilespmem:s12+$0x70];
	_ =	sdelay $0x4  }
.Ltmp3:
0x150: {  	v17 =	vperm.xlane v17, v15;
	v19 =	vadd.f32 v20, v19;
	(pc) =	sbr.rel @p1 .LBB2_8-.Ltmp3, $4  }
0x151: {  	v18 =	vperm.xlane v18, v15  }
0x152: {  	v20 =	vmul.f32 v17, v19  }
0x153: {  	v17 =	vmul.f32 v18, v19  }
0x154: {  	s16 =	sadd.s32 $0x100, s16;
	[tilespmem:s12+$0x70] =	vst v20  }
0x155: {  	[tilespmem:s14+$0x70] =	vst v17;
	s12 =	simm.s32 @!p0 $0x0;
	s14 =	simm.s32 @!p0 $0x19140;
	s15 =	rddreg [dreg:$0xa]  }
0x156: {  	[hbm4b:s15+s12] =	stream.linear.scatter @!p0 [tilespmem:s14], [sflag:$0x4], $0x2800, $0x38;
	[tilespmem:$0x1C0C0] =	vst v63  }
0x157: {  	s12 =	simm.s32 @!p0 $0x4  }
0x158: {  	_ =	swait.ge @!p0 [sflag:s12], $0x2800  }
0x159: {  	[sflag:s12] =	ssyncset.done @!p0 $0x0  }
0x15a: {  	s17 =	rddreg [dreg:$0xb];
	[sflag:s12] =	ssyncadd.s32 @!p0 $0xFFFFD800  }
0x15b: {  	[spmem:s17] =	stream.linear.scatter [tilespmem:s31], [sflag:$0x4], $0x2800, $0x38;
	[tilespmem:$0x1C0C0] =	vst v63  }
0x15c: {  	_ =	swait.ge [sflag:s28], $0x2800  }
0x15d: {  	[sflag:s28] =	ssyncset.done $0x0  }
0x15e: {  	s14 =	simm.s32 $0x400;
	s12 =	simm.s32 $0x0;
	[sflag:s28] =	ssyncadd.s32 $0xFFFFD800  }
.LBB2_10:
0x15f: {  	p1 =	sne.s32 s14, $0x9C00;
	[tilespmem:s12+$0x16A30] =	vst v16  }
0x160: {  	[tilespmem:s12+$0x16940] =	vst v16  }
0x161: {  	[tilespmem:s12+$0x16950] =	vst v16  }
0x162: {  	[tilespmem:s12+$0x16960] =	vst v16  }
0x163: {  	[tilespmem:s12+$0x16970] =	vst v16  }
0x164: {  	[tilespmem:s12+$0x16980] =	vst v16  }
0x165: {  	[tilespmem:s12+$0x16990] =	vst v16  }
0x166: {  	[tilespmem:s12+$0x169A0] =	vst v16  }
0x167: {  	[tilespmem:s12+$0x169B0] =	vst v16  }
0x168: {  	[tilespmem:s12+$0x169C0] =	vst v16  }
0x169: {  	[tilespmem:s12+$0x169D0] =	vst v16  }
.Ltmp4:
0x16a: {  	[tilespmem:s12+$0x169E0] =	vst v16;
	(pc) =	sbr.rel @p1 .LBB2_10-.Ltmp4, $4  }
0x16b: {  	[tilespmem:s12+$0x169F0] =	vst v16  }
0x16c: {  	[tilespmem:s12+$0x16A00] =	vst v16  }
0x16d: {  	[tilespmem:s12+$0x16A10] =	vst v16  }
0x16e: {  	[tilespmem:s12+$0x16A20] =	vst v16;
	s12 =	sshra.s32 s14, $0x2;
	s14 =	sadd.s32 $0x400, s14  }
0x16f: {  	[tilespmem:s12+$0x16A30] =	vst v16  }
0x170: {  	[tilespmem:s12+$0x16940] =	vst v16  }
0x171: {  	[tilespmem:s12+$0x16950] =	vst v16  }
0x172: {  	[tilespmem:s12+$0x16960] =	vst v16  }
0x173: {  	[tilespmem:s12+$0x16970] =	vst v16  }
0x174: {  	[tilespmem:s12+$0x16980] =	vst v16  }
0x175: {  	[tilespmem:s12+$0x16990] =	vst v16  }
0x176: {  	[tilespmem:s12+$0x169A0] =	vst v16  }
0x177: {  	[tilespmem:s12+$0x169B0] =	vst v16  }
0x178: {  	[tilespmem:s12+$0x169C0] =	vst v16  }
0x179: {  	[tilespmem:s12+$0x169D0] =	vst v16  }
0x17a: {  	[tilespmem:s12+$0x169E0] =	vst v16  }
0x17b: {  	[tilespmem:s12+$0x169F0] =	vst v16  }
0x17c: {  	[tilespmem:s12+$0x16A00] =	vst v16  }
0x17d: {  	[tilespmem:s12+$0x16A10] =	vst v16  }
0x17e: {  	[tilespmem:s12+$0x16A20] =	vst v16  }
0x17f: {  	[spmem:s13] =	stream.linear.scatter [tilespmem:s31], [sflag:$0x4], $0x2800, $0x38;
	[tilespmem:$0x1C0C0] =	vst v63  }
0x180: {  	_ =	swait.ge [sflag:s28], $0x2800  }
0x181: {  	[sflag:s28] =	ssyncset.done $0x0  }
0x182: {  	[sflag:s28] =	ssyncadd.s32 $0xFFFFD800  }
0x183: {  	[bflag:$0x0] =	sbarrier.arrive $0xFFFF  }
0x184: {  	s14 =	rddreg [dreg:$0xc]  }
0x185: {  	[tilespmem:s0], [sflag:$0x1] =	stream.linear.gather [hbm4b:s14+s4], $0x7D0, $0x38;
	[tilespmem:$0x1C0C0] =	vst v63  }
0x186: {  	s15 =	rddreg [dreg:$0xd]  }
0x187: {  	[tilespmem:s26], [sflag:$0x2] =	stream.linear.gather [hbm4b:s15+s4], $0x7D0, $0x38;
	[tilespmem:$0x1C0C0] =	vst v63  }
0x188: {  	_ =	swait.ge [sflag:s30], $0x7D0  }
0x189: {  	[sflag:s30] =	ssyncset.done $0x0  }
0x18a: {  	[sflag:s30] =	ssyncadd.s32 $0xFFFFF830  }
0x18b: {  	_ =	swait.ge [sflag:s1], $0x7D0  }
0x18c: {  	[sflag:s1] =	ssyncset.done $0x0  }
0x18d: {  	[sflag:s1] =	ssyncadd.s32 $0xFFFFF830  }
0x18e: {  	[tilespmem:s6], [sflag:$0x1] =	stream.indirect.gather [spmem:s2], $0x10, s0, s5, $0xb8;
	[tilespmem:$0x1C0C0] =	vst v63  }
0x18f: {  	_ =	swait.ge [sflag:s30], $0x7D00  }
0x190: {  	[sflag:s30] =	ssyncset.done $0x0  }
0x191: {  	[sflag:s30] =	ssyncadd.s32 $0xFFFF8300  }
0x192: {  	[spmem:s3] =	stream.indirect.scatter.add.f32 [tilespmem:s6], [sflag:$0x2], $0x10, s26, s5, $0xb8;
	[tilespmem:$0x1C0C0] =	vst v63  }
0x193: {  	s16 =	rddreg [dreg:$0xe]  }
0x194: {  	[tilespmem:s7], [sflag:$0x1] =	stream.linear.gather [hbm4b:s16+s4], $0x7D0, $0x38;
	[tilespmem:$0x1C0C0] =	vst v63  }
0x195: {  	s17 =	rddreg [dreg:$0xf]  }
0x196: {  	[tilespmem:s8], [sflag:$0x3] =	stream.linear.gather [hbm4b:s17+s4], $0x7D0, $0x38;
	[tilespmem:$0x1C0C0] =	vst v63  }
0x197: {  	_ =	swait.ge [sflag:s30], $0x7D0  }
0x198: {  	[sflag:s30] =	ssyncset.done $0x0  }
0x199: {  	[sflag:s30] =	ssyncadd.s32 $0xFFFFF830  }
0x19a: {  	_ =	swait.ge [sflag:s9], $0x7D0  }
0x19b: {  	[sflag:s9] =	ssyncset.done $0x0  }
0x19c: {  	[sflag:s9] =	ssyncadd.s32 $0xFFFFF830  }
0x19d: {  	[tilespmem:s10], [sflag:$0x1] =	stream.indirect.gather [spmem:s2], $0x10, s7, s5, $0xb8;
	[tilespmem:$0x1C0C0] =	vst v63  }
0x19e: {  	_ =	swait.ge [sflag:s30], $0x7D00  }
0x19f: {  	[sflag:s30] =	ssyncset.done $0x0  }
0x1a0: {  	[sflag:s30] =	ssyncadd.s32 $0xFFFF8300  }
0x1a1: {  	[spmem:s3] =	stream.indirect.scatter.add.f32 [tilespmem:s10], [sflag:$0x3], $0x10, s8, s5, $0xb8;
	[tilespmem:$0x1C0C0] =	vst v63  }
0x1a2: {  	_ =	swait.ge [sflag:s1], $0x7D00  }
0x1a3: {  	[sflag:s1] =	ssyncset.done $0x0  }
0x1a4: {  	[sflag:s1] =	ssyncadd.s32 $0xFFFF8300  }
0x1a5: {  	[tilespmem:s0], [sflag:$0x1] =	stream.linear.gather [hbm4b:s18+s4], $0x7D0, $0x38;
	[tilespmem:$0x1C0C0] =	vst v63  }
0x1a6: {  	_ = 	snop  }
0x1a7: {  	[tilespmem:s26], [sflag:$0x2] =	stream.linear.gather [hbm4b:s19+s4], $0x7D0, $0x38;
	[tilespmem:$0x1C0C0] =	vst v63  }
0x1a8: {  	_ =	swait.ge [sflag:s30], $0x7D0  }
0x1a9: {  	[sflag:s30] =	ssyncset.done $0x0  }
0x1aa: {  	[sflag:s30] =	ssyncadd.s32 $0xFFFFF830  }
0x1ab: {  	_ =	swait.ge [sflag:s1], $0x7D0  }
0x1ac: {  	[sflag:s1] =	ssyncset.done $0x0  }
0x1ad: {  	[sflag:s1] =	ssyncadd.s32 $0xFFFFF830  }
0x1ae: {  	[tilespmem:s6], [sflag:$0x1] =	stream.indirect.gather [spmem:s2], $0x10, s0, s5, $0xb8;
	[tilespmem:$0x1C0C0] =	vst v63  }
0x1af: {  	_ =	swait.ge [sflag:s30], $0x7D00  }
0x1b0: {  	[sflag:s30] =	ssyncset.done $0x0  }
0x1b1: {  	[sflag:s30] =	ssyncadd.s32 $0xFFFF8300  }
0x1b2: {  	[spmem:s3] =	stream.indirect.scatter.add.f32 [tilespmem:s6], [sflag:$0x2], $0x10, s26, s5, $0xb8;
	[tilespmem:$0x1C0C0] =	vst v63  }
0x1b3: {  	_ =	swait.ge [sflag:s9], $0x7D00  }
0x1b4: {  	[sflag:s9] =	ssyncset.done $0x0  }
0x1b5: {  	[sflag:s9] =	ssyncadd.s32 $0xFFFF8300  }
0x1b6: {  	[tilespmem:s7], [sflag:$0x1] =	stream.linear.gather [hbm4b:s20+s4], $0x7D0, $0x38;
	[tilespmem:$0x1C0C0] =	vst v63  }
0x1b7: {  	_ = 	snop  }
0x1b8: {  	[tilespmem:s8], [sflag:$0x3] =	stream.linear.gather [hbm4b:s22+s4], $0x7D0, $0x38;
	[tilespmem:$0x1C0C0] =	vst v63  }
0x1b9: {  	_ =	swait.ge [sflag:s30], $0x7D0  }
0x1ba: {  	[sflag:s30] =	ssyncset.done $0x0  }
0x1bb: {  	[sflag:s30] =	ssyncadd.s32 $0xFFFFF830  }
0x1bc: {  	_ =	swait.ge [sflag:s9], $0x7D0  }
0x1bd: {  	[sflag:s9] =	ssyncset.done $0x0  }
0x1be: {  	[sflag:s9] =	ssyncadd.s32 $0xFFFFF830  }
0x1bf: {  	[tilespmem:s10], [sflag:$0x1] =	stream.indirect.gather [spmem:s2], $0x10, s7, s5, $0xb8;
	[tilespmem:$0x1C0C0] =	vst v63  }
0x1c0: {  	_ =	swait.ge [sflag:s30], $0x7D00  }
0x1c1: {  	[sflag:s30] =	ssyncset.done $0x0  }
0x1c2: {  	[sflag:s30] =	ssyncadd.s32 $0xFFFF8300  }
0x1c3: {  	[spmem:s3] =	stream.indirect.scatter.add.f32 [tilespmem:s10], [sflag:$0x3], $0x10, s8, s5, $0xb8;
	[tilespmem:$0x1C0C0] =	vst v63  }
0x1c4: {  	_ =	swait.ge [sflag:s1], $0x7D00  }
0x1c5: {  	[sflag:s1] =	ssyncset.done $0x0  }
0x1c6: {  	[sflag:s1] =	ssyncadd.s32 $0xFFFF8300  }
0x1c7: {  	[tilespmem:s0], [sflag:$0x1] =	stream.linear.gather [hbm4b:s23+s4], $0x7D0, $0x38;
	[tilespmem:$0x1C0C0] =	vst v63  }
0x1c8: {  	_ = 	snop  }
0x1c9: {  	[tilespmem:s26], [sflag:$0x2] =	stream.linear.gather [hbm4b:s24+s4], $0x7D0, $0x38;
	[tilespmem:$0x1C0C0] =	vst v63  }
0x1ca: {  	_ =	swait.ge [sflag:s30], $0x7D0  }
0x1cb: {  	[sflag:s30] =	ssyncset.done $0x0  }
0x1cc: {  	[sflag:s30] =	ssyncadd.s32 $0xFFFFF830  }
0x1cd: {  	_ =	swait.ge [sflag:s1], $0x7D0  }
0x1ce: {  	[sflag:s1] =	ssyncset.done $0x0  }
0x1cf: {  	[sflag:s1] =	ssyncadd.s32 $0xFFFFF830  }
0x1d0: {  	[tilespmem:s6], [sflag:$0x1] =	stream.indirect.gather [spmem:s2], $0x10, s0, s5, $0xb8;
	[tilespmem:$0x1C0C0] =	vst v63  }
0x1d1: {  	_ =	swait.ge [sflag:s30], $0x7D00  }
0x1d2: {  	[sflag:s30] =	ssyncset.done $0x0  }
0x1d3: {  	[sflag:s30] =	ssyncadd.s32 $0xFFFF8300  }
0x1d4: {  	[spmem:s3] =	stream.indirect.scatter.add.f32 [tilespmem:s6], [sflag:$0x2], $0x10, s26, s5, $0xb8;
	[tilespmem:$0x1C0C0] =	vst v63  }
0x1d5: {  	_ =	swait.ge [sflag:s9], $0x7D00  }
0x1d6: {  	[sflag:s9] =	ssyncset.done $0x0  }
0x1d7: {  	[sflag:s9] =	ssyncadd.s32 $0xFFFF8300  }
0x1d8: {  	_ =	swait.ge [sflag:s1], $0x7D00  }
0x1d9: {  	[sflag:s1] =	ssyncset.done $0x0  }
0x1da: {  	[sflag:s1] =	ssyncadd.s32 $0xFFFF8300  }
0x1db: {  	[bflag:$0x0] =	sbarrier.arrive $0xFFFF  }
0x1dc: {  	[tilespmem:s31], [sflag:$0x4] =	stream.linear.gather [spmem:s13], $0x2800, $0x38;
	[tilespmem:$0x1C0C0] =	vst v63  }
0x1dd: {  	s11 =	sadd.s32 $0x1, s11;
	_ =	swait.ge [sflag:s28], $0x2800  }
0x1de: {  	p1 =	sne.s32 s11, s25;
	[sflag:s28] =	ssyncset.done $0x0  }
.Ltmp5:
0x1df: {  	[sflag:s28] =	ssyncadd.s32 $0xFFFFD800;
	(pc) =	sbr.rel @p1 .LBB2_1-.Ltmp5, $4  }
0x1e0: {  	[hbm4b:s21+s4] =	stream.linear.scatter [tilespmem:s31], [sflag:$0x4], $0x2800, $0x38;
	[tilespmem:$0x1C0C0] =	vst v63  }
0x1e1: {  	_ =	swait.ge [sflag:s28], $0x2800  }
0x1e2: {  	[sflag:s28] =	ssyncset.done $0x0  }
0x1e3: {  	[sflag:s28] =	ssyncadd.s32 $0xFFFFD800  }
0x1e4: {  	_ =	sfence.sel $0x180000  }
0x1e5: {  	[bflag:$0x0] =	sbarrier.arrive $0xFFFF  }
0x1e6: {  	_ =	strace $0x9000004D  }
0x1e7: {  	s0 =	stileid.u32;
	[bflag:$0x2] =	sbarrier.arrive $0xFFFF  }
0x1e8: {  	p0 =	sne.s32 s0, $0x0;
	s0 =	rddreg [dreg:$0x3]  }
0x1e9: {  	s0 =	sadd.s32 @!p0 $0x100000, s0  }
0x1ea: {  	[sflag:s0] =	ssyncadd.tile.s32 @!p0 $0x1;
	_ =	shalt  }
.Lfunc_end2:
_tile_overlayer_lowered:
.L_overlay_start_2:
0x1eb: {  	(tag) =	ssettag $0x2  }
0x1ec: {  	s0 =	rddreg [dreg:$0x0];
	s2 =	stileid.u32  }
0x1ed: {  	s1 =	rddreg [dreg:$0x1];
	p0 =	sne.s32 s2, $0x0  }
0x1ee: {  	s3 =	rddreg [dreg:$0x2];
	[bflag:$0x3] =	sbarrier.arrive $0xFFFF;
	s2 =	simm.s32 @!p0 $0x1C04  }
0x1ef: {  	[timem:s3], [sflag:s2] =	dma.local @!p0 [hbm:s0], s1  }
0x1f0: {  	s0 =	simm.s32 @!p0 $0x4  }
0x1f1: {  	_ =	swait.ge @!p0 [sflag:s0], s1  }
0x1f2: {  	s1 =	ssub.s32 @!p0 $0x0, s1;
	[sflag:s0] =	ssyncset.done @!p0 $0x0  }
0x1f3: {  	[sflag:s0] =	ssyncadd.s32 @!p0 s1  }
0x1f4: {  	[bflag:$0x3] =	sbarrier.arrive $0xFFFF  }
0x1f5: {  	_ =	shalt  }

// kernel: kernel.16.cloned.1.call-start
scs
__scs_entry_jumppad:
0x0: {  	(pc) =	sbr.rel $0x88, $3  }
0x1: {  	(tag) =	ssettag $0x0;
	lr =	simm.s32 $0x1  }
0x2: {  	[smem:$0x3F9B] =	sst lr;
	_ =	strace $0xD0000000  }
0x3: {  	_ = 	snop  }
0x4: {  	_ = 	snop  }
0x5: {  	_ = 	snop  }
0x6: {  	_ = 	snop  }
0x7: {  	_ = 	snop  }
__scs_overlays_trampoline_lowered:
0x8: {  	[smem:$0x3FAA] =	sst s0  }
0x9: {  	[smem:$0x3FAB] =	sst s1  }
0xa: {  	[smem:$0x3FAC] =	sst s2  }
0xb: {  	[smem:$0x3FAD] =	sst s3  }
0xc: {  	[smem:$0x3FAE] =	sst s4  }
0xd: {  	[smem:$0x3FAF] =	sst s5  }
0xe: {  	[smem:$0x3FB0] =	sst s6  }
0xf: {  	[smem:$0x3FB1] =	sst s7  }
0x10: {  	[smem:$0x3FB2] =	sst s8  }
0x11: {  	[smem:$0x3FB3] =	sst s9;
	s0 =	simm.s32 @!p0 $0x0  }
0x12: {  	s1 =	sld [smem:$0x3F99];
	s0 =	simm.s32 @p0 $0x1  }
0x13: {  	[smem:$0x3FB4] =	sst s0;
	s0 =	simm.s32 @!p1 $0x0  }
0x14: {  	s2 =	sld [smem:$0x3F98];
	s0 =	simm.s32 @p1 $0x1  }
0x15: {  	[smem:$0x3FB5] =	sst s0;
	s0 =	simm.s32 @!p2 $0x0  }
0x16: {  	s3 =	sld [smem:$0x3FDB];
	s0 =	simm.s32 @p2 $0x1  }
0x17: {  	s4 =	simm.s32 $0x1BF5;
	[smem:$0x3FB7] =	sst s0  }
0x18: {  	s0 =	sld [smem:$0x3F9A];
	_ =	swait.ge [sflag:s4], $0x0  }
0x19: {  	s7 =	sld [smem:$0x3F9B]  }
0x1a: {  	s8 =	sadd.s32 $0xFFFFE003, lr  }
0x1b: {  	s9 =	sadd.s32 $0xFFFFFEF7, lr;
	s5 =	simm.s32 $0xFFFFFFFF;
	p2 =	slt.u32 s8, $0xFFFFF086  }
0x1c: {  	p1 =	slt.u32 s9, $0xF7A;
	s5 =	simm.s32 @!p2 $0x0  }
0x1d: {  	s5 =	simm.s32 @p1 $0x1;
	p0 =	seq.s32 s7, s2  }
0x1e: {  	s7 =	smul.u32 @!p0 $0xF7A, s2;
	p2 =	seq.s32 @!p0 s5, $0x0  }
0x1f: {  	s9 =	smul.u32 $0xF7A, s1;
	s8 =	simm.s32 @!p0 $0x1BF5;
	p2 =	por !p2, p0  }
0x20: {  	[sflag:s8] =	ssyncset.s32 @!p0 $0xFFFFF086;
	s6 =	sadd.s32 @!p0 s3, s7;
	s7 =	simm.s32 @!p0 $0x108  }
0x21: {  	s3 =	sadd.s32 s3, s9;
	s6 =	sadd.s32 @!p0 $0x88, s6;
	s7 =	simm.s32 @p2 $0x1082  }
0x22: {  	[simem:s7], [sflag:s8] =	dma.local @!p0 [hbm:s6], $0xF7A  }
0x23: {  	s9 =	sor.u32 $0xD0000000, s2;
	s6 =	simm.s32 $0x108;
	_ =	swait.ge @!p0 [sflag:s8], $0x0  }
0x24: {  	s3 =	sadd.s32 $0x88, s3;
	s6 =	simm.s32 @!p1 $0x1082;
	[sflag:s4] =	ssyncset.s32 $0xFFFFF086  }
0x25: {  	[simem:s6], [sflag:s4] =	dma.local [hbm:s3], $0xF7A  }
0x26: {  	[smem:$0x3F9B] =	sst s1;
	(tag) =	ssettag s2;
	_ =	strace s9  }
0x27: {  	s1 =	sld [smem:$0x3FAB]  }
0x28: {  	s2 =	sld [smem:$0x3FAC]  }
0x29: {  	s4 =	sld [smem:$0x3FAE]  }
0x2a: {  	p0 =	seq.s32 s5, $0x0;
	s5 =	sld [smem:$0x3FAF]  }
0x2b: {  	s6 =	sld [smem:$0x3FB0]  }
0x2c: {  	s7 =	sld [smem:$0x3FB1]  }
0x2d: {  	s3 =	simm.s32 $0x108;
	s8 =	sld [smem:$0x3FB2]  }
0x2e: {  	s3 =	simm.s32 @!p0 $0x1082;
	s9 =	sld [smem:$0x3FB3]  }
0x2f: {  	lr =	sadd.s32 s0, s3;
	s0 =	sld [smem:$0x3FAA]  }
0x30: {  	s3 =	sld [smem:$0x3FAD]  }
0x31: {  	[smem:$0x3FB6] =	sst s10  }
0x32: {  	s10 =	sld [smem:$0x3FB4];
	_ =	sdelay $0x3  }
0x33: {  	p0 =	seq.s32 s10, $0x1;
	s10 =	sld [smem:$0x3FB6];
	_ =	sdelay $0x3  }
0x34: {  	[smem:$0x3FB6] =	sst s10  }
0x35: {  	s10 =	sld [smem:$0x3FB5];
	_ =	sdelay $0x3  }
0x36: {  	p1 =	seq.s32 s10, $0x1;
	s10 =	sld [smem:$0x3FB6];
	_ =	sdelay $0x3  }
0x37: {  	[smem:$0x3FB6] =	sst s10  }
0x38: {  	s10 =	sld [smem:$0x3FB7]  }
0x39: {  	_ = 	snop;
	(pc) =	sbr.ind lr, $3  }
0x3a: {  	_ = 	snop  }
0x3b: {  	_ = 	snop  }
0x3c: {  	p2 =	seq.s32 s10, $0x1;
	s10 =	sld [smem:$0x3FB6]  }
0x3d: {  	_ =	shalt  }
0x3e: {  	_ =	shalt  }
0x3f: {  	_ =	shalt  }
0x40: {  	_ =	shalt  }
0x41: {  	_ =	shalt  }
0x42: {  	_ =	shalt  }
0x43: {  	_ =	shalt  }
0x44: {  	_ =	shalt  }
0x45: {  	_ =	shalt  }
0x46: {  	_ =	shalt  }
0x47: {  	_ =	shalt  }
0x48: {  	_ =	shalt  }
0x49: {  	_ =	shalt  }
0x4a: {  	_ =	shalt  }
0x4b: {  	_ =	shalt  }
0x4c: {  	_ =	shalt  }
0x4d: {  	_ =	shalt  }
0x4e: {  	_ =	shalt  }
0x4f: {  	_ =	shalt  }
0x50: {  	_ =	shalt  }
0x51: {  	_ =	shalt  }
0x52: {  	_ =	shalt  }
0x53: {  	_ =	shalt  }
0x54: {  	_ =	shalt  }
0x55: {  	_ =	shalt  }
0x56: {  	_ =	shalt  }
0x57: {  	_ =	shalt  }
0x58: {  	_ =	shalt  }
0x59: {  	_ =	shalt  }
0x5a: {  	_ =	shalt  }
0x5b: {  	_ =	shalt  }
0x5c: {  	_ =	shalt  }
0x5d: {  	_ =	shalt  }
0x5e: {  	_ =	shalt  }
0x5f: {  	_ =	shalt  }
0x60: {  	_ =	shalt  }
0x61: {  	_ =	shalt  }
0x62: {  	_ =	shalt  }
0x63: {  	_ =	shalt  }
0x64: {  	_ =	shalt  }
0x65: {  	_ =	shalt  }
0x66: {  	_ =	shalt  }
0x67: {  	_ =	shalt  }
0x68: {  	_ =	shalt  }
0x69: {  	_ =	shalt  }
0x6a: {  	_ =	shalt  }
0x6b: {  	_ =	shalt  }
0x6c: {  	_ =	shalt  }
0x6d: {  	_ =	shalt  }
0x6e: {  	_ =	shalt  }
0x6f: {  	_ =	shalt  }
0x70: {  	_ =	shalt  }
0x71: {  	_ =	shalt  }
0x72: {  	_ =	shalt  }
0x73: {  	_ =	shalt  }
0x74: {  	_ =	shalt  }
0x75: {  	_ =	shalt  }
0x76: {  	_ =	shalt  }
0x77: {  	_ =	shalt  }
0x78: {  	_ =	shalt  }
0x79: {  	_ =	shalt  }
0x7a: {  	_ =	shalt  }
0x7b: {  	_ =	shalt  }
0x7c: {  	_ =	shalt  }
0x7d: {  	_ =	shalt  }
0x7e: {  	_ =	shalt  }
0x7f: {  	_ =	shalt  }
0x80: {  	_ =	shalt  }
0x81: {  	_ =	shalt  }
0x82: {  	_ =	shalt  }
0x83: {  	_ =	shalt  }
0x84: {  	_ =	shalt  }
0x85: {  	_ =	shalt  }
0x86: {  	_ =	shalt  }
0x87: {  	_ =	shalt  }
.Lfunc_end0:
.L_simem_size_0:
called_computation.3_lowered:
.L_overlay_start_0:
0x88: {  	s2 =	sld [smem:$0x3FD9]  }
0x89: {  	s3 =	sld [smem:$0x3FFE];
	_ =	sdelay $0x1  }
0x8a: {  	s1 =	srdreg.scid  }
0x8b: {  	s0 =	sand.u32 $0x1, s1  }
0x8c: {  	s17 =	sshll.u32 s0, $0xA;
	s2 =	sadd.s32 s3, s2  }
0x8d: {  	s2 =	sadd.s32 s2, s17  }
0x8e: {  	[smem:$0x3FC2] =	sst s2  }
0x8f: {  	_ = 	snop  }
0x90: {  	s2 =	sld [smem:$0x3FD0];
	(tm) =	ssettm $0x1  }
0x91: {  	s18 =	sld [smem:$0x3FFB];
	_ =	sdelay $0x3  }
0x92: {  	_ =	strace s18  }
0x93: {  	s3 =	sld [smem:$0x3FFC];
	_ =	sdelay $0x3  }
0x94: {  	_ =	strace s3  }
0x95: {  	s3 =	sld [smem:$0x3FFD];
	_ =	sdelay $0x3  }
0x96: {  	_ =	strace s3  }
0x97: {  	_ =	strace $0x8FFFFFFF  }
0x98: {  	s19 =	sld [smem:$0x3FDB];
	_ =	sdelay $0x1  }
0x99: {  	s4 =	simm.s32 $_scs_section_size  }
0x9a: {  	s5 =	simm.s32 $_size__tile_overlayer_lowered;
	s6 =	simm.s32 $_tile_overlayer_lowered  }
0x9b: {  	s22 =	simm.s32 $0x1BFF;
	s21 =	sshll.u32 s6, $0x1;
	s3 =	sadd.s32 s4, s19  }
0x9c: {  	s7 =	simm.s32 $0x0;
	s20 =	sshll.u32 s5, $0x1;
	s5 =	sadd.s32 s21, s3  }
0x9d: {  	[timem:s7], [sflag:s22] =	dma.local [hbm:s5], s20  }
0x9e: {  	_ =	swait.ge [sflag:s22], s20  }
0x9f: {  	s4 =	ssub.s32 $0x0, s20;
	[sflag:s22] =	ssyncset.done $0x0  }
0xa0: {  	[sflag:s22] =	ssyncadd.s32 s4;
	_ =	sdelay $0x1  }
0xa1: {  	s23 =	simm.s32 $0x1B8B  }
0xa2: {  	_ =	swait.ge [sflag:s23], $0x1  }
0xa3: {  	[sflag:s23] =	ssyncset.done $0x0  }
0xa4: {  	s25 =	simm.s32 $0x1B8E;
	s24 =	sld [smem:$0x3FFE];
	[sflag:s23] =	ssyncadd.s32 $0xFFFFFFFF  }
0xa5: {  	s26 =	simm.s32 $execute0_lowered;
	[smem:$0x3FD2] =	sst s25  }
0xa6: {  	s5 =	sshll.u32 s26, $0x1;
	_ =	strace $0x8000004F;
	[dreg:$0x1] =	wrdreg $0xFFFFFFFF  }
0xa7: {  	s28 =	simm.s32 $_size_execute0_lowered;
	s3 =	sadd.s32 s3, s5;
	[dreg:$0x0] =	wrdreg $0x0  }
0xa8: {  	s5 =	sshll.u32 s28, $0x1;
	[dreg:$0x2] =	wrdreg s3  }
0xa9: {  	[dreg:$0x3] =	wrdreg s5  }
0xaa: {  	[dreg:$0x4] =	wrdreg $0xC0  }
0xab: {  	_ =	task [dreg:s7], $0x5FFFF  }
0xac: {  	[dreg:$0x1] =	wrdreg $0xFFFFFFFF  }
0xad: {  	[dreg:$0x0] =	wrdreg $0x60  }
0xae: {  	[dreg:$0x2] =	wrdreg s24  }
0xaf: {  	[dreg:$0x3] =	wrdreg s2  }
0xb0: {  	[dreg:$0x4] =	wrdreg $0x9  }
0xb1: {  	_ =	task.clear_ibuf [dreg:s7], $0x5FFFF;
	_ =	strace $0x9000004F  }
0xb2: {  	s29 =	simm.s32 $0x9;
	_ =	strace $0x80000051  }
0xb3: {  	_ =	swait.ge [sflag:s29], $0x1  }
0xb4: {  	[sflag:s29] =	ssyncadd.s32 $0xFFFFFFFF  }
0xb5: {  	_ =	strace $0x90000051  }
0xb6: {  	_ =	sfence  }
0xb7: {  	s30 =	sld [smem:$0x0];
	_ =	sdelay $0x2  }
0xb8: {  	s31 =	sshll.u32 s1, $0xD;
	s1 =	sshrl.u32 s1, $0x2  }
0xb9: {  	s3 =	sand.u32 $0x4000, s31;
	s1 =	sadd.s32 s1, s30  }
0xba: {  	s0 =	sor.u32 s3, s0;
	s1 =	sshll.u32 s1, $0x11  }
0xbb: {  	s0 =	sor.u32 s1, s0  }
0xbc: {  	s0 =	sadd.s32 $0x8F2B, s0  }
0xbd: {  	[sflag:s0] =	ssyncadd.remote.s32 $0x1  }
0xbe: {  	_ =	sfence.sel $0xFFFF  }
0xbf: {  	[dreg:$0x0] =	wrdreg $0xFFFFFFFF;
	(pc) =	sbr.abs _section_cstart, $3  }
0xc0: {  	[dreg:$0x1] =	wrdreg $0xFFFFFFFF  }
0xc1: {  	_ =	task.clear_ibuf [dreg:s7], $0x2FFFF;
	_ =	strace $0x9FFFFFFF  }
0xc2: {  	(tm) =	ssettm $0x7FFFFFFF  }
0xc3: {  	_ =	shalt  }
tec
execute0_lowered:
.L_overlay_start_1:
0x0: {  	(tag) =	ssettag $0x1  }
0x1: {  	s5 =	rddreg [dreg:$0x0]  }
0x2: {  	s0 =	srdreg.scid;
	s2 =	rddreg [dreg:$0x1]  }
0x3: {  	v0 =	vimm.s32 $0x10FEDCBA;
	v1 =	vimm.s32 $0x98765432;
	s3 =	simm.s32 $0x0;
	s12 =	simm.s32 $0x1;
	s4 =	sand.u32 $0x1, s0  }
0x4: {  	s13 =	simm.s32 $0x3D40;
	v0 =	vunpack.c.l.s4.s8 v0;
	v1 =	vunpack.c.l.s4.s8 v1;
	s0 =	stileid.u32;
	s1 =	sshll.u32 s4, $0x4  }
0x5: {  	vm0 =	vmmov $0x3;
	v17 =	vlaneseq.u32;
	s14 =	simm.s32 $0x1400;
	s15 =	simm.s32 $0x2800;
	s6 =	sor.u32 s0, s1  }
0x6: {  	vm1 =	vmmov $0xf;
	s16 =	simm.s32 $0x3E80;
	s17 =	simm.s32 $0x3E90;
	v0 =	vunpack.c.0.s8.s32 v0;
	v1 =	vunpack.c.0.s8.s32 v1;
	s7 =	smul.u32 $0x280, s6  }
0x7: {  	vm2 =	vmmov $0x3f;
	vm3 =	vmmov $0xff;
	vm4 =	vmmov $0x3ff;
	s18 =	simm.s32 $0x0;
	s4 =	ssub.s32 $0x2, s4;
	s8 =	smul.u32 $0x140, s6  }
0x8: {  	vm5 =	vmmov $0xfff;
	vm6 =	vmmov $0x3fff;
	[smem:$0x7FF] =	sst s3;
	s31 =	sshrl.u32 s4, $0x1;
	s6 =	smul.u32 $0x50, s6;
	v0 =	vcombine.low v1, v0  }
0x9: {  	v4 =	vimm.s32 $0x1;
	v5 =	vimm.s32 $0x3;
	v6 =	vimm.s32 $0x4;
	s1 =	rddreg [dreg:$0x2];
	s11 =	ssub.s32 s4, s31;
	s30 =	sshrl.u32 s8, $0x3  }
0xa: {  	v7 =	vimm.s32 $0x5;
	v8 =	vimm.s32 $0x6;
	v9 =	vimm.s32 $0x7;
	s9 =	sadd.s32 s7, s5;
	s10 =	sadd.s32 s6, s5;
	[tilespmem:$0x1FFF0] =	vst v0;
	s7 =	sadd.s32 s30, s5  }
0xb: {  	v10 =	vimm.s32 $0x8;
	v11 =	vimm.s32 $0x9;
	v12 =	vimm.s32 $0xA;
	s6 =	sadd.s32 $0x16E00, s9;
	s8 =	sadd.s32 $0x2AE00, s9;
	_ =	strace $0x80000050  }
0xc: {  	v13 =	vimm.s32 $0xB;
	v14 =	vimm.s32 $0xC;
	v15 =	vimm.s32 $0xD;
	s4 =	sadd.s32 $0x15F00, s7;
	s5 =	sadd.s32 $0x16900, s7;
	s7 =	sadd.s32 $0x25E00, s9  }
0xd: {  	v16 =	vimm.s32 $0xE;
	v17 =	vand.u32 $0x1, v17;
	v1 =	vimm.s32 $0x2;
	s9 =	sadd.s32 $0x1BE00, s10;
	s10 =	smax.u32 s11, $0x1;
	s11 =	simm.s32 $0x3C00  }
.LBB2_1:
0xe: {  	[tilespmem:s11], [sflag:$0x1] =	stream.linear.gather [hbm4b:s4+s3], $0x140, $0x38;
	[tilespmem:$0x4110] =	vst v63  }
0xf: {  	_ =	swait.ge [sflag:s12], $0x140  }
0x10: {  	[sflag:s12] =	ssyncset.done $0x0  }
0x11: {  	[sflag:s12] =	ssyncadd.s32 $0xFFFFFEC0  }
0x12: {  	[tilespmem:s13], [sflag:$0x1] =	stream.linear.gather [hbm4b:s5+s3], $0x140, $0x38;
	[tilespmem:$0x4110] =	vst v63  }
0x13: {  	_ =	swait.ge [sflag:s12], $0x140  }
0x14: {  	[sflag:s12] =	ssyncset.done $0x0  }
0x15: {  	s19 =	simm.s32 $0x0;
	[sflag:s12] =	ssyncadd.s32 $0xFFFFFEC0  }
0x16: {  	s20 =	simm.s32 $0x40;
	v18 =	vld [tilespmem:s19+$0x3D40]  }
.LBB2_2:
0x17: {  	p0 =	sne.s32 s20, $0x4C0;
	v19 =	vld [tilespmem:s19+$0x3C00];
	_ =	sdelay $0x2  }
.Ltmp0:
0x18: {  	(pc) =	sbr.rel @p0 .LBB2_2-.Ltmp0, $4  }
0x19: {  	_ = 	snop  }
0x1a: {  	v19 =	vadd.f32 v18, v19  }
0x1b: {  	s21 =	sshra.s32 s20, $0x2  }
0x1c: {  	s20 =	sadd.s32 $0x40, s20;
	v18 =	vld [tilespmem:s21+$0x3D40];
	[tilespmem:s19+$0x3C00] =	vst v19;
	s19 =	smov.u32 s21  }
0x1d: {  	v19 =	vld [tilespmem:s19+$0x3C00];
	_ =	sdelay $0x4  }
0x1e: {  	v18 =	vadd.f32 v18, v19;
	_ =	sdelay $0x1  }
0x1f: {  	s20 =	simm.s32 $0x40;
	[tilespmem:s19+$0x3C00] =	vst v18;
	s19 =	simm.s32 $0x0  }
.LBB2_4:
0x20: {  	p0 =	sne.s32 s20, $0x4C0;
	v18 =	vld [tilespmem:s19+$0x3C00];
	_ =	sdelay $0x4  }
0x21: {  	v19 =	vshrl.u32 v18, $0x1;
	v20 =	vmul.f32 $5.000000000e-01, v18  }
0x22: {  	v19 =	vsub.s32 $0x5F3759DF, v19  }
0x23: {  	v21 =	vmul.f32 v19, v20;
	_ =	sdelay $0x1  }
0x24: {  	v21 =	vmul.f32 v19, v21;
	_ =	sdelay $0x1  }
0x25: {  	v21 =	vsub.f32 $1.500000000e+00, v21;
	_ =	sdelay $0x1  }
0x26: {  	v19 =	vmul.f32 v19, v21;
	_ =	sdelay $0x1  }
0x27: {  	v21 =	vmul.f32 v19, v20;
	_ =	sdelay $0x1  }
0x28: {  	v21 =	vmul.f32 v21, v19;
	_ =	sdelay $0x1  }
0x29: {  	v21 =	vsub.f32 $1.500000000e+00, v21;
	_ =	sdelay $0x1  }
0x2a: {  	v19 =	vmul.f32 v21, v19;
	_ =	sdelay $0x1  }
0x2b: {  	v20 =	vmul.f32 v19, v20;
	_ =	sdelay $0x1  }
0x2c: {  	v20 =	vmul.f32 v20, v19;
	_ =	sdelay $0x1  }
0x2d: {  	v20 =	vsub.f32 $1.500000000e+00, v20  }
.Ltmp1:
0x2e: {  	(pc) =	sbr.rel @p0 .LBB2_4-.Ltmp1, $4  }
0x2f: {  	v19 =	vmul.f32 v20, v19  }
0x30: {  	vm7 =	vgt.f32 v18, $5.000000000e-01  }
0x31: {  	v18 =	vnsel vm7, $0x0, v19  }
0x32: {  	[tilespmem:s19+$0x3C00] =	vst v18;
	s19 =	sshra.s32 s20, $0x2;
	s20 =	sadd.s32 $0x40, s20  }
0x33: {  	v18 =	vld [tilespmem:s19+$0x3C00];
	_ =	sdelay $0x4  }
0x34: {  	v19 =	vshrl.u32 v18, $0x1;
	v20 =	vmul.f32 $5.000000000e-01, v18  }
0x35: {  	v19 =	vsub.s32 $0x5F3759DF, v19  }
0x36: {  	v21 =	vmul.f32 v19, v20;
	_ =	sdelay $0x1  }
0x37: {  	v21 =	vmul.f32 v19, v21;
	_ =	sdelay $0x1  }
0x38: {  	v21 =	vsub.f32 $1.500000000e+00, v21;
	_ =	sdelay $0x1  }
0x39: {  	v19 =	vmul.f32 v19, v21;
	_ =	sdelay $0x1  }
0x3a: {  	v21 =	vmul.f32 v19, v20;
	_ =	sdelay $0x1  }
0x3b: {  	v21 =	vmul.f32 v21, v19;
	_ =	sdelay $0x1  }
0x3c: {  	v21 =	vsub.f32 $1.500000000e+00, v21;
	_ =	sdelay $0x1  }
0x3d: {  	v19 =	vmul.f32 v21, v19;
	_ =	sdelay $0x1  }
0x3e: {  	v20 =	vmul.f32 v19, v20;
	_ =	sdelay $0x1  }
0x3f: {  	v20 =	vmul.f32 v20, v19;
	_ =	sdelay $0x1  }
0x40: {  	v20 =	vsub.f32 $1.500000000e+00, v20;
	_ =	sdelay $0x1  }
0x41: {  	v19 =	vmul.f32 v20, v19  }
0x42: {  	vm7 =	vgt.f32 v18, $5.000000000e-01  }
0x43: {  	v18 =	vnsel vm7, $0x0, v19  }
0x44: {  	[tilespmem:s19+$0x3C00] =	vst v18;
	s19 =	simm.s32 $0x0  }
0x45: {  	[tilespmem:s19], [sflag:$0x1] =	stream.linear.gather [hbm4b:s6+s19], $0x1400, $0x38;
	[tilespmem:$0x4110] =	vst v63  }
0x46: {  	_ =	swait.ge [sflag:s12], $0x1400  }
0x47: {  	[sflag:s12] =	ssyncset.done $0x0  }
0x48: {  	[sflag:s12] =	ssyncadd.s32 $0xFFFFEC00  }
0x49: {  	[tilespmem:s14], [sflag:$0x1] =	stream.linear.gather [hbm4b:s7+s19], $0x1400, $0x38;
	[tilespmem:$0x4110] =	vst v63  }
0x4a: {  	_ =	swait.ge [sflag:s12], $0x1400  }
0x4b: {  	[sflag:s12] =	ssyncset.done $0x0  }
0x4c: {  	[sflag:s12] =	ssyncadd.s32 $0xFFFFEC00  }
0x4d: {  	[tilespmem:s15], [sflag:$0x1] =	stream.linear.gather [hbm4b:s8+s19], $0x1400, $0x38;
	[tilespmem:$0x4110] =	vst v63  }
0x4e: {  	_ =	swait.ge [sflag:s12], $0x1400  }
0x4f: {  	[sflag:s12] =	ssyncset.done $0x0  }
0x50: {  	[sflag:s12] =	ssyncadd.s32 $0xFFFFEC00  }
0x51: {  	[tilespmem:s16], [sflag:$0x1] =	stream.linear.gather [hbm4b:s2+s19], $0x10, $0x38;
	[tilespmem:$0x4110] =	vst v63  }
0x52: {  	_ =	swait.ge [sflag:s12], $0x10  }
0x53: {  	[sflag:s12] =	ssyncset.done $0x0  }
0x54: {  	v0 =	vld [tilespmem:$0x1FFF0];
	[sflag:s12] =	ssyncadd.s32 $0xFFFFFFF0  }
0x55: {  	s20 =	simm.s32 $0x0;
	v18 =	vld [tilespmem:$0x3E80]  }
0x56: {  	v20 =	vld [tilespmem:s20+$0x1400]  }
0x57: {  	v19 =	vld [tilespmem:s20+$0x2800]  }
0x58: {  	v22 =	vld [tilespmem:s20+$0x1410]  }
0x59: {  	v24 =	vld [tilespmem:s20+$0x2810]  }
0x5a: {  	v21 =	vld [tilespmem:s20+$0x1420]  }
0x5b: {  	v25 =	vld [tilespmem:s20+$0x2820]  }
0x5c: {  	v26 =	vld [tilespmem:s20+$0x1430]  }
0x5d: {  	v30 =	vld [tilespmem:s20+$0x2830]  }
0x5e: {  	v23 =	vld [tilespmem:s20+$0x1440]  }
0x5f: {  	v31 =	vld [tilespmem:s20+$0x2840]  }
0x60: {  	v27 =	vld [tilespmem:s20+$0x1450]  }
0x61: {  	v32 =	vld [tilespmem:s20+$0x2850]  }
0x62: {  	v36 =	vld [tilespmem:s20+$0x2860]  }
0x63: {  	v38 =	vld [tilespmem:s20+$0x2870]  }
0x64: {  	v28 =	vld [tilespmem:s20+$0x1480]  }
0x65: {  	v41 =	vld [tilespmem:s20+$0x2880]  }
0x66: {  	v29 =	vld [tilespmem:s20+$0x1490]  }
0x67: {  	v43 =	vld [tilespmem:s20+$0x2890]  }
0x68: {  	v33 =	vld [tilespmem:s20+$0x14A0]  }
0x69: {  	v44 =	vld [tilespmem:s20+$0x28A0]  }
0x6a: {  	v34 =	vld [tilespmem:s20+$0x14B0]  }
0x6b: {  	v45 =	vld [tilespmem:s20+$0x28B0]  }
0x6c: {  	v40 =	vld [tilespmem:s20+$0x14C0]  }
0x6d: {  	v46 =	vld [tilespmem:s20+$0x28C0]  }
0x6e: {  	v42 =	vld [tilespmem:s20+$0x14D0]  }
0x6f: {  	v47 =	vld [tilespmem:s20+$0x28D0]  }
0x70: {  	v37 =	vld [tilespmem:s20+$0x14E0]  }
0x71: {  	v55 =	vld [tilespmem:s20+$0x28E0]  }
0x72: {  	v35 =	vld [tilespmem:s20+$0x14F0];
	v61 =	vperm.xlane v18, v0;
	v19 =	vperm.xlane v19, v1  }
0x73: {  	v48 =	vld [tilespmem:s20+$0xF0];
	v57 =	vperm.xlane v24, v1;
	v59 =	vperm.xlane v25, v1  }
0x74: {  	v39 =	vld [tilespmem:s20+$0xE0];
	v30 =	vperm.xlane v30, v1;
	v31 =	vperm.xlane v31, v1  }
0x75: {  	v50 =	vld [tilespmem:s20+$0xD0];
	v32 =	vperm.xlane v32, v1;
	v62 =	vperm.xlane v36, v1  }
0x76: {  	v54 =	vld [tilespmem:s20+$0xC0];
	v63 =	vperm.xlane v38, v1;
	v41 =	vperm.xlane v41, v1  }
0x77: {  	v51 =	vld [tilespmem:s20+$0xB0];
	v58 =	vperm.xlane v43, v1;
	v53 =	vperm.xlane v44, v1  }
0x78: {  	v56 =	vld [tilespmem:s20+$0xA0];
	v52 =	vperm.xlane v45, v1;
	v49 =	vperm.xlane v46, v1  }
0x79: {  	v24 =	vld [tilespmem:s20+$0x28F0];
	v18 =	vnsel vm0, $0x0, v18;
	v47 =	vperm.xlane v47, v1;
	v25 =	vperm.xlane v55, v1  }
0x7a: {  	v60 =	vld [tilespmem:s20+$0x10];
	v44 =	vmul.f32 v19, v18;
	v46 =	vmul.f32 v57, v18  }
0x7b: {  	v55 =	vld [tilespmem:s20+$0x90];
	v43 =	vmul.f32 v59, v18;
	v45 =	vmul.f32 v30, v18  }
0x7c: {  	v59 =	vld [tilespmem:s20+$0x80];
	v38 =	vmul.f32 v31, v18;
	v36 =	vmul.f32 v32, v18  }
0x7d: {  	v3 =	vimm.s32 $0x0;
	v57 =	vld [tilespmem:s20+$0x30];
	v32 =	vmul.f32 v62, v18;
	v31 =	vmul.f32 v63, v18  }
0x7e: {  	s21 =	simm.s32 $0x3C00;
	s22 =	simm.s32 $0x400;
	v19 =	vnsel vm0, $0x0, v61;
	v61 =	vld [tilespmem:s20+$0x0];
	v30 =	vmul.f32 v41, v18;
	v24 =	vperm.xlane v24, v1  }
.LBB2_6:
0x7f: {  	v41 =	vld [tilespmem:s21+$0x0];
	v39 =	vadd.f32 v37, v39;
	v37 =	vadd.f32 v35, v48  }
0x80: {  	p0 =	sne.s32 s22, $0x4C00;
	v58 =	vmul.f32 v58, v18;
	v40 =	vadd.f32 v40, v54;
	v42 =	vadd.f32 v42, v50  }
0x81: {  	v53 =	vmul.f32 v53, v18;
	v33 =	vadd.f32 v33, v56;
	v34 =	vadd.f32 v34, v51;
	v48 =	vld [tilespmem:s20+$0x20]  }
0x82: {  	v51 =	vmul.f32 v52, v18;
	v29 =	vadd.f32 v29, v55;
	v49 =	vmul.f32 v49, v18;
	v50 =	vld [tilespmem:s20+$0x50]  }
0x83: {  	s23 =	sshra.s32 s22, $0x2;
	v47 =	vmul.f32 v47, v18;
	v28 =	vadd.f32 v28, v59;
	v26 =	vadd.f32 v26, v57;
	v52 =	vld [tilespmem:s20+$0x40]  }
0x84: {  	v22 =	vadd.f32 v22, v60;
	v54 =	vld [tilespmem:s23+$0x1400];
	v20 =	vadd.f32 v20, v61;
	v55 =	vperm.xlane v41, v3  }
0x85: {  	v35 =	vld [tilespmem:s23+$0x2800];
	v56 =	vperm.xlane v41, v4;
	v57 =	vperm.xlane v41, v5  }
0x86: {  	v21 =	vadd.f32 v21, v48;
	v48 =	vperm.xlane v41, v1;
	v59 =	vld [tilespmem:s20+$0x1460];
	v0 =	vmul.f32 v55, v20  }
0x87: {  	v22 =	vmul.f32 v56, v22;
	v27 =	vadd.f32 v27, v50;
	v50 =	vld [tilespmem:s20+$0x1470];
	v26 =	vmul.f32 v57, v26  }
0x88: {  	v21 =	vmul.f32 v48, v21;
	v23 =	vadd.f32 v23, v52;
	v48 =	vld [tilespmem:s20+$0x60];
	v44 =	vadd.f32 v0, v44  }
0x89: {  	v52 =	vperm.xlane v41, v6;
	v46 =	vadd.f32 v22, v46;
	v55 =	vld [tilespmem:s20+$0x70];
	v20 =	vmovc v54;
	v26 =	vadd.f32 v26, v45  }
0x8a: {  	v45 =	vperm.xlane v41, v7;
	v0 =	vimm.s32 $0xF;
	v22 =	vld [tilespmem:s23+$0x1410];
	v43 =	vadd.f32 v21, v43  }
0x8b: {  	v23 =	vmul.f32 v52, v23;
	v54 =	vld [tilespmem:s23+$0x2810];
	v44 =	vadd.f32 v44, v19;
	v46 =	vadd.f32 v46, v19  }
0x8c: {  	v52 =	vadd.f32 v26, v19;
	v27 =	vmul.f32 v45, v27;
	v21 =	vld [tilespmem:s23+$0x1420];
	v43 =	vadd.f32 v43, v19  }
0x8d: {  	v23 =	vadd.f32 v23, v38;
	v45 =	vld [tilespmem:s23+$0x2820];
	[tilespmem:s20+$0x0] =	vst v44;
	v38 =	vadd.f32 v59, v48;
	v44 =	vperm.xlane v41, v8  }
0x8e: {  	v27 =	vadd.f32 v27, v36;
	v26 =	vld [tilespmem:s23+$0x1430];
	[tilespmem:s20+$0x10] =	vst v46;
	v36 =	vadd.f32 v50, v55;
	v46 =	vperm.xlane v41, v9  }
0x8f: {  	v48 =	vld [tilespmem:s23+$0x2830];
	[tilespmem:s20+$0x20] =	vst v43;
	v43 =	vadd.f32 v23, v19;
	v38 =	vmul.f32 v44, v38;
	v44 =	vperm.xlane v41, v10  }
0x90: {  	v50 =	vadd.f32 v27, v19;
	v23 =	vld [tilespmem:s23+$0x1440];
	[tilespmem:s20+$0x30] =	vst v52;
	v36 =	vmul.f32 v46, v36;
	v46 =	vperm.xlane v41, v11  }
0x91: {  	v52 =	vld [tilespmem:s23+$0x2840];
	[tilespmem:s20+$0x40] =	vst v43;
	v32 =	vadd.f32 v38, v32;
	v28 =	vmul.f32 v44, v28;
	v38 =	vperm.xlane v41, v12  }
0x92: {  	v27 =	vld [tilespmem:s23+$0x1450];
	[tilespmem:s20+$0x50] =	vst v50;
	v31 =	vadd.f32 v36, v31;
	v29 =	vmul.f32 v46, v29;
	v36 =	vperm.xlane v41, v13  }
0x93: {  	v43 =	vld [tilespmem:s23+$0x2850];
	v32 =	vadd.f32 v32, v19;
	v28 =	vadd.f32 v28, v30;
	v30 =	vmul.f32 v38, v33  }
0x94: {  	v38 =	vld [tilespmem:s23+$0x2860];
	v31 =	vadd.f32 v31, v19;
	v29 =	vadd.f32 v29, v58;
	v33 =	vmul.f32 v36, v34  }
0x95: {  	v34 =	vperm.xlane v41, v14;
	v36 =	vld [tilespmem:s23+$0x2870];
	[tilespmem:s20+$0x60] =	vst v32;
	v32 =	vadd.f32 v28, v19;
	v30 =	vadd.f32 v30, v53  }
0x96: {  	v44 =	vperm.xlane v41, v15;
	v28 =	vld [tilespmem:s23+$0x1480];
	[tilespmem:s20+$0x70] =	vst v31;
	v31 =	vadd.f32 v29, v19;
	v33 =	vadd.f32 v33, v51  }
0x97: {  	v46 =	vld [tilespmem:s23+$0x2880];
	[tilespmem:s20+$0x80] =	vst v32;
	v30 =	vadd.f32 v30, v19;
	v32 =	vmul.f32 v34, v40;
	v34 =	vperm.xlane v41, v16  }
0x98: {  	v40 =	vmul.f32 v44, v42;
	v41 =	vperm.xlane v41, v0;
	v29 =	vld [tilespmem:s23+$0x1490];
	[tilespmem:s20+$0x90] =	vst v31;
	v31 =	vadd.f32 v33, v19  }
0x99: {  	v25 =	vmul.f32 v25, v18;
	v44 =	vld [tilespmem:s23+$0x2890];
	[tilespmem:s20+$0xA0] =	vst v30;
	v30 =	vadd.f32 v32, v49;
	v32 =	vmul.f32 v34, v39  }
0x9a: {  	v24 =	vmul.f32 v24, v18;
	v37 =	vmul.f32 v41, v37;
	v33 =	vld [tilespmem:s23+$0x14A0];
	[tilespmem:s20+$0xB0] =	vst v31;
	v31 =	vadd.f32 v40, v47  }
0x9b: {  	v41 =	vld [tilespmem:s23+$0x28A0];
	v30 =	vadd.f32 v30, v19;
	v25 =	vadd.f32 v32, v25  }
0x9c: {  	v24 =	vadd.f32 v37, v24;
	v34 =	vld [tilespmem:s23+$0x14B0];
	v31 =	vadd.f32 v31, v19  }
0x9d: {  	v32 =	vld [tilespmem:s23+$0x28B0];
	[tilespmem:s20+$0xC0] =	vst v30;
	v25 =	vadd.f32 v25, v19  }
0x9e: {  	v24 =	vadd.f32 v24, v19;
	v40 =	vld [tilespmem:s23+$0x14C0];
	[tilespmem:s20+$0xD0] =	vst v31  }
0x9f: {  	v30 =	vld [tilespmem:s23+$0x28C0];
	[tilespmem:s20+$0xE0] =	vst v25  }
0xa0: {  	v42 =	vld [tilespmem:s23+$0x14D0];
	[tilespmem:s20+$0xF0] =	vst v24;
	s20 =	smov.u32 s23  }
0xa1: {  	v24 =	vld [tilespmem:s20+$0x28D0]  }
0xa2: {  	v37 =	vld [tilespmem:s20+$0x14E0]  }
0xa3: {  	v25 =	vld [tilespmem:s20+$0x28E0]  }
0xa4: {  	v31 =	vperm.xlane v35, v1;
	v35 =	vld [tilespmem:s20+$0x14F0]  }
0xa5: {  	v57 =	vperm.xlane v54, v1;
	v45 =	vperm.xlane v45, v1;
	v59 =	vld [tilespmem:s20+$0x28F0]  }
0xa6: {  	v60 =	vperm.xlane v48, v1;
	v61 =	vperm.xlane v52, v1;
	v48 =	vld [tilespmem:s20+$0xF0]  }
0xa7: {  	v62 =	vperm.xlane v43, v1;
	v63 =	vperm.xlane v38, v1;
	v39 =	vld [tilespmem:s20+$0xE0]  }
0xa8: {  	v0 =	vperm.xlane v36, v1;
	v2 =	vperm.xlane v46, v1;
	v50 =	vld [tilespmem:s20+$0xD0]  }
0xa9: {  	v58 =	vperm.xlane v44, v1;
	v53 =	vperm.xlane v41, v1;
	v54 =	vld [tilespmem:s20+$0xC0]  }
0xaa: {  	v52 =	vperm.xlane v32, v1;
	v49 =	vperm.xlane v30, v1;
	v51 =	vld [tilespmem:s20+$0xB0]  }
0xab: {  	v47 =	vperm.xlane v24, v1;
	v25 =	vperm.xlane v25, v1;
	v56 =	vld [tilespmem:s20+$0xA0]  }
.Ltmp2:
0xac: {  	v44 =	vmul.f32 v31, v18;
	v24 =	vperm.xlane v59, v1;
	v55 =	vld [tilespmem:s20+$0x90];
	(pc) =	sbr.rel @p0 .LBB2_6-.Ltmp2, $4  }
0xad: {  	v43 =	vmul.f32 v45, v18;
	v46 =	vmul.f32 v57, v18;
	v59 =	vld [tilespmem:s20+$0x80]  }
0xae: {  	v45 =	vmul.f32 v60, v18;
	v38 =	vmul.f32 v61, v18;
	v57 =	vld [tilespmem:s20+$0x30]  }
0xaf: {  	v36 =	vmul.f32 v62, v18;
	v32 =	vmul.f32 v63, v18;
	v60 =	vld [tilespmem:s20+$0x10]  }
0xb0: {  	s22 =	sadd.s32 $0x400, s22;
	s21 =	sadd.s32 $0x10, s21;
	v31 =	vmul.f32 v0, v18;
	v30 =	vmul.f32 v2, v18;
	v61 =	vld [tilespmem:s20+$0x0]  }
0xb1: {  	v0 =	vld [tilespmem:s21+$0x0];
	v2 =	vmul.f32 v58, v18  }
0xb2: {  	v35 =	vadd.f32 v35, v48;
	v41 =	vmul.f32 v53, v18;
	v40 =	vadd.f32 v40, v54  }
0xb3: {  	v63 =	vld [tilespmem:s20+$0x20];
	v42 =	vadd.f32 v42, v50;
	v33 =	vadd.f32 v33, v56;
	v50 =	vmul.f32 v52, v18  }
0xb4: {  	v48 =	vld [tilespmem:s20+$0x50];
	v29 =	vadd.f32 v29, v55;
	v49 =	vmul.f32 v49, v18;
	v47 =	vmul.f32 v47, v18  }
0xb5: {  	v58 =	vld [tilespmem:s20+$0x40];
	v25 =	vmul.f32 v25, v18;
	v18 =	vmul.f32 v24, v18;
	v28 =	vadd.f32 v28, v59  }
0xb6: {  	v26 =	vadd.f32 v26, v57;
	v22 =	vadd.f32 v22, v60;
	v59 =	vperm.xlane v0, v3  }
0xb7: {  	v20 =	vadd.f32 v20, v61;
	v60 =	vperm.xlane v0, v4;
	v61 =	vperm.xlane v0, v1  }
0xb8: {  	v52 =	vld [tilespmem:s20+$0x1470];
	v21 =	vadd.f32 v21, v63;
	v62 =	vperm.xlane v0, v5;
	v54 =	vperm.xlane v0, v6  }
0xb9: {  	v56 =	vld [tilespmem:s20+$0x70];
	v27 =	vadd.f32 v27, v48;
	v57 =	vperm.xlane v0, v7;
	v48 =	vperm.xlane v0, v13  }
0xba: {  	v23 =	vadd.f32 v23, v58;
	v55 =	vperm.xlane v0, v14;
	v20 =	vmul.f32 v59, v20  }
0xbb: {  	v37 =	vadd.f32 v37, v39;
	v22 =	vmul.f32 v60, v22;
	v21 =	vmul.f32 v61, v21  }
0xbc: {  	v34 =	vadd.f32 v34, v51;
	v26 =	vmul.f32 v62, v26;
	v23 =	vmul.f32 v54, v23  }
0xbd: {  	v53 =	vld [tilespmem:s20+$0x60];
	v3 =	vimm.s32 $0xF;
	v27 =	vmul.f32 v57, v27;
	v59 =	vperm.xlane v0, v8  }
0xbe: {  	v63 =	vld [tilespmem:s20+$0x1460];
	v60 =	vadd.f32 v52, v56;
	v61 =	vperm.xlane v0, v9;
	v20 =	vadd.f32 v20, v44  }
0xbf: {  	v62 =	vperm.xlane v0, v10;
	v22 =	vadd.f32 v22, v46;
	v21 =	vadd.f32 v21, v43  }
0xc0: {  	v56 =	vperm.xlane v0, v15;
	v26 =	vadd.f32 v26, v45;
	v23 =	vadd.f32 v23, v38  }
0xc1: {  	v27 =	vadd.f32 v27, v36;
	v36 =	vmul.f32 v61, v60;
	v20 =	vadd.f32 v20, v19  }
0xc2: {  	v28 =	vmul.f32 v62, v28;
	v45 =	vperm.xlane v0, v12;
	v22 =	vadd.f32 v22, v19  }
0xc3: {  	v58 =	vadd.f32 v63, v53;
	v63 =	vperm.xlane v0, v11;
	v21 =	vadd.f32 v21, v19;
	[tilespmem:s20+$0x0] =	vst v20  }
0xc4: {  	v53 =	vmul.f32 v48, v34;
	v26 =	vadd.f32 v26, v19;
	v23 =	vadd.f32 v23, v19;
	[tilespmem:s20+$0x10] =	vst v22  }
0xc5: {  	v27 =	vadd.f32 v27, v19;
	v46 =	vadd.f32 v36, v31;
	v52 =	vmul.f32 v45, v33;
	[tilespmem:s20+$0x20] =	vst v21  }
0xc6: {  	v51 =	vadd.f32 v28, v30;
	v38 =	vmul.f32 v59, v58;
	v29 =	vmul.f32 v63, v29;
	[tilespmem:s20+$0x30] =	vst v26  }
0xc7: {  	v58 =	vperm.xlane v0, v16;
	v22 =	vadd.f32 v46, v19;
	[tilespmem:s20+$0x40] =	vst v23;
	v26 =	vadd.f32 v53, v50  }
0xc8: {  	v0 =	vperm.xlane v0, v3;
	v21 =	vadd.f32 v51, v19;
	[tilespmem:s20+$0x50] =	vst v27;
	v20 =	vadd.f32 v38, v32  }
0xc9: {  	v2 =	vadd.f32 v29, v2;
	v62 =	vmul.f32 v58, v37;
	[tilespmem:s20+$0x70] =	vst v22;
	v59 =	vadd.f32 v26, v19  }
0xca: {  	v54 =	vadd.f32 v52, v41;
	v0 =	vmul.f32 v0, v35;
	[tilespmem:s20+$0x80] =	vst v21;
	v20 =	vadd.f32 v20, v19  }
0xcb: {  	v57 =	vmul.f32 v55, v40;
	v2 =	vadd.f32 v2, v19;
	v63 =	vadd.f32 v62, v25;
	[tilespmem:s20+$0xB0] =	vst v59  }
0xcc: {  	v60 =	vmul.f32 v56, v42;
	v0 =	vadd.f32 v0, v18;
	[tilespmem:s20+$0x60] =	vst v20;
	v20 =	vadd.f32 v54, v19  }
0xcd: {  	v61 =	vadd.f32 v57, v49;
	[tilespmem:s20+$0x90] =	vst v2;
	v18 =	vadd.f32 v63, v19  }
0xce: {  	v2 =	vadd.f32 v60, v47;
	v0 =	vadd.f32 v0, v19;
	[tilespmem:s20+$0xA0] =	vst v20  }
0xcf: {  	v20 =	vadd.f32 v61, v19;
	[tilespmem:s20+$0xE0] =	vst v18  }
0xd0: {  	v2 =	vadd.f32 v2, v19;
	[tilespmem:s20+$0xF0] =	vst v0  }
0xd1: {  	[tilespmem:s20+$0xC0] =	vst v20  }
0xd2: {  	[tilespmem:s20+$0xD0] =	vst v2;
	s20 =	simm.s32 $0x40  }
0xd3: {  	v18 =	vld [tilespmem:s20+$0xFFFFFFC0]  }
0xd4: {  	s21 =	simm.s32 $0x40;
	v19 =	vld [tilespmem:s20+$0xFFFFFFD0]  }
.LBB2_8:
0xd5: {  	p0 =	sne.s32 s21, $0x9C0;
	v0 =	vld [tilespmem:s20+$0xFFFFFFE0]  }
0xd6: {  	v2 =	vld [tilespmem:s20+$0xFFFFFFF0]  }
0xd7: {  	v20 =	vld [tilespmem:s20+$0x0]  }
0xd8: {  	v21 =	vld [tilespmem:s20+$0x10]  }
0xd9: {  	v18 =	vperm.xlane v18, v17;
	v19 =	vperm.xlane v19, v17;
	v22 =	vld [tilespmem:s20+$0x20]  }
0xda: {  	v0 =	vperm.xlane v0, v17;
	v23 =	vld [tilespmem:s20+$0x30]  }
0xdb: {  	v18 =	vsel vm0, v18, v19;
	v2 =	vperm.xlane v2, v17  }
0xdc: {  	v0 =	vsel vm1, v18, v0;
	v18 =	vperm.xlane v20, v17  }
0xdd: {  	v0 =	vsel vm2, v0, v2;
	v2 =	vperm.xlane v21, v17  }
0xde: {  	v0 =	vsel vm3, v0, v18;
	v18 =	vperm.xlane v22, v17  }
0xdf: {  	v0 =	vsel vm4, v0, v2;
	v2 =	vperm.xlane v23, v17  }
.Ltmp3:
0xe0: {  	v0 =	vsel vm5, v0, v18;
	(pc) =	sbr.rel @p0 .LBB2_8-.Ltmp3, $4  }
0xe1: {  	s22 =	sshra.s32 s19, $0x2;
	s19 =	smov.u32 s21;
	v0 =	vsel vm6, v0, v2  }
0xe2: {  	s20 =	sadd.s32 $0x80, s20;
	[tilespmem:s22+$0x3E90] =	vst v0  }
0xe3: {  	v18 =	vld [tilespmem:s20+$0xFFFFFFC0]  }
0xe4: {  	s21 =	sadd.s32 $0x40, s21;
	v19 =	vld [tilespmem:s20+$0xFFFFFFD0]  }
0xe5: {  	v0 =	vld [tilespmem:s20+$0xFFFFFFE0]  }
0xe6: {  	v2 =	vld [tilespmem:s20+$0xFFFFFFF0]  }
0xe7: {  	v20 =	vld [tilespmem:s20+$0x0]  }
0xe8: {  	v21 =	vld [tilespmem:s20+$0x10]  }
0xe9: {  	v22 =	vld [tilespmem:s20+$0x20];
	v18 =	vperm.xlane v18, v17;
	v19 =	vperm.xlane v19, v17  }
0xea: {  	v23 =	vld [tilespmem:s20+$0x30];
	v0 =	vperm.xlane v0, v17  }
0xeb: {  	v2 =	vperm.xlane v2, v17;
	v18 =	vsel vm0, v18, v19  }
0xec: {  	v0 =	vsel vm1, v18, v0;
	v18 =	vperm.xlane v20, v17  }
0xed: {  	v0 =	vsel vm2, v0, v2;
	v2 =	vperm.xlane v21, v17  }
0xee: {  	v0 =	vsel vm3, v0, v18;
	v18 =	vperm.xlane v22, v17  }
0xef: {  	v0 =	vsel vm4, v0, v2;
	v2 =	vperm.xlane v23, v17  }
0xf0: {  	s18 =	sadd.s32 $0x1, s18;
	v0 =	vsel vm5, v0, v18  }
0xf1: {  	s19 =	sshra.s32 s19, $0x2;
	p0 =	sne.s32 s18, s10;
	v0 =	vsel vm6, v0, v2  }
.Ltmp4:
0xf2: {  	[tilespmem:s19+$0x3E90] =	vst v0;
	(pc) =	sbr.rel @p0 .LBB2_1-.Ltmp4, $4  }
0xf3: {  	[hbm4b:s9+s3] =	stream.linear.scatter [tilespmem:s17], [sflag:$0x1], $0x280, $0x38;
	[tilespmem:$0x4110] =	vst v63  }
0xf4: {  	_ =	swait.ge [sflag:s12], $0x280  }
0xf5: {  	[sflag:s12] =	ssyncset.done $0x0  }
0xf6: {  	[sflag:s12] =	ssyncadd.s32 $0xFFFFFD80  }
0xf7: {  	_ =	sfence.sel $0x180000  }
0xf8: {  	[bflag:$0x0] =	sbarrier.arrive $0xFFFF  }
0xf9: {  	p0 =	sne.s32 s0, $0x0;
	_ =	strace $0x90000050  }
0xfa: {  	s0 =	sadd.s32 @!p0 $0x100000, s1;
	[bflag:$0x2] =	sbarrier.arrive $0xFFFF  }
0xfb: {  	[sflag:s0] =	ssyncadd.tile.s32 @!p0 $0x1;
	_ =	shalt  }
.Lfunc_end2:
_tile_overlayer_lowered:
.L_overlay_start_2:
0xfc: {  	(tag) =	ssettag $0x2  }
0xfd: {  	s0 =	rddreg [dreg:$0x0];
	s2 =	stileid.u32  }
0xfe: {  	s1 =	rddreg [dreg:$0x1];
	p0 =	sne.s32 s2, $0x0  }
0xff: {  	s3 =	rddreg [dreg:$0x2];
	[bflag:$0x3] =	sbarrier.arrive $0xFFFF;
	s2 =	simm.s32 @!p0 $0x1C01  }
0x100: {  	[timem:s3], [sflag:s2] =	dma.local @!p0 [hbm:s0], s1  }
0x101: {  	s0 =	simm.s32 @!p0 $0x1  }
0x102: {  	_ =	swait.ge @!p0 [sflag:s0], s1  }
0x103: {  	s1 =	ssub.s32 @!p0 $0x0, s1;
	[sflag:s0] =	ssyncset.done @!p0 $0x0  }
0x104: {  	[sflag:s0] =	ssyncadd.s32 @!p0 s1  }
0x105: {  	[bflag:$0x3] =	sbarrier.arrive $0xFFFF  }
0x106: {  	_ =	shalt  }

// kernel: kernel.7.cloned.1.call-start
scs
__scs_entry_jumppad:
0x0: {  	(pc) =	sbr.rel $0x88, $3  }
0x1: {  	(tag) =	ssettag $0x0;
	lr =	simm.s32 $0x1  }
0x2: {  	[smem:$0x3F9B] =	sst lr;
	_ =	strace $0xD0000000  }
0x3: {  	_ = 	snop  }
0x4: {  	_ = 	snop  }
0x5: {  	_ = 	snop  }
0x6: {  	_ = 	snop  }
0x7: {  	_ = 	snop  }
__scs_overlays_trampoline_lowered:
0x8: {  	[smem:$0x3FAA] =	sst s0  }
0x9: {  	[smem:$0x3FAB] =	sst s1  }
0xa: {  	[smem:$0x3FAC] =	sst s2  }
0xb: {  	[smem:$0x3FAD] =	sst s3  }
0xc: {  	[smem:$0x3FAE] =	sst s4  }
0xd: {  	[smem:$0x3FAF] =	sst s5  }
0xe: {  	[smem:$0x3FB0] =	sst s6  }
0xf: {  	[smem:$0x3FB1] =	sst s7  }
0x10: {  	[smem:$0x3FB2] =	sst s8  }
0x11: {  	[smem:$0x3FB3] =	sst s9;
	s0 =	simm.s32 @!p0 $0x0  }
0x12: {  	s1 =	sld [smem:$0x3F99];
	s0 =	simm.s32 @p0 $0x1  }
0x13: {  	[smem:$0x3FB4] =	sst s0;
	s0 =	simm.s32 @!p1 $0x0  }
0x14: {  	s2 =	sld [smem:$0x3F98];
	s0 =	simm.s32 @p1 $0x1  }
0x15: {  	[smem:$0x3FB5] =	sst s0;
	s0 =	simm.s32 @!p2 $0x0  }
0x16: {  	s3 =	sld [smem:$0x3FDB];
	s0 =	simm.s32 @p2 $0x1  }
0x17: {  	s4 =	simm.s32 $0x1BF5;
	[smem:$0x3FB7] =	sst s0  }
0x18: {  	s0 =	sld [smem:$0x3F9A];
	_ =	swait.ge [sflag:s4], $0x0  }
0x19: {  	s7 =	sld [smem:$0x3F9B]  }
0x1a: {  	s8 =	sadd.s32 $0xFFFFE003, lr  }
0x1b: {  	s9 =	sadd.s32 $0xFFFFFEF7, lr;
	s5 =	simm.s32 $0xFFFFFFFF;
	p2 =	slt.u32 s8, $0xFFFFF086  }
0x1c: {  	p1 =	slt.u32 s9, $0xF7A;
	s5 =	simm.s32 @!p2 $0x0  }
0x1d: {  	s5 =	simm.s32 @p1 $0x1;
	p0 =	seq.s32 s7, s2  }
0x1e: {  	s7 =	smul.u32 @!p0 $0xF7A, s2;
	p2 =	seq.s32 @!p0 s5, $0x0  }
0x1f: {  	s9 =	smul.u32 $0xF7A, s1;
	s8 =	simm.s32 @!p0 $0x1BF5;
	p2 =	por !p2, p0  }
0x20: {  	[sflag:s8] =	ssyncset.s32 @!p0 $0xFFFFF086;
	s6 =	sadd.s32 @!p0 s3, s7;
	s7 =	simm.s32 @!p0 $0x108  }
0x21: {  	s3 =	sadd.s32 s3, s9;
	s6 =	sadd.s32 @!p0 $0x88, s6;
	s7 =	simm.s32 @p2 $0x1082  }
0x22: {  	[simem:s7], [sflag:s8] =	dma.local @!p0 [hbm:s6], $0xF7A  }
0x23: {  	s9 =	sor.u32 $0xD0000000, s2;
	s6 =	simm.s32 $0x108;
	_ =	swait.ge @!p0 [sflag:s8], $0x0  }
0x24: {  	s3 =	sadd.s32 $0x88, s3;
	s6 =	simm.s32 @!p1 $0x1082;
	[sflag:s4] =	ssyncset.s32 $0xFFFFF086  }
0x25: {  	[simem:s6], [sflag:s4] =	dma.local [hbm:s3], $0xF7A  }
0x26: {  	[smem:$0x3F9B] =	sst s1;
	(tag) =	ssettag s2;
	_ =	strace s9  }
0x27: {  	s1 =	sld [smem:$0x3FAB]  }
0x28: {  	s2 =	sld [smem:$0x3FAC]  }
0x29: {  	s4 =	sld [smem:$0x3FAE]  }
0x2a: {  	p0 =	seq.s32 s5, $0x0;
	s5 =	sld [smem:$0x3FAF]  }
0x2b: {  	s6 =	sld [smem:$0x3FB0]  }
0x2c: {  	s7 =	sld [smem:$0x3FB1]  }
0x2d: {  	s3 =	simm.s32 $0x108;
	s8 =	sld [smem:$0x3FB2]  }
0x2e: {  	s3 =	simm.s32 @!p0 $0x1082;
	s9 =	sld [smem:$0x3FB3]  }
0x2f: {  	lr =	sadd.s32 s0, s3;
	s0 =	sld [smem:$0x3FAA]  }
0x30: {  	s3 =	sld [smem:$0x3FAD]  }
0x31: {  	[smem:$0x3FB6] =	sst s10  }
0x32: {  	s10 =	sld [smem:$0x3FB4];
	_ =	sdelay $0x3  }
0x33: {  	p0 =	seq.s32 s10, $0x1;
	s10 =	sld [smem:$0x3FB6];
	_ =	sdelay $0x3  }
0x34: {  	[smem:$0x3FB6] =	sst s10  }
0x35: {  	s10 =	sld [smem:$0x3FB5];
	_ =	sdelay $0x3  }
0x36: {  	p1 =	seq.s32 s10, $0x1;
	s10 =	sld [smem:$0x3FB6];
	_ =	sdelay $0x3  }
0x37: {  	[smem:$0x3FB6] =	sst s10  }
0x38: {  	s10 =	sld [smem:$0x3FB7]  }
0x39: {  	_ = 	snop;
	(pc) =	sbr.ind lr, $3  }
0x3a: {  	_ = 	snop  }
0x3b: {  	_ = 	snop  }
0x3c: {  	p2 =	seq.s32 s10, $0x1;
	s10 =	sld [smem:$0x3FB6]  }
0x3d: {  	_ =	shalt  }
0x3e: {  	_ =	shalt  }
0x3f: {  	_ =	shalt  }
0x40: {  	_ =	shalt  }
0x41: {  	_ =	shalt  }
0x42: {  	_ =	shalt  }
0x43: {  	_ =	shalt  }
0x44: {  	_ =	shalt  }
0x45: {  	_ =	shalt  }
0x46: {  	_ =	shalt  }
0x47: {  	_ =	shalt  }
0x48: {  	_ =	shalt  }
0x49: {  	_ =	shalt  }
0x4a: {  	_ =	shalt  }
0x4b: {  	_ =	shalt  }
0x4c: {  	_ =	shalt  }
0x4d: {  	_ =	shalt  }
0x4e: {  	_ =	shalt  }
0x4f: {  	_ =	shalt  }
0x50: {  	_ =	shalt  }
0x51: {  	_ =	shalt  }
0x52: {  	_ =	shalt  }
0x53: {  	_ =	shalt  }
0x54: {  	_ =	shalt  }
0x55: {  	_ =	shalt  }
0x56: {  	_ =	shalt  }
0x57: {  	_ =	shalt  }
0x58: {  	_ =	shalt  }
0x59: {  	_ =	shalt  }
0x5a: {  	_ =	shalt  }
0x5b: {  	_ =	shalt  }
0x5c: {  	_ =	shalt  }
0x5d: {  	_ =	shalt  }
0x5e: {  	_ =	shalt  }
0x5f: {  	_ =	shalt  }
0x60: {  	_ =	shalt  }
0x61: {  	_ =	shalt  }
0x62: {  	_ =	shalt  }
0x63: {  	_ =	shalt  }
0x64: {  	_ =	shalt  }
0x65: {  	_ =	shalt  }
0x66: {  	_ =	shalt  }
0x67: {  	_ =	shalt  }
0x68: {  	_ =	shalt  }
0x69: {  	_ =	shalt  }
0x6a: {  	_ =	shalt  }
0x6b: {  	_ =	shalt  }
0x6c: {  	_ =	shalt  }
0x6d: {  	_ =	shalt  }
0x6e: {  	_ =	shalt  }
0x6f: {  	_ =	shalt  }
0x70: {  	_ =	shalt  }
0x71: {  	_ =	shalt  }
0x72: {  	_ =	shalt  }
0x73: {  	_ =	shalt  }
0x74: {  	_ =	shalt  }
0x75: {  	_ =	shalt  }
0x76: {  	_ =	shalt  }
0x77: {  	_ =	shalt  }
0x78: {  	_ =	shalt  }
0x79: {  	_ =	shalt  }
0x7a: {  	_ =	shalt  }
0x7b: {  	_ =	shalt  }
0x7c: {  	_ =	shalt  }
0x7d: {  	_ =	shalt  }
0x7e: {  	_ =	shalt  }
0x7f: {  	_ =	shalt  }
0x80: {  	_ =	shalt  }
0x81: {  	_ =	shalt  }
0x82: {  	_ =	shalt  }
0x83: {  	_ =	shalt  }
0x84: {  	_ =	shalt  }
0x85: {  	_ =	shalt  }
0x86: {  	_ =	shalt  }
0x87: {  	_ =	shalt  }
.Lfunc_end0:
.L_simem_size_0:
called_computation_lowered:
.L_overlay_start_0:
0x88: {  	s2 =	sld [smem:$0x3FD9]  }
0x89: {  	s3 =	sld [smem:$0x3FFE];
	_ =	sdelay $0x1  }
0x8a: {  	s1 =	srdreg.scid  }
0x8b: {  	s0 =	sand.u32 $0x1, s1  }
0x8c: {  	s16 =	sshll.u32 s0, $0xA;
	s2 =	sadd.s32 s3, s2  }
0x8d: {  	s2 =	sadd.s32 s2, s16  }
0x8e: {  	[smem:$0x3FC2] =	sst s2  }
0x8f: {  	_ = 	snop  }
0x90: {  	(tm) =	ssettm $0x1  }
0x91: {  	s17 =	sld [smem:$0x3FFB];
	_ =	sdelay $0x3  }
0x92: {  	_ =	strace s17  }
0x93: {  	s2 =	sld [smem:$0x3FFC];
	_ =	sdelay $0x3  }
0x94: {  	_ =	strace s2  }
0x95: {  	s2 =	sld [smem:$0x3FFD];
	_ =	sdelay $0x3  }
0x96: {  	_ =	strace s2  }
0x97: {  	_ =	strace $0x8FFFFFFF  }
0x98: {  	s18 =	sld [smem:$0x3FDB];
	_ =	sdelay $0x1  }
0x99: {  	s19 =	simm.s32 $_scs_section_size  }
0x9a: {  	s4 =	simm.s32 $_size__tile_overlayer_lowered;
	s5 =	simm.s32 $_tile_overlayer_lowered  }
0x9b: {  	s22 =	simm.s32 $0x1BFF;
	s21 =	sshll.u32 s5, $0x1;
	s2 =	sadd.s32 s19, s18  }
0x9c: {  	s6 =	simm.s32 $0x0;
	s20 =	sshll.u32 s4, $0x1;
	s4 =	sadd.s32 s21, s2  }
0x9d: {  	[timem:s6], [sflag:s22] =	dma.local [hbm:s4], s20  }
0x9e: {  	_ =	swait.ge [sflag:s22], s20  }
0x9f: {  	s3 =	ssub.s32 $0x0, s20;
	[sflag:s22] =	ssyncset.done $0x0  }
0xa0: {  	[sflag:s22] =	ssyncadd.s32 s3;
	_ =	sdelay $0x1  }
0xa1: {  	s23 =	simm.s32 $0x1B8B  }
0xa2: {  	_ =	swait.ge [sflag:s23], $0x1  }
0xa3: {  	[sflag:s23] =	ssyncset.done $0x0  }
0xa4: {  	s25 =	simm.s32 $0x1B8E;
	s24 =	sld [smem:$0x3FFE];
	[sflag:s23] =	ssyncadd.s32 $0xFFFFFFFF  }
0xa5: {  	s26 =	simm.s32 $execute0_lowered;
	[smem:$0x3FD2] =	sst s25  }
0xa6: {  	s4 =	sshll.u32 s26, $0x1;
	_ =	strace $0x80000046;
	[dreg:$0x1] =	wrdreg $0xFFFFFFFF  }
0xa7: {  	s28 =	simm.s32 $_size_execute0_lowered;
	s2 =	sadd.s32 s2, s4;
	[dreg:$0x0] =	wrdreg $0x0  }
0xa8: {  	s4 =	sshll.u32 s28, $0x1;
	[dreg:$0x2] =	wrdreg s2  }
0xa9: {  	[dreg:$0x3] =	wrdreg s4  }
0xaa: {  	[dreg:$0x4] =	wrdreg $0xC0  }
0xab: {  	_ =	task [dreg:s6], $0x5FFFF  }
0xac: {  	[dreg:$0x1] =	wrdreg $0xFFFFFFFF  }
0xad: {  	[dreg:$0x0] =	wrdreg $0x60  }
0xae: {  	[dreg:$0x2] =	wrdreg s24  }
0xaf: {  	[dreg:$0x3] =	wrdreg $0x0  }
0xb0: {  	[dreg:$0x4] =	wrdreg $0x2800  }
0xb1: {  	[dreg:$0x5] =	wrdreg $0x9  }
0xb2: {  	_ =	task.clear_ibuf [dreg:s6], $0x6FFFF;
	_ =	strace $0x90000046  }
0xb3: {  	s29 =	simm.s32 $0x9;
	_ =	strace $0x80000048  }
0xb4: {  	_ =	swait.ge [sflag:s29], $0x1  }
0xb5: {  	[sflag:s29] =	ssyncadd.s32 $0xFFFFFFFF  }
0xb6: {  	_ =	strace $0x90000048  }
0xb7: {  	_ =	sfence  }
0xb8: {  	s30 =	sld [smem:$0x0];
	_ =	sdelay $0x2  }
0xb9: {  	s31 =	sshll.u32 s1, $0xD;
	s1 =	sshrl.u32 s1, $0x2  }
0xba: {  	s3 =	sand.u32 $0x4000, s31;
	s1 =	sadd.s32 s1, s30  }
0xbb: {  	s0 =	sor.u32 s3, s0;
	s1 =	sshll.u32 s1, $0x11  }
0xbc: {  	s0 =	sor.u32 s1, s0  }
0xbd: {  	s0 =	sadd.s32 $0x8F2B, s0  }
0xbe: {  	[sflag:s0] =	ssyncadd.remote.s32 $0x1  }
0xbf: {  	_ =	sfence.sel $0xFFFF  }
0xc0: {  	[dreg:$0x0] =	wrdreg $0xFFFFFFFF;
	(pc) =	sbr.abs _section_cstart, $3  }
0xc1: {  	[dreg:$0x1] =	wrdreg $0xFFFFFFFF  }
0xc2: {  	_ =	task.clear_ibuf [dreg:s6], $0x2FFFF;
	_ =	strace $0x9FFFFFFF  }
0xc3: {  	(tm) =	ssettm $0x7FFFFFFF  }
tec
execute0_lowered:
.L_overlay_start_1:
0x0: {  	(tag) =	ssettag $0x1  }
0x1: {  	s6 =	rddreg [dreg:$0x0]  }
0x2: {  	s0 =	srdreg.scid;
	s2 =	rddreg [dreg:$0x1]  }
0x3: {  	s3 =	rddreg [dreg:$0x2];
	s4 =	simm.s32 $0x0;
	s13 =	simm.s32 $0x3  }
0x4: {  	s14 =	simm.s32 $0x500;
	s15 =	simm.s32 $0x2C10;
	s16 =	simm.s32 $0x2710  }
0x5: {  	s17 =	simm.s32 $0x5320;
	s18 =	simm.s32 $0x1;
	s19 =	simm.s32 $0x2  }
0x6: {  	s20 =	simm.s32 $0x0;
	s5 =	sand.u32 $0x1, s0;
	s0 =	stileid.u32  }
0x7: {  	[smem:$0x7FF] =	sst s4;
	s1 =	sshll.u32 s5, $0x4;
	s8 =	smul.u32 $0x280, s0  }
0x8: {  	s9 =	smul.u32 $0x5000, s5;
	s5 =	ssub.s32 $0x2, s5;
	s1 =	sor.u32 s0, s1  }
0x9: {  	s31 =	sshrl.u32 s5, $0x1;
	s7 =	smul.u32 $0x2710, s1;
	s1 =	rddreg [dreg:$0x3]  }
0xa: {  	_ =	strace $0x80000047;
	s9 =	sadd.s32 s8, s9;
	s12 =	ssub.s32 s5, s31  }
0xb: {  	s5 =	sadd.s32 s8, s2;
	s30 =	sshrl.u32 s9, $0x3;
	s7 =	sshrl.u32 s7, $0x3  }
0xc: {  	s11 =	sadd.s32 s30, s6;
	s10 =	sadd.s32 s7, s6;
	s6 =	sadd.s32 s8, s3  }
0xd: {  	s9 =	sadd.s32 $0x15A00, s11;
	s7 =	sadd.s32 $0x2000, s10;
	s8 =	sadd.s32 $0xBC40, s10  }
0xe: {  	v0 =	vimm.f32 $0.0e+00;
	v1 =	vimm.f32 $1.000000000e+00;
	s10 =	sadd.s32 $0x15F00, s11;
	s11 =	smax.u32 s12, $0x1;
	s12 =	simm.s32 $0x7A30  }
.LBB2_1:
0xf: {  	[tilespmem:$0x7A30] =	vst v0  }
0x10: {  	[tilespmem:$0x7A40] =	vst v0  }
0x11: {  	[tilespmem:$0x7A50] =	vst v0  }
0x12: {  	[tilespmem:$0x7A60] =	vst v0  }
0x13: {  	[tilespmem:$0x7A70] =	vst v0  }
0x14: {  	[tilespmem:$0x7A80] =	vst v0  }
0x15: {  	[tilespmem:$0x7A90] =	vst v0  }
0x16: {  	[tilespmem:$0x7AA0] =	vst v0  }
0x17: {  	[tilespmem:$0x7AB0] =	vst v0  }
0x18: {  	[tilespmem:$0x7AC0] =	vst v0  }
0x19: {  	[tilespmem:$0x7AD0] =	vst v0  }
0x1a: {  	[tilespmem:$0x7AE0] =	vst v0  }
0x1b: {  	[tilespmem:$0x7AF0] =	vst v0  }
0x1c: {  	[tilespmem:$0x7B00] =	vst v0  }
0x1d: {  	[tilespmem:$0x7B10] =	vst v0  }
0x1e: {  	[tilespmem:$0x7B20] =	vst v0  }
0x1f: {  	[tilespmem:$0x7B30] =	vst v0  }
0x20: {  	[tilespmem:$0x7B40] =	vst v0  }
0x21: {  	[tilespmem:$0x7B50] =	vst v0  }
0x22: {  	[tilespmem:$0x7B60] =	vst v0  }
0x23: {  	[tilespmem:$0x7B70] =	vst v0  }
0x24: {  	[tilespmem:$0x7B80] =	vst v0  }
0x25: {  	[tilespmem:$0x7B90] =	vst v0  }
0x26: {  	[tilespmem:$0x7BA0] =	vst v0  }
0x27: {  	[tilespmem:$0x7BB0] =	vst v0  }
0x28: {  	[tilespmem:$0x7BC0] =	vst v0  }
0x29: {  	[tilespmem:$0x7BD0] =	vst v0  }
0x2a: {  	[tilespmem:$0x7BE0] =	vst v0  }
0x2b: {  	[tilespmem:$0x7BF0] =	vst v0  }
0x2c: {  	[tilespmem:$0x7C00] =	vst v0  }
0x2d: {  	[tilespmem:$0x7C10] =	vst v0  }
0x2e: {  	[tilespmem:$0x7C20] =	vst v0  }
0x2f: {  	[tilespmem:$0x7C30] =	vst v0  }
0x30: {  	[tilespmem:$0x7C40] =	vst v0  }
0x31: {  	[tilespmem:$0x7C50] =	vst v0  }
0x32: {  	[tilespmem:$0x7C60] =	vst v0  }
0x33: {  	[tilespmem:$0x7C70] =	vst v0  }
0x34: {  	[tilespmem:$0x7C80] =	vst v0  }
0x35: {  	[tilespmem:$0x7C90] =	vst v0  }
0x36: {  	[tilespmem:$0x7CA0] =	vst v0;
	s21 =	simm.s32 $0x40;
	s22 =	simm.s32 $0x0  }
.LBB2_2:
0x37: {  	p0 =	sne.s32 s21, $0x9C00;
	[tilespmem:s22+$0x5320] =	vst v1;
	s22 =	smov.u32 s21;
	s21 =	sadd.s32 $0x40, s21  }
.Ltmp0:
0x38: {  	(pc) =	sbr.rel @p0 .LBB2_2-.Ltmp0, $2  }
0x39: {  	_ =	sdelay $0x2  }
0x3a: {  	s22 =	sshra.s32 s22, $0x2  }
0x3b: {  	[tilespmem:s22+$0x5320] =	vst v1  }
0x3c: {  	[spmem:s5] =	stream.linear.scatter [tilespmem:s12], [sflag:$0x3], $0x280, $0x38;
	[tilespmem:$0x7CB0] =	vst v63  }
0x3d: {  	_ =	swait.ge [sflag:s13], $0x280  }
0x3e: {  	[sflag:s13] =	ssyncset.done $0x0  }
0x3f: {  	[sflag:s13] =	ssyncadd.s32 $0xFFFFFD80  }
0x40: {  	[spmem:s6] =	stream.linear.scatter [tilespmem:s12], [sflag:$0x3], $0x280, $0x38;
	[tilespmem:$0x7CB0] =	vst v63  }
0x41: {  	_ =	swait.ge [sflag:s13], $0x280  }
0x42: {  	[sflag:s13] =	ssyncset.done $0x0  }
0x43: {  	[sflag:s13] =	ssyncadd.s32 $0xFFFFFD80  }
0x44: {  	[bflag:$0x0] =	sbarrier.arrive $0xFFFF  }
0x45: {  	[tilespmem:s14], [sflag:$0x3] =	stream.linear.gather [hbm4b:s7+s4], $0x2710, $0x38;
	[tilespmem:$0x7CB0] =	vst v63  }
0x46: {  	_ =	swait.ge [sflag:s13], $0x2710  }
0x47: {  	[sflag:s13] =	ssyncset.done $0x0  }
0x48: {  	[sflag:s13] =	ssyncadd.s32 $0xFFFFD8F0  }
0x49: {  	[tilespmem:s15], [sflag:$0x3] =	stream.linear.gather [hbm4b:s8+s4], $0x2710, $0x38;
	[tilespmem:$0x7CB0] =	vst v63  }
0x4a: {  	_ =	swait.ge [sflag:s13], $0x2710  }
0x4b: {  	[sflag:s13] =	ssyncset.done $0x0  }
0x4c: {  	[sflag:s13] =	ssyncadd.s32 $0xFFFFD8F0  }
0x4d: {  	[spmem:s2] =	stream.indirect.scatter.add.f32 [tilespmem:s17], [sflag:$0x1], $0x1, s14, s16, $0xb8;
	[tilespmem:$0x7CB0] =	vst v63  }
0x4e: {  	_ = 	snop  }
0x4f: {  	[spmem:s3] =	stream.indirect.scatter.add.f32 [tilespmem:s17], [sflag:$0x2], $0x1, s15, s16, $0xb8;
	[tilespmem:$0x7CB0] =	vst v63  }
0x50: {  	_ =	swait.ge [sflag:s18], $0x2710  }
0x51: {  	[sflag:s18] =	ssyncset.done $0x0  }
0x52: {  	[sflag:s18] =	ssyncadd.s32 $0xFFFFD8F0  }
0x53: {  	_ =	swait.ge [sflag:s19], $0x2710  }
0x54: {  	[sflag:s19] =	ssyncset.done $0x0  }
0x55: {  	[sflag:s19] =	ssyncadd.s32 $0xFFFFD8F0  }
0x56: {  	[bflag:$0x0] =	sbarrier.arrive $0xFFFF  }
0x57: {  	[tilespmem:s12], [sflag:$0x3] =	stream.linear.gather [spmem:s5], $0x280, $0x38;
	[tilespmem:$0x7CB0] =	vst v63  }
0x58: {  	_ =	swait.ge [sflag:s13], $0x280  }
0x59: {  	[sflag:s13] =	ssyncset.done $0x0  }
0x5a: {  	[sflag:s13] =	ssyncadd.s32 $0xFFFFFD80  }
0x5b: {  	[hbm4b:s9+s4] =	stream.linear.scatter [tilespmem:s12], [sflag:$0x3], $0x280, $0x38;
	[tilespmem:$0x7CB0] =	vst v63  }
0x5c: {  	_ =	swait.ge [sflag:s13], $0x280  }
0x5d: {  	[sflag:s13] =	ssyncset.done $0x0  }
0x5e: {  	[sflag:s13] =	ssyncadd.s32 $0xFFFFFD80  }
0x5f: {  	[tilespmem:s12], [sflag:$0x3] =	stream.linear.gather [spmem:s6], $0x280, $0x38;
	[tilespmem:$0x7CB0] =	vst v63  }
0x60: {  	s20 =	sadd.s32 $0x1, s20;
	_ =	swait.ge [sflag:s13], $0x280  }
0x61: {  	p0 =	sne.s32 s20, s11;
	[sflag:s13] =	ssyncset.done $0x0  }
.Ltmp1:
0x62: {  	[sflag:s13] =	ssyncadd.s32 $0xFFFFFD80;
	(pc) =	sbr.rel @p0 .LBB2_1-.Ltmp1, $4  }
0x63: {  	[hbm4b:s10+s4] =	stream.linear.scatter [tilespmem:s12], [sflag:$0x3], $0x280, $0x38;
	[tilespmem:$0x7CB0] =	vst v63  }
0x64: {  	_ =	swait.ge [sflag:s13], $0x280  }
0x65: {  	[sflag:s13] =	ssyncset.done $0x0  }
0x66: {  	[sflag:s13] =	ssyncadd.s32 $0xFFFFFD80  }
0x67: {  	_ =	sfence.sel $0x180000  }
0x68: {  	[bflag:$0x0] =	sbarrier.arrive $0xFFFF  }
0x69: {  	p0 =	sne.s32 s0, $0x0;
	_ =	strace $0x90000047  }
0x6a: {  	s0 =	sadd.s32 @!p0 $0x100000, s1;
	[bflag:$0x2] =	sbarrier.arrive $0xFFFF  }
0x6b: {  	[sflag:s0] =	ssyncadd.tile.s32 @!p0 $0x1;
	_ =	shalt  }
.Lfunc_end2:
_tile_overlayer_lowered:
.L_overlay_start_2:
0x6c: {  	(tag) =	ssettag $0x2  }
0x6d: {  	s0 =	rddreg [dreg:$0x0];
	s2 =	stileid.u32  }
0x6e: {  	s1 =	rddreg [dreg:$0x1];
	p0 =	sne.s32 s2, $0x0  }
0x6f: {  	s3 =	rddreg [dreg:$0x2];
	[bflag:$0x3] =	sbarrier.arrive $0xFFFF;
	s2 =	simm.s32 @!p0 $0x1C03  }
0x70: {  	[timem:s3], [sflag:s2] =	dma.local @!p0 [hbm:s0], s1  }
0x71: {  	s0 =	simm.s32 @!p0 $0x3  }
0x72: {  	_ =	swait.ge @!p0 [sflag:s0], s1  }
0x73: {  	s1 =	ssub.s32 @!p0 $0x0, s1;
	[sflag:s0] =	ssyncset.done @!p0 $0x0  }
0x74: {  	[sflag:s0] =	ssyncadd.s32 @!p0 s1  }
0x75: {  	[bflag:$0x3] =	sbarrier.arrive $0xFFFF  }
0x76: {  	_ =	shalt  }

</sc_bundles>
